<compile_context>
chip_gen: v7x
topology: tpu7x:2x2x1
jax: 0.10.2.dev20260603
libtpu: 0.0.44.dev20260713+nightly
codegen_flags: <defaults>
</compile_context>

<pallas_src>
import functools

import jax
import jax.numpy as jnp
from jax import lax
from jax.experimental import pallas as pl
from jax.experimental.pallas import tpu as pltpu
from jax.experimental.pallas import tpu_sc as plsc

_NC = 2
_NS = 16
_NW = _NC * _NS
_LANES = 16
_FP = 28
_DP = 64
_NBLK = _FP * _DP // 256
_FPC = 4


def _sc_gather(xc_flat, table_flat, V, BP):
    dt = table_flat.dtype
    BW = BP // _NW
    n_idx = BW * _FP
    n_vec = n_idx // _LANES
    CH = BW * _FPC
    n_ch = _FP // _FPC

    mesh = plsc.VectorSubcoreMesh(
        core_axis_name="c", subcore_axis_name="s",
        num_cores=_NC, num_subcores=_NS)

    @functools.partial(
        pl.kernel,
        out_type=jax.ShapeDtypeStruct((_NBLK, BP, 256), dt),
        mesh=mesh,
        scratch_types=[
            pltpu.VMEM((n_idx,), jnp.int32),
            pltpu.VMEM((CH, _DP), dt),
            pltpu.VMEM((CH, _DP), dt),
            pltpu.SemaphoreType.DMA,
            pltpu.SemaphoreType.DMA,
        ],
        compiler_params=pltpu.CompilerParams(use_tc_tiling_on_sc=False),
    )
    def k(xc_hbm, tab_hbm, out_hbm, idx_v, rows_a, rows_b, sem_a, sem_b):
        wid = lax.axis_index("s") * _NC + lax.axis_index("c")
        b0 = wid * BW
        pltpu.sync_copy(xc_hbm.at[pl.ds(wid * n_idx, n_idx)], idx_v)

        nv_per_f = BW // _LANES

        def idx_body(i, carry):
            f = i // nv_per_f
            sl = pl.ds(i * _LANES, _LANES)
            idx_v[sl] = idx_v[sl] + f * V
            return carry

        lax.fori_loop(0, n_vec, idx_body, 0, unroll=4)

        bufs = (rows_a, rows_b)
        sems = (sem_a, sem_b)

        def fire(c, buf, sem):
            return pltpu.async_copy(
                tab_hbm.at[idx_v.at[pl.ds(c * CH, CH)]], buf, sem)

        def drain(c, buf):
            for q in range(_FPC):
                f = c * _FPC + q
                pltpu.sync_copy(
                    buf.at[pl.ds(q * BW, BW)],
                    out_hbm.at[f // 4, pl.ds(b0, BW), pl.ds((f % 4) * _DP, _DP)])

        fire(0, bufs[0], sems[0]).wait()
        for c in range(n_ch):
            if c + 1 < n_ch:
                nxt = fire(c + 1, bufs[(c + 1) % 2], sems[(c + 1) % 2])
            drain(c, bufs[c % 2])
            if c + 1 < n_ch:
                nxt.wait()

    return k(xc_flat, table_flat)


def _stats_body(x_ref, g_ref, b_ref, o_ref):
    x = x_ref[...]
    n = x.shape[0]
    mu = jnp.sum(x, axis=0, keepdims=True) * (1.0 / n)
    var = jnp.sum(x * x, axis=0, keepdims=True) * (1.0 / n) - mu * mu
    s = g_ref[...] * lax.rsqrt(var + 1e-5)
    o_ref[0:1, :] = s
    o_ref[1:2, :] = b_ref[...] - mu * s


def _mlp_body(xnum_ref, sc_ref, embs_ref, w1lo_ref, w1hi_ref, w1b_ref,
              b1_ref, w2_ref, b2_ref, wo_ref, bo_ref, out_ref):
    xb = xnum_ref[...] * sc_ref[0:1, :] + sc_ref[1:2, :]
    h = jnp.dot(xb, w1b_ref[...], preferred_element_type=jnp.float32)
    mask = jnp.uint32(0xFFFF0000)
    for c in range(_NBLK):
        u = lax.bitcast_convert_type(embs_ref[c], jnp.uint32)
        lo = lax.bitcast_convert_type(u << 16, jnp.float32)
        hi = lax.bitcast_convert_type(u & mask, jnp.float32)
        h = h + jnp.dot(lo.astype(jnp.bfloat16), w1lo_ref[c],
                        preferred_element_type=jnp.float32)
        h = h + jnp.dot(hi.astype(jnp.bfloat16), w1hi_ref[c],
                        preferred_element_type=jnp.float32)
    h = jnp.maximum(h + b1_ref[...], 0.0)
    h2 = jnp.dot(h.astype(w2_ref.dtype), w2_ref[...],
                 preferred_element_type=jnp.float32)
    h2 = jnp.maximum(h2 + b2_ref[...], 0.0)
    o = jnp.dot(h2.astype(wo_ref.dtype), wo_ref[...],
                preferred_element_type=jnp.float32)
    out_ref[...] = jax.nn.sigmoid(o + bo_ref[...])


def kernel(x_cat, x_num, emb_tables, gamma, beta, W1, b1, W2, b2, Wout, bout):
    B, F = x_cat.shape
    _, V, D = emb_tables.shape
    NN = x_num.shape[1]
    H1 = W1.shape[1]
    H2 = W2.shape[1]
    ED = F * D

    NP = 16
    x_num_p = jnp.pad(x_num, ((0, 0), (0, NP - NN)))
    gamma_p = jnp.pad(gamma, (0, NP - NN)).reshape(1, NP)
    beta_p = jnp.pad(beta, (0, NP - NN)).reshape(1, NP)
    W1e = jnp.pad(W1[:ED].reshape(F, D, H1),
                  ((0, _FP - F), (0, _DP - D), (0, 0)))
    W1e = W1e.reshape(_NBLK, 128, 2, H1).astype(jnp.bfloat16)
    W1lo = W1e[:, :, 0, :]
    W1hi = W1e[:, :, 1, :]
    W1b = jnp.pad(W1[ED:], ((0, NP - NN), (0, 0)))
    W2b = W2.astype(jnp.bfloat16)
    Woutb = Wout.astype(jnp.bfloat16)
    tab = jnp.pad(emb_tables, ((0, _FP - F), (0, 0), (0, _DP - D)))
    tab = tab.astype(jnp.bfloat16).reshape(_FP * V, _DP)
    xc28 = jnp.pad(x_cat.astype(jnp.int32), ((0, 0), (0, _FP - F)))

    stats = pl.pallas_call(
        _stats_body,
        out_shape=jax.ShapeDtypeStruct((2, NP), jnp.float32),
    )(x_num_p, gamma_p, beta_p)

    NSPLIT = 2
    BP = B // NSPLIT
    BLK = 1024
    BW = BP // _NW
    xc_fm = xc28.reshape(NSPLIT * _NW, BW, _FP).transpose(0, 2, 1).reshape(-1)

    embs_parts = []
    for kpart in range(NSPLIT):
        o = _sc_gather(
            lax.slice_in_dim(xc_fm, kpart * BP * _FP, (kpart + 1) * BP * _FP),
            tab, V, BP)
        ow = lax.bitcast_convert_type(o.reshape(_NBLK, BP, 128, 2),
                                      jnp.float32)
        embs_parts.append(ow)

    mlp = pl.pallas_call(
        _mlp_body,
        grid=(BP // BLK,),
        in_specs=[
            pl.BlockSpec((BLK, NP), lambda i: (i, 0)),
            pl.BlockSpec((2, NP), lambda i: (0, 0)),
            pl.BlockSpec((_NBLK, BLK, 128), lambda i: (0, i, 0)),
            pl.BlockSpec((_NBLK, 128, H1), lambda i: (0, 0, 0)),
            pl.BlockSpec((_NBLK, 128, H1), lambda i: (0, 0, 0)),
            pl.BlockSpec((NP, H1), lambda i: (0, 0)),
            pl.BlockSpec((1, H1), lambda i: (0, 0)),
            pl.BlockSpec((H1, H2), lambda i: (0, 0)),
            pl.BlockSpec((1, H2), lambda i: (0, 0)),
            pl.BlockSpec((H2, 1), lambda i: (0, 0)),
            pl.BlockSpec((1, 1), lambda i: (0, 0)),
        ],
        out_specs=pl.BlockSpec((BLK, 1), lambda i: (i, 0)),
        out_shape=jax.ShapeDtypeStruct((BP, 1), jnp.float32),
    )
    outs = [
        mlp(lax.slice_in_dim(x_num_p, kpart * BP, (kpart + 1) * BP), stats,
            embs_parts[kpart], W1lo, W1hi, W1b, b1.reshape(1, H1), W2b,
            b2.reshape(1, H2), Woutb, bout.reshape(1, 1))
        for kpart in range(NSPLIT)
    ]
    return jnp.concatenate(outs, axis=0) if NSPLIT > 1 else outs[0]

# --- scband reference (transcript-rebuilt; emitter-appended) ---
"""Pipeline reference for scband-wide-and-deep-44178033607190 (READ-ONLY COPY).

The authoritative reference and input builder live on the scoring server;
editing this copy changes nothing except your own understanding.
"""

import jax, jax.numpy as jnp
import numpy as np


def setup_inputs(seed: int = 0) -> dict:
    key = jax.random.key(seed)
    ks = jax.random.split(key, 8)
    B = 16384
    F = 26
    V = 1000
    D = 50
    NN = 13
    H1, H2 = 1024, 512
    in_dim = F * D + NN
    x_cat = jax.random.randint(ks[0], (B, F), 0, V)
    x_num = jax.random.normal(ks[1], (B, NN), dtype=jnp.float32)
    emb_tables = jax.random.normal(ks[2], (F, V, D), dtype=jnp.float32) * 0.05
    gamma = jnp.ones((NN,), jnp.float32)
    beta = jnp.zeros((NN,), jnp.float32)
    W1 = jax.random.normal(ks[3], (in_dim, H1), dtype=jnp.float32) * (1.0 / np.sqrt(in_dim))
    b1 = jnp.zeros((H1,), jnp.float32)
    W2 = jax.random.normal(ks[4], (H1, H2), dtype=jnp.float32) * (1.0 / np.sqrt(H1))
    b2 = jnp.zeros((H2,), jnp.float32)
    Wout = jax.random.normal(ks[5], (H2, 1), dtype=jnp.float32) * (1.0 / np.sqrt(H2))
    bout = jnp.zeros((1,), jnp.float32)
    return {"x_cat": x_cat, "x_num": x_num, "emb_tables": emb_tables,
            "gamma": gamma, "beta": beta, "W1": W1, "b1": b1,
            "W2": W2, "b2": b2, "Wout": Wout, "bout": bout}


def reference(x_cat, x_num, emb_tables, gamma, beta, W1, b1, W2, b2, Wout, bout):
    # per-field embedding lookups, then concat along feature dim
    F = emb_tables.shape[0]
    B = x_cat.shape[0]
    embs = emb_tables[jnp.arange(F)[None, :], x_cat]  # [B, F, D] gather
    x = embs.reshape(B, -1)
    # BatchNorm1d in training mode: batch statistics (biased variance), eps=1e-5
    mu = jnp.mean(x_num, axis=0)
    var = jnp.var(x_num, axis=0)
    xn = (x_num - mu) / jnp.sqrt(var + 1e-5) * gamma + beta
    x = jnp.concatenate([x, xn], axis=1)
    h = jax.nn.relu(x @ W1 + b1)
    h = jax.nn.relu(h @ W2 + b2)
    out = jax.nn.sigmoid(h @ Wout + bout)
    return out

if __name__ == "__main__":
    import jax
    _d = setup_inputs()
    print(jax.jit(kernel)(*tuple(_d.values())))

</pallas_src>

<mosaic_0001>
#map = affine_map<(d0, d1) -> (0)>
#map1 = affine_map<(d0, d1) -> (0, 0)>
#map2 = affine_map<(d0, d1) -> (0, 0, 0)>
module attributes {stable_mosaic.version = 14 : i64} {
  func.func @k(%arg0: i32, %arg1: i32, %arg2: memref<229376xi32, #tpu.memory_space<hbm>>, %arg3: memref<28000x64xbf16, #tpu.memory_space<hbm>>, %arg4: memref<7x8192x256xbf16, #tpu.memory_space<hbm>>, %arg5: memref<7168xi32, #tpu.memory_space<vmem>>, %arg6: memref<1024x64xbf16, #tpu.memory_space<vmem>>, %arg7: memref<1024x64xbf16, #tpu.memory_space<vmem>>, %arg8: memref<!tpu.dma_semaphore, #tpu.memory_space<semaphore_mem>>, %arg9: memref<!tpu.dma_semaphore, #tpu.memory_space<semaphore_mem>>) attributes {dimension_semantics = [#tpu.dimension_semantics<core_parallel>, #tpu.dimension_semantics<subcore_parallel>], iteration_bounds = array<i64: 2, 16>, scalar_prefetch = 0 : i64, scratch_operands = 5 : i64, tpu.core_type = #tpu.core_type<sc_vector_subcore>, window_params = [{transform_indices = #map}, {transform_indices = #map1}, {transform_indices = #map2}]} {
    %mul3A = arith.constant 2 : i32
    %mul3A_0 = arith.muli %arg1, %mul3A : i32
    %add3A = arith.addi %mul3A_0, %arg0 : i32
    %mul3A_1 = arith.constant 256 : i32
    %mul3A_2 = arith.muli %add3A, %mul3A_1 : i32
    %mul3A_3 = arith.constant 7168 : i32
    %mul3A_4 = arith.muli %add3A, %mul3A_3 : i32
    "tpu.region"() ({
      %run_scoped3A_105 = tpu.sem_alloc : memref<!tpu.dma_semaphore, #tpu.memory_space<semaphore_mem>>
      %dma_start3A_106 = tpu.memref_slice %arg2[%mul3A_4] : memref<229376xi32, #tpu.memory_space<hbm>> -> memref<7168xi32, #tpu.memory_space<hbm>>
      %dma_start3A_107 = tpu.memref_slice %arg2[%mul3A_4] : memref<229376xi32, #tpu.memory_space<hbm>> -> memref<7168xi32, #tpu.memory_space<hbm>>
      tpu.enqueue_dma source(%dma_start3A_107 : memref<7168xi32, #tpu.memory_space<hbm>>) target(%arg5 : memref<7168xi32, #tpu.memory_space<vmem>>) target_semaphore(%run_scoped3A_105 : memref<!tpu.dma_semaphore, #tpu.memory_space<semaphore_mem>>)
      %dma_wait3A_108 = tpu.memref_slice %arg2[%mul3A_4] : memref<229376xi32, #tpu.memory_space<hbm>> -> memref<7168xi32, #tpu.memory_space<hbm>>
      %dma_wait3A_109 = tpu.memref_slice %arg2[%mul3A_4] : memref<229376xi32, #tpu.memory_space<hbm>> -> memref<7168xi32, #tpu.memory_space<hbm>>
      tpu.wait_dma2 semaphore(%run_scoped3A_105 : memref<!tpu.dma_semaphore, #tpu.memory_space<semaphore_mem>>) src(%dma_wait3A_109 : memref<7168xi32, #tpu.memory_space<hbm>>) dst(%arg5 : memref<7168xi32, #tpu.memory_space<vmem>>)
      tpu.yield
    }) : () -> ()
    %scan3A = arith.constant 0 : i32
    %scan3A_5 = arith.constant 0 : i32
    %scan3A_6 = arith.constant 448 : i32
    %scan3A_7 = arith.addi %scan3A_5, %scan3A_6 : i32
    %scan3A_8 = arith.constant 4 : i32
    scf.for %scan3A_105 = %scan3A_5 to %scan3A_7 step %scan3A_8  : i32 {
      %jit3A = arith.constant 16 : i32
      %div3A = arith.divsi %scan3A_105, %jit3A : i32
      %sign3A = arith.constant 0 : i32
      %sign3A_106 = arith.cmpi sgt, %scan3A_105, %sign3A : i32
      %sign3A_107 = arith.extui %sign3A_106 : i1 to i32
      %sign3A_108 = arith.constant 0 : i32
      %sign3A_109 = arith.cmpi slt, %scan3A_105, %sign3A_108 : i32
      %sign3A_110 = arith.extui %sign3A_109 : i1 to i32
      %sign3A_111 = arith.subi %sign3A_107, %sign3A_110 : i32
      %sign3A_112 = arith.constant 0 : i32
      %sign3A_113 = arith.cmpi sgt, %jit3A, %sign3A_112 : i32
      %sign3A_114 = arith.extui %sign3A_113 : i1 to i32
      %sign3A_115 = arith.constant 0 : i32
      %sign3A_116 = arith.cmpi slt, %jit3A, %sign3A_115 : i32
      %sign3A_117 = arith.extui %sign3A_116 : i1 to i32
      %sign3A_118 = arith.subi %sign3A_114, %sign3A_117 : i32
      %ne3A = arith.cmpi ne, %sign3A_111, %sign3A_118 : i32
      %rem3A = arith.remsi %scan3A_105, %jit3A : i32
      %ne3A_119 = arith.constant 0 : i32
      %ne3A_120 = arith.cmpi ne, %rem3A, %ne3A_119 : i32
      %and3A = arith.andi %ne3A, %ne3A_120 : i1
      %sub3A = arith.constant 1 : i32
      %sub3A_121 = arith.subi %div3A, %sub3A : i32
      %select_n3A = arith.select %and3A, %sub3A_121, %div3A : i32
      %mul3A_122 = arith.constant 16 : i32
      %mul3A_123 = arith.muli %scan3A_105, %mul3A_122 : i32
      %get3A = arith.index_cast %mul3A_123 : i32 to index
      %get3A_124 = tpu.vector_load %arg5[%get3A] {strides = array<i32>} : memref<7168xi32, #tpu.memory_space<vmem>>, vector<16xi32>,
      %get3A_125 = vector.shape_cast %get3A_124 : vector<16xi32> to vector<16xi32>
      %mul3A_126 = arith.constant 1000 : i32
      %mul3A_127 = arith.muli %select_n3A, %mul3A_126 : i32
      %add3A_128 = vector.broadcast %mul3A_127 : i32 to vector<16xi32>
      %add3A_129 = arith.addi %get3A_125, %add3A_128 : vector<16xi32>
      %swap3A = arith.index_cast %mul3A_123 : i32 to index
      %swap3A_130 = tpu.vector_load %arg5[%swap3A] {strides = array<i32>} : memref<7168xi32, #tpu.memory_space<vmem>>, vector<16xi32>,
      %swap3A_131 = vector.shape_cast %swap3A_130 : vector<16xi32> to vector<16xi32>
      %swap3A_132 = vector.shape_cast %add3A_129 : vector<16xi32> to vector<16xi32>
      tpu.vector_store %arg5[%swap3A], %swap3A_132 {strides = array<i32>} : memref<7168xi32, #tpu.memory_space<vmem>>, vector<16xi32>,
      %scan3A_133 = arith.constant 1 : i32
      %scan3A_134 = arith.addi %scan3A_105, %scan3A_133 : i32
      %jit3A_135 = arith.constant 16 : i32
      %div3A_136 = arith.divsi %scan3A_134, %jit3A_135 : i32
      %sign3A_137 = arith.constant 0 : i32
      %sign3A_138 = arith.cmpi sgt, %scan3A_134, %sign3A_137 : i32
      %sign3A_139 = arith.extui %sign3A_138 : i1 to i32
      %sign3A_140 = arith.constant 0 : i32
      %sign3A_141 = arith.cmpi slt, %scan3A_134, %sign3A_140 : i32
      %sign3A_142 = arith.extui %sign3A_141 : i1 to i32
      %sign3A_143 = arith.subi %sign3A_139, %sign3A_142 : i32
      %sign3A_144 = arith.constant 0 : i32
      %sign3A_145 = arith.cmpi sgt, %jit3A_135, %sign3A_144 : i32
      %sign3A_146 = arith.extui %sign3A_145 : i1 to i32
      %sign3A_147 = arith.constant 0 : i32
      %sign3A_148 = arith.cmpi slt, %jit3A_135, %sign3A_147 : i32
      %sign3A_149 = arith.extui %sign3A_148 : i1 to i32
      %sign3A_150 = arith.subi %sign3A_146, %sign3A_149 : i32
      %ne3A_151 = arith.cmpi ne, %sign3A_143, %sign3A_150 : i32
      %rem3A_152 = arith.remsi %scan3A_134, %jit3A_135 : i32
      %ne3A_153 = arith.constant 0 : i32
      %ne3A_154 = arith.cmpi ne, %rem3A_152, %ne3A_153 : i32
      %and3A_155 = arith.andi %ne3A_151, %ne3A_154 : i1
      %sub3A_156 = arith.constant 1 : i32
      %sub3A_157 = arith.subi %div3A_136, %sub3A_156 : i32
      %select_n3A_158 = arith.select %and3A_155, %sub3A_157, %div3A_136 : i32
      %mul3A_159 = arith.constant 16 : i32
      %mul3A_160 = arith.muli %scan3A_134, %mul3A_159 : i32
      %get3A_161 = arith.index_cast %mul3A_160 : i32 to index
      %get3A_162 = tpu.vector_load %arg5[%get3A_161] {strides = array<i32>} : memref<7168xi32, #tpu.memory_space<vmem>>, vector<16xi32>,
      %get3A_163 = vector.shape_cast %get3A_162 : vector<16xi32> to vector<16xi32>
      %mul3A_164 = arith.constant 1000 : i32
      %mul3A_165 = arith.muli %select_n3A_158, %mul3A_164 : i32
      %add3A_166 = vector.broadcast %mul3A_165 : i32 to vector<16xi32>
      %add3A_167 = arith.addi %get3A_163, %add3A_166 : vector<16xi32>
      %swap3A_168 = arith.index_cast %mul3A_160 : i32 to index
      %swap3A_169 = tpu.vector_load %arg5[%swap3A_168] {strides = array<i32>} : memref<7168xi32, #tpu.memory_space<vmem>>, vector<16xi32>,
      %swap3A_170 = vector.shape_cast %swap3A_169 : vector<16xi32> to vector<16xi32>
      %swap3A_171 = vector.shape_cast %add3A_167 : vector<16xi32> to vector<16xi32>
      tpu.vector_store %arg5[%swap3A_168], %swap3A_171 {strides = array<i32>} : memref<7168xi32, #tpu.memory_space<vmem>>, vector<16xi32>,
      %scan3A_172 = arith.constant 2 : i32
      %scan3A_173 = arith.addi %scan3A_105, %scan3A_172 : i32
      %jit3A_174 = arith.constant 16 : i32
      %div3A_175 = arith.divsi %scan3A_173, %jit3A_174 : i32
      %sign3A_176 = arith.constant 0 : i32
      %sign3A_177 = arith.cmpi sgt, %scan3A_173, %sign3A_176 : i32
      %sign3A_178 = arith.extui %sign3A_177 : i1 to i32
      %sign3A_179 = arith.constant 0 : i32
      %sign3A_180 = arith.cmpi slt, %scan3A_173, %sign3A_179 : i32
      %sign3A_181 = arith.extui %sign3A_180 : i1 to i32
      %sign3A_182 = arith.subi %sign3A_178, %sign3A_181 : i32
      %sign3A_183 = arith.constant 0 : i32
      %sign3A_184 = arith.cmpi sgt, %jit3A_174, %sign3A_183 : i32
      %sign3A_185 = arith.extui %sign3A_184 : i1 to i32
      %sign3A_186 = arith.constant 0 : i32
      %sign3A_187 = arith.cmpi slt, %jit3A_174, %sign3A_186 : i32
      %sign3A_188 = arith.extui %sign3A_187 : i1 to i32
      %sign3A_189 = arith.subi %sign3A_185, %sign3A_188 : i32
      %ne3A_190 = arith.cmpi ne, %sign3A_182, %sign3A_189 : i32
      %rem3A_191 = arith.remsi %scan3A_173, %jit3A_174 : i32
      %ne3A_192 = arith.constant 0 : i32
      %ne3A_193 = arith.cmpi ne, %rem3A_191, %ne3A_192 : i32
      %and3A_194 = arith.andi %ne3A_190, %ne3A_193 : i1
      %sub3A_195 = arith.constant 1 : i32
      %sub3A_196 = arith.subi %div3A_175, %sub3A_195 : i32
      %select_n3A_197 = arith.select %and3A_194, %sub3A_196, %div3A_175 : i32
      %mul3A_198 = arith.constant 16 : i32
      %mul3A_199 = arith.muli %scan3A_173, %mul3A_198 : i32
      %get3A_200 = arith.index_cast %mul3A_199 : i32 to index
      %get3A_201 = tpu.vector_load %arg5[%get3A_200] {strides = array<i32>} : memref<7168xi32, #tpu.memory_space<vmem>>, vector<16xi32>,
      %get3A_202 = vector.shape_cast %get3A_201 : vector<16xi32> to vector<16xi32>
      %mul3A_203 = arith.constant 1000 : i32
      %mul3A_204 = arith.muli %select_n3A_197, %mul3A_203 : i32
      %add3A_205 = vector.broadcast %mul3A_204 : i32 to vector<16xi32>
      %add3A_206 = arith.addi %get3A_202, %add3A_205 : vector<16xi32>
      %swap3A_207 = arith.index_cast %mul3A_199 : i32 to index
      %swap3A_208 = tpu.vector_load %arg5[%swap3A_207] {strides = array<i32>} : memref<7168xi32, #tpu.memory_space<vmem>>, vector<16xi32>,
      %swap3A_209 = vector.shape_cast %swap3A_208 : vector<16xi32> to vector<16xi32>
      %swap3A_210 = vector.shape_cast %add3A_206 : vector<16xi32> to vector<16xi32>
      tpu.vector_store %arg5[%swap3A_207], %swap3A_210 {strides = array<i32>} : memref<7168xi32, #tpu.memory_space<vmem>>, vector<16xi32>,
      %scan3A_211 = arith.constant 3 : i32
      %scan3A_212 = arith.addi %scan3A_105, %scan3A_211 : i32
      %jit3A_213 = arith.constant 16 : i32
      %div3A_214 = arith.divsi %scan3A_212, %jit3A_213 : i32
      %sign3A_215 = arith.constant 0 : i32
      %sign3A_216 = arith.cmpi sgt, %scan3A_212, %sign3A_215 : i32
      %sign3A_217 = arith.extui %sign3A_216 : i1 to i32
      %sign3A_218 = arith.constant 0 : i32
      %sign3A_219 = arith.cmpi slt, %scan3A_212, %sign3A_218 : i32
      %sign3A_220 = arith.extui %sign3A_219 : i1 to i32
      %sign3A_221 = arith.subi %sign3A_217, %sign3A_220 : i32
      %sign3A_222 = arith.constant 0 : i32
      %sign3A_223 = arith.cmpi sgt, %jit3A_213, %sign3A_222 : i32
      %sign3A_224 = arith.extui %sign3A_223 : i1 to i32
      %sign3A_225 = arith.constant 0 : i32
      %sign3A_226 = arith.cmpi slt, %jit3A_213, %sign3A_225 : i32
      %sign3A_227 = arith.extui %sign3A_226 : i1 to i32
      %sign3A_228 = arith.subi %sign3A_224, %sign3A_227 : i32
      %ne3A_229 = arith.cmpi ne, %sign3A_221, %sign3A_228 : i32
      %rem3A_230 = arith.remsi %scan3A_212, %jit3A_213 : i32
      %ne3A_231 = arith.constant 0 : i32
      %ne3A_232 = arith.cmpi ne, %rem3A_230, %ne3A_231 : i32
      %and3A_233 = arith.andi %ne3A_229, %ne3A_232 : i1
      %sub3A_234 = arith.constant 1 : i32
      %sub3A_235 = arith.subi %div3A_214, %sub3A_234 : i32
      %select_n3A_236 = arith.select %and3A_233, %sub3A_235, %div3A_214 : i32
      %mul3A_237 = arith.constant 16 : i32
      %mul3A_238 = arith.muli %scan3A_212, %mul3A_237 : i32
      %get3A_239 = arith.index_cast %mul3A_238 : i32 to index
      %get3A_240 = tpu.vector_load %arg5[%get3A_239] {strides = array<i32>} : memref<7168xi32, #tpu.memory_space<vmem>>, vector<16xi32>,
      %get3A_241 = vector.shape_cast %get3A_240 : vector<16xi32> to vector<16xi32>
      %mul3A_242 = arith.constant 1000 : i32
      %mul3A_243 = arith.muli %select_n3A_236, %mul3A_242 : i32
      %add3A_244 = vector.broadcast %mul3A_243 : i32 to vector<16xi32>
      %add3A_245 = arith.addi %get3A_241, %add3A_244 : vector<16xi32>
      %swap3A_246 = arith.index_cast %mul3A_238 : i32 to index
      %swap3A_247 = tpu.vector_load %arg5[%swap3A_246] {strides = array<i32>} : memref<7168xi32, #tpu.memory_space<vmem>>, vector<16xi32>,
      %swap3A_248 = vector.shape_cast %swap3A_247 : vector<16xi32> to vector<16xi32>
      %swap3A_249 = vector.shape_cast %add3A_245 : vector<16xi32> to vector<16xi32>
      tpu.vector_store %arg5[%swap3A_246], %swap3A_249 {strides = array<i32>} : memref<7168xi32, #tpu.memory_space<vmem>>, vector<16xi32>,
    }
    %scan3A_9 = arith.constant 448 : i32
    %dma_start3A = arith.constant 0 : i32
    %dma_start3A_10 = tpu.memref_slice %arg5[%dma_start3A] : memref<7168xi32, #tpu.memory_space<vmem>> -> memref<1024xi32, #tpu.memory_space<vmem>>
    %dma_start3A_11 = arith.constant 0 : i32
    %dma_start3A_12 = arith.constant 0 : i32
    %dma_start3A_13 = tpu.memref_slice %arg3[%dma_start3A_11, %dma_start3A_12] : memref<28000x64xbf16, #tpu.memory_space<hbm>> -> memref<28000x64xbf16, #tpu.memory_space<hbm>>
    tpu.enqueue_indirect_dma source(%dma_start3A_13 : memref<28000x64xbf16, #tpu.memory_space<hbm>>) target(%arg6 : memref<1024x64xbf16, #tpu.memory_space<vmem>>) offsets(%dma_start3A_10 : memref<1024xi32, #tpu.memory_space<vmem>>) semaphore(%arg8 : memref<!tpu.dma_semaphore, #tpu.memory_space<semaphore_mem>>)
    %dma_wait3A = arith.constant 0 : i32
    %dma_wait3A_14 = tpu.memref_slice %arg5[%dma_wait3A] : memref<7168xi32, #tpu.memory_space<vmem>> -> memref<1024xi32, #tpu.memory_space<vmem>>
    %dma_wait3A_15 = arith.constant 0 : i32
    %dma_wait3A_16 = arith.constant 0 : i32
    %dma_wait3A_17 = tpu.memref_slice %arg3[%dma_wait3A_15, %dma_wait3A_16] : memref<28000x64xbf16, #tpu.memory_space<hbm>> -> memref<28000x64xbf16, #tpu.memory_space<hbm>>
    tpu.wait_indirect_dma semaphore(%arg8 : memref<!tpu.dma_semaphore, #tpu.memory_space<semaphore_mem>>) src(%dma_wait3A_17 : memref<28000x64xbf16, #tpu.memory_space<hbm>>) dst(%arg6 : memref<1024x64xbf16, #tpu.memory_space<vmem>>)
    %dma_start3A_18 = arith.constant 1024 : i32
    %dma_start3A_19 = tpu.memref_slice %arg5[%dma_start3A_18] : memref<7168xi32, #tpu.memory_space<vmem>> -> memref<1024xi32, #tpu.memory_space<vmem>>
    %dma_start3A_20 = arith.constant 0 : i32
    %dma_start3A_21 = arith.constant 0 : i32
    %dma_start3A_22 = tpu.memref_slice %arg3[%dma_start3A_20, %dma_start3A_21] : memref<28000x64xbf16, #tpu.memory_space<hbm>> -> memref<28000x64xbf16, #tpu.memory_space<hbm>>
    tpu.enqueue_indirect_dma source(%dma_start3A_22 : memref<28000x64xbf16, #tpu.memory_space<hbm>>) target(%arg7 : memref<1024x64xbf16, #tpu.memory_space<vmem>>) offsets(%dma_start3A_19 : memref<1024xi32, #tpu.memory_space<vmem>>) semaphore(%arg9 : memref<!tpu.dma_semaphore, #tpu.memory_space<semaphore_mem>>)
    %run_scoped3A = arith.constant 0 : i32
    "tpu.region"() ({
      %run_scoped3A_105 = tpu.sem_alloc : memref<!tpu.dma_semaphore, #tpu.memory_space<semaphore_mem>>
      %dma_start3A_106 = arith.constant 0 : i32
      %dma_start3A_107 = arith.constant 0 : i32
      %dma_start3A_108 = tpu.memref_slice %arg6[%dma_start3A_106, %dma_start3A_107] : memref<1024x64xbf16, #tpu.memory_space<vmem>> -> memref<256x64xbf16, #tpu.memory_space<vmem>>
      %dma_start3A_109 = arith.constant 0 : i32
      %dma_start3A_110 = tpu.memref_slice %arg4[%run_scoped3A, %mul3A_2, %dma_start3A_109] : memref<7x8192x256xbf16, #tpu.memory_space<hbm>> -> memref<1x256x64xbf16, #tpu.memory_space<hbm>>
      %dma_start3A_111 = tpu.memref_squeeze %dma_start3A_110 : memref<1x256x64xbf16, #tpu.memory_space<hbm>> -> memref<256x64xbf16, #tpu.memory_space<hbm>>
      %dma_start3A_112 = arith.constant 0 : i32
      %dma_start3A_113 = tpu.memref_slice %arg4[%run_scoped3A, %mul3A_2, %dma_start3A_112] : memref<7x8192x256xbf16, #tpu.memory_space<hbm>> -> memref<1x256x64xbf16, #tpu.memory_space<hbm>>
      %dma_start3A_114 = tpu.memref_squeeze %dma_start3A_113 : memref<1x256x64xbf16, #tpu.memory_space<hbm>> -> memref<256x64xbf16, #tpu.memory_space<hbm>>
      %dma_start3A_115 = arith.constant 0 : i32
      %dma_start3A_116 = arith.constant 0 : i32
      %dma_start3A_117 = tpu.memref_slice %arg6[%dma_start3A_115, %dma_start3A_116] : memref<1024x64xbf16, #tpu.memory_space<vmem>> -> memref<256x64xbf16, #tpu.memory_space<vmem>>
      tpu.enqueue_dma source(%dma_start3A_117 : memref<256x64xbf16, #tpu.memory_space<vmem>>) target(%dma_start3A_114 : memref<256x64xbf16, #tpu.memory_space<hbm>>) target_semaphore(%run_scoped3A_105 : memref<!tpu.dma_semaphore, #tpu.memory_space<semaphore_mem>>)
      %dma_wait3A_118 = arith.constant 0 : i32
      %dma_wait3A_119 = arith.constant 0 : i32
      %dma_wait3A_120 = tpu.memref_slice %arg6[%dma_wait3A_118, %dma_wait3A_119] : memref<1024x64xbf16, #tpu.memory_space<vmem>> -> memref<256x64xbf16, #tpu.memory_space<vmem>>
      %dma_wait3A_121 = arith.constant 0 : i32
      %dma_wait3A_122 = tpu.memref_slice %arg4[%run_scoped3A, %mul3A_2, %dma_wait3A_121] : memref<7x8192x256xbf16, #tpu.memory_space<hbm>> -> memref<1x256x64xbf16, #tpu.memory_space<hbm>>
      %dma_wait3A_123 = tpu.memref_squeeze %dma_wait3A_122 : memref<1x256x64xbf16, #tpu.memory_space<hbm>> -> memref<256x64xbf16, #tpu.memory_space<hbm>>
      %dma_wait3A_124 = arith.constant 0 : i32
      %dma_wait3A_125 = tpu.memref_slice %arg4[%run_scoped3A, %mul3A_2, %dma_wait3A_124] : memref<7x8192x256xbf16, #tpu.memory_space<hbm>> -> memref<1x256x64xbf16, #tpu.memory_space<hbm>>
      %dma_wait3A_126 = tpu.memref_squeeze %dma_wait3A_125 : memref<1x256x64xbf16, #tpu.memory_space<hbm>> -> memref<256x64xbf16, #tpu.memory_space<hbm>>
      %dma_wait3A_127 = arith.constant 0 : i32
      %dma_wait3A_128 = arith.constant 0 : i32
      %dma_wait3A_129 = tpu.memref_slice %arg6[%dma_wait3A_127, %dma_wait3A_128] : memref<1024x64xbf16, #tpu.memory_space<vmem>> -> memref<256x64xbf16, #tpu.memory_space<vmem>>
      tpu.wait_dma2 semaphore(%run_scoped3A_105 : memref<!tpu.dma_semaphore, #tpu.memory_space<semaphore_mem>>) src(%dma_wait3A_129 : memref<256x64xbf16, #tpu.memory_space<vmem>>) dst(%dma_wait3A_126 : memref<256x64xbf16, #tpu.memory_space<hbm>>)
      tpu.yield
    }) : () -> ()
    %run_scoped3A_23 = arith.constant 0 : i32
    "tpu.region"() ({
      %run_scoped3A_105 = tpu.sem_alloc : memref<!tpu.dma_semaphore, #tpu.memory_space<semaphore_mem>>
      %dma_start3A_106 = arith.constant 256 : i32
      %dma_start3A_107 = arith.constant 0 : i32
      %dma_start3A_108 = tpu.memref_slice %arg6[%dma_start3A_106, %dma_start3A_107] : memref<1024x64xbf16, #tpu.memory_space<vmem>> -> memref<256x64xbf16, #tpu.memory_space<vmem>>
      %dma_start3A_109 = arith.constant 64 : i32
      %dma_start3A_110 = tpu.memref_slice %arg4[%run_scoped3A_23, %mul3A_2, %dma_start3A_109] : memref<7x8192x256xbf16, #tpu.memory_space<hbm>> -> memref<1x256x64xbf16, #tpu.memory_space<hbm>>
      %dma_start3A_111 = tpu.memref_squeeze %dma_start3A_110 : memref<1x256x64xbf16, #tpu.memory_space<hbm>> -> memref<256x64xbf16, #tpu.memory_space<hbm>>
      %dma_start3A_112 = arith.constant 64 : i32
      %dma_start3A_113 = tpu.memref_slice %arg4[%run_scoped3A_23, %mul3A_2, %dma_start3A_112] : memref<7x8192x256xbf16, #tpu.memory_space<hbm>> -> memref<1x256x64xbf16, #tpu.memory_space<hbm>>
      %dma_start3A_114 = tpu.memref_squeeze %dma_start3A_113 : memref<1x256x64xbf16, #tpu.memory_space<hbm>> -> memref<256x64xbf16, #tpu.memory_space<hbm>>
      %dma_start3A_115 = arith.constant 256 : i32
      %dma_start3A_116 = arith.constant 0 : i32
      %dma_start3A_117 = tpu.memref_slice %arg6[%dma_start3A_115, %dma_start3A_116] : memref<1024x64xbf16, #tpu.memory_space<vmem>> -> memref<256x64xbf16, #tpu.memory_space<vmem>>
      tpu.enqueue_dma source(%dma_start3A_117 : memref<256x64xbf16, #tpu.memory_space<vmem>>) target(%dma_start3A_114 : memref<256x64xbf16, #tpu.memory_space<hbm>>) target_semaphore(%run_scoped3A_105 : memref<!tpu.dma_semaphore, #tpu.memory_space<semaphore_mem>>)
      %dma_wait3A_118 = arith.constant 256 : i32
      %dma_wait3A_119 = arith.constant 0 : i32
      %dma_wait3A_120 = tpu.memref_slice %arg6[%dma_wait3A_118, %dma_wait3A_119] : memref<1024x64xbf16, #tpu.memory_space<vmem>> -> memref<256x64xbf16, #tpu.memory_space<vmem>>
      %dma_wait3A_121 = arith.constant 64 : i32
      %dma_wait3A_122 = tpu.memref_slice %arg4[%run_scoped3A_23, %mul3A_2, %dma_wait3A_121] : memref<7x8192x256xbf16, #tpu.memory_space<hbm>> -> memref<1x256x64xbf16, #tpu.memory_space<hbm>>
      %dma_wait3A_123 = tpu.memref_squeeze %dma_wait3A_122 : memref<1x256x64xbf16, #tpu.memory_space<hbm>> -> memref<256x64xbf16, #tpu.memory_space<hbm>>
      %dma_wait3A_124 = arith.constant 64 : i32
      %dma_wait3A_125 = tpu.memref_slice %arg4[%run_scoped3A_23, %mul3A_2, %dma_wait3A_124] : memref<7x8192x256xbf16, #tpu.memory_space<hbm>> -> memref<1x256x64xbf16, #tpu.memory_space<hbm>>
      %dma_wait3A_126 = tpu.memref_squeeze %dma_wait3A_125 : memref<1x256x64xbf16, #tpu.memory_space<hbm>> -> memref<256x64xbf16, #tpu.memory_space<hbm>>
      %dma_wait3A_127 = arith.constant 256 : i32
      %dma_wait3A_128 = arith.constant 0 : i32
      %dma_wait3A_129 = tpu.memref_slice %arg6[%dma_wait3A_127, %dma_wait3A_128] : memref<1024x64xbf16, #tpu.memory_space<vmem>> -> memref<256x64xbf16, #tpu.memory_space<vmem>>
      tpu.wait_dma2 semaphore(%run_scoped3A_105 : memref<!tpu.dma_semaphore, #tpu.memory_space<semaphore_mem>>) src(%dma_wait3A_129 : memref<256x64xbf16, #tpu.memory_space<vmem>>) dst(%dma_wait3A_126 : memref<256x64xbf16, #tpu.memory_space<hbm>>)
      tpu.yield
    }) : () -> ()
    %run_scoped3A_24 = arith.constant 0 : i32
    "tpu.region"() ({
      %run_scoped3A_105 = tpu.sem_alloc : memref<!tpu.dma_semaphore, #tpu.memory_space<semaphore_mem>>
      %dma_start3A_106 = arith.constant 512 : i32
      %dma_start3A_107 = arith.constant 0 : i32
      %dma_start3A_108 = tpu.memref_slice %arg6[%dma_start3A_106, %dma_start3A_107] : memref<1024x64xbf16, #tpu.memory_space<vmem>> -> memref<256x64xbf16, #tpu.memory_space<vmem>>
      %dma_start3A_109 = arith.constant 128 : i32
      %dma_start3A_110 = tpu.memref_slice %arg4[%run_scoped3A_24, %mul3A_2, %dma_start3A_109] : memref<7x8192x256xbf16, #tpu.memory_space<hbm>> -> memref<1x256x64xbf16, #tpu.memory_space<hbm>>
      %dma_start3A_111 = tpu.memref_squeeze %dma_start3A_110 : memref<1x256x64xbf16, #tpu.memory_space<hbm>> -> memref<256x64xbf16, #tpu.memory_space<hbm>>
      %dma_start3A_112 = arith.constant 128 : i32
      %dma_start3A_113 = tpu.memref_slice %arg4[%run_scoped3A_24, %mul3A_2, %dma_start3A_112] : memref<7x8192x256xbf16, #tpu.memory_space<hbm>> -> memref<1x256x64xbf16, #tpu.memory_space<hbm>>
      %dma_start3A_114 = tpu.memref_squeeze %dma_start3A_113 : memref<1x256x64xbf16, #tpu.memory_space<hbm>> -> memref<256x64xbf16, #tpu.memory_space<hbm>>
      %dma_start3A_115 = arith.constant 512 : i32
      %dma_start3A_116 = arith.constant 0 : i32
      %dma_start3A_117 = tpu.memref_slice %arg6[%dma_start3A_115, %dma_start3A_116] : memref<1024x64xbf16, #tpu.memory_space<vmem>> -> memref<256x64xbf16, #tpu.memory_space<vmem>>
      tpu.enqueue_dma source(%dma_start3A_117 : memref<256x64xbf16, #tpu.memory_space<vmem>>) target(%dma_start3A_114 : memref<256x64xbf16, #tpu.memory_space<hbm>>) target_semaphore(%run_scoped3A_105 : memref<!tpu.dma_semaphore, #tpu.memory_space<semaphore_mem>>)
      %dma_wait3A_118 = arith.constant 512 : i32
      %dma_wait3A_119 = arith.constant 0 : i32
      %dma_wait3A_120 = tpu.memref_slice %arg6[%dma_wait3A_118, %dma_wait3A_119] : memref<1024x64xbf16, #tpu.memory_space<vmem>> -> memref<256x64xbf16, #tpu.memory_space<vmem>>
      %dma_wait3A_121 = arith.constant 128 : i32
      %dma_wait3A_122 = tpu.memref_slice %arg4[%run_scoped3A_24, %mul3A_2, %dma_wait3A_121] : memref<7x8192x256xbf16, #tpu.memory_space<hbm>> -> memref<1x256x64xbf16, #tpu.memory_space<hbm>>
      %dma_wait3A_123 = tpu.memref_squeeze %dma_wait3A_122 : memref<1x256x64xbf16, #tpu.memory_space<hbm>> -> memref<256x64xbf16, #tpu.memory_space<hbm>>
      %dma_wait3A_124 = arith.constant 128 : i32
      %dma_wait3A_125 = tpu.memref_slice %arg4[%run_scoped3A_24, %mul3A_2, %dma_wait3A_124] : memref<7x8192x256xbf16, #tpu.memory_space<hbm>> -> memref<1x256x64xbf16, #tpu.memory_space<hbm>>
      %dma_wait3A_126 = tpu.memref_squeeze %dma_wait3A_125 : memref<1x256x64xbf16, #tpu.memory_space<hbm>> -> memref<256x64xbf16, #tpu.memory_space<hbm>>
      %dma_wait3A_127 = arith.constant 512 : i32
      %dma_wait3A_128 = arith.constant 0 : i32
      %dma_wait3A_129 = tpu.memref_slice %arg6[%dma_wait3A_127, %dma_wait3A_128] : memref<1024x64xbf16, #tpu.memory_space<vmem>> -> memref<256x64xbf16, #tpu.memory_space<vmem>>
      tpu.wait_dma2 semaphore(%run_scoped3A_105 : memref<!tpu.dma_semaphore, #tpu.memory_space<semaphore_mem>>) src(%dma_wait3A_129 : memref<256x64xbf16, #tpu.memory_space<vmem>>) dst(%dma_wait3A_126 : memref<256x64xbf16, #tpu.memory_space<hbm>>)
      tpu.yield
    }) : () -> ()
    %run_scoped3A_25 = arith.constant 0 : i32
    "tpu.region"() ({
      %run_scoped3A_105 = tpu.sem_alloc : memref<!tpu.dma_semaphore, #tpu.memory_space<semaphore_mem>>
      %dma_start3A_106 = arith.constant 768 : i32
      %dma_start3A_107 = arith.constant 0 : i32
      %dma_start3A_108 = tpu.memref_slice %arg6[%dma_start3A_106, %dma_start3A_107] : memref<1024x64xbf16, #tpu.memory_space<vmem>> -> memref<256x64xbf16, #tpu.memory_space<vmem>>
      %dma_start3A_109 = arith.constant 192 : i32
      %dma_start3A_110 = tpu.memref_slice %arg4[%run_scoped3A_25, %mul3A_2, %dma_start3A_109] : memref<7x8192x256xbf16, #tpu.memory_space<hbm>> -> memref<1x256x64xbf16, #tpu.memory_space<hbm>>
      %dma_start3A_111 = tpu.memref_squeeze %dma_start3A_110 : memref<1x256x64xbf16, #tpu.memory_space<hbm>> -> memref<256x64xbf16, #tpu.memory_space<hbm>>
      %dma_start3A_112 = arith.constant 192 : i32
      %dma_start3A_113 = tpu.memref_slice %arg4[%run_scoped3A_25, %mul3A_2, %dma_start3A_112] : memref<7x8192x256xbf16, #tpu.memory_space<hbm>> -> memref<1x256x64xbf16, #tpu.memory_space<hbm>>
      %dma_start3A_114 = tpu.memref_squeeze %dma_start3A_113 : memref<1x256x64xbf16, #tpu.memory_space<hbm>> -> memref<256x64xbf16, #tpu.memory_space<hbm>>
      %dma_start3A_115 = arith.constant 768 : i32
      %dma_start3A_116 = arith.constant 0 : i32
      %dma_start3A_117 = tpu.memref_slice %arg6[%dma_start3A_115, %dma_start3A_116] : memref<1024x64xbf16, #tpu.memory_space<vmem>> -> memref<256x64xbf16, #tpu.memory_space<vmem>>
      tpu.enqueue_dma source(%dma_start3A_117 : memref<256x64xbf16, #tpu.memory_space<vmem>>) target(%dma_start3A_114 : memref<256x64xbf16, #tpu.memory_space<hbm>>) target_semaphore(%run_scoped3A_105 : memref<!tpu.dma_semaphore, #tpu.memory_space<semaphore_mem>>)
      %dma_wait3A_118 = arith.constant 768 : i32
      %dma_wait3A_119 = arith.constant 0 : i32
      %dma_wait3A_120 = tpu.memref_slice %arg6[%dma_wait3A_118, %dma_wait3A_119] : memref<1024x64xbf16, #tpu.memory_space<vmem>> -> memref<256x64xbf16, #tpu.memory_space<vmem>>
      %dma_wait3A_121 = arith.constant 192 : i32
      %dma_wait3A_122 = tpu.memref_slice %arg4[%run_scoped3A_25, %mul3A_2, %dma_wait3A_121] : memref<7x8192x256xbf16, #tpu.memory_space<hbm>> -> memref<1x256x64xbf16, #tpu.memory_space<hbm>>
      %dma_wait3A_123 = tpu.memref_squeeze %dma_wait3A_122 : memref<1x256x64xbf16, #tpu.memory_space<hbm>> -> memref<256x64xbf16, #tpu.memory_space<hbm>>
      %dma_wait3A_124 = arith.constant 192 : i32
      %dma_wait3A_125 = tpu.memref_slice %arg4[%run_scoped3A_25, %mul3A_2, %dma_wait3A_124] : memref<7x8192x256xbf16, #tpu.memory_space<hbm>> -> memref<1x256x64xbf16, #tpu.memory_space<hbm>>
      %dma_wait3A_126 = tpu.memref_squeeze %dma_wait3A_125 : memref<1x256x64xbf16, #tpu.memory_space<hbm>> -> memref<256x64xbf16, #tpu.memory_space<hbm>>
      %dma_wait3A_127 = arith.constant 768 : i32
      %dma_wait3A_128 = arith.constant 0 : i32
      %dma_wait3A_129 = tpu.memref_slice %arg6[%dma_wait3A_127, %dma_wait3A_128] : memref<1024x64xbf16, #tpu.memory_space<vmem>> -> memref<256x64xbf16, #tpu.memory_space<vmem>>
      tpu.wait_dma2 semaphore(%run_scoped3A_105 : memref<!tpu.dma_semaphore, #tpu.memory_space<semaphore_mem>>) src(%dma_wait3A_129 : memref<256x64xbf16, #tpu.memory_space<vmem>>) dst(%dma_wait3A_126 : memref<256x64xbf16, #tpu.memory_space<hbm>>)
      tpu.yield
    }) : () -> ()
    %dma_wait3A_26 = arith.constant 1024 : i32
    %dma_wait3A_27 = tpu.memref_slice %arg5[%dma_wait3A_26] : memref<7168xi32, #tpu.memory_space<vmem>> -> memref<1024xi32, #tpu.memory_space<vmem>>
    %dma_wait3A_28 = arith.constant 0 : i32
    %dma_wait3A_29 = arith.constant 0 : i32
    %dma_wait3A_30 = tpu.memref_slice %arg3[%dma_wait3A_28, %dma_wait3A_29] : memref<28000x64xbf16, #tpu.memory_space<hbm>> -> memref<28000x64xbf16, #tpu.memory_space<hbm>>
    tpu.wait_indirect_dma semaphore(%arg9 : memref<!tpu.dma_semaphore, #tpu.memory_space<semaphore_mem>>) src(%dma_wait3A_30 : memref<28000x64xbf16, #tpu.memory_space<hbm>>) dst(%arg7 : memref<1024x64xbf16, #tpu.memory_space<vmem>>)
    %dma_start3A_31 = arith.constant 2048 : i32
    %dma_start3A_32 = tpu.memref_slice %arg5[%dma_start3A_31] : memref<7168xi32, #tpu.memory_space<vmem>> -> memref<1024xi32, #tpu.memory_space<vmem>>
    %dma_start3A_33 = arith.constant 0 : i32
    %dma_start3A_34 = arith.constant 0 : i32
    %dma_start3A_35 = tpu.memref_slice %arg3[%dma_start3A_33, %dma_start3A_34] : memref<28000x64xbf16, #tpu.memory_space<hbm>> -> memref<28000x64xbf16, #tpu.memory_space<hbm>>
    tpu.enqueue_indirect_dma source(%dma_start3A_35 : memref<28000x64xbf16, #tpu.memory_space<hbm>>) target(%arg6 : memref<1024x64xbf16, #tpu.memory_space<vmem>>) offsets(%dma_start3A_32 : memref<1024xi32, #tpu.memory_space<vmem>>) semaphore(%arg8 : memref<!tpu.dma_semaphore, #tpu.memory_space<semaphore_mem>>)
    %run_scoped3A_36 = arith.constant 1 : i32
    "tpu.region"() ({
      %run_scoped3A_105 = tpu.sem_alloc : memref<!tpu.dma_semaphore, #tpu.memory_space<semaphore_mem>>
      %dma_start3A_106 = arith.constant 0 : i32
      %dma_start3A_107 = arith.constant 0 : i32
      %dma_start3A_108 = tpu.memref_slice %arg7[%dma_start3A_106, %dma_start3A_107] : memref<1024x64xbf16, #tpu.memory_space<vmem>> -> memref<256x64xbf16, #tpu.memory_space<vmem>>
      %dma_start3A_109 = arith.constant 0 : i32
      %dma_start3A_110 = tpu.memref_slice %arg4[%run_scoped3A_36, %mul3A_2, %dma_start3A_109] : memref<7x8192x256xbf16, #tpu.memory_space<hbm>> -> memref<1x256x64xbf16, #tpu.memory_space<hbm>>
      %dma_start3A_111 = tpu.memref_squeeze %dma_start3A_110 : memref<1x256x64xbf16, #tpu.memory_space<hbm>> -> memref<256x64xbf16, #tpu.memory_space<hbm>>
      %dma_start3A_112 = arith.constant 0 : i32
      %dma_start3A_113 = tpu.memref_slice %arg4[%run_scoped3A_36, %mul3A_2, %dma_start3A_112] : memref<7x8192x256xbf16, #tpu.memory_space<hbm>> -> memref<1x256x64xbf16, #tpu.memory_space<hbm>>
      %dma_start3A_114 = tpu.memref_squeeze %dma_start3A_113 : memref<1x256x64xbf16, #tpu.memory_space<hbm>> -> memref<256x64xbf16, #tpu.memory_space<hbm>>
      %dma_start3A_115 = arith.constant 0 : i32
      %dma_start3A_116 = arith.constant 0 : i32
      %dma_start3A_117 = tpu.memref_slice %arg7[%dma_start3A_115, %dma_start3A_116] : memref<1024x64xbf16, #tpu.memory_space<vmem>> -> memref<256x64xbf16, #tpu.memory_space<vmem>>
      tpu.enqueue_dma source(%dma_start3A_117 : memref<256x64xbf16, #tpu.memory_space<vmem>>) target(%dma_start3A_114 : memref<256x64xbf16, #tpu.memory_space<hbm>>) target_semaphore(%run_scoped3A_105 : memref<!tpu.dma_semaphore, #tpu.memory_space<semaphore_mem>>)
      %dma_wait3A_118 = arith.constant 0 : i32
      %dma_wait3A_119 = arith.constant 0 : i32
      %dma_wait3A_120 = tpu.memref_slice %arg7[%dma_wait3A_118, %dma_wait3A_119] : memref<1024x64xbf16, #tpu.memory_space<vmem>> -> memref<256x64xbf16, #tpu.memory_space<vmem>>
      %dma_wait3A_121 = arith.constant 0 : i32
      %dma_wait3A_122 = tpu.memref_slice %arg4[%run_scoped3A_36, %mul3A_2, %dma_wait3A_121] : memref<7x8192x256xbf16, #tpu.memory_space<hbm>> -> memref<1x256x64xbf16, #tpu.memory_space<hbm>>
      %dma_wait3A_123 = tpu.memref_squeeze %dma_wait3A_122 : memref<1x256x64xbf16, #tpu.memory_space<hbm>> -> memref<256x64xbf16, #tpu.memory_space<hbm>>
      %dma_wait3A_124 = arith.constant 0 : i32
      %dma_wait3A_125 = tpu.memref_slice %arg4[%run_scoped3A_36, %mul3A_2, %dma_wait3A_124] : memref<7x8192x256xbf16, #tpu.memory_space<hbm>> -> memref<1x256x64xbf16, #tpu.memory_space<hbm>>
      %dma_wait3A_126 = tpu.memref_squeeze %dma_wait3A_125 : memref<1x256x64xbf16, #tpu.memory_space<hbm>> -> memref<256x64xbf16, #tpu.memory_space<hbm>>
      %dma_wait3A_127 = arith.constant 0 : i32
      %dma_wait3A_128 = arith.constant 0 : i32
      %dma_wait3A_129 = tpu.memref_slice %arg7[%dma_wait3A_127, %dma_wait3A_128] : memref<1024x64xbf16, #tpu.memory_space<vmem>> -> memref<256x64xbf16, #tpu.memory_space<vmem>>
      tpu.wait_dma2 semaphore(%run_scoped3A_105 : memref<!tpu.dma_semaphore, #tpu.memory_space<semaphore_mem>>) src(%dma_wait3A_129 : memref<256x64xbf16, #tpu.memory_space<vmem>>) dst(%dma_wait3A_126 : memref<256x64xbf16, #tpu.memory_space<hbm>>)
      tpu.yield
    }) : () -> ()
    %run_scoped3A_37 = arith.constant 1 : i32
    "tpu.region"() ({
      %run_scoped3A_105 = tpu.sem_alloc : memref<!tpu.dma_semaphore, #tpu.memory_space<semaphore_mem>>
      %dma_start3A_106 = arith.constant 256 : i32
      %dma_start3A_107 = arith.constant 0 : i32
      %dma_start3A_108 = tpu.memref_slice %arg7[%dma_start3A_106, %dma_start3A_107] : memref<1024x64xbf16, #tpu.memory_space<vmem>> -> memref<256x64xbf16, #tpu.memory_space<vmem>>
      %dma_start3A_109 = arith.constant 64 : i32
      %dma_start3A_110 = tpu.memref_slice %arg4[%run_scoped3A_37, %mul3A_2, %dma_start3A_109] : memref<7x8192x256xbf16, #tpu.memory_space<hbm>> -> memref<1x256x64xbf16, #tpu.memory_space<hbm>>
      %dma_start3A_111 = tpu.memref_squeeze %dma_start3A_110 : memref<1x256x64xbf16, #tpu.memory_space<hbm>> -> memref<256x64xbf16, #tpu.memory_space<hbm>>
      %dma_start3A_112 = arith.constant 64 : i32
      %dma_start3A_113 = tpu.memref_slice %arg4[%run_scoped3A_37, %mul3A_2, %dma_start3A_112] : memref<7x8192x256xbf16, #tpu.memory_space<hbm>> -> memref<1x256x64xbf16, #tpu.memory_space<hbm>>
      %dma_start3A_114 = tpu.memref_squeeze %dma_start3A_113 : memref<1x256x64xbf16, #tpu.memory_space<hbm>> -> memref<256x64xbf16, #tpu.memory_space<hbm>>
      %dma_start3A_115 = arith.constant 256 : i32
      %dma_start3A_116 = arith.constant 0 : i32
      %dma_start3A_117 = tpu.memref_slice %arg7[%dma_start3A_115, %dma_start3A_116] : memref<1024x64xbf16, #tpu.memory_space<vmem>> -> memref<256x64xbf16, #tpu.memory_space<vmem>>
      tpu.enqueue_dma source(%dma_start3A_117 : memref<256x64xbf16, #tpu.memory_space<vmem>>) target(%dma_start3A_114 : memref<256x64xbf16, #tpu.memory_space<hbm>>) target_semaphore(%run_scoped3A_105 : memref<!tpu.dma_semaphore, #tpu.memory_space<semaphore_mem>>)
      %dma_wait3A_118 = arith.constant 256 : i32
      %dma_wait3A_119 = arith.constant 0 : i32
      %dma_wait3A_120 = tpu.memref_slice %arg7[%dma_wait3A_118, %dma_wait3A_119] : memref<1024x64xbf16, #tpu.memory_space<vmem>> -> memref<256x64xbf16, #tpu.memory_space<vmem>>
      %dma_wait3A_121 = arith.constant 64 : i32
      %dma_wait3A_122 = tpu.memref_slice %arg4[%run_scoped3A_37, %mul3A_2, %dma_wait3A_121] : memref<7x8192x256xbf16, #tpu.memory_space<hbm>> -> memref<1x256x64xbf16, #tpu.memory_space<hbm>>
      %dma_wait3A_123 = tpu.memref_squeeze %dma_wait3A_122 : memref<1x256x64xbf16, #tpu.memory_space<hbm>> -> memref<256x64xbf16, #tpu.memory_space<hbm>>
      %dma_wait3A_124 = arith.constant 64 : i32
      %dma_wait3A_125 = tpu.memref_slice %arg4[%run_scoped3A_37, %mul3A_2, %dma_wait3A_124] : memref<7x8192x256xbf16, #tpu.memory_space<hbm>> -> memref<1x256x64xbf16, #tpu.memory_space<hbm>>
      %dma_wait3A_126 = tpu.memref_squeeze %dma_wait3A_125 : memref<1x256x64xbf16, #tpu.memory_space<hbm>> -> memref<256x64xbf16, #tpu.memory_space<hbm>>
      %dma_wait3A_127 = arith.constant 256 : i32
      %dma_wait3A_128 = arith.constant 0 : i32
      %dma_wait3A_129 = tpu.memref_slice %arg7[%dma_wait3A_127, %dma_wait3A_128] : memref<1024x64xbf16, #tpu.memory_space<vmem>> -> memref<256x64xbf16, #tpu.memory_space<vmem>>
      tpu.wait_dma2 semaphore(%run_scoped3A_105 : memref<!tpu.dma_semaphore, #tpu.memory_space<semaphore_mem>>) src(%dma_wait3A_129 : memref<256x64xbf16, #tpu.memory_space<vmem>>) dst(%dma_wait3A_126 : memref<256x64xbf16, #tpu.memory_space<hbm>>)
      tpu.yield
    }) : () -> ()
    %run_scoped3A_38 = arith.constant 1 : i32
    "tpu.region"() ({
      %run_scoped3A_105 = tpu.sem_alloc : memref<!tpu.dma_semaphore, #tpu.memory_space<semaphore_mem>>
      %dma_start3A_106 = arith.constant 512 : i32
      %dma_start3A_107 = arith.constant 0 : i32
      %dma_start3A_108 = tpu.memref_slice %arg7[%dma_start3A_106, %dma_start3A_107] : memref<1024x64xbf16, #tpu.memory_space<vmem>> -> memref<256x64xbf16, #tpu.memory_space<vmem>>
      %dma_start3A_109 = arith.constant 128 : i32
      %dma_start3A_110 = tpu.memref_slice %arg4[%run_scoped3A_38, %mul3A_2, %dma_start3A_109] : memref<7x8192x256xbf16, #tpu.memory_space<hbm>> -> memref<1x256x64xbf16, #tpu.memory_space<hbm>>
      %dma_start3A_111 = tpu.memref_squeeze %dma_start3A_110 : memref<1x256x64xbf16, #tpu.memory_space<hbm>> -> memref<256x64xbf16, #tpu.memory_space<hbm>>
      %dma_start3A_112 = arith.constant 128 : i32
      %dma_start3A_113 = tpu.memref_slice %arg4[%run_scoped3A_38, %mul3A_2, %dma_start3A_112] : memref<7x8192x256xbf16, #tpu.memory_space<hbm>> -> memref<1x256x64xbf16, #tpu.memory_space<hbm>>
      %dma_start3A_114 = tpu.memref_squeeze %dma_start3A_113 : memref<1x256x64xbf16, #tpu.memory_space<hbm>> -> memref<256x64xbf16, #tpu.memory_space<hbm>>
      %dma_start3A_115 = arith.constant 512 : i32
      %dma_start3A_116 = arith.constant 0 : i32
      %dma_start3A_117 = tpu.memref_slice %arg7[%dma_start3A_115, %dma_start3A_116] : memref<1024x64xbf16, #tpu.memory_space<vmem>> -> memref<256x64xbf16, #tpu.memory_space<vmem>>
      tpu.enqueue_dma source(%dma_start3A_117 : memref<256x64xbf16, #tpu.memory_space<vmem>>) target(%dma_start3A_114 : memref<256x64xbf16, #tpu.memory_space<hbm>>) target_semaphore(%run_scoped3A_105 : memref<!tpu.dma_semaphore, #tpu.memory_space<semaphore_mem>>)
      %dma_wait3A_118 = arith.constant 512 : i32
      %dma_wait3A_119 = arith.constant 0 : i32
      %dma_wait3A_120 = tpu.memref_slice %arg7[%dma_wait3A_118, %dma_wait3A_119] : memref<1024x64xbf16, #tpu.memory_space<vmem>> -> memref<256x64xbf16, #tpu.memory_space<vmem>>
      %dma_wait3A_121 = arith.constant 128 : i32
      %dma_wait3A_122 = tpu.memref_slice %arg4[%run_scoped3A_38, %mul3A_2, %dma_wait3A_121] : memref<7x8192x256xbf16, #tpu.memory_space<hbm>> -> memref<1x256x64xbf16, #tpu.memory_space<hbm>>
      %dma_wait3A_123 = tpu.memref_squeeze %dma_wait3A_122 : memref<1x256x64xbf16, #tpu.memory_space<hbm>> -> memref<256x64xbf16, #tpu.memory_space<hbm>>
      %dma_wait3A_124 = arith.constant 128 : i32
      %dma_wait3A_125 = tpu.memref_slice %arg4[%run_scoped3A_38, %mul3A_2, %dma_wait3A_124] : memref<7x8192x256xbf16, #tpu.memory_space<hbm>> -> memref<1x256x64xbf16, #tpu.memory_space<hbm>>
      %dma_wait3A_126 = tpu.memref_squeeze %dma_wait3A_125 : memref<1x256x64xbf16, #tpu.memory_space<hbm>> -> memref<256x64xbf16, #tpu.memory_space<hbm>>
      %dma_wait3A_127 = arith.constant 512 : i32
      %dma_wait3A_128 = arith.constant 0 : i32
      %dma_wait3A_129 = tpu.memref_slice %arg7[%dma_wait3A_127, %dma_wait3A_128] : memref<1024x64xbf16, #tpu.memory_space<vmem>> -> memref<256x64xbf16, #tpu.memory_space<vmem>>
      tpu.wait_dma2 semaphore(%run_scoped3A_105 : memref<!tpu.dma_semaphore, #tpu.memory_space<semaphore_mem>>) src(%dma_wait3A_129 : memref<256x64xbf16, #tpu.memory_space<vmem>>) dst(%dma_wait3A_126 : memref<256x64xbf16, #tpu.memory_space<hbm>>)
      tpu.yield
    }) : () -> ()
    %run_scoped3A_39 = arith.constant 1 : i32
    "tpu.region"() ({
      %run_scoped3A_105 = tpu.sem_alloc : memref<!tpu.dma_semaphore, #tpu.memory_space<semaphore_mem>>
      %dma_start3A_106 = arith.constant 768 : i32
      %dma_start3A_107 = arith.constant 0 : i32
      %dma_start3A_108 = tpu.memref_slice %arg7[%dma_start3A_106, %dma_start3A_107] : memref<1024x64xbf16, #tpu.memory_space<vmem>> -> memref<256x64xbf16, #tpu.memory_space<vmem>>
      %dma_start3A_109 = arith.constant 192 : i32
      %dma_start3A_110 = tpu.memref_slice %arg4[%run_scoped3A_39, %mul3A_2, %dma_start3A_109] : memref<7x8192x256xbf16, #tpu.memory_space<hbm>> -> memref<1x256x64xbf16, #tpu.memory_space<hbm>>
      %dma_start3A_111 = tpu.memref_squeeze %dma_start3A_110 : memref<1x256x64xbf16, #tpu.memory_space<hbm>> -> memref<256x64xbf16, #tpu.memory_space<hbm>>
      %dma_start3A_112 = arith.constant 192 : i32
      %dma_start3A_113 = tpu.memref_slice %arg4[%run_scoped3A_39, %mul3A_2, %dma_start3A_112] : memref<7x8192x256xbf16, #tpu.memory_space<hbm>> -> memref<1x256x64xbf16, #tpu.memory_space<hbm>>
      %dma_start3A_114 = tpu.memref_squeeze %dma_start3A_113 : memref<1x256x64xbf16, #tpu.memory_space<hbm>> -> memref<256x64xbf16, #tpu.memory_space<hbm>>
      %dma_start3A_115 = arith.constant 768 : i32
      %dma_start3A_116 = arith.constant 0 : i32
      %dma_start3A_117 = tpu.memref_slice %arg7[%dma_start3A_115, %dma_start3A_116] : memref<1024x64xbf16, #tpu.memory_space<vmem>> -> memref<256x64xbf16, #tpu.memory_space<vmem>>
      tpu.enqueue_dma source(%dma_start3A_117 : memref<256x64xbf16, #tpu.memory_space<vmem>>) target(%dma_start3A_114 : memref<256x64xbf16, #tpu.memory_space<hbm>>) target_semaphore(%run_scoped3A_105 : memref<!tpu.dma_semaphore, #tpu.memory_space<semaphore_mem>>)
      %dma_wait3A_118 = arith.constant 768 : i32
      %dma_wait3A_119 = arith.constant 0 : i32
      %dma_wait3A_120 = tpu.memref_slice %arg7[%dma_wait3A_118, %dma_wait3A_119] : memref<1024x64xbf16, #tpu.memory_space<vmem>> -> memref<256x64xbf16, #tpu.memory_space<vmem>>
      %dma_wait3A_121 = arith.constant 192 : i32
      %dma_wait3A_122 = tpu.memref_slice %arg4[%run_scoped3A_39, %mul3A_2, %dma_wait3A_121] : memref<7x8192x256xbf16, #tpu.memory_space<hbm>> -> memref<1x256x64xbf16, #tpu.memory_space<hbm>>
      %dma_wait3A_123 = tpu.memref_squeeze %dma_wait3A_122 : memref<1x256x64xbf16, #tpu.memory_space<hbm>> -> memref<256x64xbf16, #tpu.memory_space<hbm>>
      %dma_wait3A_124 = arith.constant 192 : i32
      %dma_wait3A_125 = tpu.memref_slice %arg4[%run_scoped3A_39, %mul3A_2, %dma_wait3A_124] : memref<7x8192x256xbf16, #tpu.memory_space<hbm>> -> memref<1x256x64xbf16, #tpu.memory_space<hbm>>
      %dma_wait3A_126 = tpu.memref_squeeze %dma_wait3A_125 : memref<1x256x64xbf16, #tpu.memory_space<hbm>> -> memref<256x64xbf16, #tpu.memory_space<hbm>>
      %dma_wait3A_127 = arith.constant 768 : i32
      %dma_wait3A_128 = arith.constant 0 : i32
      %dma_wait3A_129 = tpu.memref_slice %arg7[%dma_wait3A_127, %dma_wait3A_128] : memref<1024x64xbf16, #tpu.memory_space<vmem>> -> memref<256x64xbf16, #tpu.memory_space<vmem>>
      tpu.wait_dma2 semaphore(%run_scoped3A_105 : memref<!tpu.dma_semaphore, #tpu.memory_space<semaphore_mem>>) src(%dma_wait3A_129 : memref<256x64xbf16, #tpu.memory_space<vmem>>) dst(%dma_wait3A_126 : memref<256x64xbf16, #tpu.memory_space<hbm>>)
      tpu.yield
    }) : () -> ()
    %dma_wait3A_40 = arith.constant 2048 : i32
    %dma_wait3A_41 = tpu.memref_slice %arg5[%dma_wait3A_40] : memref<7168xi32, #tpu.memory_space<vmem>> -> memref<1024xi32, #tpu.memory_space<vmem>>
    %dma_wait3A_42 = arith.constant 0 : i32
    %dma_wait3A_43 = arith.constant 0 : i32
    %dma_wait3A_44 = tpu.memref_slice %arg3[%dma_wait3A_42, %dma_wait3A_43] : memref<28000x64xbf16, #tpu.memory_space<hbm>> -> memref<28000x64xbf16, #tpu.memory_space<hbm>>
    tpu.wait_indirect_dma semaphore(%arg8 : memref<!tpu.dma_semaphore, #tpu.memory_space<semaphore_mem>>) src(%dma_wait3A_44 : memref<28000x64xbf16, #tpu.memory_space<hbm>>) dst(%arg6 : memref<1024x64xbf16, #tpu.memory_space<vmem>>)
    %dma_start3A_45 = arith.constant 3072 : i32
    %dma_start3A_46 = tpu.memref_slice %arg5[%dma_start3A_45] : memref<7168xi32, #tpu.memory_space<vmem>> -> memref<1024xi32, #tpu.memory_space<vmem>>
    %dma_start3A_47 = arith.constant 0 : i32
    %dma_start3A_48 = arith.constant 0 : i32
    %dma_start3A_49 = tpu.memref_slice %arg3[%dma_start3A_47, %dma_start3A_48] : memref<28000x64xbf16, #tpu.memory_space<hbm>> -> memref<28000x64xbf16, #tpu.memory_space<hbm>>
    tpu.enqueue_indirect_dma source(%dma_start3A_49 : memref<28000x64xbf16, #tpu.memory_space<hbm>>) target(%arg7 : memref<1024x64xbf16, #tpu.memory_space<vmem>>) offsets(%dma_start3A_46 : memref<1024xi32, #tpu.memory_space<vmem>>) semaphore(%arg9 : memref<!tpu.dma_semaphore, #tpu.memory_space<semaphore_mem>>)
    %run_scoped3A_50 = arith.constant 2 : i32
    "tpu.region"() ({
      %run_scoped3A_105 = tpu.sem_alloc : memref<!tpu.dma_semaphore, #tpu.memory_space<semaphore_mem>>
      %dma_start3A_106 = arith.constant 0 : i32
      %dma_start3A_107 = arith.constant 0 : i32
      %dma_start3A_108 = tpu.memref_slice %arg6[%dma_start3A_106, %dma_start3A_107] : memref<1024x64xbf16, #tpu.memory_space<vmem>> -> memref<256x64xbf16, #tpu.memory_space<vmem>>
      %dma_start3A_109 = arith.constant 0 : i32
      %dma_start3A_110 = tpu.memref_slice %arg4[%run_scoped3A_50, %mul3A_2, %dma_start3A_109] : memref<7x8192x256xbf16, #tpu.memory_space<hbm>> -> memref<1x256x64xbf16, #tpu.memory_space<hbm>>
      %dma_start3A_111 = tpu.memref_squeeze %dma_start3A_110 : memref<1x256x64xbf16, #tpu.memory_space<hbm>> -> memref<256x64xbf16, #tpu.memory_space<hbm>>
      %dma_start3A_112 = arith.constant 0 : i32
      %dma_start3A_113 = tpu.memref_slice %arg4[%run_scoped3A_50, %mul3A_2, %dma_start3A_112] : memref<7x8192x256xbf16, #tpu.memory_space<hbm>> -> memref<1x256x64xbf16, #tpu.memory_space<hbm>>
      %dma_start3A_114 = tpu.memref_squeeze %dma_start3A_113 : memref<1x256x64xbf16, #tpu.memory_space<hbm>> -> memref<256x64xbf16, #tpu.memory_space<hbm>>
      %dma_start3A_115 = arith.constant 0 : i32
      %dma_start3A_116 = arith.constant 0 : i32
      %dma_start3A_117 = tpu.memref_slice %arg6[%dma_start3A_115, %dma_start3A_116] : memref<1024x64xbf16, #tpu.memory_space<vmem>> -> memref<256x64xbf16, #tpu.memory_space<vmem>>
      tpu.enqueue_dma source(%dma_start3A_117 : memref<256x64xbf16, #tpu.memory_space<vmem>>) target(%dma_start3A_114 : memref<256x64xbf16, #tpu.memory_space<hbm>>) target_semaphore(%run_scoped3A_105 : memref<!tpu.dma_semaphore, #tpu.memory_space<semaphore_mem>>)
      %dma_wait3A_118 = arith.constant 0 : i32
      %dma_wait3A_119 = arith.constant 0 : i32
      %dma_wait3A_120 = tpu.memref_slice %arg6[%dma_wait3A_118, %dma_wait3A_119] : memref<1024x64xbf16, #tpu.memory_space<vmem>> -> memref<256x64xbf16, #tpu.memory_space<vmem>>
      %dma_wait3A_121 = arith.constant 0 : i32
      %dma_wait3A_122 = tpu.memref_slice %arg4[%run_scoped3A_50, %mul3A_2, %dma_wait3A_121] : memref<7x8192x256xbf16, #tpu.memory_space<hbm>> -> memref<1x256x64xbf16, #tpu.memory_space<hbm>>
      %dma_wait3A_123 = tpu.memref_squeeze %dma_wait3A_122 : memref<1x256x64xbf16, #tpu.memory_space<hbm>> -> memref<256x64xbf16, #tpu.memory_space<hbm>>
      %dma_wait3A_124 = arith.constant 0 : i32
      %dma_wait3A_125 = tpu.memref_slice %arg4[%run_scoped3A_50, %mul3A_2, %dma_wait3A_124] : memref<7x8192x256xbf16, #tpu.memory_space<hbm>> -> memref<1x256x64xbf16, #tpu.memory_space<hbm>>
      %dma_wait3A_126 = tpu.memref_squeeze %dma_wait3A_125 : memref<1x256x64xbf16, #tpu.memory_space<hbm>> -> memref<256x64xbf16, #tpu.memory_space<hbm>>
      %dma_wait3A_127 = arith.constant 0 : i32
      %dma_wait3A_128 = arith.constant 0 : i32
      %dma_wait3A_129 = tpu.memref_slice %arg6[%dma_wait3A_127, %dma_wait3A_128] : memref<1024x64xbf16, #tpu.memory_space<vmem>> -> memref<256x64xbf16, #tpu.memory_space<vmem>>
      tpu.wait_dma2 semaphore(%run_scoped3A_105 : memref<!tpu.dma_semaphore, #tpu.memory_space<semaphore_mem>>) src(%dma_wait3A_129 : memref<256x64xbf16, #tpu.memory_space<vmem>>) dst(%dma_wait3A_126 : memref<256x64xbf16, #tpu.memory_space<hbm>>)
      tpu.yield
    }) : () -> ()
    %run_scoped3A_51 = arith.constant 2 : i32
    "tpu.region"() ({
      %run_scoped3A_105 = tpu.sem_alloc : memref<!tpu.dma_semaphore, #tpu.memory_space<semaphore_mem>>
      %dma_start3A_106 = arith.constant 256 : i32
      %dma_start3A_107 = arith.constant 0 : i32
      %dma_start3A_108 = tpu.memref_slice %arg6[%dma_start3A_106, %dma_start3A_107] : memref<1024x64xbf16, #tpu.memory_space<vmem>> -> memref<256x64xbf16, #tpu.memory_space<vmem>>
      %dma_start3A_109 = arith.constant 64 : i32
      %dma_start3A_110 = tpu.memref_slice %arg4[%run_scoped3A_51, %mul3A_2, %dma_start3A_109] : memref<7x8192x256xbf16, #tpu.memory_space<hbm>> -> memref<1x256x64xbf16, #tpu.memory_space<hbm>>
      %dma_start3A_111 = tpu.memref_squeeze %dma_start3A_110 : memref<1x256x64xbf16, #tpu.memory_space<hbm>> -> memref<256x64xbf16, #tpu.memory_space<hbm>>
      %dma_start3A_112 = arith.constant 64 : i32
      %dma_start3A_113 = tpu.memref_slice %arg4[%run_scoped3A_51, %mul3A_2, %dma_start3A_112] : memref<7x8192x256xbf16, #tpu.memory_space<hbm>> -> memref<1x256x64xbf16, #tpu.memory_space<hbm>>
      %dma_start3A_114 = tpu.memref_squeeze %dma_start3A_113 : memref<1x256x64xbf16, #tpu.memory_space<hbm>> -> memref<256x64xbf16, #tpu.memory_space<hbm>>
      %dma_start3A_115 = arith.constant 256 : i32
      %dma_start3A_116 = arith.constant 0 : i32
      %dma_start3A_117 = tpu.memref_slice %arg6[%dma_start3A_115, %dma_start3A_116] : memref<1024x64xbf16, #tpu.memory_space<vmem>> -> memref<256x64xbf16, #tpu.memory_space<vmem>>
      tpu.enqueue_dma source(%dma_start3A_117 : memref<256x64xbf16, #tpu.memory_space<vmem>>) target(%dma_start3A_114 : memref<256x64xbf16, #tpu.memory_space<hbm>>) target_semaphore(%run_scoped3A_105 : memref<!tpu.dma_semaphore, #tpu.memory_space<semaphore_mem>>)
      %dma_wait3A_118 = arith.constant 256 : i32
      %dma_wait3A_119 = arith.constant 0 : i32
      %dma_wait3A_120 = tpu.memref_slice %arg6[%dma_wait3A_118, %dma_wait3A_119] : memref<1024x64xbf16, #tpu.memory_space<vmem>> -> memref<256x64xbf16, #tpu.memory_space<vmem>>
      %dma_wait3A_121 = arith.constant 64 : i32
      %dma_wait3A_122 = tpu.memref_slice %arg4[%run_scoped3A_51, %mul3A_2, %dma_wait3A_121] : memref<7x8192x256xbf16, #tpu.memory_space<hbm>> -> memref<1x256x64xbf16, #tpu.memory_space<hbm>>
      %dma_wait3A_123 = tpu.memref_squeeze %dma_wait3A_122 : memref<1x256x64xbf16, #tpu.memory_space<hbm>> -> memref<256x64xbf16, #tpu.memory_space<hbm>>
      %dma_wait3A_124 = arith.constant 64 : i32
      %dma_wait3A_125 = tpu.memref_slice %arg4[%run_scoped3A_51, %mul3A_2, %dma_wait3A_124] : memref<7x8192x256xbf16, #tpu.memory_space<hbm>> -> memref<1x256x64xbf16, #tpu.memory_space<hbm>>
      %dma_wait3A_126 = tpu.memref_squeeze %dma_wait3A_125 : memref<1x256x64xbf16, #tpu.memory_space<hbm>> -> memref<256x64xbf16, #tpu.memory_space<hbm>>
      %dma_wait3A_127 = arith.constant 256 : i32
      %dma_wait3A_128 = arith.constant 0 : i32
      %dma_wait3A_129 = tpu.memref_slice %arg6[%dma_wait3A_127, %dma_wait3A_128] : memref<1024x64xbf16, #tpu.memory_space<vmem>> -> memref<256x64xbf16, #tpu.memory_space<vmem>>
      tpu.wait_dma2 semaphore(%run_scoped3A_105 : memref<!tpu.dma_semaphore, #tpu.memory_space<semaphore_mem>>) src(%dma_wait3A_129 : memref<256x64xbf16, #tpu.memory_space<vmem>>) dst(%dma_wait3A_126 : memref<256x64xbf16, #tpu.memory_space<hbm>>)
      tpu.yield
    }) : () -> ()
    %run_scoped3A_52 = arith.constant 2 : i32
    "tpu.region"() ({
      %run_scoped3A_105 = tpu.sem_alloc : memref<!tpu.dma_semaphore, #tpu.memory_space<semaphore_mem>>
      %dma_start3A_106 = arith.constant 512 : i32
      %dma_start3A_107 = arith.constant 0 : i32
      %dma_start3A_108 = tpu.memref_slice %arg6[%dma_start3A_106, %dma_start3A_107] : memref<1024x64xbf16, #tpu.memory_space<vmem>> -> memref<256x64xbf16, #tpu.memory_space<vmem>>
      %dma_start3A_109 = arith.constant 128 : i32
      %dma_start3A_110 = tpu.memref_slice %arg4[%run_scoped3A_52, %mul3A_2, %dma_start3A_109] : memref<7x8192x256xbf16, #tpu.memory_space<hbm>> -> memref<1x256x64xbf16, #tpu.memory_space<hbm>>
      %dma_start3A_111 = tpu.memref_squeeze %dma_start3A_110 : memref<1x256x64xbf16, #tpu.memory_space<hbm>> -> memref<256x64xbf16, #tpu.memory_space<hbm>>
      %dma_start3A_112 = arith.constant 128 : i32
      %dma_start3A_113 = tpu.memref_slice %arg4[%run_scoped3A_52, %mul3A_2, %dma_start3A_112] : memref<7x8192x256xbf16, #tpu.memory_space<hbm>> -> memref<1x256x64xbf16, #tpu.memory_space<hbm>>
      %dma_start3A_114 = tpu.memref_squeeze %dma_start3A_113 : memref<1x256x64xbf16, #tpu.memory_space<hbm>> -> memref<256x64xbf16, #tpu.memory_space<hbm>>
      %dma_start3A_115 = arith.constant 512 : i32
      %dma_start3A_116 = arith.constant 0 : i32
      %dma_start3A_117 = tpu.memref_slice %arg6[%dma_start3A_115, %dma_start3A_116] : memref<1024x64xbf16, #tpu.memory_space<vmem>> -> memref<256x64xbf16, #tpu.memory_space<vmem>>
      tpu.enqueue_dma source(%dma_start3A_117 : memref<256x64xbf16, #tpu.memory_space<vmem>>) target(%dma_start3A_114 : memref<256x64xbf16, #tpu.memory_space<hbm>>) target_semaphore(%run_scoped3A_105 : memref<!tpu.dma_semaphore, #tpu.memory_space<semaphore_mem>>)
      %dma_wait3A_118 = arith.constant 512 : i32
      %dma_wait3A_119 = arith.constant 0 : i32
      %dma_wait3A_120 = tpu.memref_slice %arg6[%dma_wait3A_118, %dma_wait3A_119] : memref<1024x64xbf16, #tpu.memory_space<vmem>> -> memref<256x64xbf16, #tpu.memory_space<vmem>>
      %dma_wait3A_121 = arith.constant 128 : i32
      %dma_wait3A_122 = tpu.memref_slice %arg4[%run_scoped3A_52, %mul3A_2, %dma_wait3A_121] : memref<7x8192x256xbf16, #tpu.memory_space<hbm>> -> memref<1x256x64xbf16, #tpu.memory_space<hbm>>
      %dma_wait3A_123 = tpu.memref_squeeze %dma_wait3A_122 : memref<1x256x64xbf16, #tpu.memory_space<hbm>> -> memref<256x64xbf16, #tpu.memory_space<hbm>>
      %dma_wait3A_124 = arith.constant 128 : i32
      %dma_wait3A_125 = tpu.memref_slice %arg4[%run_scoped3A_52, %mul3A_2, %dma_wait3A_124] : memref<7x8192x256xbf16, #tpu.memory_space<hbm>> -> memref<1x256x64xbf16, #tpu.memory_space<hbm>>
      %dma_wait3A_126 = tpu.memref_squeeze %dma_wait3A_125 : memref<1x256x64xbf16, #tpu.memory_space<hbm>> -> memref<256x64xbf16, #tpu.memory_space<hbm>>
      %dma_wait3A_127 = arith.constant 512 : i32
      %dma_wait3A_128 = arith.constant 0 : i32
      %dma_wait3A_129 = tpu.memref_slice %arg6[%dma_wait3A_127, %dma_wait3A_128] : memref<1024x64xbf16, #tpu.memory_space<vmem>> -> memref<256x64xbf16, #tpu.memory_space<vmem>>
      tpu.wait_dma2 semaphore(%run_scoped3A_105 : memref<!tpu.dma_semaphore, #tpu.memory_space<semaphore_mem>>) src(%dma_wait3A_129 : memref<256x64xbf16, #tpu.memory_space<vmem>>) dst(%dma_wait3A_126 : memref<256x64xbf16, #tpu.memory_space<hbm>>)
      tpu.yield
    }) : () -> ()
    %run_scoped3A_53 = arith.constant 2 : i32
    "tpu.region"() ({
      %run_scoped3A_105 = tpu.sem_alloc : memref<!tpu.dma_semaphore, #tpu.memory_space<semaphore_mem>>
      %dma_start3A_106 = arith.constant 768 : i32
      %dma_start3A_107 = arith.constant 0 : i32
      %dma_start3A_108 = tpu.memref_slice %arg6[%dma_start3A_106, %dma_start3A_107] : memref<1024x64xbf16, #tpu.memory_space<vmem>> -> memref<256x64xbf16, #tpu.memory_space<vmem>>
      %dma_start3A_109 = arith.constant 192 : i32
      %dma_start3A_110 = tpu.memref_slice %arg4[%run_scoped3A_53, %mul3A_2, %dma_start3A_109] : memref<7x8192x256xbf16, #tpu.memory_space<hbm>> -> memref<1x256x64xbf16, #tpu.memory_space<hbm>>
      %dma_start3A_111 = tpu.memref_squeeze %dma_start3A_110 : memref<1x256x64xbf16, #tpu.memory_space<hbm>> -> memref<256x64xbf16, #tpu.memory_space<hbm>>
      %dma_start3A_112 = arith.constant 192 : i32
      %dma_start3A_113 = tpu.memref_slice %arg4[%run_scoped3A_53, %mul3A_2, %dma_start3A_112] : memref<7x8192x256xbf16, #tpu.memory_space<hbm>> -> memref<1x256x64xbf16, #tpu.memory_space<hbm>>
      %dma_start3A_114 = tpu.memref_squeeze %dma_start3A_113 : memref<1x256x64xbf16, #tpu.memory_space<hbm>> -> memref<256x64xbf16, #tpu.memory_space<hbm>>
      %dma_start3A_115 = arith.constant 768 : i32
      %dma_start3A_116 = arith.constant 0 : i32
      %dma_start3A_117 = tpu.memref_slice %arg6[%dma_start3A_115, %dma_start3A_116] : memref<1024x64xbf16, #tpu.memory_space<vmem>> -> memref<256x64xbf16, #tpu.memory_space<vmem>>
      tpu.enqueue_dma source(%dma_start3A_117 : memref<256x64xbf16, #tpu.memory_space<vmem>>) target(%dma_start3A_114 : memref<256x64xbf16, #tpu.memory_space<hbm>>) target_semaphore(%run_scoped3A_105 : memref<!tpu.dma_semaphore, #tpu.memory_space<semaphore_mem>>)
      %dma_wait3A_118 = arith.constant 768 : i32
      %dma_wait3A_119 = arith.constant 0 : i32
      %dma_wait3A_120 = tpu.memref_slice %arg6[%dma_wait3A_118, %dma_wait3A_119] : memref<1024x64xbf16, #tpu.memory_space<vmem>> -> memref<256x64xbf16, #tpu.memory_space<vmem>>
      %dma_wait3A_121 = arith.constant 192 : i32
      %dma_wait3A_122 = tpu.memref_slice %arg4[%run_scoped3A_53, %mul3A_2, %dma_wait3A_121] : memref<7x8192x256xbf16, #tpu.memory_space<hbm>> -> memref<1x256x64xbf16, #tpu.memory_space<hbm>>
      %dma_wait3A_123 = tpu.memref_squeeze %dma_wait3A_122 : memref<1x256x64xbf16, #tpu.memory_space<hbm>> -> memref<256x64xbf16, #tpu.memory_space<hbm>>
      %dma_wait3A_124 = arith.constant 192 : i32
      %dma_wait3A_125 = tpu.memref_slice %arg4[%run_scoped3A_53, %mul3A_2, %dma_wait3A_124] : memref<7x8192x256xbf16, #tpu.memory_space<hbm>> -> memref<1x256x64xbf16, #tpu.memory_space<hbm>>
      %dma_wait3A_126 = tpu.memref_squeeze %dma_wait3A_125 : memref<1x256x64xbf16, #tpu.memory_space<hbm>> -> memref<256x64xbf16, #tpu.memory_space<hbm>>
      %dma_wait3A_127 = arith.constant 768 : i32
      %dma_wait3A_128 = arith.constant 0 : i32
      %dma_wait3A_129 = tpu.memref_slice %arg6[%dma_wait3A_127, %dma_wait3A_128] : memref<1024x64xbf16, #tpu.memory_space<vmem>> -> memref<256x64xbf16, #tpu.memory_space<vmem>>
      tpu.wait_dma2 semaphore(%run_scoped3A_105 : memref<!tpu.dma_semaphore, #tpu.memory_space<semaphore_mem>>) src(%dma_wait3A_129 : memref<256x64xbf16, #tpu.memory_space<vmem>>) dst(%dma_wait3A_126 : memref<256x64xbf16, #tpu.memory_space<hbm>>)
      tpu.yield
    }) : () -> ()
    %dma_wait3A_54 = arith.constant 3072 : i32
    %dma_wait3A_55 = tpu.memref_slice %arg5[%dma_wait3A_54] : memref<7168xi32, #tpu.memory_space<vmem>> -> memref<1024xi32, #tpu.memory_space<vmem>>
    %dma_wait3A_56 = arith.constant 0 : i32
    %dma_wait3A_57 = arith.constant 0 : i32
    %dma_wait3A_58 = tpu.memref_slice %arg3[%dma_wait3A_56, %dma_wait3A_57] : memref<28000x64xbf16, #tpu.memory_space<hbm>> -> memref<28000x64xbf16, #tpu.memory_space<hbm>>
    tpu.wait_indirect_dma semaphore(%arg9 : memref<!tpu.dma_semaphore, #tpu.memory_space<semaphore_mem>>) src(%dma_wait3A_58 : memref<28000x64xbf16, #tpu.memory_space<hbm>>) dst(%arg7 : memref<1024x64xbf16, #tpu.memory_space<vmem>>)
    %dma_start3A_59 = arith.constant 4096 : i32
    %dma_start3A_60 = tpu.memref_slice %arg5[%dma_start3A_59] : memref<7168xi32, #tpu.memory_space<vmem>> -> memref<1024xi32, #tpu.memory_space<vmem>>
    %dma_start3A_61 = arith.constant 0 : i32
    %dma_start3A_62 = arith.constant 0 : i32
    %dma_start3A_63 = tpu.memref_slice %arg3[%dma_start3A_61, %dma_start3A_62] : memref<28000x64xbf16, #tpu.memory_space<hbm>> -> memref<28000x64xbf16, #tpu.memory_space<hbm>>
    tpu.enqueue_indirect_dma source(%dma_start3A_63 : memref<28000x64xbf16, #tpu.memory_space<hbm>>) target(%arg6 : memref<1024x64xbf16, #tpu.memory_space<vmem>>) offsets(%dma_start3A_60 : memref<1024xi32, #tpu.memory_space<vmem>>) semaphore(%arg8 : memref<!tpu.dma_semaphore, #tpu.memory_space<semaphore_mem>>)
    %run_scoped3A_64 = arith.constant 3 : i32
    "tpu.region"() ({
      %run_scoped3A_105 = tpu.sem_alloc : memref<!tpu.dma_semaphore, #tpu.memory_space<semaphore_mem>>
      %dma_start3A_106 = arith.constant 0 : i32
      %dma_start3A_107 = arith.constant 0 : i32
      %dma_start3A_108 = tpu.memref_slice %arg7[%dma_start3A_106, %dma_start3A_107] : memref<1024x64xbf16, #tpu.memory_space<vmem>> -> memref<256x64xbf16, #tpu.memory_space<vmem>>
      %dma_start3A_109 = arith.constant 0 : i32
      %dma_start3A_110 = tpu.memref_slice %arg4[%run_scoped3A_64, %mul3A_2, %dma_start3A_109] : memref<7x8192x256xbf16, #tpu.memory_space<hbm>> -> memref<1x256x64xbf16, #tpu.memory_space<hbm>>
      %dma_start3A_111 = tpu.memref_squeeze %dma_start3A_110 : memref<1x256x64xbf16, #tpu.memory_space<hbm>> -> memref<256x64xbf16, #tpu.memory_space<hbm>>
      %dma_start3A_112 = arith.constant 0 : i32
      %dma_start3A_113 = tpu.memref_slice %arg4[%run_scoped3A_64, %mul3A_2, %dma_start3A_112] : memref<7x8192x256xbf16, #tpu.memory_space<hbm>> -> memref<1x256x64xbf16, #tpu.memory_space<hbm>>
      %dma_start3A_114 = tpu.memref_squeeze %dma_start3A_113 : memref<1x256x64xbf16, #tpu.memory_space<hbm>> -> memref<256x64xbf16, #tpu.memory_space<hbm>>
      %dma_start3A_115 = arith.constant 0 : i32
      %dma_start3A_116 = arith.constant 0 : i32
      %dma_start3A_117 = tpu.memref_slice %arg7[%dma_start3A_115, %dma_start3A_116] : memref<1024x64xbf16, #tpu.memory_space<vmem>> -> memref<256x64xbf16, #tpu.memory_space<vmem>>
      tpu.enqueue_dma source(%dma_start3A_117 : memref<256x64xbf16, #tpu.memory_space<vmem>>) target(%dma_start3A_114 : memref<256x64xbf16, #tpu.memory_space<hbm>>) target_semaphore(%run_scoped3A_105 : memref<!tpu.dma_semaphore, #tpu.memory_space<semaphore_mem>>)
      %dma_wait3A_118 = arith.constant 0 : i32
      %dma_wait3A_119 = arith.constant 0 : i32
      %dma_wait3A_120 = tpu.memref_slice %arg7[%dma_wait3A_118, %dma_wait3A_119] : memref<1024x64xbf16, #tpu.memory_space<vmem>> -> memref<256x64xbf16, #tpu.memory_space<vmem>>
      %dma_wait3A_121 = arith.constant 0 : i32
      %dma_wait3A_122 = tpu.memref_slice %arg4[%run_scoped3A_64, %mul3A_2, %dma_wait3A_121] : memref<7x8192x256xbf16, #tpu.memory_space<hbm>> -> memref<1x256x64xbf16, #tpu.memory_space<hbm>>
      %dma_wait3A_123 = tpu.memref_squeeze %dma_wait3A_122 : memref<1x256x64xbf16, #tpu.memory_space<hbm>> -> memref<256x64xbf16, #tpu.memory_space<hbm>>
      %dma_wait3A_124 = arith.constant 0 : i32
      %dma_wait3A_125 = tpu.memref_slice %arg4[%run_scoped3A_64, %mul3A_2, %dma_wait3A_124] : memref<7x8192x256xbf16, #tpu.memory_space<hbm>> -> memref<1x256x64xbf16, #tpu.memory_space<hbm>>
      %dma_wait3A_126 = tpu.memref_squeeze %dma_wait3A_125 : memref<1x256x64xbf16, #tpu.memory_space<hbm>> -> memref<256x64xbf16, #tpu.memory_space<hbm>>
      %dma_wait3A_127 = arith.constant 0 : i32
      %dma_wait3A_128 = arith.constant 0 : i32
      %dma_wait3A_129 = tpu.memref_slice %arg7[%dma_wait3A_127, %dma_wait3A_128] : memref<1024x64xbf16, #tpu.memory_space<vmem>> -> memref<256x64xbf16, #tpu.memory_space<vmem>>
      tpu.wait_dma2 semaphore(%run_scoped3A_105 : memref<!tpu.dma_semaphore, #tpu.memory_space<semaphore_mem>>) src(%dma_wait3A_129 : memref<256x64xbf16, #tpu.memory_space<vmem>>) dst(%dma_wait3A_126 : memref<256x64xbf16, #tpu.memory_space<hbm>>)
      tpu.yield
    }) : () -> ()
    %run_scoped3A_65 = arith.constant 3 : i32
    "tpu.region"() ({
      %run_scoped3A_105 = tpu.sem_alloc : memref<!tpu.dma_semaphore, #tpu.memory_space<semaphore_mem>>
      %dma_start3A_106 = arith.constant 256 : i32
      %dma_start3A_107 = arith.constant 0 : i32
      %dma_start3A_108 = tpu.memref_slice %arg7[%dma_start3A_106, %dma_start3A_107] : memref<1024x64xbf16, #tpu.memory_space<vmem>> -> memref<256x64xbf16, #tpu.memory_space<vmem>>
      %dma_start3A_109 = arith.constant 64 : i32
      %dma_start3A_110 = tpu.memref_slice %arg4[%run_scoped3A_65, %mul3A_2, %dma_start3A_109] : memref<7x8192x256xbf16, #tpu.memory_space<hbm>> -> memref<1x256x64xbf16, #tpu.memory_space<hbm>>
      %dma_start3A_111 = tpu.memref_squeeze %dma_start3A_110 : memref<1x256x64xbf16, #tpu.memory_space<hbm>> -> memref<256x64xbf16, #tpu.memory_space<hbm>>
      %dma_start3A_112 = arith.constant 64 : i32
      %dma_start3A_113 = tpu.memref_slice %arg4[%run_scoped3A_65, %mul3A_2, %dma_start3A_112] : memref<7x8192x256xbf16, #tpu.memory_space<hbm>> -> memref<1x256x64xbf16, #tpu.memory_space<hbm>>
      %dma_start3A_114 = tpu.memref_squeeze %dma_start3A_113 : memref<1x256x64xbf16, #tpu.memory_space<hbm>> -> memref<256x64xbf16, #tpu.memory_space<hbm>>
      %dma_start3A_115 = arith.constant 256 : i32
      %dma_start3A_116 = arith.constant 0 : i32
      %dma_start3A_117 = tpu.memref_slice %arg7[%dma_start3A_115, %dma_start3A_116] : memref<1024x64xbf16, #tpu.memory_space<vmem>> -> memref<256x64xbf16, #tpu.memory_space<vmem>>
      tpu.enqueue_dma source(%dma_start3A_117 : memref<256x64xbf16, #tpu.memory_space<vmem>>) target(%dma_start3A_114 : memref<256x64xbf16, #tpu.memory_space<hbm>>) target_semaphore(%run_scoped3A_105 : memref<!tpu.dma_semaphore, #tpu.memory_space<semaphore_mem>>)
      %dma_wait3A_118 = arith.constant 256 : i32
      %dma_wait3A_119 = arith.constant 0 : i32
      %dma_wait3A_120 = tpu.memref_slice %arg7[%dma_wait3A_118, %dma_wait3A_119] : memref<1024x64xbf16, #tpu.memory_space<vmem>> -> memref<256x64xbf16, #tpu.memory_space<vmem>>
      %dma_wait3A_121 = arith.constant 64 : i32
      %dma_wait3A_122 = tpu.memref_slice %arg4[%run_scoped3A_65, %mul3A_2, %dma_wait3A_121] : memref<7x8192x256xbf16, #tpu.memory_space<hbm>> -> memref<1x256x64xbf16, #tpu.memory_space<hbm>>
      %dma_wait3A_123 = tpu.memref_squeeze %dma_wait3A_122 : memref<1x256x64xbf16, #tpu.memory_space<hbm>> -> memref<256x64xbf16, #tpu.memory_space<hbm>>
      %dma_wait3A_124 = arith.constant 64 : i32
      %dma_wait3A_125 = tpu.memref_slice %arg4[%run_scoped3A_65, %mul3A_2, %dma_wait3A_124] : memref<7x8192x256xbf16, #tpu.memory_space<hbm>> -> memref<1x256x64xbf16, #tpu.memory_space<hbm>>
      %dma_wait3A_126 = tpu.memref_squeeze %dma_wait3A_125 : memref<1x256x64xbf16, #tpu.memory_space<hbm>> -> memref<256x64xbf16, #tpu.memory_space<hbm>>
      %dma_wait3A_127 = arith.constant 256 : i32
      %dma_wait3A_128 = arith.constant 0 : i32
      %dma_wait3A_129 = tpu.memref_slice %arg7[%dma_wait3A_127, %dma_wait3A_128] : memref<1024x64xbf16, #tpu.memory_space<vmem>> -> memref<256x64xbf16, #tpu.memory_space<vmem>>
      tpu.wait_dma2 semaphore(%run_scoped3A_105 : memref<!tpu.dma_semaphore, #tpu.memory_space<semaphore_mem>>) src(%dma_wait3A_129 : memref<256x64xbf16, #tpu.memory_space<vmem>>) dst(%dma_wait3A_126 : memref<256x64xbf16, #tpu.memory_space<hbm>>)
      tpu.yield
    }) : () -> ()
    %run_scoped3A_66 = arith.constant 3 : i32
    "tpu.region"() ({
      %run_scoped3A_105 = tpu.sem_alloc : memref<!tpu.dma_semaphore, #tpu.memory_space<semaphore_mem>>
      %dma_start3A_106 = arith.constant 512 : i32
      %dma_start3A_107 = arith.constant 0 : i32
      %dma_start3A_108 = tpu.memref_slice %arg7[%dma_start3A_106, %dma_start3A_107] : memref<1024x64xbf16, #tpu.memory_space<vmem>> -> memref<256x64xbf16, #tpu.memory_space<vmem>>
      %dma_start3A_109 = arith.constant 128 : i32
      %dma_start3A_110 = tpu.memref_slice %arg4[%run_scoped3A_66, %mul3A_2, %dma_start3A_109] : memref<7x8192x256xbf16, #tpu.memory_space<hbm>> -> memref<1x256x64xbf16, #tpu.memory_space<hbm>>
      %dma_start3A_111 = tpu.memref_squeeze %dma_start3A_110 : memref<1x256x64xbf16, #tpu.memory_space<hbm>> -> memref<256x64xbf16, #tpu.memory_space<hbm>>
      %dma_start3A_112 = arith.constant 128 : i32
      %dma_start3A_113 = tpu.memref_slice %arg4[%run_scoped3A_66, %mul3A_2, %dma_start3A_112] : memref<7x8192x256xbf16, #tpu.memory_space<hbm>> -> memref<1x256x64xbf16, #tpu.memory_space<hbm>>
      %dma_start3A_114 = tpu.memref_squeeze %dma_start3A_113 : memref<1x256x64xbf16, #tpu.memory_space<hbm>> -> memref<256x64xbf16, #tpu.memory_space<hbm>>
      %dma_start3A_115 = arith.constant 512 : i32
      %dma_start3A_116 = arith.constant 0 : i32
      %dma_start3A_117 = tpu.memref_slice %arg7[%dma_start3A_115, %dma_start3A_116] : memref<1024x64xbf16, #tpu.memory_space<vmem>> -> memref<256x64xbf16, #tpu.memory_space<vmem>>
      tpu.enqueue_dma source(%dma_start3A_117 : memref<256x64xbf16, #tpu.memory_space<vmem>>) target(%dma_start3A_114 : memref<256x64xbf16, #tpu.memory_space<hbm>>) target_semaphore(%run_scoped3A_105 : memref<!tpu.dma_semaphore, #tpu.memory_space<semaphore_mem>>)
      %dma_wait3A_118 = arith.constant 512 : i32
      %dma_wait3A_119 = arith.constant 0 : i32
      %dma_wait3A_120 = tpu.memref_slice %arg7[%dma_wait3A_118, %dma_wait3A_119] : memref<1024x64xbf16, #tpu.memory_space<vmem>> -> memref<256x64xbf16, #tpu.memory_space<vmem>>
      %dma_wait3A_121 = arith.constant 128 : i32
      %dma_wait3A_122 = tpu.memref_slice %arg4[%run_scoped3A_66, %mul3A_2, %dma_wait3A_121] : memref<7x8192x256xbf16, #tpu.memory_space<hbm>> -> memref<1x256x64xbf16, #tpu.memory_space<hbm>>
      %dma_wait3A_123 = tpu.memref_squeeze %dma_wait3A_122 : memref<1x256x64xbf16, #tpu.memory_space<hbm>> -> memref<256x64xbf16, #tpu.memory_space<hbm>>
      %dma_wait3A_124 = arith.constant 128 : i32
      %dma_wait3A_125 = tpu.memref_slice %arg4[%run_scoped3A_66, %mul3A_2, %dma_wait3A_124] : memref<7x8192x256xbf16, #tpu.memory_space<hbm>> -> memref<1x256x64xbf16, #tpu.memory_space<hbm>>
      %dma_wait3A_126 = tpu.memref_squeeze %dma_wait3A_125 : memref<1x256x64xbf16, #tpu.memory_space<hbm>> -> memref<256x64xbf16, #tpu.memory_space<hbm>>
      %dma_wait3A_127 = arith.constant 512 : i32
      %dma_wait3A_128 = arith.constant 0 : i32
      %dma_wait3A_129 = tpu.memref_slice %arg7[%dma_wait3A_127, %dma_wait3A_128] : memref<1024x64xbf16, #tpu.memory_space<vmem>> -> memref<256x64xbf16, #tpu.memory_space<vmem>>
      tpu.wait_dma2 semaphore(%run_scoped3A_105 : memref<!tpu.dma_semaphore, #tpu.memory_space<semaphore_mem>>) src(%dma_wait3A_129 : memref<256x64xbf16, #tpu.memory_space<vmem>>) dst(%dma_wait3A_126 : memref<256x64xbf16, #tpu.memory_space<hbm>>)
      tpu.yield
    }) : () -> ()
    %run_scoped3A_67 = arith.constant 3 : i32
    "tpu.region"() ({
      %run_scoped3A_105 = tpu.sem_alloc : memref<!tpu.dma_semaphore, #tpu.memory_space<semaphore_mem>>
      %dma_start3A_106 = arith.constant 768 : i32
      %dma_start3A_107 = arith.constant 0 : i32
      %dma_start3A_108 = tpu.memref_slice %arg7[%dma_start3A_106, %dma_start3A_107] : memref<1024x64xbf16, #tpu.memory_space<vmem>> -> memref<256x64xbf16, #tpu.memory_space<vmem>>
      %dma_start3A_109 = arith.constant 192 : i32
      %dma_start3A_110 = tpu.memref_slice %arg4[%run_scoped3A_67, %mul3A_2, %dma_start3A_109] : memref<7x8192x256xbf16, #tpu.memory_space<hbm>> -> memref<1x256x64xbf16, #tpu.memory_space<hbm>>
      %dma_start3A_111 = tpu.memref_squeeze %dma_start3A_110 : memref<1x256x64xbf16, #tpu.memory_space<hbm>> -> memref<256x64xbf16, #tpu.memory_space<hbm>>
      %dma_start3A_112 = arith.constant 192 : i32
      %dma_start3A_113 = tpu.memref_slice %arg4[%run_scoped3A_67, %mul3A_2, %dma_start3A_112] : memref<7x8192x256xbf16, #tpu.memory_space<hbm>> -> memref<1x256x64xbf16, #tpu.memory_space<hbm>>
      %dma_start3A_114 = tpu.memref_squeeze %dma_start3A_113 : memref<1x256x64xbf16, #tpu.memory_space<hbm>> -> memref<256x64xbf16, #tpu.memory_space<hbm>>
      %dma_start3A_115 = arith.constant 768 : i32
      %dma_start3A_116 = arith.constant 0 : i32
      %dma_start3A_117 = tpu.memref_slice %arg7[%dma_start3A_115, %dma_start3A_116] : memref<1024x64xbf16, #tpu.memory_space<vmem>> -> memref<256x64xbf16, #tpu.memory_space<vmem>>
      tpu.enqueue_dma source(%dma_start3A_117 : memref<256x64xbf16, #tpu.memory_space<vmem>>) target(%dma_start3A_114 : memref<256x64xbf16, #tpu.memory_space<hbm>>) target_semaphore(%run_scoped3A_105 : memref<!tpu.dma_semaphore, #tpu.memory_space<semaphore_mem>>)
      %dma_wait3A_118 = arith.constant 768 : i32
      %dma_wait3A_119 = arith.constant 0 : i32
      %dma_wait3A_120 = tpu.memref_slice %arg7[%dma_wait3A_118, %dma_wait3A_119] : memref<1024x64xbf16, #tpu.memory_space<vmem>> -> memref<256x64xbf16, #tpu.memory_space<vmem>>
      %dma_wait3A_121 = arith.constant 192 : i32
      %dma_wait3A_122 = tpu.memref_slice %arg4[%run_scoped3A_67, %mul3A_2, %dma_wait3A_121] : memref<7x8192x256xbf16, #tpu.memory_space<hbm>> -> memref<1x256x64xbf16, #tpu.memory_space<hbm>>
      %dma_wait3A_123 = tpu.memref_squeeze %dma_wait3A_122 : memref<1x256x64xbf16, #tpu.memory_space<hbm>> -> memref<256x64xbf16, #tpu.memory_space<hbm>>
      %dma_wait3A_124 = arith.constant 192 : i32
      %dma_wait3A_125 = tpu.memref_slice %arg4[%run_scoped3A_67, %mul3A_2, %dma_wait3A_124] : memref<7x8192x256xbf16, #tpu.memory_space<hbm>> -> memref<1x256x64xbf16, #tpu.memory_space<hbm>>
      %dma_wait3A_126 = tpu.memref_squeeze %dma_wait3A_125 : memref<1x256x64xbf16, #tpu.memory_space<hbm>> -> memref<256x64xbf16, #tpu.memory_space<hbm>>
      %dma_wait3A_127 = arith.constant 768 : i32
      %dma_wait3A_128 = arith.constant 0 : i32
      %dma_wait3A_129 = tpu.memref_slice %arg7[%dma_wait3A_127, %dma_wait3A_128] : memref<1024x64xbf16, #tpu.memory_space<vmem>> -> memref<256x64xbf16, #tpu.memory_space<vmem>>
      tpu.wait_dma2 semaphore(%run_scoped3A_105 : memref<!tpu.dma_semaphore, #tpu.memory_space<semaphore_mem>>) src(%dma_wait3A_129 : memref<256x64xbf16, #tpu.memory_space<vmem>>) dst(%dma_wait3A_126 : memref<256x64xbf16, #tpu.memory_space<hbm>>)
      tpu.yield
    }) : () -> ()
    %dma_wait3A_68 = arith.constant 4096 : i32
    %dma_wait3A_69 = tpu.memref_slice %arg5[%dma_wait3A_68] : memref<7168xi32, #tpu.memory_space<vmem>> -> memref<1024xi32, #tpu.memory_space<vmem>>
    %dma_wait3A_70 = arith.constant 0 : i32
    %dma_wait3A_71 = arith.constant 0 : i32
    %dma_wait3A_72 = tpu.memref_slice %arg3[%dma_wait3A_70, %dma_wait3A_71] : memref<28000x64xbf16, #tpu.memory_space<hbm>> -> memref<28000x64xbf16, #tpu.memory_space<hbm>>
    tpu.wait_indirect_dma semaphore(%arg8 : memref<!tpu.dma_semaphore, #tpu.memory_space<semaphore_mem>>) src(%dma_wait3A_72 : memref<28000x64xbf16, #tpu.memory_space<hbm>>) dst(%arg6 : memref<1024x64xbf16, #tpu.memory_space<vmem>>)
    %dma_start3A_73 = arith.constant 5120 : i32
    %dma_start3A_74 = tpu.memref_slice %arg5[%dma_start3A_73] : memref<7168xi32, #tpu.memory_space<vmem>> -> memref<1024xi32, #tpu.memory_space<vmem>>
    %dma_start3A_75 = arith.constant 0 : i32
    %dma_start3A_76 = arith.constant 0 : i32
    %dma_start3A_77 = tpu.memref_slice %arg3[%dma_start3A_75, %dma_start3A_76] : memref<28000x64xbf16, #tpu.memory_space<hbm>> -> memref<28000x64xbf16, #tpu.memory_space<hbm>>
    tpu.enqueue_indirect_dma source(%dma_start3A_77 : memref<28000x64xbf16, #tpu.memory_space<hbm>>) target(%arg7 : memref<1024x64xbf16, #tpu.memory_space<vmem>>) offsets(%dma_start3A_74 : memref<1024xi32, #tpu.memory_space<vmem>>) semaphore(%arg9 : memref<!tpu.dma_semaphore, #tpu.memory_space<semaphore_mem>>)
    %run_scoped3A_78 = arith.constant 4 : i32
    "tpu.region"() ({
      %run_scoped3A_105 = tpu.sem_alloc : memref<!tpu.dma_semaphore, #tpu.memory_space<semaphore_mem>>
      %dma_start3A_106 = arith.constant 0 : i32
      %dma_start3A_107 = arith.constant 0 : i32
      %dma_start3A_108 = tpu.memref_slice %arg6[%dma_start3A_106, %dma_start3A_107] : memref<1024x64xbf16, #tpu.memory_space<vmem>> -> memref<256x64xbf16, #tpu.memory_space<vmem>>
      %dma_start3A_109 = arith.constant 0 : i32
      %dma_start3A_110 = tpu.memref_slice %arg4[%run_scoped3A_78, %mul3A_2, %dma_start3A_109] : memref<7x8192x256xbf16, #tpu.memory_space<hbm>> -> memref<1x256x64xbf16, #tpu.memory_space<hbm>>
      %dma_start3A_111 = tpu.memref_squeeze %dma_start3A_110 : memref<1x256x64xbf16, #tpu.memory_space<hbm>> -> memref<256x64xbf16, #tpu.memory_space<hbm>>
      %dma_start3A_112 = arith.constant 0 : i32
      %dma_start3A_113 = tpu.memref_slice %arg4[%run_scoped3A_78, %mul3A_2, %dma_start3A_112] : memref<7x8192x256xbf16, #tpu.memory_space<hbm>> -> memref<1x256x64xbf16, #tpu.memory_space<hbm>>
      %dma_start3A_114 = tpu.memref_squeeze %dma_start3A_113 : memref<1x256x64xbf16, #tpu.memory_space<hbm>> -> memref<256x64xbf16, #tpu.memory_space<hbm>>
      %dma_start3A_115 = arith.constant 0 : i32
      %dma_start3A_116 = arith.constant 0 : i32
      %dma_start3A_117 = tpu.memref_slice %arg6[%dma_start3A_115, %dma_start3A_116] : memref<1024x64xbf16, #tpu.memory_space<vmem>> -> memref<256x64xbf16, #tpu.memory_space<vmem>>
      tpu.enqueue_dma source(%dma_start3A_117 : memref<256x64xbf16, #tpu.memory_space<vmem>>) target(%dma_start3A_114 : memref<256x64xbf16, #tpu.memory_space<hbm>>) target_semaphore(%run_scoped3A_105 : memref<!tpu.dma_semaphore, #tpu.memory_space<semaphore_mem>>)
      %dma_wait3A_118 = arith.constant 0 : i32
      %dma_wait3A_119 = arith.constant 0 : i32
      %dma_wait3A_120 = tpu.memref_slice %arg6[%dma_wait3A_118, %dma_wait3A_119] : memref<1024x64xbf16, #tpu.memory_space<vmem>> -> memref<256x64xbf16, #tpu.memory_space<vmem>>
      %dma_wait3A_121 = arith.constant 0 : i32
      %dma_wait3A_122 = tpu.memref_slice %arg4[%run_scoped3A_78, %mul3A_2, %dma_wait3A_121] : memref<7x8192x256xbf16, #tpu.memory_space<hbm>> -> memref<1x256x64xbf16, #tpu.memory_space<hbm>>
      %dma_wait3A_123 = tpu.memref_squeeze %dma_wait3A_122 : memref<1x256x64xbf16, #tpu.memory_space<hbm>> -> memref<256x64xbf16, #tpu.memory_space<hbm>>
      %dma_wait3A_124 = arith.constant 0 : i32
      %dma_wait3A_125 = tpu.memref_slice %arg4[%run_scoped3A_78, %mul3A_2, %dma_wait3A_124] : memref<7x8192x256xbf16, #tpu.memory_space<hbm>> -> memref<1x256x64xbf16, #tpu.memory_space<hbm>>
      %dma_wait3A_126 = tpu.memref_squeeze %dma_wait3A_125 : memref<1x256x64xbf16, #tpu.memory_space<hbm>> -> memref<256x64xbf16, #tpu.memory_space<hbm>>
      %dma_wait3A_127 = arith.constant 0 : i32
      %dma_wait3A_128 = arith.constant 0 : i32
      %dma_wait3A_129 = tpu.memref_slice %arg6[%dma_wait3A_127, %dma_wait3A_128] : memref<1024x64xbf16, #tpu.memory_space<vmem>> -> memref<256x64xbf16, #tpu.memory_space<vmem>>
      tpu.wait_dma2 semaphore(%run_scoped3A_105 : memref<!tpu.dma_semaphore, #tpu.memory_space<semaphore_mem>>) src(%dma_wait3A_129 : memref<256x64xbf16, #tpu.memory_space<vmem>>) dst(%dma_wait3A_126 : memref<256x64xbf16, #tpu.memory_space<hbm>>)
      tpu.yield
    }) : () -> ()
    %run_scoped3A_79 = arith.constant 4 : i32
    "tpu.region"() ({
      %run_scoped3A_105 = tpu.sem_alloc : memref<!tpu.dma_semaphore, #tpu.memory_space<semaphore_mem>>
      %dma_start3A_106 = arith.constant 256 : i32
      %dma_start3A_107 = arith.constant 0 : i32
      %dma_start3A_108 = tpu.memref_slice %arg6[%dma_start3A_106, %dma_start3A_107] : memref<1024x64xbf16, #tpu.memory_space<vmem>> -> memref<256x64xbf16, #tpu.memory_space<vmem>>
      %dma_start3A_109 = arith.constant 64 : i32
      %dma_start3A_110 = tpu.memref_slice %arg4[%run_scoped3A_79, %mul3A_2, %dma_start3A_109] : memref<7x8192x256xbf16, #tpu.memory_space<hbm>> -> memref<1x256x64xbf16, #tpu.memory_space<hbm>>
      %dma_start3A_111 = tpu.memref_squeeze %dma_start3A_110 : memref<1x256x64xbf16, #tpu.memory_space<hbm>> -> memref<256x64xbf16, #tpu.memory_space<hbm>>
      %dma_start3A_112 = arith.constant 64 : i32
      %dma_start3A_113 = tpu.memref_slice %arg4[%run_scoped3A_79, %mul3A_2, %dma_start3A_112] : memref<7x8192x256xbf16, #tpu.memory_space<hbm>> -> memref<1x256x64xbf16, #tpu.memory_space<hbm>>
      %dma_start3A_114 = tpu.memref_squeeze %dma_start3A_113 : memref<1x256x64xbf16, #tpu.memory_space<hbm>> -> memref<256x64xbf16, #tpu.memory_space<hbm>>
      %dma_start3A_115 = arith.constant 256 : i32
      %dma_start3A_116 = arith.constant 0 : i32
      %dma_start3A_117 = tpu.memref_slice %arg6[%dma_start3A_115, %dma_start3A_116] : memref<1024x64xbf16, #tpu.memory_space<vmem>> -> memref<256x64xbf16, #tpu.memory_space<vmem>>
      tpu.enqueue_dma source(%dma_start3A_117 : memref<256x64xbf16, #tpu.memory_space<vmem>>) target(%dma_start3A_114 : memref<256x64xbf16, #tpu.memory_space<hbm>>) target_semaphore(%run_scoped3A_105 : memref<!tpu.dma_semaphore, #tpu.memory_space<semaphore_mem>>)
      %dma_wait3A_118 = arith.constant 256 : i32
      %dma_wait3A_119 = arith.constant 0 : i32
      %dma_wait3A_120 = tpu.memref_slice %arg6[%dma_wait3A_118, %dma_wait3A_119] : memref<1024x64xbf16, #tpu.memory_space<vmem>> -> memref<256x64xbf16, #tpu.memory_space<vmem>>
      %dma_wait3A_121 = arith.constant 64 : i32
      %dma_wait3A_122 = tpu.memref_slice %arg4[%run_scoped3A_79, %mul3A_2, %dma_wait3A_121] : memref<7x8192x256xbf16, #tpu.memory_space<hbm>> -> memref<1x256x64xbf16, #tpu.memory_space<hbm>>
      %dma_wait3A_123 = tpu.memref_squeeze %dma_wait3A_122 : memref<1x256x64xbf16, #tpu.memory_space<hbm>> -> memref<256x64xbf16, #tpu.memory_space<hbm>>
      %dma_wait3A_124 = arith.constant 64 : i32
      %dma_wait3A_125 = tpu.memref_slice %arg4[%run_scoped3A_79, %mul3A_2, %dma_wait3A_124] : memref<7x8192x256xbf16, #tpu.memory_space<hbm>> -> memref<1x256x64xbf16, #tpu.memory_space<hbm>>
      %dma_wait3A_126 = tpu.memref_squeeze %dma_wait3A_125 : memref<1x256x64xbf16, #tpu.memory_space<hbm>> -> memref<256x64xbf16, #tpu.memory_space<hbm>>
      %dma_wait3A_127 = arith.constant 256 : i32
      %dma_wait3A_128 = arith.constant 0 : i32
      %dma_wait3A_129 = tpu.memref_slice %arg6[%dma_wait3A_127, %dma_wait3A_128] : memref<1024x64xbf16, #tpu.memory_space<vmem>> -> memref<256x64xbf16, #tpu.memory_space<vmem>>
      tpu.wait_dma2 semaphore(%run_scoped3A_105 : memref<!tpu.dma_semaphore, #tpu.memory_space<semaphore_mem>>) src(%dma_wait3A_129 : memref<256x64xbf16, #tpu.memory_space<vmem>>) dst(%dma_wait3A_126 : memref<256x64xbf16, #tpu.memory_space<hbm>>)
      tpu.yield
    }) : () -> ()
    %run_scoped3A_80 = arith.constant 4 : i32
    "tpu.region"() ({
      %run_scoped3A_105 = tpu.sem_alloc : memref<!tpu.dma_semaphore, #tpu.memory_space<semaphore_mem>>
      %dma_start3A_106 = arith.constant 512 : i32
      %dma_start3A_107 = arith.constant 0 : i32
      %dma_start3A_108 = tpu.memref_slice %arg6[%dma_start3A_106, %dma_start3A_107] : memref<1024x64xbf16, #tpu.memory_space<vmem>> -> memref<256x64xbf16, #tpu.memory_space<vmem>>
      %dma_start3A_109 = arith.constant 128 : i32
      %dma_start3A_110 = tpu.memref_slice %arg4[%run_scoped3A_80, %mul3A_2, %dma_start3A_109] : memref<7x8192x256xbf16, #tpu.memory_space<hbm>> -> memref<1x256x64xbf16, #tpu.memory_space<hbm>>
      %dma_start3A_111 = tpu.memref_squeeze %dma_start3A_110 : memref<1x256x64xbf16, #tpu.memory_space<hbm>> -> memref<256x64xbf16, #tpu.memory_space<hbm>>
      %dma_start3A_112 = arith.constant 128 : i32
      %dma_start3A_113 = tpu.memref_slice %arg4[%run_scoped3A_80, %mul3A_2, %dma_start3A_112] : memref<7x8192x256xbf16, #tpu.memory_space<hbm>> -> memref<1x256x64xbf16, #tpu.memory_space<hbm>>
      %dma_start3A_114 = tpu.memref_squeeze %dma_start3A_113 : memref<1x256x64xbf16, #tpu.memory_space<hbm>> -> memref<256x64xbf16, #tpu.memory_space<hbm>>
      %dma_start3A_115 = arith.constant 512 : i32
      %dma_start3A_116 = arith.constant 0 : i32
      %dma_start3A_117 = tpu.memref_slice %arg6[%dma_start3A_115, %dma_start3A_116] : memref<1024x64xbf16, #tpu.memory_space<vmem>> -> memref<256x64xbf16, #tpu.memory_space<vmem>>
      tpu.enqueue_dma source(%dma_start3A_117 : memref<256x64xbf16, #tpu.memory_space<vmem>>) target(%dma_start3A_114 : memref<256x64xbf16, #tpu.memory_space<hbm>>) target_semaphore(%run_scoped3A_105 : memref<!tpu.dma_semaphore, #tpu.memory_space<semaphore_mem>>)
      %dma_wait3A_118 = arith.constant 512 : i32
      %dma_wait3A_119 = arith.constant 0 : i32
      %dma_wait3A_120 = tpu.memref_slice %arg6[%dma_wait3A_118, %dma_wait3A_119] : memref<1024x64xbf16, #tpu.memory_space<vmem>> -> memref<256x64xbf16, #tpu.memory_space<vmem>>
      %dma_wait3A_121 = arith.constant 128 : i32
      %dma_wait3A_122 = tpu.memref_slice %arg4[%run_scoped3A_80, %mul3A_2, %dma_wait3A_121] : memref<7x8192x256xbf16, #tpu.memory_space<hbm>> -> memref<1x256x64xbf16, #tpu.memory_space<hbm>>
      %dma_wait3A_123 = tpu.memref_squeeze %dma_wait3A_122 : memref<1x256x64xbf16, #tpu.memory_space<hbm>> -> memref<256x64xbf16, #tpu.memory_space<hbm>>
      %dma_wait3A_124 = arith.constant 128 : i32
      %dma_wait3A_125 = tpu.memref_slice %arg4[%run_scoped3A_80, %mul3A_2, %dma_wait3A_124] : memref<7x8192x256xbf16, #tpu.memory_space<hbm>> -> memref<1x256x64xbf16, #tpu.memory_space<hbm>>
      %dma_wait3A_126 = tpu.memref_squeeze %dma_wait3A_125 : memref<1x256x64xbf16, #tpu.memory_space<hbm>> -> memref<256x64xbf16, #tpu.memory_space<hbm>>
      %dma_wait3A_127 = arith.constant 512 : i32
      %dma_wait3A_128 = arith.constant 0 : i32
      %dma_wait3A_129 = tpu.memref_slice %arg6[%dma_wait3A_127, %dma_wait3A_128] : memref<1024x64xbf16, #tpu.memory_space<vmem>> -> memref<256x64xbf16, #tpu.memory_space<vmem>>
      tpu.wait_dma2 semaphore(%run_scoped3A_105 : memref<!tpu.dma_semaphore, #tpu.memory_space<semaphore_mem>>) src(%dma_wait3A_129 : memref<256x64xbf16, #tpu.memory_space<vmem>>) dst(%dma_wait3A_126 : memref<256x64xbf16, #tpu.memory_space<hbm>>)
      tpu.yield
    }) : () -> ()
    %run_scoped3A_81 = arith.constant 4 : i32
    "tpu.region"() ({
      %run_scoped3A_105 = tpu.sem_alloc : memref<!tpu.dma_semaphore, #tpu.memory_space<semaphore_mem>>
      %dma_start3A_106 = arith.constant 768 : i32
      %dma_start3A_107 = arith.constant 0 : i32
      %dma_start3A_108 = tpu.memref_slice %arg6[%dma_start3A_106, %dma_start3A_107] : memref<1024x64xbf16, #tpu.memory_space<vmem>> -> memref<256x64xbf16, #tpu.memory_space<vmem>>
      %dma_start3A_109 = arith.constant 192 : i32
      %dma_start3A_110 = tpu.memref_slice %arg4[%run_scoped3A_81, %mul3A_2, %dma_start3A_109] : memref<7x8192x256xbf16, #tpu.memory_space<hbm>> -> memref<1x256x64xbf16, #tpu.memory_space<hbm>>
      %dma_start3A_111 = tpu.memref_squeeze %dma_start3A_110 : memref<1x256x64xbf16, #tpu.memory_space<hbm>> -> memref<256x64xbf16, #tpu.memory_space<hbm>>
      %dma_start3A_112 = arith.constant 192 : i32
      %dma_start3A_113 = tpu.memref_slice %arg4[%run_scoped3A_81, %mul3A_2, %dma_start3A_112] : memref<7x8192x256xbf16, #tpu.memory_space<hbm>> -> memref<1x256x64xbf16, #tpu.memory_space<hbm>>
      %dma_start3A_114 = tpu.memref_squeeze %dma_start3A_113 : memref<1x256x64xbf16, #tpu.memory_space<hbm>> -> memref<256x64xbf16, #tpu.memory_space<hbm>>
      %dma_start3A_115 = arith.constant 768 : i32
      %dma_start3A_116 = arith.constant 0 : i32
      %dma_start3A_117 = tpu.memref_slice %arg6[%dma_start3A_115, %dma_start3A_116] : memref<1024x64xbf16, #tpu.memory_space<vmem>> -> memref<256x64xbf16, #tpu.memory_space<vmem>>
      tpu.enqueue_dma source(%dma_start3A_117 : memref<256x64xbf16, #tpu.memory_space<vmem>>) target(%dma_start3A_114 : memref<256x64xbf16, #tpu.memory_space<hbm>>) target_semaphore(%run_scoped3A_105 : memref<!tpu.dma_semaphore, #tpu.memory_space<semaphore_mem>>)
      %dma_wait3A_118 = arith.constant 768 : i32
      %dma_wait3A_119 = arith.constant 0 : i32
      %dma_wait3A_120 = tpu.memref_slice %arg6[%dma_wait3A_118, %dma_wait3A_119] : memref<1024x64xbf16, #tpu.memory_space<vmem>> -> memref<256x64xbf16, #tpu.memory_space<vmem>>
      %dma_wait3A_121 = arith.constant 192 : i32
      %dma_wait3A_122 = tpu.memref_slice %arg4[%run_scoped3A_81, %mul3A_2, %dma_wait3A_121] : memref<7x8192x256xbf16, #tpu.memory_space<hbm>> -> memref<1x256x64xbf16, #tpu.memory_space<hbm>>
      %dma_wait3A_123 = tpu.memref_squeeze %dma_wait3A_122 : memref<1x256x64xbf16, #tpu.memory_space<hbm>> -> memref<256x64xbf16, #tpu.memory_space<hbm>>
      %dma_wait3A_124 = arith.constant 192 : i32
      %dma_wait3A_125 = tpu.memref_slice %arg4[%run_scoped3A_81, %mul3A_2, %dma_wait3A_124] : memref<7x8192x256xbf16, #tpu.memory_space<hbm>> -> memref<1x256x64xbf16, #tpu.memory_space<hbm>>
      %dma_wait3A_126 = tpu.memref_squeeze %dma_wait3A_125 : memref<1x256x64xbf16, #tpu.memory_space<hbm>> -> memref<256x64xbf16, #tpu.memory_space<hbm>>
      %dma_wait3A_127 = arith.constant 768 : i32
      %dma_wait3A_128 = arith.constant 0 : i32
      %dma_wait3A_129 = tpu.memref_slice %arg6[%dma_wait3A_127, %dma_wait3A_128] : memref<1024x64xbf16, #tpu.memory_space<vmem>> -> memref<256x64xbf16, #tpu.memory_space<vmem>>
      tpu.wait_dma2 semaphore(%run_scoped3A_105 : memref<!tpu.dma_semaphore, #tpu.memory_space<semaphore_mem>>) src(%dma_wait3A_129 : memref<256x64xbf16, #tpu.memory_space<vmem>>) dst(%dma_wait3A_126 : memref<256x64xbf16, #tpu.memory_space<hbm>>)
      tpu.yield
    }) : () -> ()
    %dma_wait3A_82 = arith.constant 5120 : i32
    %dma_wait3A_83 = tpu.memref_slice %arg5[%dma_wait3A_82] : memref<7168xi32, #tpu.memory_space<vmem>> -> memref<1024xi32, #tpu.memory_space<vmem>>
    %dma_wait3A_84 = arith.constant 0 : i32
    %dma_wait3A_85 = arith.constant 0 : i32
    %dma_wait3A_86 = tpu.memref_slice %arg3[%dma_wait3A_84, %dma_wait3A_85] : memref<28000x64xbf16, #tpu.memory_space<hbm>> -> memref<28000x64xbf16, #tpu.memory_space<hbm>>
    tpu.wait_indirect_dma semaphore(%arg9 : memref<!tpu.dma_semaphore, #tpu.memory_space<semaphore_mem>>) src(%dma_wait3A_86 : memref<28000x64xbf16, #tpu.memory_space<hbm>>) dst(%arg7 : memref<1024x64xbf16, #tpu.memory_space<vmem>>)
    %dma_start3A_87 = arith.constant 6144 : i32
    %dma_start3A_88 = tpu.memref_slice %arg5[%dma_start3A_87] : memref<7168xi32, #tpu.memory_space<vmem>> -> memref<1024xi32, #tpu.memory_space<vmem>>
    %dma_start3A_89 = arith.constant 0 : i32
    %dma_start3A_90 = arith.constant 0 : i32
    %dma_start3A_91 = tpu.memref_slice %arg3[%dma_start3A_89, %dma_start3A_90] : memref<28000x64xbf16, #tpu.memory_space<hbm>> -> memref<28000x64xbf16, #tpu.memory_space<hbm>>
    tpu.enqueue_indirect_dma source(%dma_start3A_91 : memref<28000x64xbf16, #tpu.memory_space<hbm>>) target(%arg6 : memref<1024x64xbf16, #tpu.memory_space<vmem>>) offsets(%dma_start3A_88 : memref<1024xi32, #tpu.memory_space<vmem>>) semaphore(%arg8 : memref<!tpu.dma_semaphore, #tpu.memory_space<semaphore_mem>>)
    %run_scoped3A_92 = arith.constant 5 : i32
    "tpu.region"() ({
      %run_scoped3A_105 = tpu.sem_alloc : memref<!tpu.dma_semaphore, #tpu.memory_space<semaphore_mem>>
      %dma_start3A_106 = arith.constant 0 : i32
      %dma_start3A_107 = arith.constant 0 : i32
      %dma_start3A_108 = tpu.memref_slice %arg7[%dma_start3A_106, %dma_start3A_107] : memref<1024x64xbf16, #tpu.memory_space<vmem>> -> memref<256x64xbf16, #tpu.memory_space<vmem>>
      %dma_start3A_109 = arith.constant 0 : i32
      %dma_start3A_110 = tpu.memref_slice %arg4[%run_scoped3A_92, %mul3A_2, %dma_start3A_109] : memref<7x8192x256xbf16, #tpu.memory_space<hbm>> -> memref<1x256x64xbf16, #tpu.memory_space<hbm>>
      %dma_start3A_111 = tpu.memref_squeeze %dma_start3A_110 : memref<1x256x64xbf16, #tpu.memory_space<hbm>> -> memref<256x64xbf16, #tpu.memory_space<hbm>>
      %dma_start3A_112 = arith.constant 0 : i32
      %dma_start3A_113 = tpu.memref_slice %arg4[%run_scoped3A_92, %mul3A_2, %dma_start3A_112] : memref<7x8192x256xbf16, #tpu.memory_space<hbm>> -> memref<1x256x64xbf16, #tpu.memory_space<hbm>>
      %dma_start3A_114 = tpu.memref_squeeze %dma_start3A_113 : memref<1x256x64xbf16, #tpu.memory_space<hbm>> -> memref<256x64xbf16, #tpu.memory_space<hbm>>
      %dma_start3A_115 = arith.constant 0 : i32
      %dma_start3A_116 = arith.constant 0 : i32
      %dma_start3A_117 = tpu.memref_slice %arg7[%dma_start3A_115, %dma_start3A_116] : memref<1024x64xbf16, #tpu.memory_space<vmem>> -> memref<256x64xbf16, #tpu.memory_space<vmem>>
      tpu.enqueue_dma source(%dma_start3A_117 : memref<256x64xbf16, #tpu.memory_space<vmem>>) target(%dma_start3A_114 : memref<256x64xbf16, #tpu.memory_space<hbm>>) target_semaphore(%run_scoped3A_105 : memref<!tpu.dma_semaphore, #tpu.memory_space<semaphore_mem>>)
      %dma_wait3A_118 = arith.constant 0 : i32
      %dma_wait3A_119 = arith.constant 0 : i32
      %dma_wait3A_120 = tpu.memref_slice %arg7[%dma_wait3A_118, %dma_wait3A_119] : memref<1024x64xbf16, #tpu.memory_space<vmem>> -> memref<256x64xbf16, #tpu.memory_space<vmem>>
      %dma_wait3A_121 = arith.constant 0 : i32
      %dma_wait3A_122 = tpu.memref_slice %arg4[%run_scoped3A_92, %mul3A_2, %dma_wait3A_121] : memref<7x8192x256xbf16, #tpu.memory_space<hbm>> -> memref<1x256x64xbf16, #tpu.memory_space<hbm>>
      %dma_wait3A_123 = tpu.memref_squeeze %dma_wait3A_122 : memref<1x256x64xbf16, #tpu.memory_space<hbm>> -> memref<256x64xbf16, #tpu.memory_space<hbm>>
      %dma_wait3A_124 = arith.constant 0 : i32
      %dma_wait3A_125 = tpu.memref_slice %arg4[%run_scoped3A_92, %mul3A_2, %dma_wait3A_124] : memref<7x8192x256xbf16, #tpu.memory_space<hbm>> -> memref<1x256x64xbf16, #tpu.memory_space<hbm>>
      %dma_wait3A_126 = tpu.memref_squeeze %dma_wait3A_125 : memref<1x256x64xbf16, #tpu.memory_space<hbm>> -> memref<256x64xbf16, #tpu.memory_space<hbm>>
      %dma_wait3A_127 = arith.constant 0 : i32
      %dma_wait3A_128 = arith.constant 0 : i32
      %dma_wait3A_129 = tpu.memref_slice %arg7[%dma_wait3A_127, %dma_wait3A_128] : memref<1024x64xbf16, #tpu.memory_space<vmem>> -> memref<256x64xbf16, #tpu.memory_space<vmem>>
      tpu.wait_dma2 semaphore(%run_scoped3A_105 : memref<!tpu.dma_semaphore, #tpu.memory_space<semaphore_mem>>) src(%dma_wait3A_129 : memref<256x64xbf16, #tpu.memory_space<vmem>>) dst(%dma_wait3A_126 : memref<256x64xbf16, #tpu.memory_space<hbm>>)
      tpu.yield
    }) : () -> ()
    %run_scoped3A_93 = arith.constant 5 : i32
    "tpu.region"() ({
      %run_scoped3A_105 = tpu.sem_alloc : memref<!tpu.dma_semaphore, #tpu.memory_space<semaphore_mem>>
      %dma_start3A_106 = arith.constant 256 : i32
      %dma_start3A_107 = arith.constant 0 : i32
      %dma_start3A_108 = tpu.memref_slice %arg7[%dma_start3A_106, %dma_start3A_107] : memref<1024x64xbf16, #tpu.memory_space<vmem>> -> memref<256x64xbf16, #tpu.memory_space<vmem>>
      %dma_start3A_109 = arith.constant 64 : i32
      %dma_start3A_110 = tpu.memref_slice %arg4[%run_scoped3A_93, %mul3A_2, %dma_start3A_109] : memref<7x8192x256xbf16, #tpu.memory_space<hbm>> -> memref<1x256x64xbf16, #tpu.memory_space<hbm>>
      %dma_start3A_111 = tpu.memref_squeeze %dma_start3A_110 : memref<1x256x64xbf16, #tpu.memory_space<hbm>> -> memref<256x64xbf16, #tpu.memory_space<hbm>>
      %dma_start3A_112 = arith.constant 64 : i32
      %dma_start3A_113 = tpu.memref_slice %arg4[%run_scoped3A_93, %mul3A_2, %dma_start3A_112] : memref<7x8192x256xbf16, #tpu.memory_space<hbm>> -> memref<1x256x64xbf16, #tpu.memory_space<hbm>>
      %dma_start3A_114 = tpu.memref_squeeze %dma_start3A_113 : memref<1x256x64xbf16, #tpu.memory_space<hbm>> -> memref<256x64xbf16, #tpu.memory_space<hbm>>
      %dma_start3A_115 = arith.constant 256 : i32
      %dma_start3A_116 = arith.constant 0 : i32
      %dma_start3A_117 = tpu.memref_slice %arg7[%dma_start3A_115, %dma_start3A_116] : memref<1024x64xbf16, #tpu.memory_space<vmem>> -> memref<256x64xbf16, #tpu.memory_space<vmem>>
      tpu.enqueue_dma source(%dma_start3A_117 : memref<256x64xbf16, #tpu.memory_space<vmem>>) target(%dma_start3A_114 : memref<256x64xbf16, #tpu.memory_space<hbm>>) target_semaphore(%run_scoped3A_105 : memref<!tpu.dma_semaphore, #tpu.memory_space<semaphore_mem>>)
      %dma_wait3A_118 = arith.constant 256 : i32
      %dma_wait3A_119 = arith.constant 0 : i32
      %dma_wait3A_120 = tpu.memref_slice %arg7[%dma_wait3A_118, %dma_wait3A_119] : memref<1024x64xbf16, #tpu.memory_space<vmem>> -> memref<256x64xbf16, #tpu.memory_space<vmem>>
      %dma_wait3A_121 = arith.constant 64 : i32
      %dma_wait3A_122 = tpu.memref_slice %arg4[%run_scoped3A_93, %mul3A_2, %dma_wait3A_121] : memref<7x8192x256xbf16, #tpu.memory_space<hbm>> -> memref<1x256x64xbf16, #tpu.memory_space<hbm>>
      %dma_wait3A_123 = tpu.memref_squeeze %dma_wait3A_122 : memref<1x256x64xbf16, #tpu.memory_space<hbm>> -> memref<256x64xbf16, #tpu.memory_space<hbm>>
      %dma_wait3A_124 = arith.constant 64 : i32
      %dma_wait3A_125 = tpu.memref_slice %arg4[%run_scoped3A_93, %mul3A_2, %dma_wait3A_124] : memref<7x8192x256xbf16, #tpu.memory_space<hbm>> -> memref<1x256x64xbf16, #tpu.memory_space<hbm>>
      %dma_wait3A_126 = tpu.memref_squeeze %dma_wait3A_125 : memref<1x256x64xbf16, #tpu.memory_space<hbm>> -> memref<256x64xbf16, #tpu.memory_space<hbm>>
      %dma_wait3A_127 = arith.constant 256 : i32
      %dma_wait3A_128 = arith.constant 0 : i32
      %dma_wait3A_129 = tpu.memref_slice %arg7[%dma_wait3A_127, %dma_wait3A_128] : memref<1024x64xbf16, #tpu.memory_space<vmem>> -> memref<256x64xbf16, #tpu.memory_space<vmem>>
      tpu.wait_dma2 semaphore(%run_scoped3A_105 : memref<!tpu.dma_semaphore, #tpu.memory_space<semaphore_mem>>) src(%dma_wait3A_129 : memref<256x64xbf16, #tpu.memory_space<vmem>>) dst(%dma_wait3A_126 : memref<256x64xbf16, #tpu.memory_space<hbm>>)
      tpu.yield
    }) : () -> ()
    %run_scoped3A_94 = arith.constant 5 : i32
    "tpu.region"() ({
      %run_scoped3A_105 = tpu.sem_alloc : memref<!tpu.dma_semaphore, #tpu.memory_space<semaphore_mem>>
      %dma_start3A_106 = arith.constant 512 : i32
      %dma_start3A_107 = arith.constant 0 : i32
      %dma_start3A_108 = tpu.memref_slice %arg7[%dma_start3A_106, %dma_start3A_107] : memref<1024x64xbf16, #tpu.memory_space<vmem>> -> memref<256x64xbf16, #tpu.memory_space<vmem>>
      %dma_start3A_109 = arith.constant 128 : i32
      %dma_start3A_110 = tpu.memref_slice %arg4[%run_scoped3A_94, %mul3A_2, %dma_start3A_109] : memref<7x8192x256xbf16, #tpu.memory_space<hbm>> -> memref<1x256x64xbf16, #tpu.memory_space<hbm>>
      %dma_start3A_111 = tpu.memref_squeeze %dma_start3A_110 : memref<1x256x64xbf16, #tpu.memory_space<hbm>> -> memref<256x64xbf16, #tpu.memory_space<hbm>>
      %dma_start3A_112 = arith.constant 128 : i32
      %dma_start3A_113 = tpu.memref_slice %arg4[%run_scoped3A_94, %mul3A_2, %dma_start3A_112] : memref<7x8192x256xbf16, #tpu.memory_space<hbm>> -> memref<1x256x64xbf16, #tpu.memory_space<hbm>>
      %dma_start3A_114 = tpu.memref_squeeze %dma_start3A_113 : memref<1x256x64xbf16, #tpu.memory_space<hbm>> -> memref<256x64xbf16, #tpu.memory_space<hbm>>
      %dma_start3A_115 = arith.constant 512 : i32
      %dma_start3A_116 = arith.constant 0 : i32
      %dma_start3A_117 = tpu.memref_slice %arg7[%dma_start3A_115, %dma_start3A_116] : memref<1024x64xbf16, #tpu.memory_space<vmem>> -> memref<256x64xbf16, #tpu.memory_space<vmem>>
      tpu.enqueue_dma source(%dma_start3A_117 : memref<256x64xbf16, #tpu.memory_space<vmem>>) target(%dma_start3A_114 : memref<256x64xbf16, #tpu.memory_space<hbm>>) target_semaphore(%run_scoped3A_105 : memref<!tpu.dma_semaphore, #tpu.memory_space<semaphore_mem>>)
      %dma_wait3A_118 = arith.constant 512 : i32
      %dma_wait3A_119 = arith.constant 0 : i32
      %dma_wait3A_120 = tpu.memref_slice %arg7[%dma_wait3A_118, %dma_wait3A_119] : memref<1024x64xbf16, #tpu.memory_space<vmem>> -> memref<256x64xbf16, #tpu.memory_space<vmem>>
      %dma_wait3A_121 = arith.constant 128 : i32
      %dma_wait3A_122 = tpu.memref_slice %arg4[%run_scoped3A_94, %mul3A_2, %dma_wait3A_121] : memref<7x8192x256xbf16, #tpu.memory_space<hbm>> -> memref<1x256x64xbf16, #tpu.memory_space<hbm>>
      %dma_wait3A_123 = tpu.memref_squeeze %dma_wait3A_122 : memref<1x256x64xbf16, #tpu.memory_space<hbm>> -> memref<256x64xbf16, #tpu.memory_space<hbm>>
      %dma_wait3A_124 = arith.constant 128 : i32
      %dma_wait3A_125 = tpu.memref_slice %arg4[%run_scoped3A_94, %mul3A_2, %dma_wait3A_124] : memref<7x8192x256xbf16, #tpu.memory_space<hbm>> -> memref<1x256x64xbf16, #tpu.memory_space<hbm>>
      %dma_wait3A_126 = tpu.memref_squeeze %dma_wait3A_125 : memref<1x256x64xbf16, #tpu.memory_space<hbm>> -> memref<256x64xbf16, #tpu.memory_space<hbm>>
      %dma_wait3A_127 = arith.constant 512 : i32
      %dma_wait3A_128 = arith.constant 0 : i32
      %dma_wait3A_129 = tpu.memref_slice %arg7[%dma_wait3A_127, %dma_wait3A_128] : memref<1024x64xbf16, #tpu.memory_space<vmem>> -> memref<256x64xbf16, #tpu.memory_space<vmem>>
      tpu.wait_dma2 semaphore(%run_scoped3A_105 : memref<!tpu.dma_semaphore, #tpu.memory_space<semaphore_mem>>) src(%dma_wait3A_129 : memref<256x64xbf16, #tpu.memory_space<vmem>>) dst(%dma_wait3A_126 : memref<256x64xbf16, #tpu.memory_space<hbm>>)
      tpu.yield
    }) : () -> ()
    %run_scoped3A_95 = arith.constant 5 : i32
    "tpu.region"() ({
      %run_scoped3A_105 = tpu.sem_alloc : memref<!tpu.dma_semaphore, #tpu.memory_space<semaphore_mem>>
      %dma_start3A_106 = arith.constant 768 : i32
      %dma_start3A_107 = arith.constant 0 : i32
      %dma_start3A_108 = tpu.memref_slice %arg7[%dma_start3A_106, %dma_start3A_107] : memref<1024x64xbf16, #tpu.memory_space<vmem>> -> memref<256x64xbf16, #tpu.memory_space<vmem>>
      %dma_start3A_109 = arith.constant 192 : i32
      %dma_start3A_110 = tpu.memref_slice %arg4[%run_scoped3A_95, %mul3A_2, %dma_start3A_109] : memref<7x8192x256xbf16, #tpu.memory_space<hbm>> -> memref<1x256x64xbf16, #tpu.memory_space<hbm>>
      %dma_start3A_111 = tpu.memref_squeeze %dma_start3A_110 : memref<1x256x64xbf16, #tpu.memory_space<hbm>> -> memref<256x64xbf16, #tpu.memory_space<hbm>>
      %dma_start3A_112 = arith.constant 192 : i32
      %dma_start3A_113 = tpu.memref_slice %arg4[%run_scoped3A_95, %mul3A_2, %dma_start3A_112] : memref<7x8192x256xbf16, #tpu.memory_space<hbm>> -> memref<1x256x64xbf16, #tpu.memory_space<hbm>>
      %dma_start3A_114 = tpu.memref_squeeze %dma_start3A_113 : memref<1x256x64xbf16, #tpu.memory_space<hbm>> -> memref<256x64xbf16, #tpu.memory_space<hbm>>
      %dma_start3A_115 = arith.constant 768 : i32
      %dma_start3A_116 = arith.constant 0 : i32
      %dma_start3A_117 = tpu.memref_slice %arg7[%dma_start3A_115, %dma_start3A_116] : memref<1024x64xbf16, #tpu.memory_space<vmem>> -> memref<256x64xbf16, #tpu.memory_space<vmem>>
      tpu.enqueue_dma source(%dma_start3A_117 : memref<256x64xbf16, #tpu.memory_space<vmem>>) target(%dma_start3A_114 : memref<256x64xbf16, #tpu.memory_space<hbm>>) target_semaphore(%run_scoped3A_105 : memref<!tpu.dma_semaphore, #tpu.memory_space<semaphore_mem>>)
      %dma_wait3A_118 = arith.constant 768 : i32
      %dma_wait3A_119 = arith.constant 0 : i32
      %dma_wait3A_120 = tpu.memref_slice %arg7[%dma_wait3A_118, %dma_wait3A_119] : memref<1024x64xbf16, #tpu.memory_space<vmem>> -> memref<256x64xbf16, #tpu.memory_space<vmem>>
      %dma_wait3A_121 = arith.constant 192 : i32
      %dma_wait3A_122 = tpu.memref_slice %arg4[%run_scoped3A_95, %mul3A_2, %dma_wait3A_121] : memref<7x8192x256xbf16, #tpu.memory_space<hbm>> -> memref<1x256x64xbf16, #tpu.memory_space<hbm>>
      %dma_wait3A_123 = tpu.memref_squeeze %dma_wait3A_122 : memref<1x256x64xbf16, #tpu.memory_space<hbm>> -> memref<256x64xbf16, #tpu.memory_space<hbm>>
      %dma_wait3A_124 = arith.constant 192 : i32
      %dma_wait3A_125 = tpu.memref_slice %arg4[%run_scoped3A_95, %mul3A_2, %dma_wait3A_124] : memref<7x8192x256xbf16, #tpu.memory_space<hbm>> -> memref<1x256x64xbf16, #tpu.memory_space<hbm>>
      %dma_wait3A_126 = tpu.memref_squeeze %dma_wait3A_125 : memref<1x256x64xbf16, #tpu.memory_space<hbm>> -> memref<256x64xbf16, #tpu.memory_space<hbm>>
      %dma_wait3A_127 = arith.constant 768 : i32
      %dma_wait3A_128 = arith.constant 0 : i32
      %dma_wait3A_129 = tpu.memref_slice %arg7[%dma_wait3A_127, %dma_wait3A_128] : memref<1024x64xbf16, #tpu.memory_space<vmem>> -> memref<256x64xbf16, #tpu.memory_space<vmem>>
      tpu.wait_dma2 semaphore(%run_scoped3A_105 : memref<!tpu.dma_semaphore, #tpu.memory_space<semaphore_mem>>) src(%dma_wait3A_129 : memref<256x64xbf16, #tpu.memory_space<vmem>>) dst(%dma_wait3A_126 : memref<256x64xbf16, #tpu.memory_space<hbm>>)
      tpu.yield
    }) : () -> ()
    %dma_wait3A_96 = arith.constant 6144 : i32
    %dma_wait3A_97 = tpu.memref_slice %arg5[%dma_wait3A_96] : memref<7168xi32, #tpu.memory_space<vmem>> -> memref<1024xi32, #tpu.memory_space<vmem>>
    %dma_wait3A_98 = arith.constant 0 : i32
    %dma_wait3A_99 = arith.constant 0 : i32
    %dma_wait3A_100 = tpu.memref_slice %arg3[%dma_wait3A_98, %dma_wait3A_99] : memref<28000x64xbf16, #tpu.memory_space<hbm>> -> memref<28000x64xbf16, #tpu.memory_space<hbm>>
    tpu.wait_indirect_dma semaphore(%arg8 : memref<!tpu.dma_semaphore, #tpu.memory_space<semaphore_mem>>) src(%dma_wait3A_100 : memref<28000x64xbf16, #tpu.memory_space<hbm>>) dst(%arg6 : memref<1024x64xbf16, #tpu.memory_space<vmem>>)
    %run_scoped3A_101 = arith.constant 6 : i32
    "tpu.region"() ({
      %run_scoped3A_105 = tpu.sem_alloc : memref<!tpu.dma_semaphore, #tpu.memory_space<semaphore_mem>>
      %dma_start3A_106 = arith.constant 0 : i32
      %dma_start3A_107 = arith.constant 0 : i32
      %dma_start3A_108 = tpu.memref_slice %arg6[%dma_start3A_106, %dma_start3A_107] : memref<1024x64xbf16, #tpu.memory_space<vmem>> -> memref<256x64xbf16, #tpu.memory_space<vmem>>
      %dma_start3A_109 = arith.constant 0 : i32
      %dma_start3A_110 = tpu.memref_slice %arg4[%run_scoped3A_101, %mul3A_2, %dma_start3A_109] : memref<7x8192x256xbf16, #tpu.memory_space<hbm>> -> memref<1x256x64xbf16, #tpu.memory_space<hbm>>
      %dma_start3A_111 = tpu.memref_squeeze %dma_start3A_110 : memref<1x256x64xbf16, #tpu.memory_space<hbm>> -> memref<256x64xbf16, #tpu.memory_space<hbm>>
      %dma_start3A_112 = arith.constant 0 : i32
      %dma_start3A_113 = tpu.memref_slice %arg4[%run_scoped3A_101, %mul3A_2, %dma_start3A_112] : memref<7x8192x256xbf16, #tpu.memory_space<hbm>> -> memref<1x256x64xbf16, #tpu.memory_space<hbm>>
      %dma_start3A_114 = tpu.memref_squeeze %dma_start3A_113 : memref<1x256x64xbf16, #tpu.memory_space<hbm>> -> memref<256x64xbf16, #tpu.memory_space<hbm>>
      %dma_start3A_115 = arith.constant 0 : i32
      %dma_start3A_116 = arith.constant 0 : i32
      %dma_start3A_117 = tpu.memref_slice %arg6[%dma_start3A_115, %dma_start3A_116] : memref<1024x64xbf16, #tpu.memory_space<vmem>> -> memref<256x64xbf16, #tpu.memory_space<vmem>>
      tpu.enqueue_dma source(%dma_start3A_117 : memref<256x64xbf16, #tpu.memory_space<vmem>>) target(%dma_start3A_114 : memref<256x64xbf16, #tpu.memory_space<hbm>>) target_semaphore(%run_scoped3A_105 : memref<!tpu.dma_semaphore, #tpu.memory_space<semaphore_mem>>)
      %dma_wait3A_118 = arith.constant 0 : i32
      %dma_wait3A_119 = arith.constant 0 : i32
      %dma_wait3A_120 = tpu.memref_slice %arg6[%dma_wait3A_118, %dma_wait3A_119] : memref<1024x64xbf16, #tpu.memory_space<vmem>> -> memref<256x64xbf16, #tpu.memory_space<vmem>>
      %dma_wait3A_121 = arith.constant 0 : i32
      %dma_wait3A_122 = tpu.memref_slice %arg4[%run_scoped3A_101, %mul3A_2, %dma_wait3A_121] : memref<7x8192x256xbf16, #tpu.memory_space<hbm>> -> memref<1x256x64xbf16, #tpu.memory_space<hbm>>
      %dma_wait3A_123 = tpu.memref_squeeze %dma_wait3A_122 : memref<1x256x64xbf16, #tpu.memory_space<hbm>> -> memref<256x64xbf16, #tpu.memory_space<hbm>>
      %dma_wait3A_124 = arith.constant 0 : i32
      %dma_wait3A_125 = tpu.memref_slice %arg4[%run_scoped3A_101, %mul3A_2, %dma_wait3A_124] : memref<7x8192x256xbf16, #tpu.memory_space<hbm>> -> memref<1x256x64xbf16, #tpu.memory_space<hbm>>
      %dma_wait3A_126 = tpu.memref_squeeze %dma_wait3A_125 : memref<1x256x64xbf16, #tpu.memory_space<hbm>> -> memref<256x64xbf16, #tpu.memory_space<hbm>>
      %dma_wait3A_127 = arith.constant 0 : i32
      %dma_wait3A_128 = arith.constant 0 : i32
      %dma_wait3A_129 = tpu.memref_slice %arg6[%dma_wait3A_127, %dma_wait3A_128] : memref<1024x64xbf16, #tpu.memory_space<vmem>> -> memref<256x64xbf16, #tpu.memory_space<vmem>>
      tpu.wait_dma2 semaphore(%run_scoped3A_105 : memref<!tpu.dma_semaphore, #tpu.memory_space<semaphore_mem>>) src(%dma_wait3A_129 : memref<256x64xbf16, #tpu.memory_space<vmem>>) dst(%dma_wait3A_126 : memref<256x64xbf16, #tpu.memory_space<hbm>>)
      tpu.yield
    }) : () -> ()
    %run_scoped3A_102 = arith.constant 6 : i32
    "tpu.region"() ({
      %run_scoped3A_105 = tpu.sem_alloc : memref<!tpu.dma_semaphore, #tpu.memory_space<semaphore_mem>>
      %dma_start3A_106 = arith.constant 256 : i32
      %dma_start3A_107 = arith.constant 0 : i32
      %dma_start3A_108 = tpu.memref_slice %arg6[%dma_start3A_106, %dma_start3A_107] : memref<1024x64xbf16, #tpu.memory_space<vmem>> -> memref<256x64xbf16, #tpu.memory_space<vmem>>
      %dma_start3A_109 = arith.constant 64 : i32
      %dma_start3A_110 = tpu.memref_slice %arg4[%run_scoped3A_102, %mul3A_2, %dma_start3A_109] : memref<7x8192x256xbf16, #tpu.memory_space<hbm>> -> memref<1x256x64xbf16, #tpu.memory_space<hbm>>
      %dma_start3A_111 = tpu.memref_squeeze %dma_start3A_110 : memref<1x256x64xbf16, #tpu.memory_space<hbm>> -> memref<256x64xbf16, #tpu.memory_space<hbm>>
      %dma_start3A_112 = arith.constant 64 : i32
      %dma_start3A_113 = tpu.memref_slice %arg4[%run_scoped3A_102, %mul3A_2, %dma_start3A_112] : memref<7x8192x256xbf16, #tpu.memory_space<hbm>> -> memref<1x256x64xbf16, #tpu.memory_space<hbm>>
      %dma_start3A_114 = tpu.memref_squeeze %dma_start3A_113 : memref<1x256x64xbf16, #tpu.memory_space<hbm>> -> memref<256x64xbf16, #tpu.memory_space<hbm>>
      %dma_start3A_115 = arith.constant 256 : i32
      %dma_start3A_116 = arith.constant 0 : i32
      %dma_start3A_117 = tpu.memref_slice %arg6[%dma_start3A_115, %dma_start3A_116] : memref<1024x64xbf16, #tpu.memory_space<vmem>> -> memref<256x64xbf16, #tpu.memory_space<vmem>>
      tpu.enqueue_dma source(%dma_start3A_117 : memref<256x64xbf16, #tpu.memory_space<vmem>>) target(%dma_start3A_114 : memref<256x64xbf16, #tpu.memory_space<hbm>>) target_semaphore(%run_scoped3A_105 : memref<!tpu.dma_semaphore, #tpu.memory_space<semaphore_mem>>)
      %dma_wait3A_118 = arith.constant 256 : i32
      %dma_wait3A_119 = arith.constant 0 : i32
      %dma_wait3A_120 = tpu.memref_slice %arg6[%dma_wait3A_118, %dma_wait3A_119] : memref<1024x64xbf16, #tpu.memory_space<vmem>> -> memref<256x64xbf16, #tpu.memory_space<vmem>>
      %dma_wait3A_121 = arith.constant 64 : i32
      %dma_wait3A_122 = tpu.memref_slice %arg4[%run_scoped3A_102, %mul3A_2, %dma_wait3A_121] : memref<7x8192x256xbf16, #tpu.memory_space<hbm>> -> memref<1x256x64xbf16, #tpu.memory_space<hbm>>
      %dma_wait3A_123 = tpu.memref_squeeze %dma_wait3A_122 : memref<1x256x64xbf16, #tpu.memory_space<hbm>> -> memref<256x64xbf16, #tpu.memory_space<hbm>>
      %dma_wait3A_124 = arith.constant 64 : i32
      %dma_wait3A_125 = tpu.memref_slice %arg4[%run_scoped3A_102, %mul3A_2, %dma_wait3A_124] : memref<7x8192x256xbf16, #tpu.memory_space<hbm>> -> memref<1x256x64xbf16, #tpu.memory_space<hbm>>
      %dma_wait3A_126 = tpu.memref_squeeze %dma_wait3A_125 : memref<1x256x64xbf16, #tpu.memory_space<hbm>> -> memref<256x64xbf16, #tpu.memory_space<hbm>>
      %dma_wait3A_127 = arith.constant 256 : i32
      %dma_wait3A_128 = arith.constant 0 : i32
      %dma_wait3A_129 = tpu.memref_slice %arg6[%dma_wait3A_127, %dma_wait3A_128] : memref<1024x64xbf16, #tpu.memory_space<vmem>> -> memref<256x64xbf16, #tpu.memory_space<vmem>>
      tpu.wait_dma2 semaphore(%run_scoped3A_105 : memref<!tpu.dma_semaphore, #tpu.memory_space<semaphore_mem>>) src(%dma_wait3A_129 : memref<256x64xbf16, #tpu.memory_space<vmem>>) dst(%dma_wait3A_126 : memref<256x64xbf16, #tpu.memory_space<hbm>>)
      tpu.yield
    }) : () -> ()
    %run_scoped3A_103 = arith.constant 6 : i32
    "tpu.region"() ({
      %run_scoped3A_105 = tpu.sem_alloc : memref<!tpu.dma_semaphore, #tpu.memory_space<semaphore_mem>>
      %dma_start3A_106 = arith.constant 512 : i32
      %dma_start3A_107 = arith.constant 0 : i32
      %dma_start3A_108 = tpu.memref_slice %arg6[%dma_start3A_106, %dma_start3A_107] : memref<1024x64xbf16, #tpu.memory_space<vmem>> -> memref<256x64xbf16, #tpu.memory_space<vmem>>
      %dma_start3A_109 = arith.constant 128 : i32
      %dma_start3A_110 = tpu.memref_slice %arg4[%run_scoped3A_103, %mul3A_2, %dma_start3A_109] : memref<7x8192x256xbf16, #tpu.memory_space<hbm>> -> memref<1x256x64xbf16, #tpu.memory_space<hbm>>
      %dma_start3A_111 = tpu.memref_squeeze %dma_start3A_110 : memref<1x256x64xbf16, #tpu.memory_space<hbm>> -> memref<256x64xbf16, #tpu.memory_space<hbm>>
      %dma_start3A_112 = arith.constant 128 : i32
      %dma_start3A_113 = tpu.memref_slice %arg4[%run_scoped3A_103, %mul3A_2, %dma_start3A_112] : memref<7x8192x256xbf16, #tpu.memory_space<hbm>> -> memref<1x256x64xbf16, #tpu.memory_space<hbm>>
      %dma_start3A_114 = tpu.memref_squeeze %dma_start3A_113 : memref<1x256x64xbf16, #tpu.memory_space<hbm>> -> memref<256x64xbf16, #tpu.memory_space<hbm>>
      %dma_start3A_115 = arith.constant 512 : i32
      %dma_start3A_116 = arith.constant 0 : i32
      %dma_start3A_117 = tpu.memref_slice %arg6[%dma_start3A_115, %dma_start3A_116] : memref<1024x64xbf16, #tpu.memory_space<vmem>> -> memref<256x64xbf16, #tpu.memory_space<vmem>>
      tpu.enqueue_dma source(%dma_start3A_117 : memref<256x64xbf16, #tpu.memory_space<vmem>>) target(%dma_start3A_114 : memref<256x64xbf16, #tpu.memory_space<hbm>>) target_semaphore(%run_scoped3A_105 : memref<!tpu.dma_semaphore, #tpu.memory_space<semaphore_mem>>)
      %dma_wait3A_118 = arith.constant 512 : i32
      %dma_wait3A_119 = arith.constant 0 : i32
      %dma_wait3A_120 = tpu.memref_slice %arg6[%dma_wait3A_118, %dma_wait3A_119] : memref<1024x64xbf16, #tpu.memory_space<vmem>> -> memref<256x64xbf16, #tpu.memory_space<vmem>>
      %dma_wait3A_121 = arith.constant 128 : i32
      %dma_wait3A_122 = tpu.memref_slice %arg4[%run_scoped3A_103, %mul3A_2, %dma_wait3A_121] : memref<7x8192x256xbf16, #tpu.memory_space<hbm>> -> memref<1x256x64xbf16, #tpu.memory_space<hbm>>
      %dma_wait3A_123 = tpu.memref_squeeze %dma_wait3A_122 : memref<1x256x64xbf16, #tpu.memory_space<hbm>> -> memref<256x64xbf16, #tpu.memory_space<hbm>>
      %dma_wait3A_124 = arith.constant 128 : i32
      %dma_wait3A_125 = tpu.memref_slice %arg4[%run_scoped3A_103, %mul3A_2, %dma_wait3A_124] : memref<7x8192x256xbf16, #tpu.memory_space<hbm>> -> memref<1x256x64xbf16, #tpu.memory_space<hbm>>
      %dma_wait3A_126 = tpu.memref_squeeze %dma_wait3A_125 : memref<1x256x64xbf16, #tpu.memory_space<hbm>> -> memref<256x64xbf16, #tpu.memory_space<hbm>>
      %dma_wait3A_127 = arith.constant 512 : i32
      %dma_wait3A_128 = arith.constant 0 : i32
      %dma_wait3A_129 = tpu.memref_slice %arg6[%dma_wait3A_127, %dma_wait3A_128] : memref<1024x64xbf16, #tpu.memory_space<vmem>> -> memref<256x64xbf16, #tpu.memory_space<vmem>>
      tpu.wait_dma2 semaphore(%run_scoped3A_105 : memref<!tpu.dma_semaphore, #tpu.memory_space<semaphore_mem>>) src(%dma_wait3A_129 : memref<256x64xbf16, #tpu.memory_space<vmem>>) dst(%dma_wait3A_126 : memref<256x64xbf16, #tpu.memory_space<hbm>>)
      tpu.yield
    }) : () -> ()
    %run_scoped3A_104 = arith.constant 6 : i32
    "tpu.region"() ({
      %run_scoped3A_105 = tpu.sem_alloc : memref<!tpu.dma_semaphore, #tpu.memory_space<semaphore_mem>>
      %dma_start3A_106 = arith.constant 768 : i32
      %dma_start3A_107 = arith.constant 0 : i32
      %dma_start3A_108 = tpu.memref_slice %arg6[%dma_start3A_106, %dma_start3A_107] : memref<1024x64xbf16, #tpu.memory_space<vmem>> -> memref<256x64xbf16, #tpu.memory_space<vmem>>
      %dma_start3A_109 = arith.constant 192 : i32
      %dma_start3A_110 = tpu.memref_slice %arg4[%run_scoped3A_104, %mul3A_2, %dma_start3A_109] : memref<7x8192x256xbf16, #tpu.memory_space<hbm>> -> memref<1x256x64xbf16, #tpu.memory_space<hbm>>
      %dma_start3A_111 = tpu.memref_squeeze %dma_start3A_110 : memref<1x256x64xbf16, #tpu.memory_space<hbm>> -> memref<256x64xbf16, #tpu.memory_space<hbm>>
      %dma_start3A_112 = arith.constant 192 : i32
      %dma_start3A_113 = tpu.memref_slice %arg4[%run_scoped3A_104, %mul3A_2, %dma_start3A_112] : memref<7x8192x256xbf16, #tpu.memory_space<hbm>> -> memref<1x256x64xbf16, #tpu.memory_space<hbm>>
      %dma_start3A_114 = tpu.memref_squeeze %dma_start3A_113 : memref<1x256x64xbf16, #tpu.memory_space<hbm>> -> memref<256x64xbf16, #tpu.memory_space<hbm>>
      %dma_start3A_115 = arith.constant 768 : i32
      %dma_start3A_116 = arith.constant 0 : i32
      %dma_start3A_117 = tpu.memref_slice %arg6[%dma_start3A_115, %dma_start3A_116] : memref<1024x64xbf16, #tpu.memory_space<vmem>> -> memref<256x64xbf16, #tpu.memory_space<vmem>>
      tpu.enqueue_dma source(%dma_start3A_117 : memref<256x64xbf16, #tpu.memory_space<vmem>>) target(%dma_start3A_114 : memref<256x64xbf16, #tpu.memory_space<hbm>>) target_semaphore(%run_scoped3A_105 : memref<!tpu.dma_semaphore, #tpu.memory_space<semaphore_mem>>)
      %dma_wait3A_118 = arith.constant 768 : i32
      %dma_wait3A_119 = arith.constant 0 : i32
      %dma_wait3A_120 = tpu.memref_slice %arg6[%dma_wait3A_118, %dma_wait3A_119] : memref<1024x64xbf16, #tpu.memory_space<vmem>> -> memref<256x64xbf16, #tpu.memory_space<vmem>>
      %dma_wait3A_121 = arith.constant 192 : i32
      %dma_wait3A_122 = tpu.memref_slice %arg4[%run_scoped3A_104, %mul3A_2, %dma_wait3A_121] : memref<7x8192x256xbf16, #tpu.memory_space<hbm>> -> memref<1x256x64xbf16, #tpu.memory_space<hbm>>
      %dma_wait3A_123 = tpu.memref_squeeze %dma_wait3A_122 : memref<1x256x64xbf16, #tpu.memory_space<hbm>> -> memref<256x64xbf16, #tpu.memory_space<hbm>>
      %dma_wait3A_124 = arith.constant 192 : i32
      %dma_wait3A_125 = tpu.memref_slice %arg4[%run_scoped3A_104, %mul3A_2, %dma_wait3A_124] : memref<7x8192x256xbf16, #tpu.memory_space<hbm>> -> memref<1x256x64xbf16, #tpu.memory_space<hbm>>
      %dma_wait3A_126 = tpu.memref_squeeze %dma_wait3A_125 : memref<1x256x64xbf16, #tpu.memory_space<hbm>> -> memref<256x64xbf16, #tpu.memory_space<hbm>>
      %dma_wait3A_127 = arith.constant 768 : i32
      %dma_wait3A_128 = arith.constant 0 : i32
      %dma_wait3A_129 = tpu.memref_slice %arg6[%dma_wait3A_127, %dma_wait3A_128] : memref<1024x64xbf16, #tpu.memory_space<vmem>> -> memref<256x64xbf16, #tpu.memory_space<vmem>>
      tpu.wait_dma2 semaphore(%run_scoped3A_105 : memref<!tpu.dma_semaphore, #tpu.memory_space<semaphore_mem>>) src(%dma_wait3A_129 : memref<256x64xbf16, #tpu.memory_space<vmem>>) dst(%dma_wait3A_126 : memref<256x64xbf16, #tpu.memory_space<hbm>>)
      tpu.yield
    }) : () -> ()
    return
  }
}

#map = affine_map<(d0, d1) -> (0)>
#map1 = affine_map<(d0, d1) -> (0, 0)>
#map2 = affine_map<(d0, d1) -> (0, 0, 0)>
module attributes {stable_mosaic.version = 14 : i64} {
  func.func @k(%arg0: i32, %arg1: i32, %arg2: memref<229376xi32, #tpu.memory_space<hbm>>, %arg3: memref<28000x64xbf16, #tpu.memory_space<hbm>>, %arg4: memref<7x8192x256xbf16, #tpu.memory_space<hbm>>, %arg5: memref<7168xi32, #tpu.memory_space<vmem>>, %arg6: memref<1024x64xbf16, #tpu.memory_space<vmem>>, %arg7: memref<1024x64xbf16, #tpu.memory_space<vmem>>, %arg8: memref<!tpu.dma_semaphore, #tpu.memory_space<semaphore_mem>>, %arg9: memref<!tpu.dma_semaphore, #tpu.memory_space<semaphore_mem>>) attributes {dimension_semantics = [#tpu.dimension_semantics<core_parallel>, #tpu.dimension_semantics<subcore_parallel>], iteration_bounds = array<i64: 2, 16>, scalar_prefetch = 0 : i64, scratch_operands = 5 : i64, tpu.core_type = #tpu.core_type<sc_vector_subcore>, window_params = [{transform_indices = #map}, {transform_indices = #map1}, {transform_indices = #map2}]} {
    %mul3A = arith.constant 2 : i32
    %mul3A_0 = arith.muli %arg1, %mul3A : i32
    %add3A = arith.addi %mul3A_0, %arg0 : i32
    %mul3A_1 = arith.constant 256 : i32
    %mul3A_2 = arith.muli %add3A, %mul3A_1 : i32
    %mul3A_3 = arith.constant 7168 : i32
    %mul3A_4 = arith.muli %add3A, %mul3A_3 : i32
    "tpu.region"() ({
      %run_scoped3A_105 = tpu.sem_alloc : memref<!tpu.dma_semaphore, #tpu.memory_space<semaphore_mem>>
      %dma_start3A_106 = tpu.memref_slice %arg2[%mul3A_4] : memref<229376xi32, #tpu.memory_space<hbm>> -> memref<7168xi32, #tpu.memory_space<hbm>>
      %dma_start3A_107 = tpu.memref_slice %arg2[%mul3A_4] : memref<229376xi32, #tpu.memory_space<hbm>> -> memref<7168xi32, #tpu.memory_space<hbm>>
      tpu.enqueue_dma source(%dma_start3A_107 : memref<7168xi32, #tpu.memory_space<hbm>>) target(%arg5 : memref<7168xi32, #tpu.memory_space<vmem>>) target_semaphore(%run_scoped3A_105 : memref<!tpu.dma_semaphore, #tpu.memory_space<semaphore_mem>>)
      %dma_wait3A_108 = tpu.memref_slice %arg2[%mul3A_4] : memref<229376xi32, #tpu.memory_space<hbm>> -> memref<7168xi32, #tpu.memory_space<hbm>>
      %dma_wait3A_109 = tpu.memref_slice %arg2[%mul3A_4] : memref<229376xi32, #tpu.memory_space<hbm>> -> memref<7168xi32, #tpu.memory_space<hbm>>
      tpu.wait_dma2 semaphore(%run_scoped3A_105 : memref<!tpu.dma_semaphore, #tpu.memory_space<semaphore_mem>>) src(%dma_wait3A_109 : memref<7168xi32, #tpu.memory_space<hbm>>) dst(%arg5 : memref<7168xi32, #tpu.memory_space<vmem>>)
      tpu.yield
    }) : () -> ()
    %scan3A = arith.constant 0 : i32
    %scan3A_5 = arith.constant 0 : i32
    %scan3A_6 = arith.constant 448 : i32
    %scan3A_7 = arith.addi %scan3A_5, %scan3A_6 : i32
    %scan3A_8 = arith.constant 4 : i32
    scf.for %scan3A_105 = %scan3A_5 to %scan3A_7 step %scan3A_8  : i32 {
      %jit3A = arith.constant 16 : i32
      %div3A = arith.divsi %scan3A_105, %jit3A : i32
      %sign3A = arith.constant 0 : i32
      %sign3A_106 = arith.cmpi sgt, %scan3A_105, %sign3A : i32
      %sign3A_107 = arith.extui %sign3A_106 : i1 to i32
      %sign3A_108 = arith.constant 0 : i32
      %sign3A_109 = arith.cmpi slt, %scan3A_105, %sign3A_108 : i32
      %sign3A_110 = arith.extui %sign3A_109 : i1 to i32
      %sign3A_111 = arith.subi %sign3A_107, %sign3A_110 : i32
      %sign3A_112 = arith.constant 0 : i32
      %sign3A_113 = arith.cmpi sgt, %jit3A, %sign3A_112 : i32
      %sign3A_114 = arith.extui %sign3A_113 : i1 to i32
      %sign3A_115 = arith.constant 0 : i32
      %sign3A_116 = arith.cmpi slt, %jit3A, %sign3A_115 : i32
      %sign3A_117 = arith.extui %sign3A_116 : i1 to i32
      %sign3A_118 = arith.subi %sign3A_114, %sign3A_117 : i32
      %ne3A = arith.cmpi ne, %sign3A_111, %sign3A_118 : i32
      %rem3A = arith.remsi %scan3A_105, %jit3A : i32
      %ne3A_119 = arith.constant 0 : i32
      %ne3A_120 = arith.cmpi ne, %rem3A, %ne3A_119 : i32
      %and3A = arith.andi %ne3A, %ne3A_120 : i1
      %sub3A = arith.constant 1 : i32
      %sub3A_121 = arith.subi %div3A, %sub3A : i32
      %select_n3A = arith.select %and3A, %sub3A_121, %div3A : i32
      %mul3A_122 = arith.constant 16 : i32
      %mul3A_123 = arith.muli %scan3A_105, %mul3A_122 : i32
      %get3A = arith.index_cast %mul3A_123 : i32 to index
      %get3A_124 = tpu.vector_load %arg5[%get3A] {strides = array<i32>} : memref<7168xi32, #tpu.memory_space<vmem>>, vector<16xi32>,
      %get3A_125 = vector.shape_cast %get3A_124 : vector<16xi32> to vector<16xi32>
      %mul3A_126 = arith.constant 1000 : i32
      %mul3A_127 = arith.muli %select_n3A, %mul3A_126 : i32
      %add3A_128 = vector.broadcast %mul3A_127 : i32 to vector<16xi32>
      %add3A_129 = arith.addi %get3A_125, %add3A_128 : vector<16xi32>
      %swap3A = arith.index_cast %mul3A_123 : i32 to index
      %swap3A_130 = tpu.vector_load %arg5[%swap3A] {strides = array<i32>} : memref<7168xi32, #tpu.memory_space<vmem>>, vector<16xi32>,
      %swap3A_131 = vector.shape_cast %swap3A_130 : vector<16xi32> to vector<16xi32>
      %swap3A_132 = vector.shape_cast %add3A_129 : vector<16xi32> to vector<16xi32>
      tpu.vector_store %arg5[%swap3A], %swap3A_132 {strides = array<i32>} : memref<7168xi32, #tpu.memory_space<vmem>>, vector<16xi32>,
      %scan3A_133 = arith.constant 1 : i32
      %scan3A_134 = arith.addi %scan3A_105, %scan3A_133 : i32
      %jit3A_135 = arith.constant 16 : i32
      %div3A_136 = arith.divsi %scan3A_134, %jit3A_135 : i32
      %sign3A_137 = arith.constant 0 : i32
      %sign3A_138 = arith.cmpi sgt, %scan3A_134, %sign3A_137 : i32
      %sign3A_139 = arith.extui %sign3A_138 : i1 to i32
      %sign3A_140 = arith.constant 0 : i32
      %sign3A_141 = arith.cmpi slt, %scan3A_134, %sign3A_140 : i32
      %sign3A_142 = arith.extui %sign3A_141 : i1 to i32
      %sign3A_143 = arith.subi %sign3A_139, %sign3A_142 : i32
      %sign3A_144 = arith.constant 0 : i32
      %sign3A_145 = arith.cmpi sgt, %jit3A_135, %sign3A_144 : i32
      %sign3A_146 = arith.extui %sign3A_145 : i1 to i32
      %sign3A_147 = arith.constant 0 : i32
      %sign3A_148 = arith.cmpi slt, %jit3A_135, %sign3A_147 : i32
      %sign3A_149 = arith.extui %sign3A_148 : i1 to i32
      %sign3A_150 = arith.subi %sign3A_146, %sign3A_149 : i32
      %ne3A_151 = arith.cmpi ne, %sign3A_143, %sign3A_150 : i32
      %rem3A_152 = arith.remsi %scan3A_134, %jit3A_135 : i32
      %ne3A_153 = arith.constant 0 : i32
      %ne3A_154 = arith.cmpi ne, %rem3A_152, %ne3A_153 : i32
      %and3A_155 = arith.andi %ne3A_151, %ne3A_154 : i1
      %sub3A_156 = arith.constant 1 : i32
      %sub3A_157 = arith.subi %div3A_136, %sub3A_156 : i32
      %select_n3A_158 = arith.select %and3A_155, %sub3A_157, %div3A_136 : i32
      %mul3A_159 = arith.constant 16 : i32
      %mul3A_160 = arith.muli %scan3A_134, %mul3A_159 : i32
      %get3A_161 = arith.index_cast %mul3A_160 : i32 to index
      %get3A_162 = tpu.vector_load %arg5[%get3A_161] {strides = array<i32>} : memref<7168xi32, #tpu.memory_space<vmem>>, vector<16xi32>,
      %get3A_163 = vector.shape_cast %get3A_162 : vector<16xi32> to vector<16xi32>
      %mul3A_164 = arith.constant 1000 : i32
      %mul3A_165 = arith.muli %select_n3A_158, %mul3A_164 : i32
      %add3A_166 = vector.broadcast %mul3A_165 : i32 to vector<16xi32>
      %add3A_167 = arith.addi %get3A_163, %add3A_166 : vector<16xi32>
      %swap3A_168 = arith.index_cast %mul3A_160 : i32 to index
      %swap3A_169 = tpu.vector_load %arg5[%swap3A_168] {strides = array<i32>} : memref<7168xi32, #tpu.memory_space<vmem>>, vector<16xi32>,
      %swap3A_170 = vector.shape_cast %swap3A_169 : vector<16xi32> to vector<16xi32>
      %swap3A_171 = vector.shape_cast %add3A_167 : vector<16xi32> to vector<16xi32>
      tpu.vector_store %arg5[%swap3A_168], %swap3A_171 {strides = array<i32>} : memref<7168xi32, #tpu.memory_space<vmem>>, vector<16xi32>,
      %scan3A_172 = arith.constant 2 : i32
      %scan3A_173 = arith.addi %scan3A_105, %scan3A_172 : i32
      %jit3A_174 = arith.constant 16 : i32
      %div3A_175 = arith.divsi %scan3A_173, %jit3A_174 : i32
      %sign3A_176 = arith.constant 0 : i32
      %sign3A_177 = arith.cmpi sgt, %scan3A_173, %sign3A_176 : i32
      %sign3A_178 = arith.extui %sign3A_177 : i1 to i32
      %sign3A_179 = arith.constant 0 : i32
      %sign3A_180 = arith.cmpi slt, %scan3A_173, %sign3A_179 : i32
      %sign3A_181 = arith.extui %sign3A_180 : i1 to i32
      %sign3A_182 = arith.subi %sign3A_178, %sign3A_181 : i32
      %sign3A_183 = arith.constant 0 : i32
      %sign3A_184 = arith.cmpi sgt, %jit3A_174, %sign3A_183 : i32
      %sign3A_185 = arith.extui %sign3A_184 : i1 to i32
      %sign3A_186 = arith.constant 0 : i32
      %sign3A_187 = arith.cmpi slt, %jit3A_174, %sign3A_186 : i32
      %sign3A_188 = arith.extui %sign3A_187 : i1 to i32
      %sign3A_189 = arith.subi %sign3A_185, %sign3A_188 : i32
      %ne3A_190 = arith.cmpi ne, %sign3A_182, %sign3A_189 : i32
      %rem3A_191 = arith.remsi %scan3A_173, %jit3A_174 : i32
      %ne3A_192 = arith.constant 0 : i32
      %ne3A_193 = arith.cmpi ne, %rem3A_191, %ne3A_192 : i32
      %and3A_194 = arith.andi %ne3A_190, %ne3A_193 : i1
      %sub3A_195 = arith.constant 1 : i32
      %sub3A_196 = arith.subi %div3A_175, %sub3A_195 : i32
      %select_n3A_197 = arith.select %and3A_194, %sub3A_196, %div3A_175 : i32
      %mul3A_198 = arith.constant 16 : i32
      %mul3A_199 = arith.muli %scan3A_173, %mul3A_198 : i32
      %get3A_200 = arith.index_cast %mul3A_199 : i32 to index
      %get3A_201 = tpu.vector_load %arg5[%get3A_200] {strides = array<i32>} : memref<7168xi32, #tpu.memory_space<vmem>>, vector<16xi32>,
      %get3A_202 = vector.shape_cast %get3A_201 : vector<16xi32> to vector<16xi32>
      %mul3A_203 = arith.constant 1000 : i32
      %mul3A_204 = arith.muli %select_n3A_197, %mul3A_203 : i32
      %add3A_205 = vector.broadcast %mul3A_204 : i32 to vector<16xi32>
      %add3A_206 = arith.addi %get3A_202, %add3A_205 : vector<16xi32>
      %swap3A_207 = arith.index_cast %mul3A_199 : i32 to index
      %swap3A_208 = tpu.vector_load %arg5[%swap3A_207] {strides = array<i32>} : memref<7168xi32, #tpu.memory_space<vmem>>, vector<16xi32>,
      %swap3A_209 = vector.shape_cast %swap3A_208 : vector<16xi32> to vector<16xi32>
      %swap3A_210 = vector.shape_cast %add3A_206 : vector<16xi32> to vector<16xi32>
      tpu.vector_store %arg5[%swap3A_207], %swap3A_210 {strides = array<i32>} : memref<7168xi32, #tpu.memory_space<vmem>>, vector<16xi32>,
      %scan3A_211 = arith.constant 3 : i32
      %scan3A_212 = arith.addi %scan3A_105, %scan3A_211 : i32
      %jit3A_213 = arith.constant 16 : i32
      %div3A_214 = arith.divsi %scan3A_212, %jit3A_213 : i32
      %sign3A_215 = arith.constant 0 : i32
      %sign3A_216 = arith.cmpi sgt, %scan3A_212, %sign3A_215 : i32
      %sign3A_217 = arith.extui %sign3A_216 : i1 to i32
      %sign3A_218 = arith.constant 0 : i32
      %sign3A_219 = arith.cmpi slt, %scan3A_212, %sign3A_218 : i32
      %sign3A_220 = arith.extui %sign3A_219 : i1 to i32
      %sign3A_221 = arith.subi %sign3A_217, %sign3A_220 : i32
      %sign3A_222 = arith.constant 0 : i32
      %sign3A_223 = arith.cmpi sgt, %jit3A_213, %sign3A_222 : i32
      %sign3A_224 = arith.extui %sign3A_223 : i1 to i32
      %sign3A_225 = arith.constant 0 : i32
      %sign3A_226 = arith.cmpi slt, %jit3A_213, %sign3A_225 : i32
      %sign3A_227 = arith.extui %sign3A_226 : i1 to i32
      %sign3A_228 = arith.subi %sign3A_224, %sign3A_227 : i32
      %ne3A_229 = arith.cmpi ne, %sign3A_221, %sign3A_228 : i32
      %rem3A_230 = arith.remsi %scan3A_212, %jit3A_213 : i32
      %ne3A_231 = arith.constant 0 : i32
      %ne3A_232 = arith.cmpi ne, %rem3A_230, %ne3A_231 : i32
      %and3A_233 = arith.andi %ne3A_229, %ne3A_232 : i1
      %sub3A_234 = arith.constant 1 : i32
      %sub3A_235 = arith.subi %div3A_214, %sub3A_234 : i32
      %select_n3A_236 = arith.select %and3A_233, %sub3A_235, %div3A_214 : i32
      %mul3A_237 = arith.constant 16 : i32
      %mul3A_238 = arith.muli %scan3A_212, %mul3A_237 : i32
      %get3A_239 = arith.index_cast %mul3A_238 : i32 to index
      %get3A_240 = tpu.vector_load %arg5[%get3A_239] {strides = array<i32>} : memref<7168xi32, #tpu.memory_space<vmem>>, vector<16xi32>,
      %get3A_241 = vector.shape_cast %get3A_240 : vector<16xi32> to vector<16xi32>
      %mul3A_242 = arith.constant 1000 : i32
      %mul3A_243 = arith.muli %select_n3A_236, %mul3A_242 : i32
      %add3A_244 = vector.broadcast %mul3A_243 : i32 to vector<16xi32>
      %add3A_245 = arith.addi %get3A_241, %add3A_244 : vector<16xi32>
      %swap3A_246 = arith.index_cast %mul3A_238 : i32 to index
      %swap3A_247 = tpu.vector_load %arg5[%swap3A_246] {strides = array<i32>} : memref<7168xi32, #tpu.memory_space<vmem>>, vector<16xi32>,
      %swap3A_248 = vector.shape_cast %swap3A_247 : vector<16xi32> to vector<16xi32>
      %swap3A_249 = vector.shape_cast %add3A_245 : vector<16xi32> to vector<16xi32>
      tpu.vector_store %arg5[%swap3A_246], %swap3A_249 {strides = array<i32>} : memref<7168xi32, #tpu.memory_space<vmem>>, vector<16xi32>,
    }
    %scan3A_9 = arith.constant 448 : i32
    %dma_start3A = arith.constant 0 : i32
    %dma_start3A_10 = tpu.memref_slice %arg5[%dma_start3A] : memref<7168xi32, #tpu.memory_space<vmem>> -> memref<1024xi32, #tpu.memory_space<vmem>>
    %dma_start3A_11 = arith.constant 0 : i32
    %dma_start3A_12 = arith.constant 0 : i32
    %dma_start3A_13 = tpu.memref_slice %arg3[%dma_start3A_11, %dma_start3A_12] : memref<28000x64xbf16, #tpu.memory_space<hbm>> -> memref<28000x64xbf16, #tpu.memory_space<hbm>>
    tpu.enqueue_indirect_dma source(%dma_start3A_13 : memref<28000x64xbf16, #tpu.memory_space<hbm>>) target(%arg6 : memref<1024x64xbf16, #tpu.memory_space<vmem>>) offsets(%dma_start3A_10 : memref<1024xi32, #tpu.memory_space<vmem>>) semaphore(%arg8 : memref<!tpu.dma_semaphore, #tpu.memory_space<semaphore_mem>>)
    %dma_wait3A = arith.constant 0 : i32
    %dma_wait3A_14 = tpu.memref_slice %arg5[%dma_wait3A] : memref<7168xi32, #tpu.memory_space<vmem>> -> memref<1024xi32, #tpu.memory_space<vmem>>
    %dma_wait3A_15 = arith.constant 0 : i32
    %dma_wait3A_16 = arith.constant 0 : i32
    %dma_wait3A_17 = tpu.memref_slice %arg3[%dma_wait3A_15, %dma_wait3A_16] : memref<28000x64xbf16, #tpu.memory_space<hbm>> -> memref<28000x64xbf16, #tpu.memory_space<hbm>>
    tpu.wait_indirect_dma semaphore(%arg8 : memref<!tpu.dma_semaphore, #tpu.memory_space<semaphore_mem>>) src(%dma_wait3A_17 : memref<28000x64xbf16, #tpu.memory_space<hbm>>) dst(%arg6 : memref<1024x64xbf16, #tpu.memory_space<vmem>>)
    %dma_start3A_18 = arith.constant 1024 : i32
    %dma_start3A_19 = tpu.memref_slice %arg5[%dma_start3A_18] : memref<7168xi32, #tpu.memory_space<vmem>> -> memref<1024xi32, #tpu.memory_space<vmem>>
    %dma_start3A_20 = arith.constant 0 : i32
    %dma_start3A_21 = arith.constant 0 : i32
    %dma_start3A_22 = tpu.memref_slice %arg3[%dma_start3A_20, %dma_start3A_21] : memref<28000x64xbf16, #tpu.memory_space<hbm>> -> memref<28000x64xbf16, #tpu.memory_space<hbm>>
    tpu.enqueue_indirect_dma source(%dma_start3A_22 : memref<28000x64xbf16, #tpu.memory_space<hbm>>) target(%arg7 : memref<1024x64xbf16, #tpu.memory_space<vmem>>) offsets(%dma_start3A_19 : memref<1024xi32, #tpu.memory_space<vmem>>) semaphore(%arg9 : memref<!tpu.dma_semaphore, #tpu.memory_space<semaphore_mem>>)
    %run_scoped3A = arith.constant 0 : i32
    "tpu.region"() ({
      %run_scoped3A_105 = tpu.sem_alloc : memref<!tpu.dma_semaphore, #tpu.memory_space<semaphore_mem>>
      %dma_start3A_106 = arith.constant 0 : i32
      %dma_start3A_107 = arith.constant 0 : i32
      %dma_start3A_108 = tpu.memref_slice %arg6[%dma_start3A_106, %dma_start3A_107] : memref<1024x64xbf16, #tpu.memory_space<vmem>> -> memref<256x64xbf16, #tpu.memory_space<vmem>>
      %dma_start3A_109 = arith.constant 0 : i32
      %dma_start3A_110 = tpu.memref_slice %arg4[%run_scoped3A, %mul3A_2, %dma_start3A_109] : memref<7x8192x256xbf16, #tpu.memory_space<hbm>> -> memref<1x256x64xbf16, #tpu.memory_space<hbm>>
      %dma_start3A_111 = tpu.memref_squeeze %dma_start3A_110 : memref<1x256x64xbf16, #tpu.memory_space<hbm>> -> memref<256x64xbf16, #tpu.memory_space<hbm>>
      %dma_start3A_112 = arith.constant 0 : i32
      %dma_start3A_113 = tpu.memref_slice %arg4[%run_scoped3A, %mul3A_2, %dma_start3A_112] : memref<7x8192x256xbf16, #tpu.memory_space<hbm>> -> memref<1x256x64xbf16, #tpu.memory_space<hbm>>
      %dma_start3A_114 = tpu.memref_squeeze %dma_start3A_113 : memref<1x256x64xbf16, #tpu.memory_space<hbm>> -> memref<256x64xbf16, #tpu.memory_space<hbm>>
      %dma_start3A_115 = arith.constant 0 : i32
      %dma_start3A_116 = arith.constant 0 : i32
      %dma_start3A_117 = tpu.memref_slice %arg6[%dma_start3A_115, %dma_start3A_116] : memref<1024x64xbf16, #tpu.memory_space<vmem>> -> memref<256x64xbf16, #tpu.memory_space<vmem>>
      tpu.enqueue_dma source(%dma_start3A_117 : memref<256x64xbf16, #tpu.memory_space<vmem>>) target(%dma_start3A_114 : memref<256x64xbf16, #tpu.memory_space<hbm>>) target_semaphore(%run_scoped3A_105 : memref<!tpu.dma_semaphore, #tpu.memory_space<semaphore_mem>>)
      %dma_wait3A_118 = arith.constant 0 : i32
      %dma_wait3A_119 = arith.constant 0 : i32
      %dma_wait3A_120 = tpu.memref_slice %arg6[%dma_wait3A_118, %dma_wait3A_119] : memref<1024x64xbf16, #tpu.memory_space<vmem>> -> memref<256x64xbf16, #tpu.memory_space<vmem>>
      %dma_wait3A_121 = arith.constant 0 : i32
      %dma_wait3A_122 = tpu.memref_slice %arg4[%run_scoped3A, %mul3A_2, %dma_wait3A_121] : memref<7x8192x256xbf16, #tpu.memory_space<hbm>> -> memref<1x256x64xbf16, #tpu.memory_space<hbm>>
      %dma_wait3A_123 = tpu.memref_squeeze %dma_wait3A_122 : memref<1x256x64xbf16, #tpu.memory_space<hbm>> -> memref<256x64xbf16, #tpu.memory_space<hbm>>
      %dma_wait3A_124 = arith.constant 0 : i32
      %dma_wait3A_125 = tpu.memref_slice %arg4[%run_scoped3A, %mul3A_2, %dma_wait3A_124] : memref<7x8192x256xbf16, #tpu.memory_space<hbm>> -> memref<1x256x64xbf16, #tpu.memory_space<hbm>>
      %dma_wait3A_126 = tpu.memref_squeeze %dma_wait3A_125 : memref<1x256x64xbf16, #tpu.memory_space<hbm>> -> memref<256x64xbf16, #tpu.memory_space<hbm>>
      %dma_wait3A_127 = arith.constant 0 : i32
      %dma_wait3A_128 = arith.constant 0 : i32
      %dma_wait3A_129 = tpu.memref_slice %arg6[%dma_wait3A_127, %dma_wait3A_128] : memref<1024x64xbf16, #tpu.memory_space<vmem>> -> memref<256x64xbf16, #tpu.memory_space<vmem>>
      tpu.wait_dma2 semaphore(%run_scoped3A_105 : memref<!tpu.dma_semaphore, #tpu.memory_space<semaphore_mem>>) src(%dma_wait3A_129 : memref<256x64xbf16, #tpu.memory_space<vmem>>) dst(%dma_wait3A_126 : memref<256x64xbf16, #tpu.memory_space<hbm>>)
      tpu.yield
    }) : () -> ()
    %run_scoped3A_23 = arith.constant 0 : i32
    "tpu.region"() ({
      %run_scoped3A_105 = tpu.sem_alloc : memref<!tpu.dma_semaphore, #tpu.memory_space<semaphore_mem>>
      %dma_start3A_106 = arith.constant 256 : i32
      %dma_start3A_107 = arith.constant 0 : i32
      %dma_start3A_108 = tpu.memref_slice %arg6[%dma_start3A_106, %dma_start3A_107] : memref<1024x64xbf16, #tpu.memory_space<vmem>> -> memref<256x64xbf16, #tpu.memory_space<vmem>>
      %dma_start3A_109 = arith.constant 64 : i32
      %dma_start3A_110 = tpu.memref_slice %arg4[%run_scoped3A_23, %mul3A_2, %dma_start3A_109] : memref<7x8192x256xbf16, #tpu.memory_space<hbm>> -> memref<1x256x64xbf16, #tpu.memory_space<hbm>>
      %dma_start3A_111 = tpu.memref_squeeze %dma_start3A_110 : memref<1x256x64xbf16, #tpu.memory_space<hbm>> -> memref<256x64xbf16, #tpu.memory_space<hbm>>
      %dma_start3A_112 = arith.constant 64 : i32
      %dma_start3A_113 = tpu.memref_slice %arg4[%run_scoped3A_23, %mul3A_2, %dma_start3A_112] : memref<7x8192x256xbf16, #tpu.memory_space<hbm>> -> memref<1x256x64xbf16, #tpu.memory_space<hbm>>
      %dma_start3A_114 = tpu.memref_squeeze %dma_start3A_113 : memref<1x256x64xbf16, #tpu.memory_space<hbm>> -> memref<256x64xbf16, #tpu.memory_space<hbm>>
      %dma_start3A_115 = arith.constant 256 : i32
      %dma_start3A_116 = arith.constant 0 : i32
      %dma_start3A_117 = tpu.memref_slice %arg6[%dma_start3A_115, %dma_start3A_116] : memref<1024x64xbf16, #tpu.memory_space<vmem>> -> memref<256x64xbf16, #tpu.memory_space<vmem>>
      tpu.enqueue_dma source(%dma_start3A_117 : memref<256x64xbf16, #tpu.memory_space<vmem>>) target(%dma_start3A_114 : memref<256x64xbf16, #tpu.memory_space<hbm>>) target_semaphore(%run_scoped3A_105 : memref<!tpu.dma_semaphore, #tpu.memory_space<semaphore_mem>>)
      %dma_wait3A_118 = arith.constant 256 : i32
      %dma_wait3A_119 = arith.constant 0 : i32
      %dma_wait3A_120 = tpu.memref_slice %arg6[%dma_wait3A_118, %dma_wait3A_119] : memref<1024x64xbf16, #tpu.memory_space<vmem>> -> memref<256x64xbf16, #tpu.memory_space<vmem>>
      %dma_wait3A_121 = arith.constant 64 : i32
      %dma_wait3A_122 = tpu.memref_slice %arg4[%run_scoped3A_23, %mul3A_2, %dma_wait3A_121] : memref<7x8192x256xbf16, #tpu.memory_space<hbm>> -> memref<1x256x64xbf16, #tpu.memory_space<hbm>>
      %dma_wait3A_123 = tpu.memref_squeeze %dma_wait3A_122 : memref<1x256x64xbf16, #tpu.memory_space<hbm>> -> memref<256x64xbf16, #tpu.memory_space<hbm>>
      %dma_wait3A_124 = arith.constant 64 : i32
      %dma_wait3A_125 = tpu.memref_slice %arg4[%run_scoped3A_23, %mul3A_2, %dma_wait3A_124] : memref<7x8192x256xbf16, #tpu.memory_space<hbm>> -> memref<1x256x64xbf16, #tpu.memory_space<hbm>>
      %dma_wait3A_126 = tpu.memref_squeeze %dma_wait3A_125 : memref<1x256x64xbf16, #tpu.memory_space<hbm>> -> memref<256x64xbf16, #tpu.memory_space<hbm>>
      %dma_wait3A_127 = arith.constant 256 : i32
      %dma_wait3A_128 = arith.constant 0 : i32
      %dma_wait3A_129 = tpu.memref_slice %arg6[%dma_wait3A_127, %dma_wait3A_128] : memref<1024x64xbf16, #tpu.memory_space<vmem>> -> memref<256x64xbf16, #tpu.memory_space<vmem>>
      tpu.wait_dma2 semaphore(%run_scoped3A_105 : memref<!tpu.dma_semaphore, #tpu.memory_space<semaphore_mem>>) src(%dma_wait3A_129 : memref<256x64xbf16, #tpu.memory_space<vmem>>) dst(%dma_wait3A_126 : memref<256x64xbf16, #tpu.memory_space<hbm>>)
      tpu.yield
    }) : () -> ()
    %run_scoped3A_24 = arith.constant 0 : i32
    "tpu.region"() ({
      %run_scoped3A_105 = tpu.sem_alloc : memref<!tpu.dma_semaphore, #tpu.memory_space<semaphore_mem>>
      %dma_start3A_106 = arith.constant 512 : i32
      %dma_start3A_107 = arith.constant 0 : i32
      %dma_start3A_108 = tpu.memref_slice %arg6[%dma_start3A_106, %dma_start3A_107] : memref<1024x64xbf16, #tpu.memory_space<vmem>> -> memref<256x64xbf16, #tpu.memory_space<vmem>>
      %dma_start3A_109 = arith.constant 128 : i32
      %dma_start3A_110 = tpu.memref_slice %arg4[%run_scoped3A_24, %mul3A_2, %dma_start3A_109] : memref<7x8192x256xbf16, #tpu.memory_space<hbm>> -> memref<1x256x64xbf16, #tpu.memory_space<hbm>>
      %dma_start3A_111 = tpu.memref_squeeze %dma_start3A_110 : memref<1x256x64xbf16, #tpu.memory_space<hbm>> -> memref<256x64xbf16, #tpu.memory_space<hbm>>
      %dma_start3A_112 = arith.constant 128 : i32
      %dma_start3A_113 = tpu.memref_slice %arg4[%run_scoped3A_24, %mul3A_2, %dma_start3A_112] : memref<7x8192x256xbf16, #tpu.memory_space<hbm>> -> memref<1x256x64xbf16, #tpu.memory_space<hbm>>
      %dma_start3A_114 = tpu.memref_squeeze %dma_start3A_113 : memref<1x256x64xbf16, #tpu.memory_space<hbm>> -> memref<256x64xbf16, #tpu.memory_space<hbm>>
      %dma_start3A_115 = arith.constant 512 : i32
      %dma_start3A_116 = arith.constant 0 : i32
      %dma_start3A_117 = tpu.memref_slice %arg6[%dma_start3A_115, %dma_start3A_116] : memref<1024x64xbf16, #tpu.memory_space<vmem>> -> memref<256x64xbf16, #tpu.memory_space<vmem>>
      tpu.enqueue_dma source(%dma_start3A_117 : memref<256x64xbf16, #tpu.memory_space<vmem>>) target(%dma_start3A_114 : memref<256x64xbf16, #tpu.memory_space<hbm>>) target_semaphore(%run_scoped3A_105 : memref<!tpu.dma_semaphore, #tpu.memory_space<semaphore_mem>>)
      %dma_wait3A_118 = arith.constant 512 : i32
      %dma_wait3A_119 = arith.constant 0 : i32
      %dma_wait3A_120 = tpu.memref_slice %arg6[%dma_wait3A_118, %dma_wait3A_119] : memref<1024x64xbf16, #tpu.memory_space<vmem>> -> memref<256x64xbf16, #tpu.memory_space<vmem>>
      %dma_wait3A_121 = arith.constant 128 : i32
      %dma_wait3A_122 = tpu.memref_slice %arg4[%run_scoped3A_24, %mul3A_2, %dma_wait3A_121] : memref<7x8192x256xbf16, #tpu.memory_space<hbm>> -> memref<1x256x64xbf16, #tpu.memory_space<hbm>>
      %dma_wait3A_123 = tpu.memref_squeeze %dma_wait3A_122 : memref<1x256x64xbf16, #tpu.memory_space<hbm>> -> memref<256x64xbf16, #tpu.memory_space<hbm>>
      %dma_wait3A_124 = arith.constant 128 : i32
      %dma_wait3A_125 = tpu.memref_slice %arg4[%run_scoped3A_24, %mul3A_2, %dma_wait3A_124] : memref<7x8192x256xbf16, #tpu.memory_space<hbm>> -> memref<1x256x64xbf16, #tpu.memory_space<hbm>>
      %dma_wait3A_126 = tpu.memref_squeeze %dma_wait3A_125 : memref<1x256x64xbf16, #tpu.memory_space<hbm>> -> memref<256x64xbf16, #tpu.memory_space<hbm>>
      %dma_wait3A_127 = arith.constant 512 : i32
      %dma_wait3A_128 = arith.constant 0 : i32
      %dma_wait3A_129 = tpu.memref_slice %arg6[%dma_wait3A_127, %dma_wait3A_128] : memref<1024x64xbf16, #tpu.memory_space<vmem>> -> memref<256x64xbf16, #tpu.memory_space<vmem>>
      tpu.wait_dma2 semaphore(%run_scoped3A_105 : memref<!tpu.dma_semaphore, #tpu.memory_space<semaphore_mem>>) src(%dma_wait3A_129 : memref<256x64xbf16, #tpu.memory_space<vmem>>) dst(%dma_wait3A_126 : memref<256x64xbf16, #tpu.memory_space<hbm>>)
      tpu.yield
    }) : () -> ()
    %run_scoped3A_25 = arith.constant 0 : i32
    "tpu.region"() ({
      %run_scoped3A_105 = tpu.sem_alloc : memref<!tpu.dma_semaphore, #tpu.memory_space<semaphore_mem>>
      %dma_start3A_106 = arith.constant 768 : i32
      %dma_start3A_107 = arith.constant 0 : i32
      %dma_start3A_108 = tpu.memref_slice %arg6[%dma_start3A_106, %dma_start3A_107] : memref<1024x64xbf16, #tpu.memory_space<vmem>> -> memref<256x64xbf16, #tpu.memory_space<vmem>>
      %dma_start3A_109 = arith.constant 192 : i32
      %dma_start3A_110 = tpu.memref_slice %arg4[%run_scoped3A_25, %mul3A_2, %dma_start3A_109] : memref<7x8192x256xbf16, #tpu.memory_space<hbm>> -> memref<1x256x64xbf16, #tpu.memory_space<hbm>>
      %dma_start3A_111 = tpu.memref_squeeze %dma_start3A_110 : memref<1x256x64xbf16, #tpu.memory_space<hbm>> -> memref<256x64xbf16, #tpu.memory_space<hbm>>
      %dma_start3A_112 = arith.constant 192 : i32
      %dma_start3A_113 = tpu.memref_slice %arg4[%run_scoped3A_25, %mul3A_2, %dma_start3A_112] : memref<7x8192x256xbf16, #tpu.memory_space<hbm>> -> memref<1x256x64xbf16, #tpu.memory_space<hbm>>
      %dma_start3A_114 = tpu.memref_squeeze %dma_start3A_113 : memref<1x256x64xbf16, #tpu.memory_space<hbm>> -> memref<256x64xbf16, #tpu.memory_space<hbm>>
      %dma_start3A_115 = arith.constant 768 : i32
      %dma_start3A_116 = arith.constant 0 : i32
      %dma_start3A_117 = tpu.memref_slice %arg6[%dma_start3A_115, %dma_start3A_116] : memref<1024x64xbf16, #tpu.memory_space<vmem>> -> memref<256x64xbf16, #tpu.memory_space<vmem>>
      tpu.enqueue_dma source(%dma_start3A_117 : memref<256x64xbf16, #tpu.memory_space<vmem>>) target(%dma_start3A_114 : memref<256x64xbf16, #tpu.memory_space<hbm>>) target_semaphore(%run_scoped3A_105 : memref<!tpu.dma_semaphore, #tpu.memory_space<semaphore_mem>>)
      %dma_wait3A_118 = arith.constant 768 : i32
      %dma_wait3A_119 = arith.constant 0 : i32
      %dma_wait3A_120 = tpu.memref_slice %arg6[%dma_wait3A_118, %dma_wait3A_119] : memref<1024x64xbf16, #tpu.memory_space<vmem>> -> memref<256x64xbf16, #tpu.memory_space<vmem>>
      %dma_wait3A_121 = arith.constant 192 : i32
      %dma_wait3A_122 = tpu.memref_slice %arg4[%run_scoped3A_25, %mul3A_2, %dma_wait3A_121] : memref<7x8192x256xbf16, #tpu.memory_space<hbm>> -> memref<1x256x64xbf16, #tpu.memory_space<hbm>>
      %dma_wait3A_123 = tpu.memref_squeeze %dma_wait3A_122 : memref<1x256x64xbf16, #tpu.memory_space<hbm>> -> memref<256x64xbf16, #tpu.memory_space<hbm>>
      %dma_wait3A_124 = arith.constant 192 : i32
      %dma_wait3A_125 = tpu.memref_slice %arg4[%run_scoped3A_25, %mul3A_2, %dma_wait3A_124] : memref<7x8192x256xbf16, #tpu.memory_space<hbm>> -> memref<1x256x64xbf16, #tpu.memory_space<hbm>>
      %dma_wait3A_126 = tpu.memref_squeeze %dma_wait3A_125 : memref<1x256x64xbf16, #tpu.memory_space<hbm>> -> memref<256x64xbf16, #tpu.memory_space<hbm>>
      %dma_wait3A_127 = arith.constant 768 : i32
      %dma_wait3A_128 = arith.constant 0 : i32
      %dma_wait3A_129 = tpu.memref_slice %arg6[%dma_wait3A_127, %dma_wait3A_128] : memref<1024x64xbf16, #tpu.memory_space<vmem>> -> memref<256x64xbf16, #tpu.memory_space<vmem>>
      tpu.wait_dma2 semaphore(%run_scoped3A_105 : memref<!tpu.dma_semaphore, #tpu.memory_space<semaphore_mem>>) src(%dma_wait3A_129 : memref<256x64xbf16, #tpu.memory_space<vmem>>) dst(%dma_wait3A_126 : memref<256x64xbf16, #tpu.memory_space<hbm>>)
      tpu.yield
    }) : () -> ()
    %dma_wait3A_26 = arith.constant 1024 : i32
    %dma_wait3A_27 = tpu.memref_slice %arg5[%dma_wait3A_26] : memref<7168xi32, #tpu.memory_space<vmem>> -> memref<1024xi32, #tpu.memory_space<vmem>>
    %dma_wait3A_28 = arith.constant 0 : i32
    %dma_wait3A_29 = arith.constant 0 : i32
    %dma_wait3A_30 = tpu.memref_slice %arg3[%dma_wait3A_28, %dma_wait3A_29] : memref<28000x64xbf16, #tpu.memory_space<hbm>> -> memref<28000x64xbf16, #tpu.memory_space<hbm>>
    tpu.wait_indirect_dma semaphore(%arg9 : memref<!tpu.dma_semaphore, #tpu.memory_space<semaphore_mem>>) src(%dma_wait3A_30 : memref<28000x64xbf16, #tpu.memory_space<hbm>>) dst(%arg7 : memref<1024x64xbf16, #tpu.memory_space<vmem>>)
    %dma_start3A_31 = arith.constant 2048 : i32
    %dma_start3A_32 = tpu.memref_slice %arg5[%dma_start3A_31] : memref<7168xi32, #tpu.memory_space<vmem>> -> memref<1024xi32, #tpu.memory_space<vmem>>
    %dma_start3A_33 = arith.constant 0 : i32
    %dma_start3A_34 = arith.constant 0 : i32
    %dma_start3A_35 = tpu.memref_slice %arg3[%dma_start3A_33, %dma_start3A_34] : memref<28000x64xbf16, #tpu.memory_space<hbm>> -> memref<28000x64xbf16, #tpu.memory_space<hbm>>
    tpu.enqueue_indirect_dma source(%dma_start3A_35 : memref<28000x64xbf16, #tpu.memory_space<hbm>>) target(%arg6 : memref<1024x64xbf16, #tpu.memory_space<vmem>>) offsets(%dma_start3A_32 : memref<1024xi32, #tpu.memory_space<vmem>>) semaphore(%arg8 : memref<!tpu.dma_semaphore, #tpu.memory_space<semaphore_mem>>)
    %run_scoped3A_36 = arith.constant 1 : i32
    "tpu.region"() ({
      %run_scoped3A_105 = tpu.sem_alloc : memref<!tpu.dma_semaphore, #tpu.memory_space<semaphore_mem>>
      %dma_start3A_106 = arith.constant 0 : i32
      %dma_start3A_107 = arith.constant 0 : i32
      %dma_start3A_108 = tpu.memref_slice %arg7[%dma_start3A_106, %dma_start3A_107] : memref<1024x64xbf16, #tpu.memory_space<vmem>> -> memref<256x64xbf16, #tpu.memory_space<vmem>>
      %dma_start3A_109 = arith.constant 0 : i32
      %dma_start3A_110 = tpu.memref_slice %arg4[%run_scoped3A_36, %mul3A_2, %dma_start3A_109] : memref<7x8192x256xbf16, #tpu.memory_space<hbm>> -> memref<1x256x64xbf16, #tpu.memory_space<hbm>>
      %dma_start3A_111 = tpu.memref_squeeze %dma_start3A_110 : memref<1x256x64xbf16, #tpu.memory_space<hbm>> -> memref<256x64xbf16, #tpu.memory_space<hbm>>
      %dma_start3A_112 = arith.constant 0 : i32
      %dma_start3A_113 = tpu.memref_slice %arg4[%run_scoped3A_36, %mul3A_2, %dma_start3A_112] : memref<7x8192x256xbf16, #tpu.memory_space<hbm>> -> memref<1x256x64xbf16, #tpu.memory_space<hbm>>
      %dma_start3A_114 = tpu.memref_squeeze %dma_start3A_113 : memref<1x256x64xbf16, #tpu.memory_space<hbm>> -> memref<256x64xbf16, #tpu.memory_space<hbm>>
      %dma_start3A_115 = arith.constant 0 : i32
      %dma_start3A_116 = arith.constant 0 : i32
      %dma_start3A_117 = tpu.memref_slice %arg7[%dma_start3A_115, %dma_start3A_116] : memref<1024x64xbf16, #tpu.memory_space<vmem>> -> memref<256x64xbf16, #tpu.memory_space<vmem>>
      tpu.enqueue_dma source(%dma_start3A_117 : memref<256x64xbf16, #tpu.memory_space<vmem>>) target(%dma_start3A_114 : memref<256x64xbf16, #tpu.memory_space<hbm>>) target_semaphore(%run_scoped3A_105 : memref<!tpu.dma_semaphore, #tpu.memory_space<semaphore_mem>>)
      %dma_wait3A_118 = arith.constant 0 : i32
      %dma_wait3A_119 = arith.constant 0 : i32
      %dma_wait3A_120 = tpu.memref_slice %arg7[%dma_wait3A_118, %dma_wait3A_119] : memref<1024x64xbf16, #tpu.memory_space<vmem>> -> memref<256x64xbf16, #tpu.memory_space<vmem>>
      %dma_wait3A_121 = arith.constant 0 : i32
      %dma_wait3A_122 = tpu.memref_slice %arg4[%run_scoped3A_36, %mul3A_2, %dma_wait3A_121] : memref<7x8192x256xbf16, #tpu.memory_space<hbm>> -> memref<1x256x64xbf16, #tpu.memory_space<hbm>>
      %dma_wait3A_123 = tpu.memref_squeeze %dma_wait3A_122 : memref<1x256x64xbf16, #tpu.memory_space<hbm>> -> memref<256x64xbf16, #tpu.memory_space<hbm>>
      %dma_wait3A_124 = arith.constant 0 : i32
      %dma_wait3A_125 = tpu.memref_slice %arg4[%run_scoped3A_36, %mul3A_2, %dma_wait3A_124] : memref<7x8192x256xbf16, #tpu.memory_space<hbm>> -> memref<1x256x64xbf16, #tpu.memory_space<hbm>>
      %dma_wait3A_126 = tpu.memref_squeeze %dma_wait3A_125 : memref<1x256x64xbf16, #tpu.memory_space<hbm>> -> memref<256x64xbf16, #tpu.memory_space<hbm>>
      %dma_wait3A_127 = arith.constant 0 : i32
      %dma_wait3A_128 = arith.constant 0 : i32
      %dma_wait3A_129 = tpu.memref_slice %arg7[%dma_wait3A_127, %dma_wait3A_128] : memref<1024x64xbf16, #tpu.memory_space<vmem>> -> memref<256x64xbf16, #tpu.memory_space<vmem>>
      tpu.wait_dma2 semaphore(%run_scoped3A_105 : memref<!tpu.dma_semaphore, #tpu.memory_space<semaphore_mem>>) src(%dma_wait3A_129 : memref<256x64xbf16, #tpu.memory_space<vmem>>) dst(%dma_wait3A_126 : memref<256x64xbf16, #tpu.memory_space<hbm>>)
      tpu.yield
    }) : () -> ()
    %run_scoped3A_37 = arith.constant 1 : i32
    "tpu.region"() ({
      %run_scoped3A_105 = tpu.sem_alloc : memref<!tpu.dma_semaphore, #tpu.memory_space<semaphore_mem>>
      %dma_start3A_106 = arith.constant 256 : i32
      %dma_start3A_107 = arith.constant 0 : i32
      %dma_start3A_108 = tpu.memref_slice %arg7[%dma_start3A_106, %dma_start3A_107] : memref<1024x64xbf16, #tpu.memory_space<vmem>> -> memref<256x64xbf16, #tpu.memory_space<vmem>>
      %dma_start3A_109 = arith.constant 64 : i32
      %dma_start3A_110 = tpu.memref_slice %arg4[%run_scoped3A_37, %mul3A_2, %dma_start3A_109] : memref<7x8192x256xbf16, #tpu.memory_space<hbm>> -> memref<1x256x64xbf16, #tpu.memory_space<hbm>>
      %dma_start3A_111 = tpu.memref_squeeze %dma_start3A_110 : memref<1x256x64xbf16, #tpu.memory_space<hbm>> -> memref<256x64xbf16, #tpu.memory_space<hbm>>
      %dma_start3A_112 = arith.constant 64 : i32
      %dma_start3A_113 = tpu.memref_slice %arg4[%run_scoped3A_37, %mul3A_2, %dma_start3A_112] : memref<7x8192x256xbf16, #tpu.memory_space<hbm>> -> memref<1x256x64xbf16, #tpu.memory_space<hbm>>
      %dma_start3A_114 = tpu.memref_squeeze %dma_start3A_113 : memref<1x256x64xbf16, #tpu.memory_space<hbm>> -> memref<256x64xbf16, #tpu.memory_space<hbm>>
      %dma_start3A_115 = arith.constant 256 : i32
      %dma_start3A_116 = arith.constant 0 : i32
      %dma_start3A_117 = tpu.memref_slice %arg7[%dma_start3A_115, %dma_start3A_116] : memref<1024x64xbf16, #tpu.memory_space<vmem>> -> memref<256x64xbf16, #tpu.memory_space<vmem>>
      tpu.enqueue_dma source(%dma_start3A_117 : memref<256x64xbf16, #tpu.memory_space<vmem>>) target(%dma_start3A_114 : memref<256x64xbf16, #tpu.memory_space<hbm>>) target_semaphore(%run_scoped3A_105 : memref<!tpu.dma_semaphore, #tpu.memory_space<semaphore_mem>>)
      %dma_wait3A_118 = arith.constant 256 : i32
      %dma_wait3A_119 = arith.constant 0 : i32
      %dma_wait3A_120 = tpu.memref_slice %arg7[%dma_wait3A_118, %dma_wait3A_119] : memref<1024x64xbf16, #tpu.memory_space<vmem>> -> memref<256x64xbf16, #tpu.memory_space<vmem>>
      %dma_wait3A_121 = arith.constant 64 : i32
      %dma_wait3A_122 = tpu.memref_slice %arg4[%run_scoped3A_37, %mul3A_2, %dma_wait3A_121] : memref<7x8192x256xbf16, #tpu.memory_space<hbm>> -> memref<1x256x64xbf16, #tpu.memory_space<hbm>>
      %dma_wait3A_123 = tpu.memref_squeeze %dma_wait3A_122 : memref<1x256x64xbf16, #tpu.memory_space<hbm>> -> memref<256x64xbf16, #tpu.memory_space<hbm>>
      %dma_wait3A_124 = arith.constant 64 : i32
      %dma_wait3A_125 = tpu.memref_slice %arg4[%run_scoped3A_37, %mul3A_2, %dma_wait3A_124] : memref<7x8192x256xbf16, #tpu.memory_space<hbm>> -> memref<1x256x64xbf16, #tpu.memory_space<hbm>>
      %dma_wait3A_126 = tpu.memref_squeeze %dma_wait3A_125 : memref<1x256x64xbf16, #tpu.memory_space<hbm>> -> memref<256x64xbf16, #tpu.memory_space<hbm>>
      %dma_wait3A_127 = arith.constant 256 : i32
      %dma_wait3A_128 = arith.constant 0 : i32
      %dma_wait3A_129 = tpu.memref_slice %arg7[%dma_wait3A_127, %dma_wait3A_128] : memref<1024x64xbf16, #tpu.memory_space<vmem>> -> memref<256x64xbf16, #tpu.memory_space<vmem>>
      tpu.wait_dma2 semaphore(%run_scoped3A_105 : memref<!tpu.dma_semaphore, #tpu.memory_space<semaphore_mem>>) src(%dma_wait3A_129 : memref<256x64xbf16, #tpu.memory_space<vmem>>) dst(%dma_wait3A_126 : memref<256x64xbf16, #tpu.memory_space<hbm>>)
      tpu.yield
    }) : () -> ()
    %run_scoped3A_38 = arith.constant 1 : i32
    "tpu.region"() ({
      %run_scoped3A_105 = tpu.sem_alloc : memref<!tpu.dma_semaphore, #tpu.memory_space<semaphore_mem>>
      %dma_start3A_106 = arith.constant 512 : i32
      %dma_start3A_107 = arith.constant 0 : i32
      %dma_start3A_108 = tpu.memref_slice %arg7[%dma_start3A_106, %dma_start3A_107] : memref<1024x64xbf16, #tpu.memory_space<vmem>> -> memref<256x64xbf16, #tpu.memory_space<vmem>>
      %dma_start3A_109 = arith.constant 128 : i32
      %dma_start3A_110 = tpu.memref_slice %arg4[%run_scoped3A_38, %mul3A_2, %dma_start3A_109] : memref<7x8192x256xbf16, #tpu.memory_space<hbm>> -> memref<1x256x64xbf16, #tpu.memory_space<hbm>>
      %dma_start3A_111 = tpu.memref_squeeze %dma_start3A_110 : memref<1x256x64xbf16, #tpu.memory_space<hbm>> -> memref<256x64xbf16, #tpu.memory_space<hbm>>
      %dma_start3A_112 = arith.constant 128 : i32
      %dma_start3A_113 = tpu.memref_slice %arg4[%run_scoped3A_38, %mul3A_2, %dma_start3A_112] : memref<7x8192x256xbf16, #tpu.memory_space<hbm>> -> memref<1x256x64xbf16, #tpu.memory_space<hbm>>
      %dma_start3A_114 = tpu.memref_squeeze %dma_start3A_113 : memref<1x256x64xbf16, #tpu.memory_space<hbm>> -> memref<256x64xbf16, #tpu.memory_space<hbm>>
      %dma_start3A_115 = arith.constant 512 : i32
      %dma_start3A_116 = arith.constant 0 : i32
      %dma_start3A_117 = tpu.memref_slice %arg7[%dma_start3A_115, %dma_start3A_116] : memref<1024x64xbf16, #tpu.memory_space<vmem>> -> memref<256x64xbf16, #tpu.memory_space<vmem>>
      tpu.enqueue_dma source(%dma_start3A_117 : memref<256x64xbf16, #tpu.memory_space<vmem>>) target(%dma_start3A_114 : memref<256x64xbf16, #tpu.memory_space<hbm>>) target_semaphore(%run_scoped3A_105 : memref<!tpu.dma_semaphore, #tpu.memory_space<semaphore_mem>>)
      %dma_wait3A_118 = arith.constant 512 : i32
      %dma_wait3A_119 = arith.constant 0 : i32
      %dma_wait3A_120 = tpu.memref_slice %arg7[%dma_wait3A_118, %dma_wait3A_119] : memref<1024x64xbf16, #tpu.memory_space<vmem>> -> memref<256x64xbf16, #tpu.memory_space<vmem>>
      %dma_wait3A_121 = arith.constant 128 : i32
      %dma_wait3A_122 = tpu.memref_slice %arg4[%run_scoped3A_38, %mul3A_2, %dma_wait3A_121] : memref<7x8192x256xbf16, #tpu.memory_space<hbm>> -> memref<1x256x64xbf16, #tpu.memory_space<hbm>>
      %dma_wait3A_123 = tpu.memref_squeeze %dma_wait3A_122 : memref<1x256x64xbf16, #tpu.memory_space<hbm>> -> memref<256x64xbf16, #tpu.memory_space<hbm>>
      %dma_wait3A_124 = arith.constant 128 : i32
      %dma_wait3A_125 = tpu.memref_slice %arg4[%run_scoped3A_38, %mul3A_2, %dma_wait3A_124] : memref<7x8192x256xbf16, #tpu.memory_space<hbm>> -> memref<1x256x64xbf16, #tpu.memory_space<hbm>>
      %dma_wait3A_126 = tpu.memref_squeeze %dma_wait3A_125 : memref<1x256x64xbf16, #tpu.memory_space<hbm>> -> memref<256x64xbf16, #tpu.memory_space<hbm>>
      %dma_wait3A_127 = arith.constant 512 : i32
      %dma_wait3A_128 = arith.constant 0 : i32
      %dma_wait3A_129 = tpu.memref_slice %arg7[%dma_wait3A_127, %dma_wait3A_128] : memref<1024x64xbf16, #tpu.memory_space<vmem>> -> memref<256x64xbf16, #tpu.memory_space<vmem>>
      tpu.wait_dma2 semaphore(%run_scoped3A_105 : memref<!tpu.dma_semaphore, #tpu.memory_space<semaphore_mem>>) src(%dma_wait3A_129 : memref<256x64xbf16, #tpu.memory_space<vmem>>) dst(%dma_wait3A_126 : memref<256x64xbf16, #tpu.memory_space<hbm>>)
      tpu.yield
    }) : () -> ()
    %run_scoped3A_39 = arith.constant 1 : i32
    "tpu.region"() ({
      %run_scoped3A_105 = tpu.sem_alloc : memref<!tpu.dma_semaphore, #tpu.memory_space<semaphore_mem>>
      %dma_start3A_106 = arith.constant 768 : i32
      %dma_start3A_107 = arith.constant 0 : i32
      %dma_start3A_108 = tpu.memref_slice %arg7[%dma_start3A_106, %dma_start3A_107] : memref<1024x64xbf16, #tpu.memory_space<vmem>> -> memref<256x64xbf16, #tpu.memory_space<vmem>>
      %dma_start3A_109 = arith.constant 192 : i32
      %dma_start3A_110 = tpu.memref_slice %arg4[%run_scoped3A_39, %mul3A_2, %dma_start3A_109] : memref<7x8192x256xbf16, #tpu.memory_space<hbm>> -> memref<1x256x64xbf16, #tpu.memory_space<hbm>>
      %dma_start3A_111 = tpu.memref_squeeze %dma_start3A_110 : memref<1x256x64xbf16, #tpu.memory_space<hbm>> -> memref<256x64xbf16, #tpu.memory_space<hbm>>
      %dma_start3A_112 = arith.constant 192 : i32
      %dma_start3A_113 = tpu.memref_slice %arg4[%run_scoped3A_39, %mul3A_2, %dma_start3A_112] : memref<7x8192x256xbf16, #tpu.memory_space<hbm>> -> memref<1x256x64xbf16, #tpu.memory_space<hbm>>
      %dma_start3A_114 = tpu.memref_squeeze %dma_start3A_113 : memref<1x256x64xbf16, #tpu.memory_space<hbm>> -> memref<256x64xbf16, #tpu.memory_space<hbm>>
      %dma_start3A_115 = arith.constant 768 : i32
      %dma_start3A_116 = arith.constant 0 : i32
      %dma_start3A_117 = tpu.memref_slice %arg7[%dma_start3A_115, %dma_start3A_116] : memref<1024x64xbf16, #tpu.memory_space<vmem>> -> memref<256x64xbf16, #tpu.memory_space<vmem>>
      tpu.enqueue_dma source(%dma_start3A_117 : memref<256x64xbf16, #tpu.memory_space<vmem>>) target(%dma_start3A_114 : memref<256x64xbf16, #tpu.memory_space<hbm>>) target_semaphore(%run_scoped3A_105 : memref<!tpu.dma_semaphore, #tpu.memory_space<semaphore_mem>>)
      %dma_wait3A_118 = arith.constant 768 : i32
      %dma_wait3A_119 = arith.constant 0 : i32
      %dma_wait3A_120 = tpu.memref_slice %arg7[%dma_wait3A_118, %dma_wait3A_119] : memref<1024x64xbf16, #tpu.memory_space<vmem>> -> memref<256x64xbf16, #tpu.memory_space<vmem>>
      %dma_wait3A_121 = arith.constant 192 : i32
      %dma_wait3A_122 = tpu.memref_slice %arg4[%run_scoped3A_39, %mul3A_2, %dma_wait3A_121] : memref<7x8192x256xbf16, #tpu.memory_space<hbm>> -> memref<1x256x64xbf16, #tpu.memory_space<hbm>>
      %dma_wait3A_123 = tpu.memref_squeeze %dma_wait3A_122 : memref<1x256x64xbf16, #tpu.memory_space<hbm>> -> memref<256x64xbf16, #tpu.memory_space<hbm>>
      %dma_wait3A_124 = arith.constant 192 : i32
      %dma_wait3A_125 = tpu.memref_slice %arg4[%run_scoped3A_39, %mul3A_2, %dma_wait3A_124] : memref<7x8192x256xbf16, #tpu.memory_space<hbm>> -> memref<1x256x64xbf16, #tpu.memory_space<hbm>>
      %dma_wait3A_126 = tpu.memref_squeeze %dma_wait3A_125 : memref<1x256x64xbf16, #tpu.memory_space<hbm>> -> memref<256x64xbf16, #tpu.memory_space<hbm>>
      %dma_wait3A_127 = arith.constant 768 : i32
      %dma_wait3A_128 = arith.constant 0 : i32
      %dma_wait3A_129 = tpu.memref_slice %arg7[%dma_wait3A_127, %dma_wait3A_128] : memref<1024x64xbf16, #tpu.memory_space<vmem>> -> memref<256x64xbf16, #tpu.memory_space<vmem>>
      tpu.wait_dma2 semaphore(%run_scoped3A_105 : memref<!tpu.dma_semaphore, #tpu.memory_space<semaphore_mem>>) src(%dma_wait3A_129 : memref<256x64xbf16, #tpu.memory_space<vmem>>) dst(%dma_wait3A_126 : memref<256x64xbf16, #tpu.memory_space<hbm>>)
      tpu.yield
    }) : () -> ()
    %dma_wait3A_40 = arith.constant 2048 : i32
    %dma_wait3A_41 = tpu.memref_slice %arg5[%dma_wait3A_40] : memref<7168xi32, #tpu.memory_space<vmem>> -> memref<1024xi32, #tpu.memory_space<vmem>>
    %dma_wait3A_42 = arith.constant 0 : i32
    %dma_wait3A_43 = arith.constant 0 : i32
    %dma_wait3A_44 = tpu.memref_slice %arg3[%dma_wait3A_42, %dma_wait3A_43] : memref<28000x64xbf16, #tpu.memory_space<hbm>> -> memref<28000x64xbf16, #tpu.memory_space<hbm>>
    tpu.wait_indirect_dma semaphore(%arg8 : memref<!tpu.dma_semaphore, #tpu.memory_space<semaphore_mem>>) src(%dma_wait3A_44 : memref<28000x64xbf16, #tpu.memory_space<hbm>>) dst(%arg6 : memref<1024x64xbf16, #tpu.memory_space<vmem>>)
    %dma_start3A_45 = arith.constant 3072 : i32
    %dma_start3A_46 = tpu.memref_slice %arg5[%dma_start3A_45] : memref<7168xi32, #tpu.memory_space<vmem>> -> memref<1024xi32, #tpu.memory_space<vmem>>
    %dma_start3A_47 = arith.constant 0 : i32
    %dma_start3A_48 = arith.constant 0 : i32
    %dma_start3A_49 = tpu.memref_slice %arg3[%dma_start3A_47, %dma_start3A_48] : memref<28000x64xbf16, #tpu.memory_space<hbm>> -> memref<28000x64xbf16, #tpu.memory_space<hbm>>
    tpu.enqueue_indirect_dma source(%dma_start3A_49 : memref<28000x64xbf16, #tpu.memory_space<hbm>>) target(%arg7 : memref<1024x64xbf16, #tpu.memory_space<vmem>>) offsets(%dma_start3A_46 : memref<1024xi32, #tpu.memory_space<vmem>>) semaphore(%arg9 : memref<!tpu.dma_semaphore, #tpu.memory_space<semaphore_mem>>)
    %run_scoped3A_50 = arith.constant 2 : i32
    "tpu.region"() ({
      %run_scoped3A_105 = tpu.sem_alloc : memref<!tpu.dma_semaphore, #tpu.memory_space<semaphore_mem>>
      %dma_start3A_106 = arith.constant 0 : i32
      %dma_start3A_107 = arith.constant 0 : i32
      %dma_start3A_108 = tpu.memref_slice %arg6[%dma_start3A_106, %dma_start3A_107] : memref<1024x64xbf16, #tpu.memory_space<vmem>> -> memref<256x64xbf16, #tpu.memory_space<vmem>>
      %dma_start3A_109 = arith.constant 0 : i32
      %dma_start3A_110 = tpu.memref_slice %arg4[%run_scoped3A_50, %mul3A_2, %dma_start3A_109] : memref<7x8192x256xbf16, #tpu.memory_space<hbm>> -> memref<1x256x64xbf16, #tpu.memory_space<hbm>>
      %dma_start3A_111 = tpu.memref_squeeze %dma_start3A_110 : memref<1x256x64xbf16, #tpu.memory_space<hbm>> -> memref<256x64xbf16, #tpu.memory_space<hbm>>
      %dma_start3A_112 = arith.constant 0 : i32
      %dma_start3A_113 = tpu.memref_slice %arg4[%run_scoped3A_50, %mul3A_2, %dma_start3A_112] : memref<7x8192x256xbf16, #tpu.memory_space<hbm>> -> memref<1x256x64xbf16, #tpu.memory_space<hbm>>
      %dma_start3A_114 = tpu.memref_squeeze %dma_start3A_113 : memref<1x256x64xbf16, #tpu.memory_space<hbm>> -> memref<256x64xbf16, #tpu.memory_space<hbm>>
      %dma_start3A_115 = arith.constant 0 : i32
      %dma_start3A_116 = arith.constant 0 : i32
      %dma_start3A_117 = tpu.memref_slice %arg6[%dma_start3A_115, %dma_start3A_116] : memref<1024x64xbf16, #tpu.memory_space<vmem>> -> memref<256x64xbf16, #tpu.memory_space<vmem>>
      tpu.enqueue_dma source(%dma_start3A_117 : memref<256x64xbf16, #tpu.memory_space<vmem>>) target(%dma_start3A_114 : memref<256x64xbf16, #tpu.memory_space<hbm>>) target_semaphore(%run_scoped3A_105 : memref<!tpu.dma_semaphore, #tpu.memory_space<semaphore_mem>>)
      %dma_wait3A_118 = arith.constant 0 : i32
      %dma_wait3A_119 = arith.constant 0 : i32
      %dma_wait3A_120 = tpu.memref_slice %arg6[%dma_wait3A_118, %dma_wait3A_119] : memref<1024x64xbf16, #tpu.memory_space<vmem>> -> memref<256x64xbf16, #tpu.memory_space<vmem>>
      %dma_wait3A_121 = arith.constant 0 : i32
      %dma_wait3A_122 = tpu.memref_slice %arg4[%run_scoped3A_50, %mul3A_2, %dma_wait3A_121] : memref<7x8192x256xbf16, #tpu.memory_space<hbm>> -> memref<1x256x64xbf16, #tpu.memory_space<hbm>>
      %dma_wait3A_123 = tpu.memref_squeeze %dma_wait3A_122 : memref<1x256x64xbf16, #tpu.memory_space<hbm>> -> memref<256x64xbf16, #tpu.memory_space<hbm>>
      %dma_wait3A_124 = arith.constant 0 : i32
      %dma_wait3A_125 = tpu.memref_slice %arg4[%run_scoped3A_50, %mul3A_2, %dma_wait3A_124] : memref<7x8192x256xbf16, #tpu.memory_space<hbm>> -> memref<1x256x64xbf16, #tpu.memory_space<hbm>>
      %dma_wait3A_126 = tpu.memref_squeeze %dma_wait3A_125 : memref<1x256x64xbf16, #tpu.memory_space<hbm>> -> memref<256x64xbf16, #tpu.memory_space<hbm>>
      %dma_wait3A_127 = arith.constant 0 : i32
      %dma_wait3A_128 = arith.constant 0 : i32
      %dma_wait3A_129 = tpu.memref_slice %arg6[%dma_wait3A_127, %dma_wait3A_128] : memref<1024x64xbf16, #tpu.memory_space<vmem>> -> memref<256x64xbf16, #tpu.memory_space<vmem>>
      tpu.wait_dma2 semaphore(%run_scoped3A_105 : memref<!tpu.dma_semaphore, #tpu.memory_space<semaphore_mem>>) src(%dma_wait3A_129 : memref<256x64xbf16, #tpu.memory_space<vmem>>) dst(%dma_wait3A_126 : memref<256x64xbf16, #tpu.memory_space<hbm>>)
      tpu.yield
    }) : () -> ()
    %run_scoped3A_51 = arith.constant 2 : i32
    "tpu.region"() ({
      %run_scoped3A_105 = tpu.sem_alloc : memref<!tpu.dma_semaphore, #tpu.memory_space<semaphore_mem>>
      %dma_start3A_106 = arith.constant 256 : i32
      %dma_start3A_107 = arith.constant 0 : i32
      %dma_start3A_108 = tpu.memref_slice %arg6[%dma_start3A_106, %dma_start3A_107] : memref<1024x64xbf16, #tpu.memory_space<vmem>> -> memref<256x64xbf16, #tpu.memory_space<vmem>>
      %dma_start3A_109 = arith.constant 64 : i32
      %dma_start3A_110 = tpu.memref_slice %arg4[%run_scoped3A_51, %mul3A_2, %dma_start3A_109] : memref<7x8192x256xbf16, #tpu.memory_space<hbm>> -> memref<1x256x64xbf16, #tpu.memory_space<hbm>>
      %dma_start3A_111 = tpu.memref_squeeze %dma_start3A_110 : memref<1x256x64xbf16, #tpu.memory_space<hbm>> -> memref<256x64xbf16, #tpu.memory_space<hbm>>
      %dma_start3A_112 = arith.constant 64 : i32
      %dma_start3A_113 = tpu.memref_slice %arg4[%run_scoped3A_51, %mul3A_2, %dma_start3A_112] : memref<7x8192x256xbf16, #tpu.memory_space<hbm>> -> memref<1x256x64xbf16, #tpu.memory_space<hbm>>
      %dma_start3A_114 = tpu.memref_squeeze %dma_start3A_113 : memref<1x256x64xbf16, #tpu.memory_space<hbm>> -> memref<256x64xbf16, #tpu.memory_space<hbm>>
      %dma_start3A_115 = arith.constant 256 : i32
      %dma_start3A_116 = arith.constant 0 : i32
      %dma_start3A_117 = tpu.memref_slice %arg6[%dma_start3A_115, %dma_start3A_116] : memref<1024x64xbf16, #tpu.memory_space<vmem>> -> memref<256x64xbf16, #tpu.memory_space<vmem>>
      tpu.enqueue_dma source(%dma_start3A_117 : memref<256x64xbf16, #tpu.memory_space<vmem>>) target(%dma_start3A_114 : memref<256x64xbf16, #tpu.memory_space<hbm>>) target_semaphore(%run_scoped3A_105 : memref<!tpu.dma_semaphore, #tpu.memory_space<semaphore_mem>>)
      %dma_wait3A_118 = arith.constant 256 : i32
      %dma_wait3A_119 = arith.constant 0 : i32
      %dma_wait3A_120 = tpu.memref_slice %arg6[%dma_wait3A_118, %dma_wait3A_119] : memref<1024x64xbf16, #tpu.memory_space<vmem>> -> memref<256x64xbf16, #tpu.memory_space<vmem>>
      %dma_wait3A_121 = arith.constant 64 : i32
      %dma_wait3A_122 = tpu.memref_slice %arg4[%run_scoped3A_51, %mul3A_2, %dma_wait3A_121] : memref<7x8192x256xbf16, #tpu.memory_space<hbm>> -> memref<1x256x64xbf16, #tpu.memory_space<hbm>>
      %dma_wait3A_123 = tpu.memref_squeeze %dma_wait3A_122 : memref<1x256x64xbf16, #tpu.memory_space<hbm>> -> memref<256x64xbf16, #tpu.memory_space<hbm>>
      %dma_wait3A_124 = arith.constant 64 : i32
      %dma_wait3A_125 = tpu.memref_slice %arg4[%run_scoped3A_51, %mul3A_2, %dma_wait3A_124] : memref<7x8192x256xbf16, #tpu.memory_space<hbm>> -> memref<1x256x64xbf16, #tpu.memory_space<hbm>>
      %dma_wait3A_126 = tpu.memref_squeeze %dma_wait3A_125 : memref<1x256x64xbf16, #tpu.memory_space<hbm>> -> memref<256x64xbf16, #tpu.memory_space<hbm>>
      %dma_wait3A_127 = arith.constant 256 : i32
      %dma_wait3A_128 = arith.constant 0 : i32
      %dma_wait3A_129 = tpu.memref_slice %arg6[%dma_wait3A_127, %dma_wait3A_128] : memref<1024x64xbf16, #tpu.memory_space<vmem>> -> memref<256x64xbf16, #tpu.memory_space<vmem>>
      tpu.wait_dma2 semaphore(%run_scoped3A_105 : memref<!tpu.dma_semaphore, #tpu.memory_space<semaphore_mem>>) src(%dma_wait3A_129 : memref<256x64xbf16, #tpu.memory_space<vmem>>) dst(%dma_wait3A_126 : memref<256x64xbf16, #tpu.memory_space<hbm>>)
      tpu.yield
    }) : () -> ()
    %run_scoped3A_52 = arith.constant 2 : i32
    "tpu.region"() ({
      %run_scoped3A_105 = tpu.sem_alloc : memref<!tpu.dma_semaphore, #tpu.memory_space<semaphore_mem>>
      %dma_start3A_106 = arith.constant 512 : i32
      %dma_start3A_107 = arith.constant 0 : i32
      %dma_start3A_108 = tpu.memref_slice %arg6[%dma_start3A_106, %dma_start3A_107] : memref<1024x64xbf16, #tpu.memory_space<vmem>> -> memref<256x64xbf16, #tpu.memory_space<vmem>>
      %dma_start3A_109 = arith.constant 128 : i32
      %dma_start3A_110 = tpu.memref_slice %arg4[%run_scoped3A_52, %mul3A_2, %dma_start3A_109] : memref<7x8192x256xbf16, #tpu.memory_space<hbm>> -> memref<1x256x64xbf16, #tpu.memory_space<hbm>>
      %dma_start3A_111 = tpu.memref_squeeze %dma_start3A_110 : memref<1x256x64xbf16, #tpu.memory_space<hbm>> -> memref<256x64xbf16, #tpu.memory_space<hbm>>
      %dma_start3A_112 = arith.constant 128 : i32
      %dma_start3A_113 = tpu.memref_slice %arg4[%run_scoped3A_52, %mul3A_2, %dma_start3A_112] : memref<7x8192x256xbf16, #tpu.memory_space<hbm>> -> memref<1x256x64xbf16, #tpu.memory_space<hbm>>
      %dma_start3A_114 = tpu.memref_squeeze %dma_start3A_113 : memref<1x256x64xbf16, #tpu.memory_space<hbm>> -> memref<256x64xbf16, #tpu.memory_space<hbm>>
      %dma_start3A_115 = arith.constant 512 : i32
      %dma_start3A_116 = arith.constant 0 : i32
      %dma_start3A_117 = tpu.memref_slice %arg6[%dma_start3A_115, %dma_start3A_116] : memref<1024x64xbf16, #tpu.memory_space<vmem>> -> memref<256x64xbf16, #tpu.memory_space<vmem>>
      tpu.enqueue_dma source(%dma_start3A_117 : memref<256x64xbf16, #tpu.memory_space<vmem>>) target(%dma_start3A_114 : memref<256x64xbf16, #tpu.memory_space<hbm>>) target_semaphore(%run_scoped3A_105 : memref<!tpu.dma_semaphore, #tpu.memory_space<semaphore_mem>>)
      %dma_wait3A_118 = arith.constant 512 : i32
      %dma_wait3A_119 = arith.constant 0 : i32
      %dma_wait3A_120 = tpu.memref_slice %arg6[%dma_wait3A_118, %dma_wait3A_119] : memref<1024x64xbf16, #tpu.memory_space<vmem>> -> memref<256x64xbf16, #tpu.memory_space<vmem>>
      %dma_wait3A_121 = arith.constant 128 : i32
      %dma_wait3A_122 = tpu.memref_slice %arg4[%run_scoped3A_52, %mul3A_2, %dma_wait3A_121] : memref<7x8192x256xbf16, #tpu.memory_space<hbm>> -> memref<1x256x64xbf16, #tpu.memory_space<hbm>>
      %dma_wait3A_123 = tpu.memref_squeeze %dma_wait3A_122 : memref<1x256x64xbf16, #tpu.memory_space<hbm>> -> memref<256x64xbf16, #tpu.memory_space<hbm>>
      %dma_wait3A_124 = arith.constant 128 : i32
      %dma_wait3A_125 = tpu.memref_slice %arg4[%run_scoped3A_52, %mul3A_2, %dma_wait3A_124] : memref<7x8192x256xbf16, #tpu.memory_space<hbm>> -> memref<1x256x64xbf16, #tpu.memory_space<hbm>>
      %dma_wait3A_126 = tpu.memref_squeeze %dma_wait3A_125 : memref<1x256x64xbf16, #tpu.memory_space<hbm>> -> memref<256x64xbf16, #tpu.memory_space<hbm>>
      %dma_wait3A_127 = arith.constant 512 : i32
      %dma_wait3A_128 = arith.constant 0 : i32
      %dma_wait3A_129 = tpu.memref_slice %arg6[%dma_wait3A_127, %dma_wait3A_128] : memref<1024x64xbf16, #tpu.memory_space<vmem>> -> memref<256x64xbf16, #tpu.memory_space<vmem>>
      tpu.wait_dma2 semaphore(%run_scoped3A_105 : memref<!tpu.dma_semaphore, #tpu.memory_space<semaphore_mem>>) src(%dma_wait3A_129 : memref<256x64xbf16, #tpu.memory_space<vmem>>) dst(%dma_wait3A_126 : memref<256x64xbf16, #tpu.memory_space<hbm>>)
      tpu.yield
    }) : () -> ()
    %run_scoped3A_53 = arith.constant 2 : i32
    "tpu.region"() ({
      %run_scoped3A_105 = tpu.sem_alloc : memref<!tpu.dma_semaphore, #tpu.memory_space<semaphore_mem>>
      %dma_start3A_106 = arith.constant 768 : i32
      %dma_start3A_107 = arith.constant 0 : i32
      %dma_start3A_108 = tpu.memref_slice %arg6[%dma_start3A_106, %dma_start3A_107] : memref<1024x64xbf16, #tpu.memory_space<vmem>> -> memref<256x64xbf16, #tpu.memory_space<vmem>>
      %dma_start3A_109 = arith.constant 192 : i32
      %dma_start3A_110 = tpu.memref_slice %arg4[%run_scoped3A_53, %mul3A_2, %dma_start3A_109] : memref<7x8192x256xbf16, #tpu.memory_space<hbm>> -> memref<1x256x64xbf16, #tpu.memory_space<hbm>>
      %dma_start3A_111 = tpu.memref_squeeze %dma_start3A_110 : memref<1x256x64xbf16, #tpu.memory_space<hbm>> -> memref<256x64xbf16, #tpu.memory_space<hbm>>
      %dma_start3A_112 = arith.constant 192 : i32
      %dma_start3A_113 = tpu.memref_slice %arg4[%run_scoped3A_53, %mul3A_2, %dma_start3A_112] : memref<7x8192x256xbf16, #tpu.memory_space<hbm>> -> memref<1x256x64xbf16, #tpu.memory_space<hbm>>
      %dma_start3A_114 = tpu.memref_squeeze %dma_start3A_113 : memref<1x256x64xbf16, #tpu.memory_space<hbm>> -> memref<256x64xbf16, #tpu.memory_space<hbm>>
      %dma_start3A_115 = arith.constant 768 : i32
      %dma_start3A_116 = arith.constant 0 : i32
      %dma_start3A_117 = tpu.memref_slice %arg6[%dma_start3A_115, %dma_start3A_116] : memref<1024x64xbf16, #tpu.memory_space<vmem>> -> memref<256x64xbf16, #tpu.memory_space<vmem>>
      tpu.enqueue_dma source(%dma_start3A_117 : memref<256x64xbf16, #tpu.memory_space<vmem>>) target(%dma_start3A_114 : memref<256x64xbf16, #tpu.memory_space<hbm>>) target_semaphore(%run_scoped3A_105 : memref<!tpu.dma_semaphore, #tpu.memory_space<semaphore_mem>>)
      %dma_wait3A_118 = arith.constant 768 : i32
      %dma_wait3A_119 = arith.constant 0 : i32
      %dma_wait3A_120 = tpu.memref_slice %arg6[%dma_wait3A_118, %dma_wait3A_119] : memref<1024x64xbf16, #tpu.memory_space<vmem>> -> memref<256x64xbf16, #tpu.memory_space<vmem>>
      %dma_wait3A_121 = arith.constant 192 : i32
      %dma_wait3A_122 = tpu.memref_slice %arg4[%run_scoped3A_53, %mul3A_2, %dma_wait3A_121] : memref<7x8192x256xbf16, #tpu.memory_space<hbm>> -> memref<1x256x64xbf16, #tpu.memory_space<hbm>>
      %dma_wait3A_123 = tpu.memref_squeeze %dma_wait3A_122 : memref<1x256x64xbf16, #tpu.memory_space<hbm>> -> memref<256x64xbf16, #tpu.memory_space<hbm>>
      %dma_wait3A_124 = arith.constant 192 : i32
      %dma_wait3A_125 = tpu.memref_slice %arg4[%run_scoped3A_53, %mul3A_2, %dma_wait3A_124] : memref<7x8192x256xbf16, #tpu.memory_space<hbm>> -> memref<1x256x64xbf16, #tpu.memory_space<hbm>>
      %dma_wait3A_126 = tpu.memref_squeeze %dma_wait3A_125 : memref<1x256x64xbf16, #tpu.memory_space<hbm>> -> memref<256x64xbf16, #tpu.memory_space<hbm>>
      %dma_wait3A_127 = arith.constant 768 : i32
      %dma_wait3A_128 = arith.constant 0 : i32
      %dma_wait3A_129 = tpu.memref_slice %arg6[%dma_wait3A_127, %dma_wait3A_128] : memref<1024x64xbf16, #tpu.memory_space<vmem>> -> memref<256x64xbf16, #tpu.memory_space<vmem>>
      tpu.wait_dma2 semaphore(%run_scoped3A_105 : memref<!tpu.dma_semaphore, #tpu.memory_space<semaphore_mem>>) src(%dma_wait3A_129 : memref<256x64xbf16, #tpu.memory_space<vmem>>) dst(%dma_wait3A_126 : memref<256x64xbf16, #tpu.memory_space<hbm>>)
      tpu.yield
    }) : () -> ()
    %dma_wait3A_54 = arith.constant 3072 : i32
    %dma_wait3A_55 = tpu.memref_slice %arg5[%dma_wait3A_54] : memref<7168xi32, #tpu.memory_space<vmem>> -> memref<1024xi32, #tpu.memory_space<vmem>>
    %dma_wait3A_56 = arith.constant 0 : i32
    %dma_wait3A_57 = arith.constant 0 : i32
    %dma_wait3A_58 = tpu.memref_slice %arg3[%dma_wait3A_56, %dma_wait3A_57] : memref<28000x64xbf16, #tpu.memory_space<hbm>> -> memref<28000x64xbf16, #tpu.memory_space<hbm>>
    tpu.wait_indirect_dma semaphore(%arg9 : memref<!tpu.dma_semaphore, #tpu.memory_space<semaphore_mem>>) src(%dma_wait3A_58 : memref<28000x64xbf16, #tpu.memory_space<hbm>>) dst(%arg7 : memref<1024x64xbf16, #tpu.memory_space<vmem>>)
    %dma_start3A_59 = arith.constant 4096 : i32
    %dma_start3A_60 = tpu.memref_slice %arg5[%dma_start3A_59] : memref<7168xi32, #tpu.memory_space<vmem>> -> memref<1024xi32, #tpu.memory_space<vmem>>
    %dma_start3A_61 = arith.constant 0 : i32
    %dma_start3A_62 = arith.constant 0 : i32
    %dma_start3A_63 = tpu.memref_slice %arg3[%dma_start3A_61, %dma_start3A_62] : memref<28000x64xbf16, #tpu.memory_space<hbm>> -> memref<28000x64xbf16, #tpu.memory_space<hbm>>
    tpu.enqueue_indirect_dma source(%dma_start3A_63 : memref<28000x64xbf16, #tpu.memory_space<hbm>>) target(%arg6 : memref<1024x64xbf16, #tpu.memory_space<vmem>>) offsets(%dma_start3A_60 : memref<1024xi32, #tpu.memory_space<vmem>>) semaphore(%arg8 : memref<!tpu.dma_semaphore, #tpu.memory_space<semaphore_mem>>)
    %run_scoped3A_64 = arith.constant 3 : i32
    "tpu.region"() ({
      %run_scoped3A_105 = tpu.sem_alloc : memref<!tpu.dma_semaphore, #tpu.memory_space<semaphore_mem>>
      %dma_start3A_106 = arith.constant 0 : i32
      %dma_start3A_107 = arith.constant 0 : i32
      %dma_start3A_108 = tpu.memref_slice %arg7[%dma_start3A_106, %dma_start3A_107] : memref<1024x64xbf16, #tpu.memory_space<vmem>> -> memref<256x64xbf16, #tpu.memory_space<vmem>>
      %dma_start3A_109 = arith.constant 0 : i32
      %dma_start3A_110 = tpu.memref_slice %arg4[%run_scoped3A_64, %mul3A_2, %dma_start3A_109] : memref<7x8192x256xbf16, #tpu.memory_space<hbm>> -> memref<1x256x64xbf16, #tpu.memory_space<hbm>>
      %dma_start3A_111 = tpu.memref_squeeze %dma_start3A_110 : memref<1x256x64xbf16, #tpu.memory_space<hbm>> -> memref<256x64xbf16, #tpu.memory_space<hbm>>
      %dma_start3A_112 = arith.constant 0 : i32
      %dma_start3A_113 = tpu.memref_slice %arg4[%run_scoped3A_64, %mul3A_2, %dma_start3A_112] : memref<7x8192x256xbf16, #tpu.memory_space<hbm>> -> memref<1x256x64xbf16, #tpu.memory_space<hbm>>
      %dma_start3A_114 = tpu.memref_squeeze %dma_start3A_113 : memref<1x256x64xbf16, #tpu.memory_space<hbm>> -> memref<256x64xbf16, #tpu.memory_space<hbm>>
      %dma_start3A_115 = arith.constant 0 : i32
      %dma_start3A_116 = arith.constant 0 : i32
      %dma_start3A_117 = tpu.memref_slice %arg7[%dma_start3A_115, %dma_start3A_116] : memref<1024x64xbf16, #tpu.memory_space<vmem>> -> memref<256x64xbf16, #tpu.memory_space<vmem>>
      tpu.enqueue_dma source(%dma_start3A_117 : memref<256x64xbf16, #tpu.memory_space<vmem>>) target(%dma_start3A_114 : memref<256x64xbf16, #tpu.memory_space<hbm>>) target_semaphore(%run_scoped3A_105 : memref<!tpu.dma_semaphore, #tpu.memory_space<semaphore_mem>>)
      %dma_wait3A_118 = arith.constant 0 : i32
      %dma_wait3A_119 = arith.constant 0 : i32
      %dma_wait3A_120 = tpu.memref_slice %arg7[%dma_wait3A_118, %dma_wait3A_119] : memref<1024x64xbf16, #tpu.memory_space<vmem>> -> memref<256x64xbf16, #tpu.memory_space<vmem>>
      %dma_wait3A_121 = arith.constant 0 : i32
      %dma_wait3A_122 = tpu.memref_slice %arg4[%run_scoped3A_64, %mul3A_2, %dma_wait3A_121] : memref<7x8192x256xbf16, #tpu.memory_space<hbm>> -> memref<1x256x64xbf16, #tpu.memory_space<hbm>>
      %dma_wait3A_123 = tpu.memref_squeeze %dma_wait3A_122 : memref<1x256x64xbf16, #tpu.memory_space<hbm>> -> memref<256x64xbf16, #tpu.memory_space<hbm>>
      %dma_wait3A_124 = arith.constant 0 : i32
      %dma_wait3A_125 = tpu.memref_slice %arg4[%run_scoped3A_64, %mul3A_2, %dma_wait3A_124] : memref<7x8192x256xbf16, #tpu.memory_space<hbm>> -> memref<1x256x64xbf16, #tpu.memory_space<hbm>>
      %dma_wait3A_126 = tpu.memref_squeeze %dma_wait3A_125 : memref<1x256x64xbf16, #tpu.memory_space<hbm>> -> memref<256x64xbf16, #tpu.memory_space<hbm>>
      %dma_wait3A_127 = arith.constant 0 : i32
      %dma_wait3A_128 = arith.constant 0 : i32
      %dma_wait3A_129 = tpu.memref_slice %arg7[%dma_wait3A_127, %dma_wait3A_128] : memref<1024x64xbf16, #tpu.memory_space<vmem>> -> memref<256x64xbf16, #tpu.memory_space<vmem>>
      tpu.wait_dma2 semaphore(%run_scoped3A_105 : memref<!tpu.dma_semaphore, #tpu.memory_space<semaphore_mem>>) src(%dma_wait3A_129 : memref<256x64xbf16, #tpu.memory_space<vmem>>) dst(%dma_wait3A_126 : memref<256x64xbf16, #tpu.memory_space<hbm>>)
      tpu.yield
    }) : () -> ()
    %run_scoped3A_65 = arith.constant 3 : i32
    "tpu.region"() ({
      %run_scoped3A_105 = tpu.sem_alloc : memref<!tpu.dma_semaphore, #tpu.memory_space<semaphore_mem>>
      %dma_start3A_106 = arith.constant 256 : i32
      %dma_start3A_107 = arith.constant 0 : i32
      %dma_start3A_108 = tpu.memref_slice %arg7[%dma_start3A_106, %dma_start3A_107] : memref<1024x64xbf16, #tpu.memory_space<vmem>> -> memref<256x64xbf16, #tpu.memory_space<vmem>>
      %dma_start3A_109 = arith.constant 64 : i32
      %dma_start3A_110 = tpu.memref_slice %arg4[%run_scoped3A_65, %mul3A_2, %dma_start3A_109] : memref<7x8192x256xbf16, #tpu.memory_space<hbm>> -> memref<1x256x64xbf16, #tpu.memory_space<hbm>>
      %dma_start3A_111 = tpu.memref_squeeze %dma_start3A_110 : memref<1x256x64xbf16, #tpu.memory_space<hbm>> -> memref<256x64xbf16, #tpu.memory_space<hbm>>
      %dma_start3A_112 = arith.constant 64 : i32
      %dma_start3A_113 = tpu.memref_slice %arg4[%run_scoped3A_65, %mul3A_2, %dma_start3A_112] : memref<7x8192x256xbf16, #tpu.memory_space<hbm>> -> memref<1x256x64xbf16, #tpu.memory_space<hbm>>
      %dma_start3A_114 = tpu.memref_squeeze %dma_start3A_113 : memref<1x256x64xbf16, #tpu.memory_space<hbm>> -> memref<256x64xbf16, #tpu.memory_space<hbm>>
      %dma_start3A_115 = arith.constant 256 : i32
      %dma_start3A_116 = arith.constant 0 : i32
      %dma_start3A_117 = tpu.memref_slice %arg7[%dma_start3A_115, %dma_start3A_116] : memref<1024x64xbf16, #tpu.memory_space<vmem>> -> memref<256x64xbf16, #tpu.memory_space<vmem>>
      tpu.enqueue_dma source(%dma_start3A_117 : memref<256x64xbf16, #tpu.memory_space<vmem>>) target(%dma_start3A_114 : memref<256x64xbf16, #tpu.memory_space<hbm>>) target_semaphore(%run_scoped3A_105 : memref<!tpu.dma_semaphore, #tpu.memory_space<semaphore_mem>>)
      %dma_wait3A_118 = arith.constant 256 : i32
      %dma_wait3A_119 = arith.constant 0 : i32
      %dma_wait3A_120 = tpu.memref_slice %arg7[%dma_wait3A_118, %dma_wait3A_119] : memref<1024x64xbf16, #tpu.memory_space<vmem>> -> memref<256x64xbf16, #tpu.memory_space<vmem>>
      %dma_wait3A_121 = arith.constant 64 : i32
      %dma_wait3A_122 = tpu.memref_slice %arg4[%run_scoped3A_65, %mul3A_2, %dma_wait3A_121] : memref<7x8192x256xbf16, #tpu.memory_space<hbm>> -> memref<1x256x64xbf16, #tpu.memory_space<hbm>>
      %dma_wait3A_123 = tpu.memref_squeeze %dma_wait3A_122 : memref<1x256x64xbf16, #tpu.memory_space<hbm>> -> memref<256x64xbf16, #tpu.memory_space<hbm>>
      %dma_wait3A_124 = arith.constant 64 : i32
      %dma_wait3A_125 = tpu.memref_slice %arg4[%run_scoped3A_65, %mul3A_2, %dma_wait3A_124] : memref<7x8192x256xbf16, #tpu.memory_space<hbm>> -> memref<1x256x64xbf16, #tpu.memory_space<hbm>>
      %dma_wait3A_126 = tpu.memref_squeeze %dma_wait3A_125 : memref<1x256x64xbf16, #tpu.memory_space<hbm>> -> memref<256x64xbf16, #tpu.memory_space<hbm>>
      %dma_wait3A_127 = arith.constant 256 : i32
      %dma_wait3A_128 = arith.constant 0 : i32
      %dma_wait3A_129 = tpu.memref_slice %arg7[%dma_wait3A_127, %dma_wait3A_128] : memref<1024x64xbf16, #tpu.memory_space<vmem>> -> memref<256x64xbf16, #tpu.memory_space<vmem>>
      tpu.wait_dma2 semaphore(%run_scoped3A_105 : memref<!tpu.dma_semaphore, #tpu.memory_space<semaphore_mem>>) src(%dma_wait3A_129 : memref<256x64xbf16, #tpu.memory_space<vmem>>) dst(%dma_wait3A_126 : memref<256x64xbf16, #tpu.memory_space<hbm>>)
      tpu.yield
    }) : () -> ()
    %run_scoped3A_66 = arith.constant 3 : i32
    "tpu.region"() ({
      %run_scoped3A_105 = tpu.sem_alloc : memref<!tpu.dma_semaphore, #tpu.memory_space<semaphore_mem>>
      %dma_start3A_106 = arith.constant 512 : i32
      %dma_start3A_107 = arith.constant 0 : i32
      %dma_start3A_108 = tpu.memref_slice %arg7[%dma_start3A_106, %dma_start3A_107] : memref<1024x64xbf16, #tpu.memory_space<vmem>> -> memref<256x64xbf16, #tpu.memory_space<vmem>>
      %dma_start3A_109 = arith.constant 128 : i32
      %dma_start3A_110 = tpu.memref_slice %arg4[%run_scoped3A_66, %mul3A_2, %dma_start3A_109] : memref<7x8192x256xbf16, #tpu.memory_space<hbm>> -> memref<1x256x64xbf16, #tpu.memory_space<hbm>>
      %dma_start3A_111 = tpu.memref_squeeze %dma_start3A_110 : memref<1x256x64xbf16, #tpu.memory_space<hbm>> -> memref<256x64xbf16, #tpu.memory_space<hbm>>
      %dma_start3A_112 = arith.constant 128 : i32
      %dma_start3A_113 = tpu.memref_slice %arg4[%run_scoped3A_66, %mul3A_2, %dma_start3A_112] : memref<7x8192x256xbf16, #tpu.memory_space<hbm>> -> memref<1x256x64xbf16, #tpu.memory_space<hbm>>
      %dma_start3A_114 = tpu.memref_squeeze %dma_start3A_113 : memref<1x256x64xbf16, #tpu.memory_space<hbm>> -> memref<256x64xbf16, #tpu.memory_space<hbm>>
      %dma_start3A_115 = arith.constant 512 : i32
      %dma_start3A_116 = arith.constant 0 : i32
      %dma_start3A_117 = tpu.memref_slice %arg7[%dma_start3A_115, %dma_start3A_116] : memref<1024x64xbf16, #tpu.memory_space<vmem>> -> memref<256x64xbf16, #tpu.memory_space<vmem>>
      tpu.enqueue_dma source(%dma_start3A_117 : memref<256x64xbf16, #tpu.memory_space<vmem>>) target(%dma_start3A_114 : memref<256x64xbf16, #tpu.memory_space<hbm>>) target_semaphore(%run_scoped3A_105 : memref<!tpu.dma_semaphore, #tpu.memory_space<semaphore_mem>>)
      %dma_wait3A_118 = arith.constant 512 : i32
      %dma_wait3A_119 = arith.constant 0 : i32
      %dma_wait3A_120 = tpu.memref_slice %arg7[%dma_wait3A_118, %dma_wait3A_119] : memref<1024x64xbf16, #tpu.memory_space<vmem>> -> memref<256x64xbf16, #tpu.memory_space<vmem>>
      %dma_wait3A_121 = arith.constant 128 : i32
      %dma_wait3A_122 = tpu.memref_slice %arg4[%run_scoped3A_66, %mul3A_2, %dma_wait3A_121] : memref<7x8192x256xbf16, #tpu.memory_space<hbm>> -> memref<1x256x64xbf16, #tpu.memory_space<hbm>>
      %dma_wait3A_123 = tpu.memref_squeeze %dma_wait3A_122 : memref<1x256x64xbf16, #tpu.memory_space<hbm>> -> memref<256x64xbf16, #tpu.memory_space<hbm>>
      %dma_wait3A_124 = arith.constant 128 : i32
      %dma_wait3A_125 = tpu.memref_slice %arg4[%run_scoped3A_66, %mul3A_2, %dma_wait3A_124] : memref<7x8192x256xbf16, #tpu.memory_space<hbm>> -> memref<1x256x64xbf16, #tpu.memory_space<hbm>>
      %dma_wait3A_126 = tpu.memref_squeeze %dma_wait3A_125 : memref<1x256x64xbf16, #tpu.memory_space<hbm>> -> memref<256x64xbf16, #tpu.memory_space<hbm>>
      %dma_wait3A_127 = arith.constant 512 : i32
      %dma_wait3A_128 = arith.constant 0 : i32
      %dma_wait3A_129 = tpu.memref_slice %arg7[%dma_wait3A_127, %dma_wait3A_128] : memref<1024x64xbf16, #tpu.memory_space<vmem>> -> memref<256x64xbf16, #tpu.memory_space<vmem>>
      tpu.wait_dma2 semaphore(%run_scoped3A_105 : memref<!tpu.dma_semaphore, #tpu.memory_space<semaphore_mem>>) src(%dma_wait3A_129 : memref<256x64xbf16, #tpu.memory_space<vmem>>) dst(%dma_wait3A_126 : memref<256x64xbf16, #tpu.memory_space<hbm>>)
      tpu.yield
    }) : () -> ()
    %run_scoped3A_67 = arith.constant 3 : i32
    "tpu.region"() ({
      %run_scoped3A_105 = tpu.sem_alloc : memref<!tpu.dma_semaphore, #tpu.memory_space<semaphore_mem>>
      %dma_start3A_106 = arith.constant 768 : i32
      %dma_start3A_107 = arith.constant 0 : i32
      %dma_start3A_108 = tpu.memref_slice %arg7[%dma_start3A_106, %dma_start3A_107] : memref<1024x64xbf16, #tpu.memory_space<vmem>> -> memref<256x64xbf16, #tpu.memory_space<vmem>>
      %dma_start3A_109 = arith.constant 192 : i32
      %dma_start3A_110 = tpu.memref_slice %arg4[%run_scoped3A_67, %mul3A_2, %dma_start3A_109] : memref<7x8192x256xbf16, #tpu.memory_space<hbm>> -> memref<1x256x64xbf16, #tpu.memory_space<hbm>>
      %dma_start3A_111 = tpu.memref_squeeze %dma_start3A_110 : memref<1x256x64xbf16, #tpu.memory_space<hbm>> -> memref<256x64xbf16, #tpu.memory_space<hbm>>
      %dma_start3A_112 = arith.constant 192 : i32
      %dma_start3A_113 = tpu.memref_slice %arg4[%run_scoped3A_67, %mul3A_2, %dma_start3A_112] : memref<7x8192x256xbf16, #tpu.memory_space<hbm>> -> memref<1x256x64xbf16, #tpu.memory_space<hbm>>
      %dma_start3A_114 = tpu.memref_squeeze %dma_start3A_113 : memref<1x256x64xbf16, #tpu.memory_space<hbm>> -> memref<256x64xbf16, #tpu.memory_space<hbm>>
      %dma_start3A_115 = arith.constant 768 : i32
      %dma_start3A_116 = arith.constant 0 : i32
      %dma_start3A_117 = tpu.memref_slice %arg7[%dma_start3A_115, %dma_start3A_116] : memref<1024x64xbf16, #tpu.memory_space<vmem>> -> memref<256x64xbf16, #tpu.memory_space<vmem>>
      tpu.enqueue_dma source(%dma_start3A_117 : memref<256x64xbf16, #tpu.memory_space<vmem>>) target(%dma_start3A_114 : memref<256x64xbf16, #tpu.memory_space<hbm>>) target_semaphore(%run_scoped3A_105 : memref<!tpu.dma_semaphore, #tpu.memory_space<semaphore_mem>>)
      %dma_wait3A_118 = arith.constant 768 : i32
      %dma_wait3A_119 = arith.constant 0 : i32
      %dma_wait3A_120 = tpu.memref_slice %arg7[%dma_wait3A_118, %dma_wait3A_119] : memref<1024x64xbf16, #tpu.memory_space<vmem>> -> memref<256x64xbf16, #tpu.memory_space<vmem>>
      %dma_wait3A_121 = arith.constant 192 : i32
      %dma_wait3A_122 = tpu.memref_slice %arg4[%run_scoped3A_67, %mul3A_2, %dma_wait3A_121] : memref<7x8192x256xbf16, #tpu.memory_space<hbm>> -> memref<1x256x64xbf16, #tpu.memory_space<hbm>>
      %dma_wait3A_123 = tpu.memref_squeeze %dma_wait3A_122 : memref<1x256x64xbf16, #tpu.memory_space<hbm>> -> memref<256x64xbf16, #tpu.memory_space<hbm>>
      %dma_wait3A_124 = arith.constant 192 : i32
      %dma_wait3A_125 = tpu.memref_slice %arg4[%run_scoped3A_67, %mul3A_2, %dma_wait3A_124] : memref<7x8192x256xbf16, #tpu.memory_space<hbm>> -> memref<1x256x64xbf16, #tpu.memory_space<hbm>>
      %dma_wait3A_126 = tpu.memref_squeeze %dma_wait3A_125 : memref<1x256x64xbf16, #tpu.memory_space<hbm>> -> memref<256x64xbf16, #tpu.memory_space<hbm>>
      %dma_wait3A_127 = arith.constant 768 : i32
      %dma_wait3A_128 = arith.constant 0 : i32
      %dma_wait3A_129 = tpu.memref_slice %arg7[%dma_wait3A_127, %dma_wait3A_128] : memref<1024x64xbf16, #tpu.memory_space<vmem>> -> memref<256x64xbf16, #tpu.memory_space<vmem>>
      tpu.wait_dma2 semaphore(%run_scoped3A_105 : memref<!tpu.dma_semaphore, #tpu.memory_space<semaphore_mem>>) src(%dma_wait3A_129 : memref<256x64xbf16, #tpu.memory_space<vmem>>) dst(%dma_wait3A_126 : memref<256x64xbf16, #tpu.memory_space<hbm>>)
      tpu.yield
    }) : () -> ()
    %dma_wait3A_68 = arith.constant 4096 : i32
    %dma_wait3A_69 = tpu.memref_slice %arg5[%dma_wait3A_68] : memref<7168xi32, #tpu.memory_space<vmem>> -> memref<1024xi32, #tpu.memory_space<vmem>>
    %dma_wait3A_70 = arith.constant 0 : i32
    %dma_wait3A_71 = arith.constant 0 : i32
    %dma_wait3A_72 = tpu.memref_slice %arg3[%dma_wait3A_70, %dma_wait3A_71] : memref<28000x64xbf16, #tpu.memory_space<hbm>> -> memref<28000x64xbf16, #tpu.memory_space<hbm>>
    tpu.wait_indirect_dma semaphore(%arg8 : memref<!tpu.dma_semaphore, #tpu.memory_space<semaphore_mem>>) src(%dma_wait3A_72 : memref<28000x64xbf16, #tpu.memory_space<hbm>>) dst(%arg6 : memref<1024x64xbf16, #tpu.memory_space<vmem>>)
    %dma_start3A_73 = arith.constant 5120 : i32
    %dma_start3A_74 = tpu.memref_slice %arg5[%dma_start3A_73] : memref<7168xi32, #tpu.memory_space<vmem>> -> memref<1024xi32, #tpu.memory_space<vmem>>
    %dma_start3A_75 = arith.constant 0 : i32
    %dma_start3A_76 = arith.constant 0 : i32
    %dma_start3A_77 = tpu.memref_slice %arg3[%dma_start3A_75, %dma_start3A_76] : memref<28000x64xbf16, #tpu.memory_space<hbm>> -> memref<28000x64xbf16, #tpu.memory_space<hbm>>
    tpu.enqueue_indirect_dma source(%dma_start3A_77 : memref<28000x64xbf16, #tpu.memory_space<hbm>>) target(%arg7 : memref<1024x64xbf16, #tpu.memory_space<vmem>>) offsets(%dma_start3A_74 : memref<1024xi32, #tpu.memory_space<vmem>>) semaphore(%arg9 : memref<!tpu.dma_semaphore, #tpu.memory_space<semaphore_mem>>)
    %run_scoped3A_78 = arith.constant 4 : i32
    "tpu.region"() ({
      %run_scoped3A_105 = tpu.sem_alloc : memref<!tpu.dma_semaphore, #tpu.memory_space<semaphore_mem>>
      %dma_start3A_106 = arith.constant 0 : i32
      %dma_start3A_107 = arith.constant 0 : i32
      %dma_start3A_108 = tpu.memref_slice %arg6[%dma_start3A_106, %dma_start3A_107] : memref<1024x64xbf16, #tpu.memory_space<vmem>> -> memref<256x64xbf16, #tpu.memory_space<vmem>>
      %dma_start3A_109 = arith.constant 0 : i32
      %dma_start3A_110 = tpu.memref_slice %arg4[%run_scoped3A_78, %mul3A_2, %dma_start3A_109] : memref<7x8192x256xbf16, #tpu.memory_space<hbm>> -> memref<1x256x64xbf16, #tpu.memory_space<hbm>>
      %dma_start3A_111 = tpu.memref_squeeze %dma_start3A_110 : memref<1x256x64xbf16, #tpu.memory_space<hbm>> -> memref<256x64xbf16, #tpu.memory_space<hbm>>
      %dma_start3A_112 = arith.constant 0 : i32
      %dma_start3A_113 = tpu.memref_slice %arg4[%run_scoped3A_78, %mul3A_2, %dma_start3A_112] : memref<7x8192x256xbf16, #tpu.memory_space<hbm>> -> memref<1x256x64xbf16, #tpu.memory_space<hbm>>
      %dma_start3A_114 = tpu.memref_squeeze %dma_start3A_113 : memref<1x256x64xbf16, #tpu.memory_space<hbm>> -> memref<256x64xbf16, #tpu.memory_space<hbm>>
      %dma_start3A_115 = arith.constant 0 : i32
      %dma_start3A_116 = arith.constant 0 : i32
      %dma_start3A_117 = tpu.memref_slice %arg6[%dma_start3A_115, %dma_start3A_116] : memref<1024x64xbf16, #tpu.memory_space<vmem>> -> memref<256x64xbf16, #tpu.memory_space<vmem>>
      tpu.enqueue_dma source(%dma_start3A_117 : memref<256x64xbf16, #tpu.memory_space<vmem>>) target(%dma_start3A_114 : memref<256x64xbf16, #tpu.memory_space<hbm>>) target_semaphore(%run_scoped3A_105 : memref<!tpu.dma_semaphore, #tpu.memory_space<semaphore_mem>>)
      %dma_wait3A_118 = arith.constant 0 : i32
      %dma_wait3A_119 = arith.constant 0 : i32
      %dma_wait3A_120 = tpu.memref_slice %arg6[%dma_wait3A_118, %dma_wait3A_119] : memref<1024x64xbf16, #tpu.memory_space<vmem>> -> memref<256x64xbf16, #tpu.memory_space<vmem>>
      %dma_wait3A_121 = arith.constant 0 : i32
      %dma_wait3A_122 = tpu.memref_slice %arg4[%run_scoped3A_78, %mul3A_2, %dma_wait3A_121] : memref<7x8192x256xbf16, #tpu.memory_space<hbm>> -> memref<1x256x64xbf16, #tpu.memory_space<hbm>>
      %dma_wait3A_123 = tpu.memref_squeeze %dma_wait3A_122 : memref<1x256x64xbf16, #tpu.memory_space<hbm>> -> memref<256x64xbf16, #tpu.memory_space<hbm>>
      %dma_wait3A_124 = arith.constant 0 : i32
      %dma_wait3A_125 = tpu.memref_slice %arg4[%run_scoped3A_78, %mul3A_2, %dma_wait3A_124] : memref<7x8192x256xbf16, #tpu.memory_space<hbm>> -> memref<1x256x64xbf16, #tpu.memory_space<hbm>>
      %dma_wait3A_126 = tpu.memref_squeeze %dma_wait3A_125 : memref<1x256x64xbf16, #tpu.memory_space<hbm>> -> memref<256x64xbf16, #tpu.memory_space<hbm>>
      %dma_wait3A_127 = arith.constant 0 : i32
      %dma_wait3A_128 = arith.constant 0 : i32
      %dma_wait3A_129 = tpu.memref_slice %arg6[%dma_wait3A_127, %dma_wait3A_128] : memref<1024x64xbf16, #tpu.memory_space<vmem>> -> memref<256x64xbf16, #tpu.memory_space<vmem>>
      tpu.wait_dma2 semaphore(%run_scoped3A_105 : memref<!tpu.dma_semaphore, #tpu.memory_space<semaphore_mem>>) src(%dma_wait3A_129 : memref<256x64xbf16, #tpu.memory_space<vmem>>) dst(%dma_wait3A_126 : memref<256x64xbf16, #tpu.memory_space<hbm>>)
      tpu.yield
    }) : () -> ()
    %run_scoped3A_79 = arith.constant 4 : i32
    "tpu.region"() ({
      %run_scoped3A_105 = tpu.sem_alloc : memref<!tpu.dma_semaphore, #tpu.memory_space<semaphore_mem>>
      %dma_start3A_106 = arith.constant 256 : i32
      %dma_start3A_107 = arith.constant 0 : i32
      %dma_start3A_108 = tpu.memref_slice %arg6[%dma_start3A_106, %dma_start3A_107] : memref<1024x64xbf16, #tpu.memory_space<vmem>> -> memref<256x64xbf16, #tpu.memory_space<vmem>>
      %dma_start3A_109 = arith.constant 64 : i32
      %dma_start3A_110 = tpu.memref_slice %arg4[%run_scoped3A_79, %mul3A_2, %dma_start3A_109] : memref<7x8192x256xbf16, #tpu.memory_space<hbm>> -> memref<1x256x64xbf16, #tpu.memory_space<hbm>>
      %dma_start3A_111 = tpu.memref_squeeze %dma_start3A_110 : memref<1x256x64xbf16, #tpu.memory_space<hbm>> -> memref<256x64xbf16, #tpu.memory_space<hbm>>
      %dma_start3A_112 = arith.constant 64 : i32
      %dma_start3A_113 = tpu.memref_slice %arg4[%run_scoped3A_79, %mul3A_2, %dma_start3A_112] : memref<7x8192x256xbf16, #tpu.memory_space<hbm>> -> memref<1x256x64xbf16, #tpu.memory_space<hbm>>
      %dma_start3A_114 = tpu.memref_squeeze %dma_start3A_113 : memref<1x256x64xbf16, #tpu.memory_space<hbm>> -> memref<256x64xbf16, #tpu.memory_space<hbm>>
      %dma_start3A_115 = arith.constant 256 : i32
      %dma_start3A_116 = arith.constant 0 : i32
      %dma_start3A_117 = tpu.memref_slice %arg6[%dma_start3A_115, %dma_start3A_116] : memref<1024x64xbf16, #tpu.memory_space<vmem>> -> memref<256x64xbf16, #tpu.memory_space<vmem>>
      tpu.enqueue_dma source(%dma_start3A_117 : memref<256x64xbf16, #tpu.memory_space<vmem>>) target(%dma_start3A_114 : memref<256x64xbf16, #tpu.memory_space<hbm>>) target_semaphore(%run_scoped3A_105 : memref<!tpu.dma_semaphore, #tpu.memory_space<semaphore_mem>>)
      %dma_wait3A_118 = arith.constant 256 : i32
      %dma_wait3A_119 = arith.constant 0 : i32
      %dma_wait3A_120 = tpu.memref_slice %arg6[%dma_wait3A_118, %dma_wait3A_119] : memref<1024x64xbf16, #tpu.memory_space<vmem>> -> memref<256x64xbf16, #tpu.memory_space<vmem>>
      %dma_wait3A_121 = arith.constant 64 : i32
      %dma_wait3A_122 = tpu.memref_slice %arg4[%run_scoped3A_79, %mul3A_2, %dma_wait3A_121] : memref<7x8192x256xbf16, #tpu.memory_space<hbm>> -> memref<1x256x64xbf16, #tpu.memory_space<hbm>>
      %dma_wait3A_123 = tpu.memref_squeeze %dma_wait3A_122 : memref<1x256x64xbf16, #tpu.memory_space<hbm>> -> memref<256x64xbf16, #tpu.memory_space<hbm>>
      %dma_wait3A_124 = arith.constant 64 : i32
      %dma_wait3A_125 = tpu.memref_slice %arg4[%run_scoped3A_79, %mul3A_2, %dma_wait3A_124] : memref<7x8192x256xbf16, #tpu.memory_space<hbm>> -> memref<1x256x64xbf16, #tpu.memory_space<hbm>>
      %dma_wait3A_126 = tpu.memref_squeeze %dma_wait3A_125 : memref<1x256x64xbf16, #tpu.memory_space<hbm>> -> memref<256x64xbf16, #tpu.memory_space<hbm>>
      %dma_wait3A_127 = arith.constant 256 : i32
      %dma_wait3A_128 = arith.constant 0 : i32
      %dma_wait3A_129 = tpu.memref_slice %arg6[%dma_wait3A_127, %dma_wait3A_128] : memref<1024x64xbf16, #tpu.memory_space<vmem>> -> memref<256x64xbf16, #tpu.memory_space<vmem>>
      tpu.wait_dma2 semaphore(%run_scoped3A_105 : memref<!tpu.dma_semaphore, #tpu.memory_space<semaphore_mem>>) src(%dma_wait3A_129 : memref<256x64xbf16, #tpu.memory_space<vmem>>) dst(%dma_wait3A_126 : memref<256x64xbf16, #tpu.memory_space<hbm>>)
      tpu.yield
    }) : () -> ()
    %run_scoped3A_80 = arith.constant 4 : i32
    "tpu.region"() ({
      %run_scoped3A_105 = tpu.sem_alloc : memref<!tpu.dma_semaphore, #tpu.memory_space<semaphore_mem>>
      %dma_start3A_106 = arith.constant 512 : i32
      %dma_start3A_107 = arith.constant 0 : i32
      %dma_start3A_108 = tpu.memref_slice %arg6[%dma_start3A_106, %dma_start3A_107] : memref<1024x64xbf16, #tpu.memory_space<vmem>> -> memref<256x64xbf16, #tpu.memory_space<vmem>>
      %dma_start3A_109 = arith.constant 128 : i32
      %dma_start3A_110 = tpu.memref_slice %arg4[%run_scoped3A_80, %mul3A_2, %dma_start3A_109] : memref<7x8192x256xbf16, #tpu.memory_space<hbm>> -> memref<1x256x64xbf16, #tpu.memory_space<hbm>>
      %dma_start3A_111 = tpu.memref_squeeze %dma_start3A_110 : memref<1x256x64xbf16, #tpu.memory_space<hbm>> -> memref<256x64xbf16, #tpu.memory_space<hbm>>
      %dma_start3A_112 = arith.constant 128 : i32
      %dma_start3A_113 = tpu.memref_slice %arg4[%run_scoped3A_80, %mul3A_2, %dma_start3A_112] : memref<7x8192x256xbf16, #tpu.memory_space<hbm>> -> memref<1x256x64xbf16, #tpu.memory_space<hbm>>
      %dma_start3A_114 = tpu.memref_squeeze %dma_start3A_113 : memref<1x256x64xbf16, #tpu.memory_space<hbm>> -> memref<256x64xbf16, #tpu.memory_space<hbm>>
      %dma_start3A_115 = arith.constant 512 : i32
      %dma_start3A_116 = arith.constant 0 : i32
      %dma_start3A_117 = tpu.memref_slice %arg6[%dma_start3A_115, %dma_start3A_116] : memref<1024x64xbf16, #tpu.memory_space<vmem>> -> memref<256x64xbf16, #tpu.memory_space<vmem>>
      tpu.enqueue_dma source(%dma_start3A_117 : memref<256x64xbf16, #tpu.memory_space<vmem>>) target(%dma_start3A_114 : memref<256x64xbf16, #tpu.memory_space<hbm>>) target_semaphore(%run_scoped3A_105 : memref<!tpu.dma_semaphore, #tpu.memory_space<semaphore_mem>>)
      %dma_wait3A_118 = arith.constant 512 : i32
      %dma_wait3A_119 = arith.constant 0 : i32
      %dma_wait3A_120 = tpu.memref_slice %arg6[%dma_wait3A_118, %dma_wait3A_119] : memref<1024x64xbf16, #tpu.memory_space<vmem>> -> memref<256x64xbf16, #tpu.memory_space<vmem>>
      %dma_wait3A_121 = arith.constant 128 : i32
      %dma_wait3A_122 = tpu.memref_slice %arg4[%run_scoped3A_80, %mul3A_2, %dma_wait3A_121] : memref<7x8192x256xbf16, #tpu.memory_space<hbm>> -> memref<1x256x64xbf16, #tpu.memory_space<hbm>>
      %dma_wait3A_123 = tpu.memref_squeeze %dma_wait3A_122 : memref<1x256x64xbf16, #tpu.memory_space<hbm>> -> memref<256x64xbf16, #tpu.memory_space<hbm>>
      %dma_wait3A_124 = arith.constant 128 : i32
      %dma_wait3A_125 = tpu.memref_slice %arg4[%run_scoped3A_80, %mul3A_2, %dma_wait3A_124] : memref<7x8192x256xbf16, #tpu.memory_space<hbm>> -> memref<1x256x64xbf16, #tpu.memory_space<hbm>>
      %dma_wait3A_126 = tpu.memref_squeeze %dma_wait3A_125 : memref<1x256x64xbf16, #tpu.memory_space<hbm>> -> memref<256x64xbf16, #tpu.memory_space<hbm>>
      %dma_wait3A_127 = arith.constant 512 : i32
      %dma_wait3A_128 = arith.constant 0 : i32
      %dma_wait3A_129 = tpu.memref_slice %arg6[%dma_wait3A_127, %dma_wait3A_128] : memref<1024x64xbf16, #tpu.memory_space<vmem>> -> memref<256x64xbf16, #tpu.memory_space<vmem>>
      tpu.wait_dma2 semaphore(%run_scoped3A_105 : memref<!tpu.dma_semaphore, #tpu.memory_space<semaphore_mem>>) src(%dma_wait3A_129 : memref<256x64xbf16, #tpu.memory_space<vmem>>) dst(%dma_wait3A_126 : memref<256x64xbf16, #tpu.memory_space<hbm>>)
      tpu.yield
    }) : () -> ()
    %run_scoped3A_81 = arith.constant 4 : i32
    "tpu.region"() ({
      %run_scoped3A_105 = tpu.sem_alloc : memref<!tpu.dma_semaphore, #tpu.memory_space<semaphore_mem>>
      %dma_start3A_106 = arith.constant 768 : i32
      %dma_start3A_107 = arith.constant 0 : i32
      %dma_start3A_108 = tpu.memref_slice %arg6[%dma_start3A_106, %dma_start3A_107] : memref<1024x64xbf16, #tpu.memory_space<vmem>> -> memref<256x64xbf16, #tpu.memory_space<vmem>>
      %dma_start3A_109 = arith.constant 192 : i32
      %dma_start3A_110 = tpu.memref_slice %arg4[%run_scoped3A_81, %mul3A_2, %dma_start3A_109] : memref<7x8192x256xbf16, #tpu.memory_space<hbm>> -> memref<1x256x64xbf16, #tpu.memory_space<hbm>>
      %dma_start3A_111 = tpu.memref_squeeze %dma_start3A_110 : memref<1x256x64xbf16, #tpu.memory_space<hbm>> -> memref<256x64xbf16, #tpu.memory_space<hbm>>
      %dma_start3A_112 = arith.constant 192 : i32
      %dma_start3A_113 = tpu.memref_slice %arg4[%run_scoped3A_81, %mul3A_2, %dma_start3A_112] : memref<7x8192x256xbf16, #tpu.memory_space<hbm>> -> memref<1x256x64xbf16, #tpu.memory_space<hbm>>
      %dma_start3A_114 = tpu.memref_squeeze %dma_start3A_113 : memref<1x256x64xbf16, #tpu.memory_space<hbm>> -> memref<256x64xbf16, #tpu.memory_space<hbm>>
      %dma_start3A_115 = arith.constant 768 : i32
      %dma_start3A_116 = arith.constant 0 : i32
      %dma_start3A_117 = tpu.memref_slice %arg6[%dma_start3A_115, %dma_start3A_116] : memref<1024x64xbf16, #tpu.memory_space<vmem>> -> memref<256x64xbf16, #tpu.memory_space<vmem>>
      tpu.enqueue_dma source(%dma_start3A_117 : memref<256x64xbf16, #tpu.memory_space<vmem>>) target(%dma_start3A_114 : memref<256x64xbf16, #tpu.memory_space<hbm>>) target_semaphore(%run_scoped3A_105 : memref<!tpu.dma_semaphore, #tpu.memory_space<semaphore_mem>>)
      %dma_wait3A_118 = arith.constant 768 : i32
      %dma_wait3A_119 = arith.constant 0 : i32
      %dma_wait3A_120 = tpu.memref_slice %arg6[%dma_wait3A_118, %dma_wait3A_119] : memref<1024x64xbf16, #tpu.memory_space<vmem>> -> memref<256x64xbf16, #tpu.memory_space<vmem>>
      %dma_wait3A_121 = arith.constant 192 : i32
      %dma_wait3A_122 = tpu.memref_slice %arg4[%run_scoped3A_81, %mul3A_2, %dma_wait3A_121] : memref<7x8192x256xbf16, #tpu.memory_space<hbm>> -> memref<1x256x64xbf16, #tpu.memory_space<hbm>>
      %dma_wait3A_123 = tpu.memref_squeeze %dma_wait3A_122 : memref<1x256x64xbf16, #tpu.memory_space<hbm>> -> memref<256x64xbf16, #tpu.memory_space<hbm>>
      %dma_wait3A_124 = arith.constant 192 : i32
      %dma_wait3A_125 = tpu.memref_slice %arg4[%run_scoped3A_81, %mul3A_2, %dma_wait3A_124] : memref<7x8192x256xbf16, #tpu.memory_space<hbm>> -> memref<1x256x64xbf16, #tpu.memory_space<hbm>>
      %dma_wait3A_126 = tpu.memref_squeeze %dma_wait3A_125 : memref<1x256x64xbf16, #tpu.memory_space<hbm>> -> memref<256x64xbf16, #tpu.memory_space<hbm>>
      %dma_wait3A_127 = arith.constant 768 : i32
      %dma_wait3A_128 = arith.constant 0 : i32
      %dma_wait3A_129 = tpu.memref_slice %arg6[%dma_wait3A_127, %dma_wait3A_128] : memref<1024x64xbf16, #tpu.memory_space<vmem>> -> memref<256x64xbf16, #tpu.memory_space<vmem>>
      tpu.wait_dma2 semaphore(%run_scoped3A_105 : memref<!tpu.dma_semaphore, #tpu.memory_space<semaphore_mem>>) src(%dma_wait3A_129 : memref<256x64xbf16, #tpu.memory_space<vmem>>) dst(%dma_wait3A_126 : memref<256x64xbf16, #tpu.memory_space<hbm>>)
      tpu.yield
    }) : () -> ()
    %dma_wait3A_82 = arith.constant 5120 : i32
    %dma_wait3A_83 = tpu.memref_slice %arg5[%dma_wait3A_82] : memref<7168xi32, #tpu.memory_space<vmem>> -> memref<1024xi32, #tpu.memory_space<vmem>>
    %dma_wait3A_84 = arith.constant 0 : i32
    %dma_wait3A_85 = arith.constant 0 : i32
    %dma_wait3A_86 = tpu.memref_slice %arg3[%dma_wait3A_84, %dma_wait3A_85] : memref<28000x64xbf16, #tpu.memory_space<hbm>> -> memref<28000x64xbf16, #tpu.memory_space<hbm>>
    tpu.wait_indirect_dma semaphore(%arg9 : memref<!tpu.dma_semaphore, #tpu.memory_space<semaphore_mem>>) src(%dma_wait3A_86 : memref<28000x64xbf16, #tpu.memory_space<hbm>>) dst(%arg7 : memref<1024x64xbf16, #tpu.memory_space<vmem>>)
    %dma_start3A_87 = arith.constant 6144 : i32
    %dma_start3A_88 = tpu.memref_slice %arg5[%dma_start3A_87] : memref<7168xi32, #tpu.memory_space<vmem>> -> memref<1024xi32, #tpu.memory_space<vmem>>
    %dma_start3A_89 = arith.constant 0 : i32
    %dma_start3A_90 = arith.constant 0 : i32
    %dma_start3A_91 = tpu.memref_slice %arg3[%dma_start3A_89, %dma_start3A_90] : memref<28000x64xbf16, #tpu.memory_space<hbm>> -> memref<28000x64xbf16, #tpu.memory_space<hbm>>
    tpu.enqueue_indirect_dma source(%dma_start3A_91 : memref<28000x64xbf16, #tpu.memory_space<hbm>>) target(%arg6 : memref<1024x64xbf16, #tpu.memory_space<vmem>>) offsets(%dma_start3A_88 : memref<1024xi32, #tpu.memory_space<vmem>>) semaphore(%arg8 : memref<!tpu.dma_semaphore, #tpu.memory_space<semaphore_mem>>)
    %run_scoped3A_92 = arith.constant 5 : i32
    "tpu.region"() ({
      %run_scoped3A_105 = tpu.sem_alloc : memref<!tpu.dma_semaphore, #tpu.memory_space<semaphore_mem>>
      %dma_start3A_106 = arith.constant 0 : i32
      %dma_start3A_107 = arith.constant 0 : i32
      %dma_start3A_108 = tpu.memref_slice %arg7[%dma_start3A_106, %dma_start3A_107] : memref<1024x64xbf16, #tpu.memory_space<vmem>> -> memref<256x64xbf16, #tpu.memory_space<vmem>>
      %dma_start3A_109 = arith.constant 0 : i32
      %dma_start3A_110 = tpu.memref_slice %arg4[%run_scoped3A_92, %mul3A_2, %dma_start3A_109] : memref<7x8192x256xbf16, #tpu.memory_space<hbm>> -> memref<1x256x64xbf16, #tpu.memory_space<hbm>>
      %dma_start3A_111 = tpu.memref_squeeze %dma_start3A_110 : memref<1x256x64xbf16, #tpu.memory_space<hbm>> -> memref<256x64xbf16, #tpu.memory_space<hbm>>
      %dma_start3A_112 = arith.constant 0 : i32
      %dma_start3A_113 = tpu.memref_slice %arg4[%run_scoped3A_92, %mul3A_2, %dma_start3A_112] : memref<7x8192x256xbf16, #tpu.memory_space<hbm>> -> memref<1x256x64xbf16, #tpu.memory_space<hbm>>
      %dma_start3A_114 = tpu.memref_squeeze %dma_start3A_113 : memref<1x256x64xbf16, #tpu.memory_space<hbm>> -> memref<256x64xbf16, #tpu.memory_space<hbm>>
      %dma_start3A_115 = arith.constant 0 : i32
      %dma_start3A_116 = arith.constant 0 : i32
      %dma_start3A_117 = tpu.memref_slice %arg7[%dma_start3A_115, %dma_start3A_116] : memref<1024x64xbf16, #tpu.memory_space<vmem>> -> memref<256x64xbf16, #tpu.memory_space<vmem>>
      tpu.enqueue_dma source(%dma_start3A_117 : memref<256x64xbf16, #tpu.memory_space<vmem>>) target(%dma_start3A_114 : memref<256x64xbf16, #tpu.memory_space<hbm>>) target_semaphore(%run_scoped3A_105 : memref<!tpu.dma_semaphore, #tpu.memory_space<semaphore_mem>>)
      %dma_wait3A_118 = arith.constant 0 : i32
      %dma_wait3A_119 = arith.constant 0 : i32
      %dma_wait3A_120 = tpu.memref_slice %arg7[%dma_wait3A_118, %dma_wait3A_119] : memref<1024x64xbf16, #tpu.memory_space<vmem>> -> memref<256x64xbf16, #tpu.memory_space<vmem>>
      %dma_wait3A_121 = arith.constant 0 : i32
      %dma_wait3A_122 = tpu.memref_slice %arg4[%run_scoped3A_92, %mul3A_2, %dma_wait3A_121] : memref<7x8192x256xbf16, #tpu.memory_space<hbm>> -> memref<1x256x64xbf16, #tpu.memory_space<hbm>>
      %dma_wait3A_123 = tpu.memref_squeeze %dma_wait3A_122 : memref<1x256x64xbf16, #tpu.memory_space<hbm>> -> memref<256x64xbf16, #tpu.memory_space<hbm>>
      %dma_wait3A_124 = arith.constant 0 : i32
      %dma_wait3A_125 = tpu.memref_slice %arg4[%run_scoped3A_92, %mul3A_2, %dma_wait3A_124] : memref<7x8192x256xbf16, #tpu.memory_space<hbm>> -> memref<1x256x64xbf16, #tpu.memory_space<hbm>>
      %dma_wait3A_126 = tpu.memref_squeeze %dma_wait3A_125 : memref<1x256x64xbf16, #tpu.memory_space<hbm>> -> memref<256x64xbf16, #tpu.memory_space<hbm>>
      %dma_wait3A_127 = arith.constant 0 : i32
      %dma_wait3A_128 = arith.constant 0 : i32
      %dma_wait3A_129 = tpu.memref_slice %arg7[%dma_wait3A_127, %dma_wait3A_128] : memref<1024x64xbf16, #tpu.memory_space<vmem>> -> memref<256x64xbf16, #tpu.memory_space<vmem>>
      tpu.wait_dma2 semaphore(%run_scoped3A_105 : memref<!tpu.dma_semaphore, #tpu.memory_space<semaphore_mem>>) src(%dma_wait3A_129 : memref<256x64xbf16, #tpu.memory_space<vmem>>) dst(%dma_wait3A_126 : memref<256x64xbf16, #tpu.memory_space<hbm>>)
      tpu.yield
    }) : () -> ()
    %run_scoped3A_93 = arith.constant 5 : i32
    "tpu.region"() ({
      %run_scoped3A_105 = tpu.sem_alloc : memref<!tpu.dma_semaphore, #tpu.memory_space<semaphore_mem>>
      %dma_start3A_106 = arith.constant 256 : i32
      %dma_start3A_107 = arith.constant 0 : i32
      %dma_start3A_108 = tpu.memref_slice %arg7[%dma_start3A_106, %dma_start3A_107] : memref<1024x64xbf16, #tpu.memory_space<vmem>> -> memref<256x64xbf16, #tpu.memory_space<vmem>>
      %dma_start3A_109 = arith.constant 64 : i32
      %dma_start3A_110 = tpu.memref_slice %arg4[%run_scoped3A_93, %mul3A_2, %dma_start3A_109] : memref<7x8192x256xbf16, #tpu.memory_space<hbm>> -> memref<1x256x64xbf16, #tpu.memory_space<hbm>>
      %dma_start3A_111 = tpu.memref_squeeze %dma_start3A_110 : memref<1x256x64xbf16, #tpu.memory_space<hbm>> -> memref<256x64xbf16, #tpu.memory_space<hbm>>
      %dma_start3A_112 = arith.constant 64 : i32
      %dma_start3A_113 = tpu.memref_slice %arg4[%run_scoped3A_93, %mul3A_2, %dma_start3A_112] : memref<7x8192x256xbf16, #tpu.memory_space<hbm>> -> memref<1x256x64xbf16, #tpu.memory_space<hbm>>
      %dma_start3A_114 = tpu.memref_squeeze %dma_start3A_113 : memref<1x256x64xbf16, #tpu.memory_space<hbm>> -> memref<256x64xbf16, #tpu.memory_space<hbm>>
      %dma_start3A_115 = arith.constant 256 : i32
      %dma_start3A_116 = arith.constant 0 : i32
      %dma_start3A_117 = tpu.memref_slice %arg7[%dma_start3A_115, %dma_start3A_116] : memref<1024x64xbf16, #tpu.memory_space<vmem>> -> memref<256x64xbf16, #tpu.memory_space<vmem>>
      tpu.enqueue_dma source(%dma_start3A_117 : memref<256x64xbf16, #tpu.memory_space<vmem>>) target(%dma_start3A_114 : memref<256x64xbf16, #tpu.memory_space<hbm>>) target_semaphore(%run_scoped3A_105 : memref<!tpu.dma_semaphore, #tpu.memory_space<semaphore_mem>>)
      %dma_wait3A_118 = arith.constant 256 : i32
      %dma_wait3A_119 = arith.constant 0 : i32
      %dma_wait3A_120 = tpu.memref_slice %arg7[%dma_wait3A_118, %dma_wait3A_119] : memref<1024x64xbf16, #tpu.memory_space<vmem>> -> memref<256x64xbf16, #tpu.memory_space<vmem>>
      %dma_wait3A_121 = arith.constant 64 : i32
      %dma_wait3A_122 = tpu.memref_slice %arg4[%run_scoped3A_93, %mul3A_2, %dma_wait3A_121] : memref<7x8192x256xbf16, #tpu.memory_space<hbm>> -> memref<1x256x64xbf16, #tpu.memory_space<hbm>>
      %dma_wait3A_123 = tpu.memref_squeeze %dma_wait3A_122 : memref<1x256x64xbf16, #tpu.memory_space<hbm>> -> memref<256x64xbf16, #tpu.memory_space<hbm>>
      %dma_wait3A_124 = arith.constant 64 : i32
      %dma_wait3A_125 = tpu.memref_slice %arg4[%run_scoped3A_93, %mul3A_2, %dma_wait3A_124] : memref<7x8192x256xbf16, #tpu.memory_space<hbm>> -> memref<1x256x64xbf16, #tpu.memory_space<hbm>>
      %dma_wait3A_126 = tpu.memref_squeeze %dma_wait3A_125 : memref<1x256x64xbf16, #tpu.memory_space<hbm>> -> memref<256x64xbf16, #tpu.memory_space<hbm>>
      %dma_wait3A_127 = arith.constant 256 : i32
      %dma_wait3A_128 = arith.constant 0 : i32
      %dma_wait3A_129 = tpu.memref_slice %arg7[%dma_wait3A_127, %dma_wait3A_128] : memref<1024x64xbf16, #tpu.memory_space<vmem>> -> memref<256x64xbf16, #tpu.memory_space<vmem>>
      tpu.wait_dma2 semaphore(%run_scoped3A_105 : memref<!tpu.dma_semaphore, #tpu.memory_space<semaphore_mem>>) src(%dma_wait3A_129 : memref<256x64xbf16, #tpu.memory_space<vmem>>) dst(%dma_wait3A_126 : memref<256x64xbf16, #tpu.memory_space<hbm>>)
      tpu.yield
    }) : () -> ()
    %run_scoped3A_94 = arith.constant 5 : i32
    "tpu.region"() ({
      %run_scoped3A_105 = tpu.sem_alloc : memref<!tpu.dma_semaphore, #tpu.memory_space<semaphore_mem>>
      %dma_start3A_106 = arith.constant 512 : i32
      %dma_start3A_107 = arith.constant 0 : i32
      %dma_start3A_108 = tpu.memref_slice %arg7[%dma_start3A_106, %dma_start3A_107] : memref<1024x64xbf16, #tpu.memory_space<vmem>> -> memref<256x64xbf16, #tpu.memory_space<vmem>>
      %dma_start3A_109 = arith.constant 128 : i32
      %dma_start3A_110 = tpu.memref_slice %arg4[%run_scoped3A_94, %mul3A_2, %dma_start3A_109] : memref<7x8192x256xbf16, #tpu.memory_space<hbm>> -> memref<1x256x64xbf16, #tpu.memory_space<hbm>>
      %dma_start3A_111 = tpu.memref_squeeze %dma_start3A_110 : memref<1x256x64xbf16, #tpu.memory_space<hbm>> -> memref<256x64xbf16, #tpu.memory_space<hbm>>
      %dma_start3A_112 = arith.constant 128 : i32
      %dma_start3A_113 = tpu.memref_slice %arg4[%run_scoped3A_94, %mul3A_2, %dma_start3A_112] : memref<7x8192x256xbf16, #tpu.memory_space<hbm>> -> memref<1x256x64xbf16, #tpu.memory_space<hbm>>
      %dma_start3A_114 = tpu.memref_squeeze %dma_start3A_113 : memref<1x256x64xbf16, #tpu.memory_space<hbm>> -> memref<256x64xbf16, #tpu.memory_space<hbm>>
      %dma_start3A_115 = arith.constant 512 : i32
      %dma_start3A_116 = arith.constant 0 : i32
      %dma_start3A_117 = tpu.memref_slice %arg7[%dma_start3A_115, %dma_start3A_116] : memref<1024x64xbf16, #tpu.memory_space<vmem>> -> memref<256x64xbf16, #tpu.memory_space<vmem>>
      tpu.enqueue_dma source(%dma_start3A_117 : memref<256x64xbf16, #tpu.memory_space<vmem>>) target(%dma_start3A_114 : memref<256x64xbf16, #tpu.memory_space<hbm>>) target_semaphore(%run_scoped3A_105 : memref<!tpu.dma_semaphore, #tpu.memory_space<semaphore_mem>>)
      %dma_wait3A_118 = arith.constant 512 : i32
      %dma_wait3A_119 = arith.constant 0 : i32
      %dma_wait3A_120 = tpu.memref_slice %arg7[%dma_wait3A_118, %dma_wait3A_119] : memref<1024x64xbf16, #tpu.memory_space<vmem>> -> memref<256x64xbf16, #tpu.memory_space<vmem>>
      %dma_wait3A_121 = arith.constant 128 : i32
      %dma_wait3A_122 = tpu.memref_slice %arg4[%run_scoped3A_94, %mul3A_2, %dma_wait3A_121] : memref<7x8192x256xbf16, #tpu.memory_space<hbm>> -> memref<1x256x64xbf16, #tpu.memory_space<hbm>>
      %dma_wait3A_123 = tpu.memref_squeeze %dma_wait3A_122 : memref<1x256x64xbf16, #tpu.memory_space<hbm>> -> memref<256x64xbf16, #tpu.memory_space<hbm>>
      %dma_wait3A_124 = arith.constant 128 : i32
      %dma_wait3A_125 = tpu.memref_slice %arg4[%run_scoped3A_94, %mul3A_2, %dma_wait3A_124] : memref<7x8192x256xbf16, #tpu.memory_space<hbm>> -> memref<1x256x64xbf16, #tpu.memory_space<hbm>>
      %dma_wait3A_126 = tpu.memref_squeeze %dma_wait3A_125 : memref<1x256x64xbf16, #tpu.memory_space<hbm>> -> memref<256x64xbf16, #tpu.memory_space<hbm>>
      %dma_wait3A_127 = arith.constant 512 : i32
      %dma_wait3A_128 = arith.constant 0 : i32
      %dma_wait3A_129 = tpu.memref_slice %arg7[%dma_wait3A_127, %dma_wait3A_128] : memref<1024x64xbf16, #tpu.memory_space<vmem>> -> memref<256x64xbf16, #tpu.memory_space<vmem>>
      tpu.wait_dma2 semaphore(%run_scoped3A_105 : memref<!tpu.dma_semaphore, #tpu.memory_space<semaphore_mem>>) src(%dma_wait3A_129 : memref<256x64xbf16, #tpu.memory_space<vmem>>) dst(%dma_wait3A_126 : memref<256x64xbf16, #tpu.memory_space<hbm>>)
      tpu.yield
    }) : () -> ()
    %run_scoped3A_95 = arith.constant 5 : i32
    "tpu.region"() ({
      %run_scoped3A_105 = tpu.sem_alloc : memref<!tpu.dma_semaphore, #tpu.memory_space<semaphore_mem>>
      %dma_start3A_106 = arith.constant 768 : i32
      %dma_start3A_107 = arith.constant 0 : i32
      %dma_start3A_108 = tpu.memref_slice %arg7[%dma_start3A_106, %dma_start3A_107] : memref<1024x64xbf16, #tpu.memory_space<vmem>> -> memref<256x64xbf16, #tpu.memory_space<vmem>>
      %dma_start3A_109 = arith.constant 192 : i32
      %dma_start3A_110 = tpu.memref_slice %arg4[%run_scoped3A_95, %mul3A_2, %dma_start3A_109] : memref<7x8192x256xbf16, #tpu.memory_space<hbm>> -> memref<1x256x64xbf16, #tpu.memory_space<hbm>>
      %dma_start3A_111 = tpu.memref_squeeze %dma_start3A_110 : memref<1x256x64xbf16, #tpu.memory_space<hbm>> -> memref<256x64xbf16, #tpu.memory_space<hbm>>
      %dma_start3A_112 = arith.constant 192 : i32
      %dma_start3A_113 = tpu.memref_slice %arg4[%run_scoped3A_95, %mul3A_2, %dma_start3A_112] : memref<7x8192x256xbf16, #tpu.memory_space<hbm>> -> memref<1x256x64xbf16, #tpu.memory_space<hbm>>
      %dma_start3A_114 = tpu.memref_squeeze %dma_start3A_113 : memref<1x256x64xbf16, #tpu.memory_space<hbm>> -> memref<256x64xbf16, #tpu.memory_space<hbm>>
      %dma_start3A_115 = arith.constant 768 : i32
      %dma_start3A_116 = arith.constant 0 : i32
      %dma_start3A_117 = tpu.memref_slice %arg7[%dma_start3A_115, %dma_start3A_116] : memref<1024x64xbf16, #tpu.memory_space<vmem>> -> memref<256x64xbf16, #tpu.memory_space<vmem>>
      tpu.enqueue_dma source(%dma_start3A_117 : memref<256x64xbf16, #tpu.memory_space<vmem>>) target(%dma_start3A_114 : memref<256x64xbf16, #tpu.memory_space<hbm>>) target_semaphore(%run_scoped3A_105 : memref<!tpu.dma_semaphore, #tpu.memory_space<semaphore_mem>>)
      %dma_wait3A_118 = arith.constant 768 : i32
      %dma_wait3A_119 = arith.constant 0 : i32
      %dma_wait3A_120 = tpu.memref_slice %arg7[%dma_wait3A_118, %dma_wait3A_119] : memref<1024x64xbf16, #tpu.memory_space<vmem>> -> memref<256x64xbf16, #tpu.memory_space<vmem>>
      %dma_wait3A_121 = arith.constant 192 : i32
      %dma_wait3A_122 = tpu.memref_slice %arg4[%run_scoped3A_95, %mul3A_2, %dma_wait3A_121] : memref<7x8192x256xbf16, #tpu.memory_space<hbm>> -> memref<1x256x64xbf16, #tpu.memory_space<hbm>>
      %dma_wait3A_123 = tpu.memref_squeeze %dma_wait3A_122 : memref<1x256x64xbf16, #tpu.memory_space<hbm>> -> memref<256x64xbf16, #tpu.memory_space<hbm>>
      %dma_wait3A_124 = arith.constant 192 : i32
      %dma_wait3A_125 = tpu.memref_slice %arg4[%run_scoped3A_95, %mul3A_2, %dma_wait3A_124] : memref<7x8192x256xbf16, #tpu.memory_space<hbm>> -> memref<1x256x64xbf16, #tpu.memory_space<hbm>>
      %dma_wait3A_126 = tpu.memref_squeeze %dma_wait3A_125 : memref<1x256x64xbf16, #tpu.memory_space<hbm>> -> memref<256x64xbf16, #tpu.memory_space<hbm>>
      %dma_wait3A_127 = arith.constant 768 : i32
      %dma_wait3A_128 = arith.constant 0 : i32
      %dma_wait3A_129 = tpu.memref_slice %arg7[%dma_wait3A_127, %dma_wait3A_128] : memref<1024x64xbf16, #tpu.memory_space<vmem>> -> memref<256x64xbf16, #tpu.memory_space<vmem>>
      tpu.wait_dma2 semaphore(%run_scoped3A_105 : memref<!tpu.dma_semaphore, #tpu.memory_space<semaphore_mem>>) src(%dma_wait3A_129 : memref<256x64xbf16, #tpu.memory_space<vmem>>) dst(%dma_wait3A_126 : memref<256x64xbf16, #tpu.memory_space<hbm>>)
      tpu.yield
    }) : () -> ()
    %dma_wait3A_96 = arith.constant 6144 : i32
    %dma_wait3A_97 = tpu.memref_slice %arg5[%dma_wait3A_96] : memref<7168xi32, #tpu.memory_space<vmem>> -> memref<1024xi32, #tpu.memory_space<vmem>>
    %dma_wait3A_98 = arith.constant 0 : i32
    %dma_wait3A_99 = arith.constant 0 : i32
    %dma_wait3A_100 = tpu.memref_slice %arg3[%dma_wait3A_98, %dma_wait3A_99] : memref<28000x64xbf16, #tpu.memory_space<hbm>> -> memref<28000x64xbf16, #tpu.memory_space<hbm>>
    tpu.wait_indirect_dma semaphore(%arg8 : memref<!tpu.dma_semaphore, #tpu.memory_space<semaphore_mem>>) src(%dma_wait3A_100 : memref<28000x64xbf16, #tpu.memory_space<hbm>>) dst(%arg6 : memref<1024x64xbf16, #tpu.memory_space<vmem>>)
    %run_scoped3A_101 = arith.constant 6 : i32
    "tpu.region"() ({
      %run_scoped3A_105 = tpu.sem_alloc : memref<!tpu.dma_semaphore, #tpu.memory_space<semaphore_mem>>
      %dma_start3A_106 = arith.constant 0 : i32
      %dma_start3A_107 = arith.constant 0 : i32
      %dma_start3A_108 = tpu.memref_slice %arg6[%dma_start3A_106, %dma_start3A_107] : memref<1024x64xbf16, #tpu.memory_space<vmem>> -> memref<256x64xbf16, #tpu.memory_space<vmem>>
      %dma_start3A_109 = arith.constant 0 : i32
      %dma_start3A_110 = tpu.memref_slice %arg4[%run_scoped3A_101, %mul3A_2, %dma_start3A_109] : memref<7x8192x256xbf16, #tpu.memory_space<hbm>> -> memref<1x256x64xbf16, #tpu.memory_space<hbm>>
      %dma_start3A_111 = tpu.memref_squeeze %dma_start3A_110 : memref<1x256x64xbf16, #tpu.memory_space<hbm>> -> memref<256x64xbf16, #tpu.memory_space<hbm>>
      %dma_start3A_112 = arith.constant 0 : i32
      %dma_start3A_113 = tpu.memref_slice %arg4[%run_scoped3A_101, %mul3A_2, %dma_start3A_112] : memref<7x8192x256xbf16, #tpu.memory_space<hbm>> -> memref<1x256x64xbf16, #tpu.memory_space<hbm>>
      %dma_start3A_114 = tpu.memref_squeeze %dma_start3A_113 : memref<1x256x64xbf16, #tpu.memory_space<hbm>> -> memref<256x64xbf16, #tpu.memory_space<hbm>>
      %dma_start3A_115 = arith.constant 0 : i32
      %dma_start3A_116 = arith.constant 0 : i32
      %dma_start3A_117 = tpu.memref_slice %arg6[%dma_start3A_115, %dma_start3A_116] : memref<1024x64xbf16, #tpu.memory_space<vmem>> -> memref<256x64xbf16, #tpu.memory_space<vmem>>
      tpu.enqueue_dma source(%dma_start3A_117 : memref<256x64xbf16, #tpu.memory_space<vmem>>) target(%dma_start3A_114 : memref<256x64xbf16, #tpu.memory_space<hbm>>) target_semaphore(%run_scoped3A_105 : memref<!tpu.dma_semaphore, #tpu.memory_space<semaphore_mem>>)
      %dma_wait3A_118 = arith.constant 0 : i32
      %dma_wait3A_119 = arith.constant 0 : i32
      %dma_wait3A_120 = tpu.memref_slice %arg6[%dma_wait3A_118, %dma_wait3A_119] : memref<1024x64xbf16, #tpu.memory_space<vmem>> -> memref<256x64xbf16, #tpu.memory_space<vmem>>
      %dma_wait3A_121 = arith.constant 0 : i32
      %dma_wait3A_122 = tpu.memref_slice %arg4[%run_scoped3A_101, %mul3A_2, %dma_wait3A_121] : memref<7x8192x256xbf16, #tpu.memory_space<hbm>> -> memref<1x256x64xbf16, #tpu.memory_space<hbm>>
      %dma_wait3A_123 = tpu.memref_squeeze %dma_wait3A_122 : memref<1x256x64xbf16, #tpu.memory_space<hbm>> -> memref<256x64xbf16, #tpu.memory_space<hbm>>
      %dma_wait3A_124 = arith.constant 0 : i32
      %dma_wait3A_125 = tpu.memref_slice %arg4[%run_scoped3A_101, %mul3A_2, %dma_wait3A_124] : memref<7x8192x256xbf16, #tpu.memory_space<hbm>> -> memref<1x256x64xbf16, #tpu.memory_space<hbm>>
      %dma_wait3A_126 = tpu.memref_squeeze %dma_wait3A_125 : memref<1x256x64xbf16, #tpu.memory_space<hbm>> -> memref<256x64xbf16, #tpu.memory_space<hbm>>
      %dma_wait3A_127 = arith.constant 0 : i32
      %dma_wait3A_128 = arith.constant 0 : i32
      %dma_wait3A_129 = tpu.memref_slice %arg6[%dma_wait3A_127, %dma_wait3A_128] : memref<1024x64xbf16, #tpu.memory_space<vmem>> -> memref<256x64xbf16, #tpu.memory_space<vmem>>
      tpu.wait_dma2 semaphore(%run_scoped3A_105 : memref<!tpu.dma_semaphore, #tpu.memory_space<semaphore_mem>>) src(%dma_wait3A_129 : memref<256x64xbf16, #tpu.memory_space<vmem>>) dst(%dma_wait3A_126 : memref<256x64xbf16, #tpu.memory_space<hbm>>)
      tpu.yield
    }) : () -> ()
    %run_scoped3A_102 = arith.constant 6 : i32
    "tpu.region"() ({
      %run_scoped3A_105 = tpu.sem_alloc : memref<!tpu.dma_semaphore, #tpu.memory_space<semaphore_mem>>
      %dma_start3A_106 = arith.constant 256 : i32
      %dma_start3A_107 = arith.constant 0 : i32
      %dma_start3A_108 = tpu.memref_slice %arg6[%dma_start3A_106, %dma_start3A_107] : memref<1024x64xbf16, #tpu.memory_space<vmem>> -> memref<256x64xbf16, #tpu.memory_space<vmem>>
      %dma_start3A_109 = arith.constant 64 : i32
      %dma_start3A_110 = tpu.memref_slice %arg4[%run_scoped3A_102, %mul3A_2, %dma_start3A_109] : memref<7x8192x256xbf16, #tpu.memory_space<hbm>> -> memref<1x256x64xbf16, #tpu.memory_space<hbm>>
      %dma_start3A_111 = tpu.memref_squeeze %dma_start3A_110 : memref<1x256x64xbf16, #tpu.memory_space<hbm>> -> memref<256x64xbf16, #tpu.memory_space<hbm>>
      %dma_start3A_112 = arith.constant 64 : i32
      %dma_start3A_113 = tpu.memref_slice %arg4[%run_scoped3A_102, %mul3A_2, %dma_start3A_112] : memref<7x8192x256xbf16, #tpu.memory_space<hbm>> -> memref<1x256x64xbf16, #tpu.memory_space<hbm>>
      %dma_start3A_114 = tpu.memref_squeeze %dma_start3A_113 : memref<1x256x64xbf16, #tpu.memory_space<hbm>> -> memref<256x64xbf16, #tpu.memory_space<hbm>>
      %dma_start3A_115 = arith.constant 256 : i32
      %dma_start3A_116 = arith.constant 0 : i32
      %dma_start3A_117 = tpu.memref_slice %arg6[%dma_start3A_115, %dma_start3A_116] : memref<1024x64xbf16, #tpu.memory_space<vmem>> -> memref<256x64xbf16, #tpu.memory_space<vmem>>
      tpu.enqueue_dma source(%dma_start3A_117 : memref<256x64xbf16, #tpu.memory_space<vmem>>) target(%dma_start3A_114 : memref<256x64xbf16, #tpu.memory_space<hbm>>) target_semaphore(%run_scoped3A_105 : memref<!tpu.dma_semaphore, #tpu.memory_space<semaphore_mem>>)
      %dma_wait3A_118 = arith.constant 256 : i32
      %dma_wait3A_119 = arith.constant 0 : i32
      %dma_wait3A_120 = tpu.memref_slice %arg6[%dma_wait3A_118, %dma_wait3A_119] : memref<1024x64xbf16, #tpu.memory_space<vmem>> -> memref<256x64xbf16, #tpu.memory_space<vmem>>
      %dma_wait3A_121 = arith.constant 64 : i32
      %dma_wait3A_122 = tpu.memref_slice %arg4[%run_scoped3A_102, %mul3A_2, %dma_wait3A_121] : memref<7x8192x256xbf16, #tpu.memory_space<hbm>> -> memref<1x256x64xbf16, #tpu.memory_space<hbm>>
      %dma_wait3A_123 = tpu.memref_squeeze %dma_wait3A_122 : memref<1x256x64xbf16, #tpu.memory_space<hbm>> -> memref<256x64xbf16, #tpu.memory_space<hbm>>
      %dma_wait3A_124 = arith.constant 64 : i32
      %dma_wait3A_125 = tpu.memref_slice %arg4[%run_scoped3A_102, %mul3A_2, %dma_wait3A_124] : memref<7x8192x256xbf16, #tpu.memory_space<hbm>> -> memref<1x256x64xbf16, #tpu.memory_space<hbm>>
      %dma_wait3A_126 = tpu.memref_squeeze %dma_wait3A_125 : memref<1x256x64xbf16, #tpu.memory_space<hbm>> -> memref<256x64xbf16, #tpu.memory_space<hbm>>
      %dma_wait3A_127 = arith.constant 256 : i32
      %dma_wait3A_128 = arith.constant 0 : i32
      %dma_wait3A_129 = tpu.memref_slice %arg6[%dma_wait3A_127, %dma_wait3A_128] : memref<1024x64xbf16, #tpu.memory_space<vmem>> -> memref<256x64xbf16, #tpu.memory_space<vmem>>
      tpu.wait_dma2 semaphore(%run_scoped3A_105 : memref<!tpu.dma_semaphore, #tpu.memory_space<semaphore_mem>>) src(%dma_wait3A_129 : memref<256x64xbf16, #tpu.memory_space<vmem>>) dst(%dma_wait3A_126 : memref<256x64xbf16, #tpu.memory_space<hbm>>)
      tpu.yield
    }) : () -> ()
    %run_scoped3A_103 = arith.constant 6 : i32
    "tpu.region"() ({
      %run_scoped3A_105 = tpu.sem_alloc : memref<!tpu.dma_semaphore, #tpu.memory_space<semaphore_mem>>
      %dma_start3A_106 = arith.constant 512 : i32
      %dma_start3A_107 = arith.constant 0 : i32
      %dma_start3A_108 = tpu.memref_slice %arg6[%dma_start3A_106, %dma_start3A_107] : memref<1024x64xbf16, #tpu.memory_space<vmem>> -> memref<256x64xbf16, #tpu.memory_space<vmem>>
      %dma_start3A_109 = arith.constant 128 : i32
      %dma_start3A_110 = tpu.memref_slice %arg4[%run_scoped3A_103, %mul3A_2, %dma_start3A_109] : memref<7x8192x256xbf16, #tpu.memory_space<hbm>> -> memref<1x256x64xbf16, #tpu.memory_space<hbm>>
      %dma_start3A_111 = tpu.memref_squeeze %dma_start3A_110 : memref<1x256x64xbf16, #tpu.memory_space<hbm>> -> memref<256x64xbf16, #tpu.memory_space<hbm>>
      %dma_start3A_112 = arith.constant 128 : i32
      %dma_start3A_113 = tpu.memref_slice %arg4[%run_scoped3A_103, %mul3A_2, %dma_start3A_112] : memref<7x8192x256xbf16, #tpu.memory_space<hbm>> -> memref<1x256x64xbf16, #tpu.memory_space<hbm>>
      %dma_start3A_114 = tpu.memref_squeeze %dma_start3A_113 : memref<1x256x64xbf16, #tpu.memory_space<hbm>> -> memref<256x64xbf16, #tpu.memory_space<hbm>>
      %dma_start3A_115 = arith.constant 512 : i32
      %dma_start3A_116 = arith.constant 0 : i32
      %dma_start3A_117 = tpu.memref_slice %arg6[%dma_start3A_115, %dma_start3A_116] : memref<1024x64xbf16, #tpu.memory_space<vmem>> -> memref<256x64xbf16, #tpu.memory_space<vmem>>
      tpu.enqueue_dma source(%dma_start3A_117 : memref<256x64xbf16, #tpu.memory_space<vmem>>) target(%dma_start3A_114 : memref<256x64xbf16, #tpu.memory_space<hbm>>) target_semaphore(%run_scoped3A_105 : memref<!tpu.dma_semaphore, #tpu.memory_space<semaphore_mem>>)
      %dma_wait3A_118 = arith.constant 512 : i32
      %dma_wait3A_119 = arith.constant 0 : i32
      %dma_wait3A_120 = tpu.memref_slice %arg6[%dma_wait3A_118, %dma_wait3A_119] : memref<1024x64xbf16, #tpu.memory_space<vmem>> -> memref<256x64xbf16, #tpu.memory_space<vmem>>
      %dma_wait3A_121 = arith.constant 128 : i32
      %dma_wait3A_122 = tpu.memref_slice %arg4[%run_scoped3A_103, %mul3A_2, %dma_wait3A_121] : memref<7x8192x256xbf16, #tpu.memory_space<hbm>> -> memref<1x256x64xbf16, #tpu.memory_space<hbm>>
      %dma_wait3A_123 = tpu.memref_squeeze %dma_wait3A_122 : memref<1x256x64xbf16, #tpu.memory_space<hbm>> -> memref<256x64xbf16, #tpu.memory_space<hbm>>
      %dma_wait3A_124 = arith.constant 128 : i32
      %dma_wait3A_125 = tpu.memref_slice %arg4[%run_scoped3A_103, %mul3A_2, %dma_wait3A_124] : memref<7x8192x256xbf16, #tpu.memory_space<hbm>> -> memref<1x256x64xbf16, #tpu.memory_space<hbm>>
      %dma_wait3A_126 = tpu.memref_squeeze %dma_wait3A_125 : memref<1x256x64xbf16, #tpu.memory_space<hbm>> -> memref<256x64xbf16, #tpu.memory_space<hbm>>
      %dma_wait3A_127 = arith.constant 512 : i32
      %dma_wait3A_128 = arith.constant 0 : i32
      %dma_wait3A_129 = tpu.memref_slice %arg6[%dma_wait3A_127, %dma_wait3A_128] : memref<1024x64xbf16, #tpu.memory_space<vmem>> -> memref<256x64xbf16, #tpu.memory_space<vmem>>
      tpu.wait_dma2 semaphore(%run_scoped3A_105 : memref<!tpu.dma_semaphore, #tpu.memory_space<semaphore_mem>>) src(%dma_wait3A_129 : memref<256x64xbf16, #tpu.memory_space<vmem>>) dst(%dma_wait3A_126 : memref<256x64xbf16, #tpu.memory_space<hbm>>)
      tpu.yield
    }) : () -> ()
    %run_scoped3A_104 = arith.constant 6 : i32
    "tpu.region"() ({
      %run_scoped3A_105 = tpu.sem_alloc : memref<!tpu.dma_semaphore, #tpu.memory_space<semaphore_mem>>
      %dma_start3A_106 = arith.constant 768 : i32
      %dma_start3A_107 = arith.constant 0 : i32
      %dma_start3A_108 = tpu.memref_slice %arg6[%dma_start3A_106, %dma_start3A_107] : memref<1024x64xbf16, #tpu.memory_space<vmem>> -> memref<256x64xbf16, #tpu.memory_space<vmem>>
      %dma_start3A_109 = arith.constant 192 : i32
      %dma_start3A_110 = tpu.memref_slice %arg4[%run_scoped3A_104, %mul3A_2, %dma_start3A_109] : memref<7x8192x256xbf16, #tpu.memory_space<hbm>> -> memref<1x256x64xbf16, #tpu.memory_space<hbm>>
      %dma_start3A_111 = tpu.memref_squeeze %dma_start3A_110 : memref<1x256x64xbf16, #tpu.memory_space<hbm>> -> memref<256x64xbf16, #tpu.memory_space<hbm>>
      %dma_start3A_112 = arith.constant 192 : i32
      %dma_start3A_113 = tpu.memref_slice %arg4[%run_scoped3A_104, %mul3A_2, %dma_start3A_112] : memref<7x8192x256xbf16, #tpu.memory_space<hbm>> -> memref<1x256x64xbf16, #tpu.memory_space<hbm>>
      %dma_start3A_114 = tpu.memref_squeeze %dma_start3A_113 : memref<1x256x64xbf16, #tpu.memory_space<hbm>> -> memref<256x64xbf16, #tpu.memory_space<hbm>>
      %dma_start3A_115 = arith.constant 768 : i32
      %dma_start3A_116 = arith.constant 0 : i32
      %dma_start3A_117 = tpu.memref_slice %arg6[%dma_start3A_115, %dma_start3A_116] : memref<1024x64xbf16, #tpu.memory_space<vmem>> -> memref<256x64xbf16, #tpu.memory_space<vmem>>
      tpu.enqueue_dma source(%dma_start3A_117 : memref<256x64xbf16, #tpu.memory_space<vmem>>) target(%dma_start3A_114 : memref<256x64xbf16, #tpu.memory_space<hbm>>) target_semaphore(%run_scoped3A_105 : memref<!tpu.dma_semaphore, #tpu.memory_space<semaphore_mem>>)
      %dma_wait3A_118 = arith.constant 768 : i32
      %dma_wait3A_119 = arith.constant 0 : i32
      %dma_wait3A_120 = tpu.memref_slice %arg6[%dma_wait3A_118, %dma_wait3A_119] : memref<1024x64xbf16, #tpu.memory_space<vmem>> -> memref<256x64xbf16, #tpu.memory_space<vmem>>
      %dma_wait3A_121 = arith.constant 192 : i32
      %dma_wait3A_122 = tpu.memref_slice %arg4[%run_scoped3A_104, %mul3A_2, %dma_wait3A_121] : memref<7x8192x256xbf16, #tpu.memory_space<hbm>> -> memref<1x256x64xbf16, #tpu.memory_space<hbm>>
      %dma_wait3A_123 = tpu.memref_squeeze %dma_wait3A_122 : memref<1x256x64xbf16, #tpu.memory_space<hbm>> -> memref<256x64xbf16, #tpu.memory_space<hbm>>
      %dma_wait3A_124 = arith.constant 192 : i32
      %dma_wait3A_125 = tpu.memref_slice %arg4[%run_scoped3A_104, %mul3A_2, %dma_wait3A_124] : memref<7x8192x256xbf16, #tpu.memory_space<hbm>> -> memref<1x256x64xbf16, #tpu.memory_space<hbm>>
      %dma_wait3A_126 = tpu.memref_squeeze %dma_wait3A_125 : memref<1x256x64xbf16, #tpu.memory_space<hbm>> -> memref<256x64xbf16, #tpu.memory_space<hbm>>
      %dma_wait3A_127 = arith.constant 768 : i32
      %dma_wait3A_128 = arith.constant 0 : i32
      %dma_wait3A_129 = tpu.memref_slice %arg6[%dma_wait3A_127, %dma_wait3A_128] : memref<1024x64xbf16, #tpu.memory_space<vmem>> -> memref<256x64xbf16, #tpu.memory_space<vmem>>
      tpu.wait_dma2 semaphore(%run_scoped3A_105 : memref<!tpu.dma_semaphore, #tpu.memory_space<semaphore_mem>>) src(%dma_wait3A_129 : memref<256x64xbf16, #tpu.memory_space<vmem>>) dst(%dma_wait3A_126 : memref<256x64xbf16, #tpu.memory_space<hbm>>)
      tpu.yield
    }) : () -> ()
    return
  }
}

module attributes {stable_mosaic.version = 14 : i64} {
  func.func @_stats_body(%arg0: memref<16384x16xf32, #tpu.memory_space<vmem>>, %arg1: memref<1x16xf32, #tpu.memory_space<vmem>>, %arg2: memref<1x16xf32, #tpu.memory_space<vmem>>, %arg3: memref<2x16xf32, #tpu.memory_space<vmem>>) attributes {dimension_semantics = [], scalar_prefetch = 0 : i64, scratch_operands = 0 : i64, tpu.core_type = #tpu.core_type<tc>} {
    %get3A = arith.constant 0 : index
    %get3A_0 = arith.constant 0 : index
    %get3A_1 = vector.load %arg0[%get3A, %get3A_0] : memref<16384x16xf32, #tpu.memory_space<vmem>>, vector<16384x16xf32>
    %reduce_sum3A = arith.constant dense<0.000000e+00> : vector<16xf32>
    %reduce_sum3A_2 = vector.multi_reduction <add>, %get3A_1, %reduce_sum3A [0] : vector<16384x16xf32> to vector<16xf32>
    %broadcast_in_dim3A = vector.shape_cast %reduce_sum3A_2 : vector<16xf32> to vector<1x16xf32>
    %mul3A = arith.constant 6.10351563E-5 : f32
    %mul3A_3 = vector.broadcast %mul3A : f32 to vector<1x16xf32>
    %mul3A_4 = arith.mulf %broadcast_in_dim3A, %mul3A_3 : vector<1x16xf32>
    %mul3A_5 = arith.mulf %get3A_1, %get3A_1 : vector<16384x16xf32>
    %reduce_sum3A_6 = arith.constant dense<0.000000e+00> : vector<16xf32>
    %reduce_sum3A_7 = vector.multi_reduction <add>, %mul3A_5, %reduce_sum3A_6 [0] : vector<16384x16xf32> to vector<16xf32>
    %broadcast_in_dim3A_8 = vector.shape_cast %reduce_sum3A_7 : vector<16xf32> to vector<1x16xf32>
    %mul3A_9 = arith.constant 6.10351563E-5 : f32
    %mul3A_10 = vector.broadcast %mul3A_9 : f32 to vector<1x16xf32>
    %mul3A_11 = arith.mulf %broadcast_in_dim3A_8, %mul3A_10 : vector<1x16xf32>
    %mul3A_12 = arith.mulf %mul3A_4, %mul3A_4 : vector<1x16xf32>
    %sub3A = arith.subf %mul3A_11, %mul3A_12 : vector<1x16xf32>
    %get3A_13 = arith.constant 0 : index
    %get3A_14 = arith.constant 0 : index
    %get3A_15 = vector.load %arg1[%get3A_13, %get3A_14] : memref<1x16xf32, #tpu.memory_space<vmem>>, vector<1x16xf32>
    %add3A = arith.constant 9.99999974E-6 : f32
    %add3A_16 = vector.broadcast %add3A : f32 to vector<1x16xf32>
    %add3A_17 = arith.addf %sub3A, %add3A_16 : vector<1x16xf32>
    %rsqrt3A = math.rsqrt %add3A_17 : vector<1x16xf32>
    %mul3A_18 = arith.mulf %get3A_15, %rsqrt3A : vector<1x16xf32>
    %swap3A = arith.constant 0 : index
    %swap3A_19 = arith.constant 0 : index
    %swap3A_20 = vector.load %arg3[%swap3A, %swap3A_19] : memref<2x16xf32, #tpu.memory_space<vmem>>, vector<1x16xf32>
    tpu.vector_store %arg3[%swap3A, %swap3A_19], %mul3A_18 {strides = array<i32>} : memref<2x16xf32, #tpu.memory_space<vmem>>, vector<1x16xf32>,
    %get3A_21 = arith.constant 0 : index
    %get3A_22 = arith.constant 0 : index
    %get3A_23 = vector.load %arg2[%get3A_21, %get3A_22] : memref<1x16xf32, #tpu.memory_space<vmem>>, vector<1x16xf32>
    %mul3A_24 = arith.mulf %mul3A_4, %mul3A_18 : vector<1x16xf32>
    %sub3A_25 = arith.subf %get3A_23, %mul3A_24 : vector<1x16xf32>
    %swap3A_26 = arith.constant 1 : index
    %swap3A_27 = arith.constant 0 : index
    %swap3A_28 = vector.load %arg3[%swap3A_26, %swap3A_27] : memref<2x16xf32, #tpu.memory_space<vmem>>, vector<1x16xf32>
    tpu.vector_store %arg3[%swap3A_26, %swap3A_27], %sub3A_25 {strides = array<i32>} : memref<2x16xf32, #tpu.memory_space<vmem>>, vector<1x16xf32>,
    return
  }
}

module attributes {stable_mosaic.version = 14 : i64} {
  func.func @_mlp_body(%arg0: i32, %arg1: memref<1024x16xf32, #tpu.memory_space<vmem>>, %arg2: memref<2x16xf32, #tpu.memory_space<vmem>>, %arg3: memref<7x1024x128xf32, #tpu.memory_space<vmem>>, %arg4: memref<7x128x1024xbf16, #tpu.memory_space<vmem>>, %arg5: memref<7x128x1024xbf16, #tpu.memory_space<vmem>>, %arg6: memref<16x1024xf32, #tpu.memory_space<vmem>>, %arg7: memref<1x1024xf32, #tpu.memory_space<vmem>>, %arg8: memref<1024x512xbf16, #tpu.memory_space<vmem>>, %arg9: memref<1x512xf32, #tpu.memory_space<vmem>>, %arg10: memref<512x1xbf16, #tpu.memory_space<vmem>>, %arg11: memref<1x1xf32, #tpu.memory_space<vmem>>, %arg12: memref<1024x1xf32, #tpu.memory_space<vmem>>) attributes {dimension_semantics = [#tpu.dimension_semantics<arbitrary>], iteration_bounds = array<i64: 8>, scalar_prefetch = 0 : i64, scratch_operands = 0 : i64, tpu.core_type = #tpu.core_type<tc>, window_params = [{transform_indices = @transform_0, window_bounds = array<i64: 1024, 16>}, {pipeline_mode = #tpu.pipeline_mode<synchronous>, transform_indices = @transform_1, window_bounds = array<i64: 2, 16>}, {transform_indices = @transform_2, window_bounds = array<i64: 7, 1024, 128>}, {pipeline_mode = #tpu.pipeline_mode<synchronous>, transform_indices = @transform_3, window_bounds = array<i64: 7, 128, 1024>}, {pipeline_mode = #tpu.pipeline_mode<synchronous>, transform_indices = @transform_4, window_bounds = array<i64: 7, 128, 1024>}, {pipeline_mode = #tpu.pipeline_mode<synchronous>, transform_indices = @transform_5, window_bounds = array<i64: 16, 1024>}, {pipeline_mode = #tpu.pipeline_mode<synchronous>, transform_indices = @transform_6, window_bounds = array<i64: 1, 1024>}, {pipeline_mode = #tpu.pipeline_mode<synchronous>, transform_indices = @transform_7, window_bounds = array<i64: 1024, 512>}, {pipeline_mode = #tpu.pipeline_mode<synchronous>, transform_indices = @transform_8, window_bounds = array<i64: 1, 512>}, {pipeline_mode = #tpu.pipeline_mode<synchronous>, transform_indices = @transform_9, window_bounds = array<i64: 512, 1>}, {pipeline_mode = #tpu.pipeline_mode<synchronous>, transform_indices = @transform_10, window_bounds = array<i64: 1, 1>}, {transform_indices = @transform_11, window_bounds = array<i64: 1024, 1>}]} {
    %get3A = arith.constant 0 : index
    %get3A_0 = arith.constant 0 : index
    %get3A_1 = vector.load %arg1[%get3A, %get3A_0] : memref<1024x16xf32, #tpu.memory_space<vmem>>, vector<1024x16xf32>
    %get3A_2 = arith.constant 0 : index
    %get3A_3 = arith.constant 0 : index
    %get3A_4 = vector.load %arg2[%get3A_2, %get3A_3] : memref<2x16xf32, #tpu.memory_space<vmem>>, vector<1x16xf32>
    %mul3A = vector.broadcast %get3A_4 : vector<1x16xf32> to vector<1024x16xf32>
    %mul3A_5 = arith.mulf %get3A_1, %mul3A : vector<1024x16xf32>
    %get3A_6 = arith.constant 1 : index
    %get3A_7 = arith.constant 0 : index
    %get3A_8 = vector.load %arg2[%get3A_6, %get3A_7] : memref<2x16xf32, #tpu.memory_space<vmem>>, vector<1x16xf32>
    %add3A = vector.broadcast %get3A_8 : vector<1x16xf32> to vector<1024x16xf32>
    %add3A_9 = arith.addf %mul3A_5, %add3A : vector<1024x16xf32>
    %get3A_10 = arith.constant 0 : index
    %get3A_11 = arith.constant 0 : index
    %get3A_12 = vector.load %arg6[%get3A_10, %get3A_11] : memref<16x1024xf32, #tpu.memory_space<vmem>>, vector<16x1024xf32>
    %dot_general3A = arith.constant dense<0.000000e+00> : vector<1024x1024xf32>
    %dot_general3A_13 = tpu.matmul %add3A_9, %get3A_12, %dot_general3A {dimension_numbers = #tpu.dot_dimension_numbers<[1], [0], [0], [1], [0, 0, 1, 1], [], []>, transpose_lhs_hint = false} : vector<1024x16xf32>, vector<16x1024xf32>, vector<1024x1024xf32> -> vector<1024x1024xf32>
    %get3A_14 = arith.constant 0 : index
    %get3A_15 = arith.constant 0 : index
    %get3A_16 = arith.constant 0 : index
    %get3A_17 = vector.load %arg3[%get3A_14, %get3A_15, %get3A_16] : memref<7x1024x128xf32, #tpu.memory_space<vmem>>, vector<1x1024x128xf32>
    %get3A_18 = vector.shape_cast %get3A_17 : vector<1x1024x128xf32> to vector<1024x128xf32>
    %bitcast_convert_type3A = tpu.bitcast %get3A_18 : vector<1024x128xf32> -> vector<1024x128xi32>
    %shift_left3A = arith.constant 16 : i32
    %shift_left3A_19 = vector.broadcast %shift_left3A : i32 to vector<1024x128xi32>
    %shift_left3A_20 = arith.shli %bitcast_convert_type3A, %shift_left3A_19 : vector<1024x128xi32>
    %bitcast_convert_type3A_21 = tpu.bitcast %shift_left3A_20 : vector<1024x128xi32> -> vector<1024x128xf32>
    %and3A = arith.constant -65536 : i32
    %and3A_22 = vector.broadcast %and3A : i32 to vector<1024x128xi32>
    %and3A_23 = arith.andi %bitcast_convert_type3A, %and3A_22 : vector<1024x128xi32>
    %bitcast_convert_type3A_24 = tpu.bitcast %and3A_23 : vector<1024x128xi32> -> vector<1024x128xf32>
    %convert_element_type3A = arith.truncf %bitcast_convert_type3A_21 : vector<1024x128xf32> to vector<1024x128xbf16>
    %get3A_25 = arith.constant 0 : index
    %get3A_26 = arith.constant 0 : index
    %get3A_27 = arith.constant 0 : index
    %get3A_28 = vector.load %arg4[%get3A_25, %get3A_26, %get3A_27] : memref<7x128x1024xbf16, #tpu.memory_space<vmem>>, vector<1x128x1024xbf16>
    %get3A_29 = vector.shape_cast %get3A_28 : vector<1x128x1024xbf16> to vector<128x1024xbf16>
    %dot_general3A_30 = arith.constant dense<0.000000e+00> : vector<1024x1024xf32>
    %dot_general3A_31 = tpu.matmul %convert_element_type3A, %get3A_29, %dot_general3A_30 {dimension_numbers = #tpu.dot_dimension_numbers<[1], [0], [0], [1], [0, 0, 1, 1], [], []>, transpose_lhs_hint = false} : vector<1024x128xbf16>, vector<128x1024xbf16>, vector<1024x1024xf32> -> vector<1024x1024xf32>
    %add3A_32 = arith.addf %dot_general3A_13, %dot_general3A_31 : vector<1024x1024xf32>
    %convert_element_type3A_33 = arith.truncf %bitcast_convert_type3A_24 : vector<1024x128xf32> to vector<1024x128xbf16>
    %get3A_34 = arith.constant 0 : index
    %get3A_35 = arith.constant 0 : index
    %get3A_36 = arith.constant 0 : index
    %get3A_37 = vector.load %arg5[%get3A_34, %get3A_35, %get3A_36] : memref<7x128x1024xbf16, #tpu.memory_space<vmem>>, vector<1x128x1024xbf16>
    %get3A_38 = vector.shape_cast %get3A_37 : vector<1x128x1024xbf16> to vector<128x1024xbf16>
    %dot_general3A_39 = arith.constant dense<0.000000e+00> : vector<1024x1024xf32>
    %dot_general3A_40 = tpu.matmul %convert_element_type3A_33, %get3A_38, %dot_general3A_39 {dimension_numbers = #tpu.dot_dimension_numbers<[1], [0], [0], [1], [0, 0, 1, 1], [], []>, transpose_lhs_hint = false} : vector<1024x128xbf16>, vector<128x1024xbf16>, vector<1024x1024xf32> -> vector<1024x1024xf32>
    %add3A_41 = arith.addf %add3A_32, %dot_general3A_40 : vector<1024x1024xf32>
    %get3A_42 = arith.constant 1 : index
    %get3A_43 = arith.constant 0 : index
    %get3A_44 = arith.constant 0 : index
    %get3A_45 = vector.load %arg3[%get3A_42, %get3A_43, %get3A_44] : memref<7x1024x128xf32, #tpu.memory_space<vmem>>, vector<1x1024x128xf32>
    %get3A_46 = vector.shape_cast %get3A_45 : vector<1x1024x128xf32> to vector<1024x128xf32>
    %bitcast_convert_type3A_47 = tpu.bitcast %get3A_46 : vector<1024x128xf32> -> vector<1024x128xi32>
    %shift_left3A_48 = arith.constant 16 : i32
    %shift_left3A_49 = vector.broadcast %shift_left3A_48 : i32 to vector<1024x128xi32>
    %shift_left3A_50 = arith.shli %bitcast_convert_type3A_47, %shift_left3A_49 : vector<1024x128xi32>
    %bitcast_convert_type3A_51 = tpu.bitcast %shift_left3A_50 : vector<1024x128xi32> -> vector<1024x128xf32>
    %and3A_52 = arith.constant -65536 : i32
    %and3A_53 = vector.broadcast %and3A_52 : i32 to vector<1024x128xi32>
    %and3A_54 = arith.andi %bitcast_convert_type3A_47, %and3A_53 : vector<1024x128xi32>
    %bitcast_convert_type3A_55 = tpu.bitcast %and3A_54 : vector<1024x128xi32> -> vector<1024x128xf32>
    %convert_element_type3A_56 = arith.truncf %bitcast_convert_type3A_51 : vector<1024x128xf32> to vector<1024x128xbf16>
    %get3A_57 = arith.constant 1 : index
    %get3A_58 = arith.constant 0 : index
    %get3A_59 = arith.constant 0 : index
    %get3A_60 = vector.load %arg4[%get3A_57, %get3A_58, %get3A_59] : memref<7x128x1024xbf16, #tpu.memory_space<vmem>>, vector<1x128x1024xbf16>
    %get3A_61 = vector.shape_cast %get3A_60 : vector<1x128x1024xbf16> to vector<128x1024xbf16>
    %dot_general3A_62 = arith.constant dense<0.000000e+00> : vector<1024x1024xf32>
    %dot_general3A_63 = tpu.matmul %convert_element_type3A_56, %get3A_61, %dot_general3A_62 {dimension_numbers = #tpu.dot_dimension_numbers<[1], [0], [0], [1], [0, 0, 1, 1], [], []>, transpose_lhs_hint = false} : vector<1024x128xbf16>, vector<128x1024xbf16>, vector<1024x1024xf32> -> vector<1024x1024xf32>
    %add3A_64 = arith.addf %add3A_41, %dot_general3A_63 : vector<1024x1024xf32>
    %convert_element_type3A_65 = arith.truncf %bitcast_convert_type3A_55 : vector<1024x128xf32> to vector<1024x128xbf16>
    %get3A_66 = arith.constant 1 : index
    %get3A_67 = arith.constant 0 : index
    %get3A_68 = arith.constant 0 : index
    %get3A_69 = vector.load %arg5[%get3A_66, %get3A_67, %get3A_68] : memref<7x128x1024xbf16, #tpu.memory_space<vmem>>, vector<1x128x1024xbf16>
    %get3A_70 = vector.shape_cast %get3A_69 : vector<1x128x1024xbf16> to vector<128x1024xbf16>
    %dot_general3A_71 = arith.constant dense<0.000000e+00> : vector<1024x1024xf32>
    %dot_general3A_72 = tpu.matmul %convert_element_type3A_65, %get3A_70, %dot_general3A_71 {dimension_numbers = #tpu.dot_dimension_numbers<[1], [0], [0], [1], [0, 0, 1, 1], [], []>, transpose_lhs_hint = false} : vector<1024x128xbf16>, vector<128x1024xbf16>, vector<1024x1024xf32> -> vector<1024x1024xf32>
    %add3A_73 = arith.addf %add3A_64, %dot_general3A_72 : vector<1024x1024xf32>
    %get3A_74 = arith.constant 2 : index
    %get3A_75 = arith.constant 0 : index
    %get3A_76 = arith.constant 0 : index
    %get3A_77 = vector.load %arg3[%get3A_74, %get3A_75, %get3A_76] : memref<7x1024x128xf32, #tpu.memory_space<vmem>>, vector<1x1024x128xf32>
    %get3A_78 = vector.shape_cast %get3A_77 : vector<1x1024x128xf32> to vector<1024x128xf32>
    %bitcast_convert_type3A_79 = tpu.bitcast %get3A_78 : vector<1024x128xf32> -> vector<1024x128xi32>
    %shift_left3A_80 = arith.constant 16 : i32
    %shift_left3A_81 = vector.broadcast %shift_left3A_80 : i32 to vector<1024x128xi32>
    %shift_left3A_82 = arith.shli %bitcast_convert_type3A_79, %shift_left3A_81 : vector<1024x128xi32>
    %bitcast_convert_type3A_83 = tpu.bitcast %shift_left3A_82 : vector<1024x128xi32> -> vector<1024x128xf32>
    %and3A_84 = arith.constant -65536 : i32
    %and3A_85 = vector.broadcast %and3A_84 : i32 to vector<1024x128xi32>
    %and3A_86 = arith.andi %bitcast_convert_type3A_79, %and3A_85 : vector<1024x128xi32>
    %bitcast_convert_type3A_87 = tpu.bitcast %and3A_86 : vector<1024x128xi32> -> vector<1024x128xf32>
    %convert_element_type3A_88 = arith.truncf %bitcast_convert_type3A_83 : vector<1024x128xf32> to vector<1024x128xbf16>
    %get3A_89 = arith.constant 2 : index
    %get3A_90 = arith.constant 0 : index
    %get3A_91 = arith.constant 0 : index
    %get3A_92 = vector.load %arg4[%get3A_89, %get3A_90, %get3A_91] : memref<7x128x1024xbf16, #tpu.memory_space<vmem>>, vector<1x128x1024xbf16>
    %get3A_93 = vector.shape_cast %get3A_92 : vector<1x128x1024xbf16> to vector<128x1024xbf16>
    %dot_general3A_94 = arith.constant dense<0.000000e+00> : vector<1024x1024xf32>
    %dot_general3A_95 = tpu.matmul %convert_element_type3A_88, %get3A_93, %dot_general3A_94 {dimension_numbers = #tpu.dot_dimension_numbers<[1], [0], [0], [1], [0, 0, 1, 1], [], []>, transpose_lhs_hint = false} : vector<1024x128xbf16>, vector<128x1024xbf16>, vector<1024x1024xf32> -> vector<1024x1024xf32>
    %add3A_96 = arith.addf %add3A_73, %dot_general3A_95 : vector<1024x1024xf32>
    %convert_element_type3A_97 = arith.truncf %bitcast_convert_type3A_87 : vector<1024x128xf32> to vector<1024x128xbf16>
    %get3A_98 = arith.constant 2 : index
    %get3A_99 = arith.constant 0 : index
    %get3A_100 = arith.constant 0 : index
    %get3A_101 = vector.load %arg5[%get3A_98, %get3A_99, %get3A_100] : memref<7x128x1024xbf16, #tpu.memory_space<vmem>>, vector<1x128x1024xbf16>
    %get3A_102 = vector.shape_cast %get3A_101 : vector<1x128x1024xbf16> to vector<128x1024xbf16>
    %dot_general3A_103 = arith.constant dense<0.000000e+00> : vector<1024x1024xf32>
    %dot_general3A_104 = tpu.matmul %convert_element_type3A_97, %get3A_102, %dot_general3A_103 {dimension_numbers = #tpu.dot_dimension_numbers<[1], [0], [0], [1], [0, 0, 1, 1], [], []>, transpose_lhs_hint = false} : vector<1024x128xbf16>, vector<128x1024xbf16>, vector<1024x1024xf32> -> vector<1024x1024xf32>
    %add3A_105 = arith.addf %add3A_96, %dot_general3A_104 : vector<1024x1024xf32>
    %get3A_106 = arith.constant 3 : index
    %get3A_107 = arith.constant 0 : index
    %get3A_108 = arith.constant 0 : index
    %get3A_109 = vector.load %arg3[%get3A_106, %get3A_107, %get3A_108] : memref<7x1024x128xf32, #tpu.memory_space<vmem>>, vector<1x1024x128xf32>
    %get3A_110 = vector.shape_cast %get3A_109 : vector<1x1024x128xf32> to vector<1024x128xf32>
    %bitcast_convert_type3A_111 = tpu.bitcast %get3A_110 : vector<1024x128xf32> -> vector<1024x128xi32>
    %shift_left3A_112 = arith.constant 16 : i32
    %shift_left3A_113 = vector.broadcast %shift_left3A_112 : i32 to vector<1024x128xi32>
    %shift_left3A_114 = arith.shli %bitcast_convert_type3A_111, %shift_left3A_113 : vector<1024x128xi32>
    %bitcast_convert_type3A_115 = tpu.bitcast %shift_left3A_114 : vector<1024x128xi32> -> vector<1024x128xf32>
    %and3A_116 = arith.constant -65536 : i32
    %and3A_117 = vector.broadcast %and3A_116 : i32 to vector<1024x128xi32>
    %and3A_118 = arith.andi %bitcast_convert_type3A_111, %and3A_117 : vector<1024x128xi32>
    %bitcast_convert_type3A_119 = tpu.bitcast %and3A_118 : vector<1024x128xi32> -> vector<1024x128xf32>
    %convert_element_type3A_120 = arith.truncf %bitcast_convert_type3A_115 : vector<1024x128xf32> to vector<1024x128xbf16>
    %get3A_121 = arith.constant 3 : index
    %get3A_122 = arith.constant 0 : index
    %get3A_123 = arith.constant 0 : index
    %get3A_124 = vector.load %arg4[%get3A_121, %get3A_122, %get3A_123] : memref<7x128x1024xbf16, #tpu.memory_space<vmem>>, vector<1x128x1024xbf16>
    %get3A_125 = vector.shape_cast %get3A_124 : vector<1x128x1024xbf16> to vector<128x1024xbf16>
    %dot_general3A_126 = arith.constant dense<0.000000e+00> : vector<1024x1024xf32>
    %dot_general3A_127 = tpu.matmul %convert_element_type3A_120, %get3A_125, %dot_general3A_126 {dimension_numbers = #tpu.dot_dimension_numbers<[1], [0], [0], [1], [0, 0, 1, 1], [], []>, transpose_lhs_hint = false} : vector<1024x128xbf16>, vector<128x1024xbf16>, vector<1024x1024xf32> -> vector<1024x1024xf32>
    %add3A_128 = arith.addf %add3A_105, %dot_general3A_127 : vector<1024x1024xf32>
    %convert_element_type3A_129 = arith.truncf %bitcast_convert_type3A_119 : vector<1024x128xf32> to vector<1024x128xbf16>
    %get3A_130 = arith.constant 3 : index
    %get3A_131 = arith.constant 0 : index
    %get3A_132 = arith.constant 0 : index
    %get3A_133 = vector.load %arg5[%get3A_130, %get3A_131, %get3A_132] : memref<7x128x1024xbf16, #tpu.memory_space<vmem>>, vector<1x128x1024xbf16>
    %get3A_134 = vector.shape_cast %get3A_133 : vector<1x128x1024xbf16> to vector<128x1024xbf16>
    %dot_general3A_135 = arith.constant dense<0.000000e+00> : vector<1024x1024xf32>
    %dot_general3A_136 = tpu.matmul %convert_element_type3A_129, %get3A_134, %dot_general3A_135 {dimension_numbers = #tpu.dot_dimension_numbers<[1], [0], [0], [1], [0, 0, 1, 1], [], []>, transpose_lhs_hint = false} : vector<1024x128xbf16>, vector<128x1024xbf16>, vector<1024x1024xf32> -> vector<1024x1024xf32>
    %add3A_137 = arith.addf %add3A_128, %dot_general3A_136 : vector<1024x1024xf32>
    %get3A_138 = arith.constant 4 : index
    %get3A_139 = arith.constant 0 : index
    %get3A_140 = arith.constant 0 : index
    %get3A_141 = vector.load %arg3[%get3A_138, %get3A_139, %get3A_140] : memref<7x1024x128xf32, #tpu.memory_space<vmem>>, vector<1x1024x128xf32>
    %get3A_142 = vector.shape_cast %get3A_141 : vector<1x1024x128xf32> to vector<1024x128xf32>
    %bitcast_convert_type3A_143 = tpu.bitcast %get3A_142 : vector<1024x128xf32> -> vector<1024x128xi32>
    %shift_left3A_144 = arith.constant 16 : i32
    %shift_left3A_145 = vector.broadcast %shift_left3A_144 : i32 to vector<1024x128xi32>
    %shift_left3A_146 = arith.shli %bitcast_convert_type3A_143, %shift_left3A_145 : vector<1024x128xi32>
    %bitcast_convert_type3A_147 = tpu.bitcast %shift_left3A_146 : vector<1024x128xi32> -> vector<1024x128xf32>
    %and3A_148 = arith.constant -65536 : i32
    %and3A_149 = vector.broadcast %and3A_148 : i32 to vector<1024x128xi32>
    %and3A_150 = arith.andi %bitcast_convert_type3A_143, %and3A_149 : vector<1024x128xi32>
    %bitcast_convert_type3A_151 = tpu.bitcast %and3A_150 : vector<1024x128xi32> -> vector<1024x128xf32>
    %convert_element_type3A_152 = arith.truncf %bitcast_convert_type3A_147 : vector<1024x128xf32> to vector<1024x128xbf16>
    %get3A_153 = arith.constant 4 : index
    %get3A_154 = arith.constant 0 : index
    %get3A_155 = arith.constant 0 : index
    %get3A_156 = vector.load %arg4[%get3A_153, %get3A_154, %get3A_155] : memref<7x128x1024xbf16, #tpu.memory_space<vmem>>, vector<1x128x1024xbf16>
    %get3A_157 = vector.shape_cast %get3A_156 : vector<1x128x1024xbf16> to vector<128x1024xbf16>
    %dot_general3A_158 = arith.constant dense<0.000000e+00> : vector<1024x1024xf32>
    %dot_general3A_159 = tpu.matmul %convert_element_type3A_152, %get3A_157, %dot_general3A_158 {dimension_numbers = #tpu.dot_dimension_numbers<[1], [0], [0], [1], [0, 0, 1, 1], [], []>, transpose_lhs_hint = false} : vector<1024x128xbf16>, vector<128x1024xbf16>, vector<1024x1024xf32> -> vector<1024x1024xf32>
    %add3A_160 = arith.addf %add3A_137, %dot_general3A_159 : vector<1024x1024xf32>
    %convert_element_type3A_161 = arith.truncf %bitcast_convert_type3A_151 : vector<1024x128xf32> to vector<1024x128xbf16>
    %get3A_162 = arith.constant 4 : index
    %get3A_163 = arith.constant 0 : index
    %get3A_164 = arith.constant 0 : index
    %get3A_165 = vector.load %arg5[%get3A_162, %get3A_163, %get3A_164] : memref<7x128x1024xbf16, #tpu.memory_space<vmem>>, vector<1x128x1024xbf16>
    %get3A_166 = vector.shape_cast %get3A_165 : vector<1x128x1024xbf16> to vector<128x1024xbf16>
    %dot_general3A_167 = arith.constant dense<0.000000e+00> : vector<1024x1024xf32>
    %dot_general3A_168 = tpu.matmul %convert_element_type3A_161, %get3A_166, %dot_general3A_167 {dimension_numbers = #tpu.dot_dimension_numbers<[1], [0], [0], [1], [0, 0, 1, 1], [], []>, transpose_lhs_hint = false} : vector<1024x128xbf16>, vector<128x1024xbf16>, vector<1024x1024xf32> -> vector<1024x1024xf32>
    %add3A_169 = arith.addf %add3A_160, %dot_general3A_168 : vector<1024x1024xf32>
    %get3A_170 = arith.constant 5 : index
    %get3A_171 = arith.constant 0 : index
    %get3A_172 = arith.constant 0 : index
    %get3A_173 = vector.load %arg3[%get3A_170, %get3A_171, %get3A_172] : memref<7x1024x128xf32, #tpu.memory_space<vmem>>, vector<1x1024x128xf32>
    %get3A_174 = vector.shape_cast %get3A_173 : vector<1x1024x128xf32> to vector<1024x128xf32>
    %bitcast_convert_type3A_175 = tpu.bitcast %get3A_174 : vector<1024x128xf32> -> vector<1024x128xi32>
    %shift_left3A_176 = arith.constant 16 : i32
    %shift_left3A_177 = vector.broadcast %shift_left3A_176 : i32 to vector<1024x128xi32>
    %shift_left3A_178 = arith.shli %bitcast_convert_type3A_175, %shift_left3A_177 : vector<1024x128xi32>
    %bitcast_convert_type3A_179 = tpu.bitcast %shift_left3A_178 : vector<1024x128xi32> -> vector<1024x128xf32>
    %and3A_180 = arith.constant -65536 : i32
    %and3A_181 = vector.broadcast %and3A_180 : i32 to vector<1024x128xi32>
    %and3A_182 = arith.andi %bitcast_convert_type3A_175, %and3A_181 : vector<1024x128xi32>
    %bitcast_convert_type3A_183 = tpu.bitcast %and3A_182 : vector<1024x128xi32> -> vector<1024x128xf32>
    %convert_element_type3A_184 = arith.truncf %bitcast_convert_type3A_179 : vector<1024x128xf32> to vector<1024x128xbf16>
    %get3A_185 = arith.constant 5 : index
    %get3A_186 = arith.constant 0 : index
    %get3A_187 = arith.constant 0 : index
    %get3A_188 = vector.load %arg4[%get3A_185, %get3A_186, %get3A_187] : memref<7x128x1024xbf16, #tpu.memory_space<vmem>>, vector<1x128x1024xbf16>
    %get3A_189 = vector.shape_cast %get3A_188 : vector<1x128x1024xbf16> to vector<128x1024xbf16>
    %dot_general3A_190 = arith.constant dense<0.000000e+00> : vector<1024x1024xf32>
    %dot_general3A_191 = tpu.matmul %convert_element_type3A_184, %get3A_189, %dot_general3A_190 {dimension_numbers = #tpu.dot_dimension_numbers<[1], [0], [0], [1], [0, 0, 1, 1], [], []>, transpose_lhs_hint = false} : vector<1024x128xbf16>, vector<128x1024xbf16>, vector<1024x1024xf32> -> vector<1024x1024xf32>
    %add3A_192 = arith.addf %add3A_169, %dot_general3A_191 : vector<1024x1024xf32>
    %convert_element_type3A_193 = arith.truncf %bitcast_convert_type3A_183 : vector<1024x128xf32> to vector<1024x128xbf16>
    %get3A_194 = arith.constant 5 : index
    %get3A_195 = arith.constant 0 : index
    %get3A_196 = arith.constant 0 : index
    %get3A_197 = vector.load %arg5[%get3A_194, %get3A_195, %get3A_196] : memref<7x128x1024xbf16, #tpu.memory_space<vmem>>, vector<1x128x1024xbf16>
    %get3A_198 = vector.shape_cast %get3A_197 : vector<1x128x1024xbf16> to vector<128x1024xbf16>
    %dot_general3A_199 = arith.constant dense<0.000000e+00> : vector<1024x1024xf32>
    %dot_general3A_200 = tpu.matmul %convert_element_type3A_193, %get3A_198, %dot_general3A_199 {dimension_numbers = #tpu.dot_dimension_numbers<[1], [0], [0], [1], [0, 0, 1, 1], [], []>, transpose_lhs_hint = false} : vector<1024x128xbf16>, vector<128x1024xbf16>, vector<1024x1024xf32> -> vector<1024x1024xf32>
    %add3A_201 = arith.addf %add3A_192, %dot_general3A_200 : vector<1024x1024xf32>
    %get3A_202 = arith.constant 6 : index
    %get3A_203 = arith.constant 0 : index
    %get3A_204 = arith.constant 0 : index
    %get3A_205 = vector.load %arg3[%get3A_202, %get3A_203, %get3A_204] : memref<7x1024x128xf32, #tpu.memory_space<vmem>>, vector<1x1024x128xf32>
    %get3A_206 = vector.shape_cast %get3A_205 : vector<1x1024x128xf32> to vector<1024x128xf32>
    %bitcast_convert_type3A_207 = tpu.bitcast %get3A_206 : vector<1024x128xf32> -> vector<1024x128xi32>
    %shift_left3A_208 = arith.constant 16 : i32
    %shift_left3A_209 = vector.broadcast %shift_left3A_208 : i32 to vector<1024x128xi32>
    %shift_left3A_210 = arith.shli %bitcast_convert_type3A_207, %shift_left3A_209 : vector<1024x128xi32>
    %bitcast_convert_type3A_211 = tpu.bitcast %shift_left3A_210 : vector<1024x128xi32> -> vector<1024x128xf32>
    %and3A_212 = arith.constant -65536 : i32
    %and3A_213 = vector.broadcast %and3A_212 : i32 to vector<1024x128xi32>
    %and3A_214 = arith.andi %bitcast_convert_type3A_207, %and3A_213 : vector<1024x128xi32>
    %bitcast_convert_type3A_215 = tpu.bitcast %and3A_214 : vector<1024x128xi32> -> vector<1024x128xf32>
    %convert_element_type3A_216 = arith.truncf %bitcast_convert_type3A_211 : vector<1024x128xf32> to vector<1024x128xbf16>
    %get3A_217 = arith.constant 6 : index
    %get3A_218 = arith.constant 0 : index
    %get3A_219 = arith.constant 0 : index
    %get3A_220 = vector.load %arg4[%get3A_217, %get3A_218, %get3A_219] : memref<7x128x1024xbf16, #tpu.memory_space<vmem>>, vector<1x128x1024xbf16>
    %get3A_221 = vector.shape_cast %get3A_220 : vector<1x128x1024xbf16> to vector<128x1024xbf16>
    %dot_general3A_222 = arith.constant dense<0.000000e+00> : vector<1024x1024xf32>
    %dot_general3A_223 = tpu.matmul %convert_element_type3A_216, %get3A_221, %dot_general3A_222 {dimension_numbers = #tpu.dot_dimension_numbers<[1], [0], [0], [1], [0, 0, 1, 1], [], []>, transpose_lhs_hint = false} : vector<1024x128xbf16>, vector<128x1024xbf16>, vector<1024x1024xf32> -> vector<1024x1024xf32>
    %add3A_224 = arith.addf %add3A_201, %dot_general3A_223 : vector<1024x1024xf32>
    %convert_element_type3A_225 = arith.truncf %bitcast_convert_type3A_215 : vector<1024x128xf32> to vector<1024x128xbf16>
    %get3A_226 = arith.constant 6 : index
    %get3A_227 = arith.constant 0 : index
    %get3A_228 = arith.constant 0 : index
    %get3A_229 = vector.load %arg5[%get3A_226, %get3A_227, %get3A_228] : memref<7x128x1024xbf16, #tpu.memory_space<vmem>>, vector<1x128x1024xbf16>
    %get3A_230 = vector.shape_cast %get3A_229 : vector<1x128x1024xbf16> to vector<128x1024xbf16>
    %dot_general3A_231 = arith.constant dense<0.000000e+00> : vector<1024x1024xf32>
    %dot_general3A_232 = tpu.matmul %convert_element_type3A_225, %get3A_230, %dot_general3A_231 {dimension_numbers = #tpu.dot_dimension_numbers<[1], [0], [0], [1], [0, 0, 1, 1], [], []>, transpose_lhs_hint = false} : vector<1024x128xbf16>, vector<128x1024xbf16>, vector<1024x1024xf32> -> vector<1024x1024xf32>
    %add3A_233 = arith.addf %add3A_224, %dot_general3A_232 : vector<1024x1024xf32>
    %get3A_234 = arith.constant 0 : index
    %get3A_235 = arith.constant 0 : index
    %get3A_236 = vector.load %arg7[%get3A_234, %get3A_235] : memref<1x1024xf32, #tpu.memory_space<vmem>>, vector<1x1024xf32>
    %add3A_237 = vector.broadcast %get3A_236 : vector<1x1024xf32> to vector<1024x1024xf32>
    %add3A_238 = arith.addf %add3A_233, %add3A_237 : vector<1024x1024xf32>
    %max3A = arith.constant 0.000000e+00 : f32
    %max3A_239 = vector.broadcast %max3A : f32 to vector<1024x1024xf32>
    %max3A_240 = arith.maximumf %add3A_238, %max3A_239 : vector<1024x1024xf32>
    %convert_element_type3A_241 = arith.truncf %max3A_240 : vector<1024x1024xf32> to vector<1024x1024xbf16>
    %get3A_242 = arith.constant 0 : index
    %get3A_243 = arith.constant 0 : index
    %get3A_244 = vector.load %arg8[%get3A_242, %get3A_243] : memref<1024x512xbf16, #tpu.memory_space<vmem>>, vector<1024x512xbf16>
    %dot_general3A_245 = arith.constant dense<0.000000e+00> : vector<1024x512xf32>
    %dot_general3A_246 = tpu.matmul %convert_element_type3A_241, %get3A_244, %dot_general3A_245 {dimension_numbers = #tpu.dot_dimension_numbers<[1], [0], [0], [1], [0, 0, 1, 1], [], []>, transpose_lhs_hint = false} : vector<1024x1024xbf16>, vector<1024x512xbf16>, vector<1024x512xf32> -> vector<1024x512xf32>
    %get3A_247 = arith.constant 0 : index
    %get3A_248 = arith.constant 0 : index
    %get3A_249 = vector.load %arg9[%get3A_247, %get3A_248] : memref<1x512xf32, #tpu.memory_space<vmem>>, vector<1x512xf32>
    %add3A_250 = vector.broadcast %get3A_249 : vector<1x512xf32> to vector<1024x512xf32>
    %add3A_251 = arith.addf %dot_general3A_246, %add3A_250 : vector<1024x512xf32>
    %max3A_252 = arith.constant 0.000000e+00 : f32
    %max3A_253 = vector.broadcast %max3A_252 : f32 to vector<1024x512xf32>
    %max3A_254 = arith.maximumf %add3A_251, %max3A_253 : vector<1024x512xf32>
    %convert_element_type3A_255 = arith.truncf %max3A_254 : vector<1024x512xf32> to vector<1024x512xbf16>
    %get3A_256 = arith.constant 0 : index
    %get3A_257 = arith.constant 0 : index
    %get3A_258 = vector.load %arg10[%get3A_256, %get3A_257] : memref<512x1xbf16, #tpu.memory_space<vmem>>, vector<512x1xbf16>
    %dot_general3A_259 = arith.constant dense<0.000000e+00> : vector<1024x1xf32>
    %dot_general3A_260 = tpu.matmul %convert_element_type3A_255, %get3A_258, %dot_general3A_259 {dimension_numbers = #tpu.dot_dimension_numbers<[1], [0], [0], [1], [0, 0, 1, 1], [], []>, transpose_lhs_hint = false} : vector<1024x512xbf16>, vector<512x1xbf16>, vector<1024x1xf32> -> vector<1024x1xf32>
    %get3A_261 = arith.constant 0 : index
    %get3A_262 = arith.constant 0 : index
    %get3A_263 = vector.load %arg11[%get3A_261, %get3A_262] : memref<1x1xf32, #tpu.memory_space<vmem>>, vector<1x1xf32>
    %add3A_264 = vector.broadcast %get3A_263 : vector<1x1xf32> to vector<1024x1xf32>
    %add3A_265 = arith.addf %dot_general3A_260, %add3A_264 : vector<1024x1xf32>
    %logistic3A = arith.negf %add3A_265 : vector<1024x1xf32>
    %logistic3A_266 = math.exp %logistic3A : vector<1024x1xf32>
    %logistic3A_267 = arith.constant 1.000000e+00 : f32
    %logistic3A_268 = vector.broadcast %logistic3A_267 : f32 to vector<1024x1xf32>
    %logistic3A_269 = arith.addf %logistic3A_268, %logistic3A_266 : vector<1024x1xf32>
    %logistic3A_270 = arith.divf %logistic3A_268, %logistic3A_269 : vector<1024x1xf32>
    %swap3A = arith.constant 0 : index
    %swap3A_271 = arith.constant 0 : index
    %swap3A_272 = vector.load %arg12[%swap3A, %swap3A_271] : memref<1024x1xf32, #tpu.memory_space<vmem>>, vector<1024x1xf32>
    tpu.vector_store %arg12[%swap3A, %swap3A_271], %logistic3A_270 {strides = array<i32>} : memref<1024x1xf32, #tpu.memory_space<vmem>>, vector<1024x1xf32>,
    return
  }
  func.func @transform_0(%arg0: i32) -> (i32, i32) {
    %c0_i32 = arith.constant 0 : i32
    %c0_i32_0 = arith.constant 0 : i32
    return %arg0, %c0_i32 : i32, i32
  }
  func.func @transform_1(%arg0: i32) -> (i32, i32) {
    %c0_i32 = arith.constant 0 : i32
    %c0_i32_0 = arith.constant 0 : i32
    %c0_i32_1 = arith.constant 0 : i32
    return %c0_i32, %c0_i32_0 : i32, i32
  }
  func.func @transform_2(%arg0: i32) -> (i32, i32, i32) {
    %c0_i32 = arith.constant 0 : i32
    %c0_i32_0 = arith.constant 0 : i32
    %c0_i32_1 = arith.constant 0 : i32
    return %c0_i32, %arg0, %c0_i32_0 : i32, i32, i32
  }
  func.func @transform_3(%arg0: i32) -> (i32, i32, i32) {
    %c0_i32 = arith.constant 0 : i32
    %c0_i32_0 = arith.constant 0 : i32
    %c0_i32_1 = arith.constant 0 : i32
    %c0_i32_2 = arith.constant 0 : i32
    return %c0_i32, %c0_i32_0, %c0_i32_1 : i32, i32, i32
  }
  func.func @transform_4(%arg0: i32) -> (i32, i32, i32) {
    %c0_i32 = arith.constant 0 : i32
    %c0_i32_0 = arith.constant 0 : i32
    %c0_i32_1 = arith.constant 0 : i32
    %c0_i32_2 = arith.constant 0 : i32
    return %c0_i32, %c0_i32_0, %c0_i32_1 : i32, i32, i32
  }
  func.func @transform_5(%arg0: i32) -> (i32, i32) {
    %c0_i32 = arith.constant 0 : i32
    %c0_i32_0 = arith.constant 0 : i32
    %c0_i32_1 = arith.constant 0 : i32
    return %c0_i32, %c0_i32_0 : i32, i32
  }
  func.func @transform_6(%arg0: i32) -> (i32, i32) {
    %c0_i32 = arith.constant 0 : i32
    %c0_i32_0 = arith.constant 0 : i32
    %c0_i32_1 = arith.constant 0 : i32
    return %c0_i32, %c0_i32_0 : i32, i32
  }
  func.func @transform_7(%arg0: i32) -> (i32, i32) {
    %c0_i32 = arith.constant 0 : i32
    %c0_i32_0 = arith.constant 0 : i32
    %c0_i32_1 = arith.constant 0 : i32
    return %c0_i32, %c0_i32_0 : i32, i32
  }
  func.func @transform_8(%arg0: i32) -> (i32, i32) {
    %c0_i32 = arith.constant 0 : i32
    %c0_i32_0 = arith.constant 0 : i32
    %c0_i32_1 = arith.constant 0 : i32
    return %c0_i32, %c0_i32_0 : i32, i32
  }
  func.func @transform_9(%arg0: i32) -> (i32, i32) {
    %c0_i32 = arith.constant 0 : i32
    %c0_i32_0 = arith.constant 0 : i32
    %c0_i32_1 = arith.constant 0 : i32
    return %c0_i32, %c0_i32_0 : i32, i32
  }
  func.func @transform_10(%arg0: i32) -> (i32, i32) {
    %c0_i32 = arith.constant 0 : i32
    %c0_i32_0 = arith.constant 0 : i32
    %c0_i32_1 = arith.constant 0 : i32
    return %c0_i32, %c0_i32_0 : i32, i32
  }
  func.func @transform_11(%arg0: i32) -> (i32, i32) {
    %c0_i32 = arith.constant 0 : i32
    %c0_i32_0 = arith.constant 0 : i32
    return %arg0, %c0_i32 : i32, i32
  }
}

</mosaic_0001>

<sc_bundles>
// kernel: kernel.10.cloned.1.call-start
scs
__scs_entry_jumppad:
0x0: {  	(pc) =	sbr.rel $0x88, $3  }
0x1: {  	(tag) =	ssettag $0x0;
	lr =	simm.s32 $0x1  }
0x2: {  	[smem:$0x3F96] =	sst lr;
	_ =	strace $0xD0000000  }
0x3: {  	_ = 	snop  }
0x4: {  	_ = 	snop  }
0x5: {  	_ = 	snop  }
0x6: {  	_ = 	snop  }
0x7: {  	_ = 	snop  }
__scs_overlays_trampoline_lowered:
0x8: {  	[smem:$0x3FA5] =	sst s0  }
0x9: {  	[smem:$0x3FA6] =	sst s1  }
0xa: {  	[smem:$0x3FA7] =	sst s2  }
0xb: {  	[smem:$0x3FA8] =	sst s3  }
0xc: {  	[smem:$0x3FA9] =	sst s4  }
0xd: {  	[smem:$0x3FAA] =	sst s5  }
0xe: {  	[smem:$0x3FAB] =	sst s6  }
0xf: {  	[smem:$0x3FAC] =	sst s7  }
0x10: {  	[smem:$0x3FAD] =	sst s8  }
0x11: {  	[smem:$0x3FAE] =	sst s9;
	s0 =	simm.s32 @!p0 $0x0  }
0x12: {  	s1 =	sld [smem:$0x3F94];
	s0 =	simm.s32 @p0 $0x1  }
0x13: {  	[smem:$0x3FAF] =	sst s0;
	s0 =	simm.s32 @!p1 $0x0  }
0x14: {  	s2 =	sld [smem:$0x3F93];
	s0 =	simm.s32 @p1 $0x1  }
0x15: {  	[smem:$0x3FB0] =	sst s0;
	s0 =	simm.s32 @!p2 $0x0  }
0x16: {  	s3 =	sld [smem:$0x3FDB];
	s0 =	simm.s32 @p2 $0x1  }
0x17: {  	s4 =	simm.s32 $0x1BF5;
	[smem:$0x3FB2] =	sst s0  }
0x18: {  	s0 =	sld [smem:$0x3F95];
	_ =	swait.ge [sflag:s4], $0x0  }
0x19: {  	s7 =	sld [smem:$0x3F96]  }
0x1a: {  	s8 =	sadd.s32 $0xFFFFE003, lr  }
0x1b: {  	s9 =	sadd.s32 $0xFFFFFEF7, lr;
	s5 =	simm.s32 $0xFFFFFFFF;
	p2 =	slt.u32 s8, $0xFFFFF086  }
0x1c: {  	p1 =	slt.u32 s9, $0xF7A;
	s5 =	simm.s32 @!p2 $0x0  }
0x1d: {  	s5 =	simm.s32 @p1 $0x1;
	p0 =	seq.s32 s7, s2  }
0x1e: {  	s7 =	smul.u32 @!p0 $0xF7A, s2;
	p2 =	seq.s32 @!p0 s5, $0x0  }
0x1f: {  	s9 =	smul.u32 $0xF7A, s1;
	s8 =	simm.s32 @!p0 $0x1BF5;
	p2 =	por !p2, p0  }
0x20: {  	[sflag:s8] =	ssyncset.s32 @!p0 $0xFFFFF086;
	s6 =	sadd.s32 @!p0 s3, s7;
	s7 =	simm.s32 @!p0 $0x108  }
0x21: {  	s3 =	sadd.s32 s3, s9;
	s6 =	sadd.s32 @!p0 $0x88, s6;
	s7 =	simm.s32 @p2 $0x1082  }
0x22: {  	[simem:s7], [sflag:s8] =	dma.local @!p0 [hbm:s6], $0xF7A  }
0x23: {  	s9 =	sor.u32 $0xD0000000, s2;
	s6 =	simm.s32 $0x108;
	_ =	swait.ge @!p0 [sflag:s8], $0x0  }
0x24: {  	s3 =	sadd.s32 $0x88, s3;
	s6 =	simm.s32 @!p1 $0x1082;
	[sflag:s4] =	ssyncset.s32 $0xFFFFF086  }
0x25: {  	[simem:s6], [sflag:s4] =	dma.local [hbm:s3], $0xF7A  }
0x26: {  	[smem:$0x3F96] =	sst s1;
	(tag) =	ssettag s2;
	_ =	strace s9  }
0x27: {  	s1 =	sld [smem:$0x3FA6]  }
0x28: {  	s2 =	sld [smem:$0x3FA7]  }
0x29: {  	s4 =	sld [smem:$0x3FA9]  }
0x2a: {  	p0 =	seq.s32 s5, $0x0;
	s5 =	sld [smem:$0x3FAA]  }
0x2b: {  	s6 =	sld [smem:$0x3FAB]  }
0x2c: {  	s7 =	sld [smem:$0x3FAC]  }
0x2d: {  	s3 =	simm.s32 $0x108;
	s8 =	sld [smem:$0x3FAD]  }
0x2e: {  	s3 =	simm.s32 @!p0 $0x1082;
	s9 =	sld [smem:$0x3FAE]  }
0x2f: {  	lr =	sadd.s32 s0, s3;
	s0 =	sld [smem:$0x3FA5]  }
0x30: {  	s3 =	sld [smem:$0x3FA8]  }
0x31: {  	[smem:$0x3FB1] =	sst s10  }
0x32: {  	s10 =	sld [smem:$0x3FAF];
	_ =	sdelay $0x3  }
0x33: {  	p0 =	seq.s32 s10, $0x1;
	s10 =	sld [smem:$0x3FB1];
	_ =	sdelay $0x3  }
0x34: {  	[smem:$0x3FB1] =	sst s10  }
0x35: {  	s10 =	sld [smem:$0x3FB0];
	_ =	sdelay $0x3  }
0x36: {  	p1 =	seq.s32 s10, $0x1;
	s10 =	sld [smem:$0x3FB1];
	_ =	sdelay $0x3  }
0x37: {  	[smem:$0x3FB1] =	sst s10  }
0x38: {  	s10 =	sld [smem:$0x3FB2]  }
0x39: {  	_ = 	snop;
	(pc) =	sbr.ind lr, $3  }
0x3a: {  	_ = 	snop  }
0x3b: {  	_ = 	snop  }
0x3c: {  	p2 =	seq.s32 s10, $0x1;
	s10 =	sld [smem:$0x3FB1]  }
0x3d: {  	_ =	shalt  }
0x3e: {  	_ =	shalt  }
0x3f: {  	_ =	shalt  }
0x40: {  	_ =	shalt  }
0x41: {  	_ =	shalt  }
0x42: {  	_ =	shalt  }
0x43: {  	_ =	shalt  }
0x44: {  	_ =	shalt  }
0x45: {  	_ =	shalt  }
0x46: {  	_ =	shalt  }
0x47: {  	_ =	shalt  }
0x48: {  	_ =	shalt  }
0x49: {  	_ =	shalt  }
0x4a: {  	_ =	shalt  }
0x4b: {  	_ =	shalt  }
0x4c: {  	_ =	shalt  }
0x4d: {  	_ =	shalt  }
0x4e: {  	_ =	shalt  }
0x4f: {  	_ =	shalt  }
0x50: {  	_ =	shalt  }
0x51: {  	_ =	shalt  }
0x52: {  	_ =	shalt  }
0x53: {  	_ =	shalt  }
0x54: {  	_ =	shalt  }
0x55: {  	_ =	shalt  }
0x56: {  	_ =	shalt  }
0x57: {  	_ =	shalt  }
0x58: {  	_ =	shalt  }
0x59: {  	_ =	shalt  }
0x5a: {  	_ =	shalt  }
0x5b: {  	_ =	shalt  }
0x5c: {  	_ =	shalt  }
0x5d: {  	_ =	shalt  }
0x5e: {  	_ =	shalt  }
0x5f: {  	_ =	shalt  }
0x60: {  	_ =	shalt  }
0x61: {  	_ =	shalt  }
0x62: {  	_ =	shalt  }
0x63: {  	_ =	shalt  }
0x64: {  	_ =	shalt  }
0x65: {  	_ =	shalt  }
0x66: {  	_ =	shalt  }
0x67: {  	_ =	shalt  }
0x68: {  	_ =	shalt  }
0x69: {  	_ =	shalt  }
0x6a: {  	_ =	shalt  }
0x6b: {  	_ =	shalt  }
0x6c: {  	_ =	shalt  }
0x6d: {  	_ =	shalt  }
0x6e: {  	_ =	shalt  }
0x6f: {  	_ =	shalt  }
0x70: {  	_ =	shalt  }
0x71: {  	_ =	shalt  }
0x72: {  	_ =	shalt  }
0x73: {  	_ =	shalt  }
0x74: {  	_ =	shalt  }
0x75: {  	_ =	shalt  }
0x76: {  	_ =	shalt  }
0x77: {  	_ =	shalt  }
0x78: {  	_ =	shalt  }
0x79: {  	_ =	shalt  }
0x7a: {  	_ =	shalt  }
0x7b: {  	_ =	shalt  }
0x7c: {  	_ =	shalt  }
0x7d: {  	_ =	shalt  }
0x7e: {  	_ =	shalt  }
0x7f: {  	_ =	shalt  }
0x80: {  	_ =	shalt  }
0x81: {  	_ =	shalt  }
0x82: {  	_ =	shalt  }
0x83: {  	_ =	shalt  }
0x84: {  	_ =	shalt  }
0x85: {  	_ =	shalt  }
0x86: {  	_ =	shalt  }
0x87: {  	_ =	shalt  }
.Lfunc_end0:
.L_simem_size_0:
called_computation.3_lowered:
.L_overlay_start_0:
0x88: {  	s2 =	sld [smem:$0x3FD9]  }
0x89: {  	s3 =	sld [smem:$0x3FFE];
	_ =	sdelay $0x1  }
0x8a: {  	s1 =	srdreg.scid  }
0x8b: {  	s0 =	sand.u32 $0x1, s1  }
0x8c: {  	s16 =	sshll.u32 s0, $0xA;
	s2 =	sadd.s32 s3, s2  }
0x8d: {  	s2 =	sadd.s32 s2, s16  }
0x8e: {  	[smem:$0x3FBD] =	sst s2  }
0x8f: {  	_ = 	snop  }
0x90: {  	(tm) =	ssettm $0x1  }
0x91: {  	s17 =	sld [smem:$0x3FFB];
	_ =	sdelay $0x3  }
0x92: {  	_ =	strace s17  }
0x93: {  	s2 =	sld [smem:$0x3FFC];
	_ =	sdelay $0x3  }
0x94: {  	_ =	strace s2  }
0x95: {  	s2 =	sld [smem:$0x3FFD];
	_ =	sdelay $0x3  }
0x96: {  	_ =	strace s2  }
0x97: {  	_ =	strace $0x8FFFFFFF  }
0x98: {  	s18 =	sld [smem:$0x3FDB];
	_ =	sdelay $0x1  }
0x99: {  	s19 =	simm.s32 $_scs_section_size  }
0x9a: {  	s4 =	simm.s32 $_size__tile_overlayer_lowered;
	s5 =	simm.s32 $_tile_overlayer_lowered  }
0x9b: {  	s22 =	simm.s32 $0x1BFF;
	s21 =	sshll.u32 s5, $0x1;
	s2 =	sadd.s32 s19, s18  }
0x9c: {  	s6 =	simm.s32 $0x0;
	s20 =	sshll.u32 s4, $0x1;
	s4 =	sadd.s32 s21, s2  }
0x9d: {  	[timem:s6], [sflag:s22] =	dma.local [hbm:s4], s20  }
0x9e: {  	_ =	swait.ge [sflag:s22], s20  }
0x9f: {  	s3 =	ssub.s32 $0x0, s20;
	[sflag:s22] =	ssyncset.done $0x0  }
0xa0: {  	[sflag:s22] =	ssyncadd.s32 s3;
	_ =	sdelay $0x1  }
0xa1: {  	s23 =	simm.s32 $0x1B8B  }
0xa2: {  	_ =	swait.ge [sflag:s23], $0x1  }
0xa3: {  	[sflag:s23] =	ssyncset.done $0x0  }
0xa4: {  	s25 =	simm.s32 $0x1B8E;
	s24 =	sld [smem:$0x3FFE];
	[sflag:s23] =	ssyncadd.s32 $0xFFFFFFFF  }
0xa5: {  	s26 =	simm.s32 $execute0_lowered;
	[smem:$0x3FD2] =	sst s25  }
0xa6: {  	s4 =	sshll.u32 s26, $0x1;
	_ =	strace $0x80000046;
	[dreg:$0x1] =	wrdreg $0xFFFFFFFF  }
0xa7: {  	s28 =	simm.s32 $_size_execute0_lowered;
	s2 =	sadd.s32 s2, s4;
	[dreg:$0x0] =	wrdreg $0x0  }
0xa8: {  	s4 =	sshll.u32 s28, $0x1;
	[dreg:$0x2] =	wrdreg s2  }
0xa9: {  	[dreg:$0x3] =	wrdreg s4  }
0xaa: {  	[dreg:$0x4] =	wrdreg $0xC0  }
0xab: {  	_ =	task [dreg:s6], $0x5FFFF  }
0xac: {  	[dreg:$0x1] =	wrdreg $0xFFFFFFFF  }
0xad: {  	[dreg:$0x0] =	wrdreg $0x60  }
0xae: {  	[dreg:$0x2] =	wrdreg s24  }
0xaf: {  	[dreg:$0x3] =	wrdreg $0x9  }
0xb0: {  	_ =	task.clear_ibuf [dreg:s6], $0x4FFFF;
	_ =	strace $0x90000046  }
0xb1: {  	s29 =	simm.s32 $0x9;
	_ =	strace $0x80000048  }
0xb2: {  	_ =	swait.ge [sflag:s29], $0x1  }
0xb3: {  	[sflag:s29] =	ssyncadd.s32 $0xFFFFFFFF  }
0xb4: {  	_ =	strace $0x90000048  }
0xb5: {  	_ =	sfence  }
0xb6: {  	s30 =	sld [smem:$0x0];
	_ =	sdelay $0x2  }
0xb7: {  	s31 =	sshll.u32 s1, $0xD;
	s1 =	sshrl.u32 s1, $0x2  }
0xb8: {  	s3 =	sand.u32 $0x4000, s31;
	s1 =	sadd.s32 s1, s30  }
0xb9: {  	s0 =	sor.u32 s3, s0;
	s1 =	sshll.u32 s1, $0x11  }
0xba: {  	s0 =	sor.u32 s1, s0  }
0xbb: {  	s0 =	sadd.s32 $0x8F2B, s0  }
0xbc: {  	[sflag:s0] =	ssyncadd.remote.s32 $0x1  }
0xbd: {  	_ =	sfence.sel $0xFFFF  }
0xbe: {  	[dreg:$0x0] =	wrdreg $0xFFFFFFFF;
	(pc) =	sbr.abs _section_cstart, $3  }
0xbf: {  	[dreg:$0x1] =	wrdreg $0xFFFFFFFF  }
0xc0: {  	_ =	task.clear_ibuf [dreg:s6], $0x2FFFF;
	_ =	strace $0x9FFFFFFF  }
0xc1: {  	(tm) =	ssettm $0x7FFFFFFF  }
tec
execute0_lowered:
.L_overlay_start_1:
0x0: {  	(tag) =	ssettag $0x1  }
0x1: {  	s0 =	srdreg.scid;
	s2 =	stileid.u32  }
0x2: {  	s0 =	sand.u32 $0x1, s0;
	s2 =	sshll.u32 s2, $0x1  }
0x3: {  	s2 =	sor.u32 s0, s2  }
0x4: {  	s1 =	rddreg [dreg:$0x0];
	s3 =	smul.u32 $0x380, s2;
	s2 =	sshll.u32 s2, $0xC  }
0x5: {  	s19 =	simm.s32 $0x0;
	s2 =	sadd.s32 s2, s1  }
0x6: {  	[smem:$0x7FF] =	sst s19;
	s8 =	sadd.s32 $0x25C00, s2  }
0x7: {  	_ =	strace $0x80000047;
	s9 =	sadd.s32 $0x25C04, s2;
	[dreg:$0x3] =	wrdreg s8  }
0x8: {  	s10 =	sadd.s32 $0x25C08, s2;
	[dreg:$0x4] =	wrdreg s9  }
0x9: {  	s11 =	sadd.s32 $0x25C0C, s2;
	[dreg:$0x5] =	wrdreg s10  }
0xa: {  	s12 =	sadd.s32 $0x45C00, s2;
	[dreg:$0x6] =	wrdreg s11  }
0xb: {  	s0 =	ssub.s32 $0x2, s0;
	s13 =	sadd.s32 $0x45C04, s2;
	[dreg:$0x7] =	wrdreg s12  }
0xc: {  	s6 =	sshrl.u32 s0, $0x1;
	s14 =	sadd.s32 $0x45C08, s2;
	[dreg:$0x8] =	wrdreg s13  }
0xd: {  	s5 =	ssub.s32 s0, s6;
	s15 =	sadd.s32 $0x45C0C, s2;
	[dreg:$0x9] =	wrdreg s14  }
0xe: {  	s6 =	simm.s32 $0x1C00;
	s16 =	sadd.s32 $0x65C00, s2;
	[dreg:$0xa] =	wrdreg s15  }
0xf: {  	s4 =	sadd.s32 s3, s1;
	s17 =	sadd.s32 $0x65C04, s2;
	[dreg:$0xb] =	wrdreg s16  }
0x10: {  	s3 =	sadd.s32 $0xA600, s1;
	s18 =	sadd.s32 $0x65C08, s2;
	[dreg:$0xc] =	wrdreg s17  }
0x11: {  	s20 =	sadd.s32 $0x65C0C, s2;
	s21 =	sadd.s32 $0x85C00, s2;
	[dreg:$0xd] =	wrdreg s18  }
0x12: {  	s22 =	sadd.s32 $0x85C04, s2;
	s23 =	sadd.s32 $0x85C08, s2;
	[dreg:$0xe] =	wrdreg s20  }
0x13: {  	s24 =	sadd.s32 $0x85C0C, s2;
	s25 =	sadd.s32 $0xA5C00, s2;
	[dreg:$0xf] =	wrdreg s21  }
0x14: {  	s26 =	sadd.s32 $0xA5C04, s2;
	s28 =	sadd.s32 $0xC5C08, s2;
	[dreg:$0x10] =	wrdreg s22  }
0x15: {  	s29 =	sadd.s32 $0xC5C0C, s2;
	s30 =	sadd.s32 $0xE5C00, s2;
	[dreg:$0x11] =	wrdreg s23  }
0x16: {  	s31 =	sadd.s32 $0xE5C04, s2;
	s1 =	sadd.s32 $0xE5C08, s2;
	[dreg:$0x12] =	wrdreg s24  }
0x17: {  	s0 =	sadd.s32 $0xE5C0C, s2;
	s7 =	sadd.s32 $0x3600, s4;
	[dreg:$0x13] =	wrdreg s25  }
0x18: {  	[dreg:$0x14] =	wrdreg s26;
	s23 =	sadd.s32 $0xA5C08, s2;
	s24 =	sadd.s32 $0xA5C0C, s2  }
0x19: {  	s25 =	sadd.s32 $0xC5C00, s2;
	s26 =	sadd.s32 $0xC5C04, s2;
	s2 =	smax.u32 s5, $0x1  }
0x1a: {  	s4 =	simm.s32 $0x3;
	s5 =	simm.s32 $0x400;
	s8 =	simm.s32 $0x9C00  }
0x1b: {  	s9 =	simm.s32 $0x20;
	s10 =	simm.s32 $0x80;
	s11 =	simm.s32 $0x3C00  }
0x1c: {  	s12 =	simm.s32 $0x5C00;
	s13 =	simm.s32 $0x7C00;
	s14 =	simm.s32 $0x2  }
0x1d: {  	s15 =	simm.s32 $0xBC00;
	s16 =	simm.s32 $0xDC00;
	s17 =	simm.s32 $0xFC00  }
0x1e: {  	s18 =	simm.s32 $0x0;
	[dreg:$0x2] =	wrdreg s7;
	s7 =	simm.s32 $0x1  }
.LBB2_1:
0x1f: {  	s20 =	rddreg [dreg:$0x2]  }
0x20: {  	[tilespmem:s19], [sflag:$0x3] =	stream.linear.gather [hbm4b:s20+s19], $0x1C00, $0x38;
	[tilespmem:$0x11C00] =	vst v63  }
0x21: {  	_ =	swait.ge [sflag:s4], $0x1C00  }
0x22: {  	[sflag:s4] =	ssyncset.done $0x0  }
0x23: {  	[sflag:s4] =	ssyncadd.s32 $0xFFFFE400  }
0x24: {  	v1 =	vld [tilespmem:s9+$0xFFFFFFE0];
	_ =	sdelay $0x1  }
0x25: {  	s22 =	simm.s32 $0x0  }
0x26: {  	s20 =	smul.u32 $0x3E8, s22;
	v2 =	vld [tilespmem:s9+$0x0]  }
0x27: {  	v0 =	vld [tilespmem:s9+$0x10]  }
0x28: {  	v3 =	vadd.s32 s20, v1;
	v1 =	vld [tilespmem:s9+$0xFFFFFFF0];
	_ =	sdelay $0x2  }
0x29: {  	s21 =	simm.s32 $0x20;
	s19 =	simm.s32 $0x0;
	s22 =	simm.s32 $0x60;
	v2 =	vadd.s32 s20, v2;
	[tilespmem:s9+$0xFFFFFFE0] =	vst v3  }
.LBB2_2:
0x2a: {  	v3 =	vld [tilespmem:s22+$0xFFFFFFE0];
	[tilespmem:s21+$0x0] =	vst v2;
	v0 =	vadd.s32 s20, v0;
	s19 =	sadd.s32 $0x4, s19  }
0x2b: {  	v2 =	vld [tilespmem:s22+$0x0];
	v1 =	vadd.s32 s20, v1;
	[tilespmem:s21+$0x10] =	vst v0;
	p0 =	slt.u32 s19, $0x1BC  }
.Ltmp0:
0x2c: {  	s20 =	sshrl.u32 s19, $0x4;
	v0 =	vld [tilespmem:s22+$0x10];
	[tilespmem:s21+$0xFFFFFFF0] =	vst v1;
	(pc) =	sbr.rel @p0 .LBB2_2-.Ltmp0, $3  }
0x2d: {  	s20 =	smul.u32 $0x3E8, s20;
	s21 =	smov.u32 s22;
	v1 =	vld [tilespmem:s22+$0xFFFFFFF0];
	_ =	sdelay $0x1  }
0x2e: {  	v3 =	vadd.s32 s20, v3  }
0x2f: {  	s22 =	sadd.s32 $0x40, s22;
	[tilespmem:s21+$0xFFFFFFE0] =	vst v3;
	v2 =	vadd.s32 s20, v2  }
0x30: {  	[tilespmem:s21+$0x0] =	vst v2;
	v0 =	vadd.s32 s20, v0  }
0x31: {  	v1 =	vadd.s32 s20, v1;
	[tilespmem:s21+$0x10] =	vst v0  }
0x32: {  	s19 =	simm.s32 $0x0;
	[tilespmem:s21+$0xFFFFFFF0] =	vst v1  }
0x33: {  	[tilespmem:s6], [sflag:$0x1] =	stream.indirect.gather [hbm4b:s3+s5], $0x20, s19, s5, $0xb8;
	[tilespmem:$0x11C00] =	vst v63  }
0x34: {  	_ =	swait.ge [sflag:s7], $0x8000  }
0x35: {  	[sflag:s7] =	ssyncset.done $0x0  }
0x36: {  	[sflag:s7] =	ssyncadd.s32 $0xFFFF8000  }
0x37: {  	[tilespmem:s8], [sflag:$0x2] =	stream.indirect.gather [hbm4b:s3+s5], $0x20, s5, s5, $0xb8;
	[tilespmem:$0x11C00] =	vst v63  }
0x38: {  	s22 =	rddreg [dreg:$0x3]  }
0x39: {  	[hbm4b:s22+s9] =	stream.strided.scatter [tilespmem:s6], [sflag:$0x3], $0x2000, s10, s9, $0x38;
	[tilespmem:$0x11C00] =	vst v63  }
0x3a: {  	_ =	swait.ge [sflag:s4], $0x2000  }
0x3b: {  	[sflag:s4] =	ssyncset.done $0x0  }
0x3c: {  	s21 =	rddreg [dreg:$0x4];
	[sflag:s4] =	ssyncadd.s32 $0xFFFFE000  }
0x3d: {  	[hbm4b:s21+s9] =	stream.strided.scatter [tilespmem:s11], [sflag:$0x3], $0x2000, s10, s9, $0x38;
	[tilespmem:$0x11C00] =	vst v63  }
0x3e: {  	_ =	swait.ge [sflag:s4], $0x2000  }
0x3f: {  	[sflag:s4] =	ssyncset.done $0x0  }
0x40: {  	s22 =	rddreg [dreg:$0x5];
	[sflag:s4] =	ssyncadd.s32 $0xFFFFE000  }
0x41: {  	[hbm4b:s22+s9] =	stream.strided.scatter [tilespmem:s12], [sflag:$0x3], $0x2000, s10, s9, $0x38;
	[tilespmem:$0x11C00] =	vst v63  }
0x42: {  	_ =	swait.ge [sflag:s4], $0x2000  }
0x43: {  	[sflag:s4] =	ssyncset.done $0x0  }
0x44: {  	s21 =	rddreg [dreg:$0x6];
	[sflag:s4] =	ssyncadd.s32 $0xFFFFE000  }
0x45: {  	[hbm4b:s21+s9] =	stream.strided.scatter [tilespmem:s13], [sflag:$0x3], $0x2000, s10, s9, $0x38;
	[tilespmem:$0x11C00] =	vst v63  }
0x46: {  	_ =	swait.ge [sflag:s4], $0x2000  }
0x47: {  	[sflag:s4] =	ssyncset.done $0x0  }
0x48: {  	[sflag:s4] =	ssyncadd.s32 $0xFFFFE000  }
0x49: {  	_ =	swait.ge [sflag:s14], $0x8000  }
0x4a: {  	[sflag:s14] =	ssyncset.done $0x0  }
0x4b: {  	s22 =	simm.s32 $0x800;
	[sflag:s14] =	ssyncadd.s32 $0xFFFF8000  }
0x4c: {  	[tilespmem:s6], [sflag:$0x1] =	stream.indirect.gather [hbm4b:s3+s5], $0x20, s22, s5, $0xb8;
	[tilespmem:$0x11C00] =	vst v63  }
0x4d: {  	s21 =	rddreg [dreg:$0x7]  }
0x4e: {  	[hbm4b:s21+s9] =	stream.strided.scatter [tilespmem:s8], [sflag:$0x3], $0x2000, s10, s9, $0x38;
	[tilespmem:$0x11C00] =	vst v63  }
0x4f: {  	_ =	swait.ge [sflag:s4], $0x2000  }
0x50: {  	[sflag:s4] =	ssyncset.done $0x0  }
0x51: {  	s22 =	rddreg [dreg:$0x8];
	[sflag:s4] =	ssyncadd.s32 $0xFFFFE000  }
0x52: {  	[hbm4b:s22+s9] =	stream.strided.scatter [tilespmem:s15], [sflag:$0x3], $0x2000, s10, s9, $0x38;
	[tilespmem:$0x11C00] =	vst v63  }
0x53: {  	_ =	swait.ge [sflag:s4], $0x2000  }
0x54: {  	[sflag:s4] =	ssyncset.done $0x0  }
0x55: {  	s21 =	rddreg [dreg:$0x9];
	[sflag:s4] =	ssyncadd.s32 $0xFFFFE000  }
0x56: {  	[hbm4b:s21+s9] =	stream.strided.scatter [tilespmem:s16], [sflag:$0x3], $0x2000, s10, s9, $0x38;
	[tilespmem:$0x11C00] =	vst v63  }
0x57: {  	_ =	swait.ge [sflag:s4], $0x2000  }
0x58: {  	[sflag:s4] =	ssyncset.done $0x0  }
0x59: {  	s22 =	rddreg [dreg:$0xa];
	[sflag:s4] =	ssyncadd.s32 $0xFFFFE000  }
0x5a: {  	[hbm4b:s22+s9] =	stream.strided.scatter [tilespmem:s17], [sflag:$0x3], $0x2000, s10, s9, $0x38;
	[tilespmem:$0x11C00] =	vst v63  }
0x5b: {  	_ =	swait.ge [sflag:s4], $0x2000  }
0x5c: {  	[sflag:s4] =	ssyncset.done $0x0  }
0x5d: {  	[sflag:s4] =	ssyncadd.s32 $0xFFFFE000  }
0x5e: {  	_ =	swait.ge [sflag:s7], $0x8000  }
0x5f: {  	[sflag:s7] =	ssyncset.done $0x0  }
0x60: {  	s21 =	simm.s32 $0xC00;
	[sflag:s7] =	ssyncadd.s32 $0xFFFF8000  }
0x61: {  	[tilespmem:s8], [sflag:$0x2] =	stream.indirect.gather [hbm4b:s3+s5], $0x20, s21, s5, $0xb8;
	[tilespmem:$0x11C00] =	vst v63  }
0x62: {  	s22 =	rddreg [dreg:$0xb]  }
0x63: {  	[hbm4b:s22+s9] =	stream.strided.scatter [tilespmem:s6], [sflag:$0x3], $0x2000, s10, s9, $0x38;
	[tilespmem:$0x11C00] =	vst v63  }
0x64: {  	_ =	swait.ge [sflag:s4], $0x2000  }
0x65: {  	[sflag:s4] =	ssyncset.done $0x0  }
0x66: {  	s21 =	rddreg [dreg:$0xc];
	[sflag:s4] =	ssyncadd.s32 $0xFFFFE000  }
0x67: {  	[hbm4b:s21+s9] =	stream.strided.scatter [tilespmem:s11], [sflag:$0x3], $0x2000, s10, s9, $0x38;
	[tilespmem:$0x11C00] =	vst v63  }
0x68: {  	_ =	swait.ge [sflag:s4], $0x2000  }
0x69: {  	[sflag:s4] =	ssyncset.done $0x0  }
0x6a: {  	s22 =	rddreg [dreg:$0xd];
	[sflag:s4] =	ssyncadd.s32 $0xFFFFE000  }
0x6b: {  	[hbm4b:s22+s9] =	stream.strided.scatter [tilespmem:s12], [sflag:$0x3], $0x2000, s10, s9, $0x38;
	[tilespmem:$0x11C00] =	vst v63  }
0x6c: {  	_ =	swait.ge [sflag:s4], $0x2000  }
0x6d: {  	[sflag:s4] =	ssyncset.done $0x0  }
0x6e: {  	s21 =	rddreg [dreg:$0xe];
	[sflag:s4] =	ssyncadd.s32 $0xFFFFE000  }
0x6f: {  	[hbm4b:s21+s9] =	stream.strided.scatter [tilespmem:s13], [sflag:$0x3], $0x2000, s10, s9, $0x38;
	[tilespmem:$0x11C00] =	vst v63  }
0x70: {  	_ =	swait.ge [sflag:s4], $0x2000  }
0x71: {  	[sflag:s4] =	ssyncset.done $0x0  }
0x72: {  	[sflag:s4] =	ssyncadd.s32 $0xFFFFE000  }
0x73: {  	_ =	swait.ge [sflag:s14], $0x8000  }
0x74: {  	[sflag:s14] =	ssyncset.done $0x0  }
0x75: {  	s22 =	simm.s32 $0x1000;
	[sflag:s14] =	ssyncadd.s32 $0xFFFF8000  }
0x76: {  	[tilespmem:s6], [sflag:$0x1] =	stream.indirect.gather [hbm4b:s3+s5], $0x20, s22, s5, $0xb8;
	[tilespmem:$0x11C00] =	vst v63  }
0x77: {  	s21 =	rddreg [dreg:$0xf]  }
0x78: {  	[hbm4b:s21+s9] =	stream.strided.scatter [tilespmem:s8], [sflag:$0x3], $0x2000, s10, s9, $0x38;
	[tilespmem:$0x11C00] =	vst v63  }
0x79: {  	_ =	swait.ge [sflag:s4], $0x2000  }
0x7a: {  	[sflag:s4] =	ssyncset.done $0x0  }
0x7b: {  	s22 =	rddreg [dreg:$0x10];
	[sflag:s4] =	ssyncadd.s32 $0xFFFFE000  }
0x7c: {  	[hbm4b:s22+s9] =	stream.strided.scatter [tilespmem:s15], [sflag:$0x3], $0x2000, s10, s9, $0x38;
	[tilespmem:$0x11C00] =	vst v63  }
0x7d: {  	_ =	swait.ge [sflag:s4], $0x2000  }
0x7e: {  	[sflag:s4] =	ssyncset.done $0x0  }
0x7f: {  	s21 =	rddreg [dreg:$0x11];
	[sflag:s4] =	ssyncadd.s32 $0xFFFFE000  }
0x80: {  	[hbm4b:s21+s9] =	stream.strided.scatter [tilespmem:s16], [sflag:$0x3], $0x2000, s10, s9, $0x38;
	[tilespmem:$0x11C00] =	vst v63  }
0x81: {  	_ =	swait.ge [sflag:s4], $0x2000  }
0x82: {  	[sflag:s4] =	ssyncset.done $0x0  }
0x83: {  	s22 =	rddreg [dreg:$0x12];
	[sflag:s4] =	ssyncadd.s32 $0xFFFFE000  }
0x84: {  	[hbm4b:s22+s9] =	stream.strided.scatter [tilespmem:s17], [sflag:$0x3], $0x2000, s10, s9, $0x38;
	[tilespmem:$0x11C00] =	vst v63  }
0x85: {  	_ =	swait.ge [sflag:s4], $0x2000  }
0x86: {  	[sflag:s4] =	ssyncset.done $0x0  }
0x87: {  	[sflag:s4] =	ssyncadd.s32 $0xFFFFE000  }
0x88: {  	_ =	swait.ge [sflag:s7], $0x8000  }
0x89: {  	[sflag:s7] =	ssyncset.done $0x0  }
0x8a: {  	s21 =	simm.s32 $0x1400;
	[sflag:s7] =	ssyncadd.s32 $0xFFFF8000  }
0x8b: {  	[tilespmem:s8], [sflag:$0x2] =	stream.indirect.gather [hbm4b:s3+s5], $0x20, s21, s5, $0xb8;
	[tilespmem:$0x11C00] =	vst v63  }
0x8c: {  	s22 =	rddreg [dreg:$0x13]  }
0x8d: {  	[hbm4b:s22+s9] =	stream.strided.scatter [tilespmem:s6], [sflag:$0x3], $0x2000, s10, s9, $0x38;
	[tilespmem:$0x11C00] =	vst v63  }
0x8e: {  	_ =	swait.ge [sflag:s4], $0x2000  }
0x8f: {  	[sflag:s4] =	ssyncset.done $0x0  }
0x90: {  	s21 =	rddreg [dreg:$0x14];
	[sflag:s4] =	ssyncadd.s32 $0xFFFFE000  }
0x91: {  	[hbm4b:s21+s9] =	stream.strided.scatter [tilespmem:s11], [sflag:$0x3], $0x2000, s10, s9, $0x38;
	[tilespmem:$0x11C00] =	vst v63  }
0x92: {  	_ =	swait.ge [sflag:s4], $0x2000  }
0x93: {  	[sflag:s4] =	ssyncset.done $0x0  }
0x94: {  	[sflag:s4] =	ssyncadd.s32 $0xFFFFE000  }
0x95: {  	[hbm4b:s23+s9] =	stream.strided.scatter [tilespmem:s12], [sflag:$0x3], $0x2000, s10, s9, $0x38;
	[tilespmem:$0x11C00] =	vst v63  }
0x96: {  	_ =	swait.ge [sflag:s4], $0x2000  }
0x97: {  	[sflag:s4] =	ssyncset.done $0x0  }
0x98: {  	[sflag:s4] =	ssyncadd.s32 $0xFFFFE000  }
0x99: {  	[hbm4b:s24+s9] =	stream.strided.scatter [tilespmem:s13], [sflag:$0x3], $0x2000, s10, s9, $0x38;
	[tilespmem:$0x11C00] =	vst v63  }
0x9a: {  	_ =	swait.ge [sflag:s4], $0x2000  }
0x9b: {  	[sflag:s4] =	ssyncset.done $0x0  }
0x9c: {  	[sflag:s4] =	ssyncadd.s32 $0xFFFFE000  }
0x9d: {  	_ =	swait.ge [sflag:s14], $0x8000  }
0x9e: {  	[sflag:s14] =	ssyncset.done $0x0  }
0x9f: {  	s22 =	simm.s32 $0x1800;
	[sflag:s14] =	ssyncadd.s32 $0xFFFF8000  }
0xa0: {  	[tilespmem:s6], [sflag:$0x1] =	stream.indirect.gather [hbm4b:s3+s5], $0x20, s22, s5, $0xb8;
	[tilespmem:$0x11C00] =	vst v63  }
0xa1: {  	_ = 	snop  }
0xa2: {  	[hbm4b:s25+s9] =	stream.strided.scatter [tilespmem:s8], [sflag:$0x3], $0x2000, s10, s9, $0x38;
	[tilespmem:$0x11C00] =	vst v63  }
0xa3: {  	_ =	swait.ge [sflag:s4], $0x2000  }
0xa4: {  	[sflag:s4] =	ssyncset.done $0x0  }
0xa5: {  	[sflag:s4] =	ssyncadd.s32 $0xFFFFE000  }
0xa6: {  	[hbm4b:s26+s9] =	stream.strided.scatter [tilespmem:s15], [sflag:$0x3], $0x2000, s10, s9, $0x38;
	[tilespmem:$0x11C00] =	vst v63  }
0xa7: {  	_ =	swait.ge [sflag:s4], $0x2000  }
0xa8: {  	[sflag:s4] =	ssyncset.done $0x0  }
0xa9: {  	[sflag:s4] =	ssyncadd.s32 $0xFFFFE000  }
0xaa: {  	[hbm4b:s28+s9] =	stream.strided.scatter [tilespmem:s16], [sflag:$0x3], $0x2000, s10, s9, $0x38;
	[tilespmem:$0x11C00] =	vst v63  }
0xab: {  	_ =	swait.ge [sflag:s4], $0x2000  }
0xac: {  	[sflag:s4] =	ssyncset.done $0x0  }
0xad: {  	[sflag:s4] =	ssyncadd.s32 $0xFFFFE000  }
0xae: {  	[hbm4b:s29+s9] =	stream.strided.scatter [tilespmem:s17], [sflag:$0x3], $0x2000, s10, s9, $0x38;
	[tilespmem:$0x11C00] =	vst v63  }
0xaf: {  	_ =	swait.ge [sflag:s4], $0x2000  }
0xb0: {  	[sflag:s4] =	ssyncset.done $0x0  }
0xb1: {  	[sflag:s4] =	ssyncadd.s32 $0xFFFFE000  }
0xb2: {  	_ =	swait.ge [sflag:s7], $0x8000  }
0xb3: {  	[sflag:s7] =	ssyncset.done $0x0  }
0xb4: {  	[sflag:s7] =	ssyncadd.s32 $0xFFFF8000  }
0xb5: {  	[hbm4b:s30+s9] =	stream.strided.scatter [tilespmem:s6], [sflag:$0x3], $0x2000, s10, s9, $0x38;
	[tilespmem:$0x11C00] =	vst v63  }
0xb6: {  	_ =	swait.ge [sflag:s4], $0x2000  }
0xb7: {  	[sflag:s4] =	ssyncset.done $0x0  }
0xb8: {  	[sflag:s4] =	ssyncadd.s32 $0xFFFFE000  }
0xb9: {  	[hbm4b:s31+s9] =	stream.strided.scatter [tilespmem:s11], [sflag:$0x3], $0x2000, s10, s9, $0x38;
	[tilespmem:$0x11C00] =	vst v63  }
0xba: {  	_ =	swait.ge [sflag:s4], $0x2000  }
0xbb: {  	[sflag:s4] =	ssyncset.done $0x0  }
0xbc: {  	[sflag:s4] =	ssyncadd.s32 $0xFFFFE000  }
0xbd: {  	[hbm4b:s1+s9] =	stream.strided.scatter [tilespmem:s12], [sflag:$0x3], $0x2000, s10, s9, $0x38;
	[tilespmem:$0x11C00] =	vst v63  }
0xbe: {  	s18 =	sadd.s32 $0x1, s18;
	_ =	swait.ge [sflag:s4], $0x2000  }
0xbf: {  	p0 =	sne.s32 s18, s2;
	[sflag:s4] =	ssyncset.done $0x0  }
.Ltmp1:
0xc0: {  	[sflag:s4] =	ssyncadd.s32 $0xFFFFE000;
	(pc) =	sbr.rel @p0 .LBB2_1-.Ltmp1, $4  }
0xc1: {  	[hbm4b:s0+s9] =	stream.strided.scatter [tilespmem:s13], [sflag:$0x3], $0x2000, s10, s9, $0x38;
	[tilespmem:$0x11C00] =	vst v63  }
0xc2: {  	_ =	swait.ge [sflag:s4], $0x2000  }
0xc3: {  	[sflag:s4] =	ssyncset.done $0x0  }
0xc4: {  	[sflag:s4] =	ssyncadd.s32 $0xFFFFE000  }
0xc5: {  	_ =	sfence.sel $0x180000  }
0xc6: {  	[bflag:$0x0] =	sbarrier.arrive $0xFFFF  }
0xc7: {  	_ =	strace $0x90000047  }
0xc8: {  	s0 =	stileid.u32;
	[bflag:$0x2] =	sbarrier.arrive $0xFFFF  }
0xc9: {  	p0 =	sne.s32 s0, $0x0;
	s0 =	rddreg [dreg:$0x1]  }
0xca: {  	s0 =	sadd.s32 @!p0 $0x100000, s0  }
0xcb: {  	[sflag:s0] =	ssyncadd.tile.s32 @!p0 $0x1;
	_ =	shalt  }
.Lfunc_end2:
_tile_overlayer_lowered:
.L_overlay_start_2:
0xcc: {  	(tag) =	ssettag $0x2  }
0xcd: {  	s0 =	rddreg [dreg:$0x0];
	s2 =	stileid.u32  }
0xce: {  	s1 =	rddreg [dreg:$0x1];
	p0 =	sne.s32 s2, $0x0  }
0xcf: {  	s3 =	rddreg [dreg:$0x2];
	[bflag:$0x3] =	sbarrier.arrive $0xFFFF;
	s2 =	simm.s32 @!p0 $0x1C03  }
0xd0: {  	[timem:s3], [sflag:s2] =	dma.local @!p0 [hbm:s0], s1  }
0xd1: {  	s0 =	simm.s32 @!p0 $0x3  }
0xd2: {  	_ =	swait.ge @!p0 [sflag:s0], s1  }
0xd3: {  	s1 =	ssub.s32 @!p0 $0x0, s1;
	[sflag:s0] =	ssyncset.done @!p0 $0x0  }
0xd4: {  	[sflag:s0] =	ssyncadd.s32 @!p0 s1  }
0xd5: {  	[bflag:$0x3] =	sbarrier.arrive $0xFFFF  }
0xd6: {  	_ =	shalt  }

// kernel: kernel.7.cloned.1.call-start
scs
__scs_entry_jumppad:
0x0: {  	(pc) =	sbr.rel $0x88, $3  }
0x1: {  	(tag) =	ssettag $0x0;
	lr =	simm.s32 $0x1  }
0x2: {  	[smem:$0x3F96] =	sst lr;
	_ =	strace $0xD0000000  }
0x3: {  	_ = 	snop  }
0x4: {  	_ = 	snop  }
0x5: {  	_ = 	snop  }
0x6: {  	_ = 	snop  }
0x7: {  	_ = 	snop  }
__scs_overlays_trampoline_lowered:
0x8: {  	[smem:$0x3FA5] =	sst s0  }
0x9: {  	[smem:$0x3FA6] =	sst s1  }
0xa: {  	[smem:$0x3FA7] =	sst s2  }
0xb: {  	[smem:$0x3FA8] =	sst s3  }
0xc: {  	[smem:$0x3FA9] =	sst s4  }
0xd: {  	[smem:$0x3FAA] =	sst s5  }
0xe: {  	[smem:$0x3FAB] =	sst s6  }
0xf: {  	[smem:$0x3FAC] =	sst s7  }
0x10: {  	[smem:$0x3FAD] =	sst s8  }
0x11: {  	[smem:$0x3FAE] =	sst s9;
	s0 =	simm.s32 @!p0 $0x0  }
0x12: {  	s1 =	sld [smem:$0x3F94];
	s0 =	simm.s32 @p0 $0x1  }
0x13: {  	[smem:$0x3FAF] =	sst s0;
	s0 =	simm.s32 @!p1 $0x0  }
0x14: {  	s2 =	sld [smem:$0x3F93];
	s0 =	simm.s32 @p1 $0x1  }
0x15: {  	[smem:$0x3FB0] =	sst s0;
	s0 =	simm.s32 @!p2 $0x0  }
0x16: {  	s3 =	sld [smem:$0x3FDB];
	s0 =	simm.s32 @p2 $0x1  }
0x17: {  	s4 =	simm.s32 $0x1BF5;
	[smem:$0x3FB2] =	sst s0  }
0x18: {  	s0 =	sld [smem:$0x3F95];
	_ =	swait.ge [sflag:s4], $0x0  }
0x19: {  	s7 =	sld [smem:$0x3F96]  }
0x1a: {  	s8 =	sadd.s32 $0xFFFFE003, lr  }
0x1b: {  	s9 =	sadd.s32 $0xFFFFFEF7, lr;
	s5 =	simm.s32 $0xFFFFFFFF;
	p2 =	slt.u32 s8, $0xFFFFF086  }
0x1c: {  	p1 =	slt.u32 s9, $0xF7A;
	s5 =	simm.s32 @!p2 $0x0  }
0x1d: {  	s5 =	simm.s32 @p1 $0x1;
	p0 =	seq.s32 s7, s2  }
0x1e: {  	s7 =	smul.u32 @!p0 $0xF7A, s2;
	p2 =	seq.s32 @!p0 s5, $0x0  }
0x1f: {  	s9 =	smul.u32 $0xF7A, s1;
	s8 =	simm.s32 @!p0 $0x1BF5;
	p2 =	por !p2, p0  }
0x20: {  	[sflag:s8] =	ssyncset.s32 @!p0 $0xFFFFF086;
	s6 =	sadd.s32 @!p0 s3, s7;
	s7 =	simm.s32 @!p0 $0x108  }
0x21: {  	s3 =	sadd.s32 s3, s9;
	s6 =	sadd.s32 @!p0 $0x88, s6;
	s7 =	simm.s32 @p2 $0x1082  }
0x22: {  	[simem:s7], [sflag:s8] =	dma.local @!p0 [hbm:s6], $0xF7A  }
0x23: {  	s9 =	sor.u32 $0xD0000000, s2;
	s6 =	simm.s32 $0x108;
	_ =	swait.ge @!p0 [sflag:s8], $0x0  }
0x24: {  	s3 =	sadd.s32 $0x88, s3;
	s6 =	simm.s32 @!p1 $0x1082;
	[sflag:s4] =	ssyncset.s32 $0xFFFFF086  }
0x25: {  	[simem:s6], [sflag:s4] =	dma.local [hbm:s3], $0xF7A  }
0x26: {  	[smem:$0x3F96] =	sst s1;
	(tag) =	ssettag s2;
	_ =	strace s9  }
0x27: {  	s1 =	sld [smem:$0x3FA6]  }
0x28: {  	s2 =	sld [smem:$0x3FA7]  }
0x29: {  	s4 =	sld [smem:$0x3FA9]  }
0x2a: {  	p0 =	seq.s32 s5, $0x0;
	s5 =	sld [smem:$0x3FAA]  }
0x2b: {  	s6 =	sld [smem:$0x3FAB]  }
0x2c: {  	s7 =	sld [smem:$0x3FAC]  }
0x2d: {  	s3 =	simm.s32 $0x108;
	s8 =	sld [smem:$0x3FAD]  }
0x2e: {  	s3 =	simm.s32 @!p0 $0x1082;
	s9 =	sld [smem:$0x3FAE]  }
0x2f: {  	lr =	sadd.s32 s0, s3;
	s0 =	sld [smem:$0x3FA5]  }
0x30: {  	s3 =	sld [smem:$0x3FA8]  }
0x31: {  	[smem:$0x3FB1] =	sst s10  }
0x32: {  	s10 =	sld [smem:$0x3FAF];
	_ =	sdelay $0x3  }
0x33: {  	p0 =	seq.s32 s10, $0x1;
	s10 =	sld [smem:$0x3FB1];
	_ =	sdelay $0x3  }
0x34: {  	[smem:$0x3FB1] =	sst s10  }
0x35: {  	s10 =	sld [smem:$0x3FB0];
	_ =	sdelay $0x3  }
0x36: {  	p1 =	seq.s32 s10, $0x1;
	s10 =	sld [smem:$0x3FB1];
	_ =	sdelay $0x3  }
0x37: {  	[smem:$0x3FB1] =	sst s10  }
0x38: {  	s10 =	sld [smem:$0x3FB2]  }
0x39: {  	_ = 	snop;
	(pc) =	sbr.ind lr, $3  }
0x3a: {  	_ = 	snop  }
0x3b: {  	_ = 	snop  }
0x3c: {  	p2 =	seq.s32 s10, $0x1;
	s10 =	sld [smem:$0x3FB1]  }
0x3d: {  	_ =	shalt  }
0x3e: {  	_ =	shalt  }
0x3f: {  	_ =	shalt  }
0x40: {  	_ =	shalt  }
0x41: {  	_ =	shalt  }
0x42: {  	_ =	shalt  }
0x43: {  	_ =	shalt  }
0x44: {  	_ =	shalt  }
0x45: {  	_ =	shalt  }
0x46: {  	_ =	shalt  }
0x47: {  	_ =	shalt  }
0x48: {  	_ =	shalt  }
0x49: {  	_ =	shalt  }
0x4a: {  	_ =	shalt  }
0x4b: {  	_ =	shalt  }
0x4c: {  	_ =	shalt  }
0x4d: {  	_ =	shalt  }
0x4e: {  	_ =	shalt  }
0x4f: {  	_ =	shalt  }
0x50: {  	_ =	shalt  }
0x51: {  	_ =	shalt  }
0x52: {  	_ =	shalt  }
0x53: {  	_ =	shalt  }
0x54: {  	_ =	shalt  }
0x55: {  	_ =	shalt  }
0x56: {  	_ =	shalt  }
0x57: {  	_ =	shalt  }
0x58: {  	_ =	shalt  }
0x59: {  	_ =	shalt  }
0x5a: {  	_ =	shalt  }
0x5b: {  	_ =	shalt  }
0x5c: {  	_ =	shalt  }
0x5d: {  	_ =	shalt  }
0x5e: {  	_ =	shalt  }
0x5f: {  	_ =	shalt  }
0x60: {  	_ =	shalt  }
0x61: {  	_ =	shalt  }
0x62: {  	_ =	shalt  }
0x63: {  	_ =	shalt  }
0x64: {  	_ =	shalt  }
0x65: {  	_ =	shalt  }
0x66: {  	_ =	shalt  }
0x67: {  	_ =	shalt  }
0x68: {  	_ =	shalt  }
0x69: {  	_ =	shalt  }
0x6a: {  	_ =	shalt  }
0x6b: {  	_ =	shalt  }
0x6c: {  	_ =	shalt  }
0x6d: {  	_ =	shalt  }
0x6e: {  	_ =	shalt  }
0x6f: {  	_ =	shalt  }
0x70: {  	_ =	shalt  }
0x71: {  	_ =	shalt  }
0x72: {  	_ =	shalt  }
0x73: {  	_ =	shalt  }
0x74: {  	_ =	shalt  }
0x75: {  	_ =	shalt  }
0x76: {  	_ =	shalt  }
0x77: {  	_ =	shalt  }
0x78: {  	_ =	shalt  }
0x79: {  	_ =	shalt  }
0x7a: {  	_ =	shalt  }
0x7b: {  	_ =	shalt  }
0x7c: {  	_ =	shalt  }
0x7d: {  	_ =	shalt  }
0x7e: {  	_ =	shalt  }
0x7f: {  	_ =	shalt  }
0x80: {  	_ =	shalt  }
0x81: {  	_ =	shalt  }
0x82: {  	_ =	shalt  }
0x83: {  	_ =	shalt  }
0x84: {  	_ =	shalt  }
0x85: {  	_ =	shalt  }
0x86: {  	_ =	shalt  }
0x87: {  	_ =	shalt  }
.Lfunc_end0:
.L_simem_size_0:
called_computation.2_lowered:
.L_overlay_start_0:
0x88: {  	s2 =	sld [smem:$0x3FD9]  }
0x89: {  	s3 =	sld [smem:$0x3FFE];
	_ =	sdelay $0x1  }
0x8a: {  	s1 =	srdreg.scid  }
0x8b: {  	s0 =	sand.u32 $0x1, s1  }
0x8c: {  	s17 =	sshll.u32 s0, $0xA;
	s2 =	sadd.s32 s3, s2  }
0x8d: {  	s2 =	sadd.s32 s2, s17  }
0x8e: {  	[smem:$0x3FBD] =	sst s2  }
0x8f: {  	_ = 	snop  }
0x90: {  	(tm) =	ssettm $0x1  }
0x91: {  	s18 =	sld [smem:$0x3FFB];
	_ =	sdelay $0x3  }
0x92: {  	_ =	strace s18  }
0x93: {  	s2 =	sld [smem:$0x3FFC];
	_ =	sdelay $0x3  }
0x94: {  	_ =	strace s2  }
0x95: {  	s2 =	sld [smem:$0x3FFD];
	_ =	sdelay $0x3  }
0x96: {  	_ =	strace s2  }
0x97: {  	_ =	strace $0x8FFFFFFF  }
0x98: {  	s19 =	sld [smem:$0x3FDB];
	_ =	sdelay $0x1  }
0x99: {  	s20 =	simm.s32 $_scs_section_size  }
0x9a: {  	s4 =	simm.s32 $_size__tile_overlayer_lowered;
	s5 =	simm.s32 $_tile_overlayer_lowered  }
0x9b: {  	s6 =	simm.s32 $0x1BFF;
	s21 =	sshll.u32 s5, $0x1;
	s3 =	sadd.s32 s20, s19  }
0x9c: {  	s22 =	simm.s32 $0x0;
	s4 =	sshll.u32 s4, $0x1;
	s5 =	sadd.s32 s21, s3  }
0x9d: {  	[timem:s22], [sflag:s6] =	dma.local [hbm:s5], s4  }
0x9e: {  	_ =	swait.ge [sflag:s6], s4  }
0x9f: {  	s4 =	ssub.s32 $0x0, s4;
	[sflag:s6] =	ssyncset.done $0x0  }
0xa0: {  	[sflag:s6] =	ssyncadd.s32 s4;
	_ =	sdelay $0x1  }
0xa1: {  	s23 =	simm.s32 $0x1B8B  }
0xa2: {  	_ =	swait.ge [sflag:s23], $0x1  }
0xa3: {  	[sflag:s23] =	ssyncset.done $0x0  }
0xa4: {  	[sflag:s23] =	ssyncadd.s32 $0xFFFFFFFF  }
0xa5: {  	s4 =	sld [smem:$0x0]  }
0xa6: {  	s5 =	sand.u32 $0xFFFFFFFE, s1  }
0xa7: {  	p0 =	sne.s32 s1, s5  }
0xa8: {  	s5 =	sshll.u32 @p0 s5, $0xE  }
0xa9: {  	s5 =	sadd.s32 @p0 $0x11B8D, s5;
	s6 =	sshll.u32 @p0 s4, $0x11  }
0xaa: {  	s5 =	sor.u32 @p0 s6, s5  }
0xab: {  	[sflag:s5] =	ssyncadd.remote.s32 @p0 $0x1;
	_ =	sdelay $0x1  }
0xac: {  	s5 =	simm.s32 @p0 $0x1B8D  }
0xad: {  	_ =	swait.eq @p0 [sflag:s5], $0x1  }
0xae: {  	[sflag:s5] =	ssyncadd.s32 @p0 $0xFFFFFFFF  }
0xaf: {  	s6 =	sshll.u32 @!p0 s1, $0xE  }
0xb0: {  	s6 =	sor.u32 @!p0 $0x4000, s6;
	s5 =	simm.s32 @!p0 $0x1B8D  }
0xb1: {  	s4 =	sshll.u32 @!p0 s4, $0x11;
	s6 =	sadd.s32 @!p0 $0x11B8D, s6;
	_ =	swait.eq @!p0 [sflag:s5], $0x1  }
0xb2: {  	s4 =	sor.u32 @!p0 s4, s6;
	[sflag:s5] =	ssyncadd.s32 @!p0 $0xFFFFFFFF  }
0xb3: {  	s25 =	simm.s32 $0x1B8E;
	s24 =	sld [smem:$0x3FFE];
	[sflag:s4] =	ssyncadd.remote.s32 @!p0 $0x1  }
0xb4: {  	s26 =	simm.s32 $execute0_lowered;
	[smem:$0x3FD2] =	sst s25  }
0xb5: {  	s5 =	sshll.u32 s26, $0x1;
	_ =	strace $0x80000049;
	[dreg:$0x1] =	wrdreg $0xFFFFFFFF  }
0xb6: {  	s28 =	simm.s32 $_size_execute0_lowered;
	s3 =	sadd.s32 s3, s5;
	[dreg:$0x0] =	wrdreg $0x0  }
0xb7: {  	s5 =	sshll.u32 s28, $0x1;
	[dreg:$0x2] =	wrdreg s3  }
0xb8: {  	[dreg:$0x3] =	wrdreg s5  }
0xb9: {  	[dreg:$0x4] =	wrdreg $0xC0  }
0xba: {  	_ =	task [dreg:s22], $0x5FFFF  }
0xbb: {  	[dreg:$0x1] =	wrdreg $0xFFFFFFFF  }
0xbc: {  	[dreg:$0x0] =	wrdreg $0x60  }
0xbd: {  	[dreg:$0x2] =	wrdreg s24  }
0xbe: {  	[dreg:$0x3] =	wrdreg $0xA  }
0xbf: {  	_ =	task.clear_ibuf [dreg:s22], $0x4FFFF;
	_ =	strace $0x90000049  }
0xc0: {  	s29 =	simm.s32 $0xA;
	_ =	strace $0x8000004B  }
0xc1: {  	_ =	swait.ge [sflag:s29], $0x1  }
0xc2: {  	[sflag:s29] =	ssyncadd.s32 $0xFFFFFFFF  }
0xc3: {  	_ =	strace $0x9000004B  }
0xc4: {  	_ =	sfence  }
0xc5: {  	s30 =	sld [smem:$0x0];
	_ =	sdelay $0x2  }
0xc6: {  	s31 =	sshll.u32 s1, $0xD;
	s1 =	sshrl.u32 s1, $0x2  }
0xc7: {  	s4 =	sand.u32 $0x4000, s31;
	s1 =	sadd.s32 s1, s30  }
0xc8: {  	s0 =	sor.u32 s4, s0;
	s1 =	sshll.u32 s1, $0x11  }
0xc9: {  	s0 =	sor.u32 s1, s0  }
0xca: {  	s0 =	sadd.s32 $0x8F2B, s0  }
0xcb: {  	[sflag:s0] =	ssyncadd.remote.s32 $0x1  }
0xcc: {  	_ =	sfence.sel $0xFFFF  }
0xcd: {  	[dreg:$0x0] =	wrdreg $0xFFFFFFFF;
	(pc) =	sbr.abs _section_cstart, $3  }
0xce: {  	[dreg:$0x1] =	wrdreg $0xFFFFFFFF  }
0xcf: {  	_ =	task.clear_ibuf [dreg:s22], $0x2FFFF;
	_ =	strace $0x9FFFFFFF  }
0xd0: {  	(tm) =	ssettm $0x7FFFFFFF  }
0xd1: {  	_ =	shalt  }
tec
execute0_lowered:
.L_overlay_start_1:
0x0: {  	(tag) =	ssettag $0x1  }
0x1: {  	s0 =	srdreg.scid;
	s1 =	stileid.u32  }
0x2: {  	s0 =	sand.u32 $0x1, s0;
	s1 =	sshll.u32 s1, $0x1  }
0x3: {  	s1 =	sor.u32 s0, s1  }
0x4: {  	s3 =	smul.u32 $0x380, s1  }
0x5: {  	s2 =	rddreg [dreg:$0x0];
	s19 =	simm.s32 $0x0  }
0x6: {  	[smem:$0x7FF] =	sst s19;
	s1 =	sshll.u32 s1, $0xC;
	s4 =	sadd.s32 s3, s2  }
0x7: {  	s3 =	sadd.s32 $0xA600, s2;
	s2 =	sadd.s32 s1, s2;
	s24 =	sadd.s32 $0x105C00, s4  }
0x8: {  	_ =	strace $0x8000004A;
	s25 =	sadd.s32 $0x10CC00, s2;
	[dreg:$0x2] =	wrdreg s24  }
0x9: {  	s26 =	sadd.s32 $0x10CC04, s2;
	[dreg:$0x3] =	wrdreg s25  }
0xa: {  	s4 =	sadd.s32 $0x10CC08, s2;
	[dreg:$0x4] =	wrdreg s26  }
0xb: {  	s5 =	sadd.s32 $0x10CC0C, s2;
	[dreg:$0x5] =	wrdreg s4  }
0xc: {  	s6 =	sadd.s32 $0x12CC00, s2;
	[dreg:$0x6] =	wrdreg s5  }
0xd: {  	s7 =	sadd.s32 $0x12CC04, s2;
	[dreg:$0x7] =	wrdreg s6  }
0xe: {  	s8 =	sadd.s32 $0x12CC08, s2;
	[dreg:$0x8] =	wrdreg s7  }
0xf: {  	s9 =	sadd.s32 $0x12CC0C, s2;
	[dreg:$0x9] =	wrdreg s8  }
0x10: {  	s10 =	sadd.s32 $0x14CC00, s2;
	[dreg:$0xa] =	wrdreg s9  }
0x11: {  	s0 =	ssub.s32 $0x2, s0;
	s11 =	sadd.s32 $0x14CC04, s2;
	[dreg:$0xb] =	wrdreg s10  }
0x12: {  	s21 =	sshrl.u32 s0, $0x1;
	s12 =	sadd.s32 $0x14CC08, s2;
	[dreg:$0xc] =	wrdreg s11  }
0x13: {  	s22 =	ssub.s32 s0, s21;
	s13 =	sadd.s32 $0x14CC0C, s2;
	[dreg:$0xd] =	wrdreg s12  }
0x14: {  	s14 =	sadd.s32 $0x16CC00, s2;
	s15 =	sadd.s32 $0x16CC04, s2;
	[dreg:$0xe] =	wrdreg s13  }
0x15: {  	s16 =	sadd.s32 $0x16CC08, s2;
	s17 =	sadd.s32 $0x16CC0C, s2;
	[dreg:$0xf] =	wrdreg s14  }
0x16: {  	s18 =	sadd.s32 $0x18CC00, s2;
	s20 =	sadd.s32 $0x18CC04, s2;
	[dreg:$0x10] =	wrdreg s15  }
0x17: {  	s23 =	sadd.s32 $0x18CC08, s2;
	s28 =	sadd.s32 $0x1ACC08, s2;
	[dreg:$0x11] =	wrdreg s16  }
0x18: {  	s29 =	sadd.s32 $0x1ACC0C, s2;
	s30 =	sadd.s32 $0x1CCC00, s2;
	[dreg:$0x12] =	wrdreg s17  }
0x19: {  	s31 =	sadd.s32 $0x1CCC04, s2;
	s1 =	sadd.s32 $0x1CCC08, s2;
	[dreg:$0x13] =	wrdreg s18  }
0x1a: {  	s0 =	sadd.s32 $0x1CCC0C, s2;
	[dreg:$0x14] =	wrdreg s20;
	s24 =	sadd.s32 $0x18CC0C, s2  }
0x1b: {  	s25 =	sadd.s32 $0x1ACC00, s2;
	s26 =	sadd.s32 $0x1ACC04, s2;
	s2 =	smax.u32 s22, $0x1  }
0x1c: {  	s4 =	simm.s32 $0x3;
	s5 =	simm.s32 $0x400;
	s6 =	simm.s32 $0x1C00  }
0x1d: {  	s7 =	simm.s32 $0x1;
	s8 =	simm.s32 $0x9C00;
	s9 =	simm.s32 $0x20  }
0x1e: {  	s10 =	simm.s32 $0x80;
	s11 =	simm.s32 $0x3C00;
	s12 =	simm.s32 $0x5C00  }
0x1f: {  	s13 =	simm.s32 $0x7C00;
	s14 =	simm.s32 $0x2;
	s15 =	simm.s32 $0xBC00  }
0x20: {  	s16 =	simm.s32 $0xDC00;
	s17 =	simm.s32 $0xFC00;
	s18 =	simm.s32 $0x0  }
.LBB2_1:
0x21: {  	s20 =	rddreg [dreg:$0x2]  }
0x22: {  	[tilespmem:s19], [sflag:$0x3] =	stream.linear.gather [hbm4b:s20+s19], $0x1C00, $0x38;
	[tilespmem:$0x11C00] =	vst v63  }
0x23: {  	_ =	swait.ge [sflag:s4], $0x1C00  }
0x24: {  	[sflag:s4] =	ssyncset.done $0x0  }
0x25: {  	[sflag:s4] =	ssyncadd.s32 $0xFFFFE400  }
0x26: {  	v1 =	vld [tilespmem:s9+$0xFFFFFFE0];
	_ =	sdelay $0x1  }
0x27: {  	s22 =	simm.s32 $0x0  }
0x28: {  	s20 =	smul.u32 $0x3E8, s22;
	v2 =	vld [tilespmem:s9+$0x0]  }
0x29: {  	v0 =	vld [tilespmem:s9+$0x10]  }
0x2a: {  	v3 =	vadd.s32 s20, v1;
	v1 =	vld [tilespmem:s9+$0xFFFFFFF0];
	_ =	sdelay $0x2  }
0x2b: {  	s21 =	simm.s32 $0x20;
	s19 =	simm.s32 $0x0;
	s22 =	simm.s32 $0x60;
	v2 =	vadd.s32 s20, v2;
	[tilespmem:s9+$0xFFFFFFE0] =	vst v3  }
.LBB2_2:
0x2c: {  	v3 =	vld [tilespmem:s22+$0xFFFFFFE0];
	[tilespmem:s21+$0x0] =	vst v2;
	v0 =	vadd.s32 s20, v0;
	s19 =	sadd.s32 $0x4, s19  }
0x2d: {  	v2 =	vld [tilespmem:s22+$0x0];
	v1 =	vadd.s32 s20, v1;
	[tilespmem:s21+$0x10] =	vst v0;
	p0 =	slt.u32 s19, $0x1BC  }
.Ltmp0:
0x2e: {  	s20 =	sshrl.u32 s19, $0x4;
	v0 =	vld [tilespmem:s22+$0x10];
	[tilespmem:s21+$0xFFFFFFF0] =	vst v1;
	(pc) =	sbr.rel @p0 .LBB2_2-.Ltmp0, $3  }
0x2f: {  	s20 =	smul.u32 $0x3E8, s20;
	s21 =	smov.u32 s22;
	v1 =	vld [tilespmem:s22+$0xFFFFFFF0];
	_ =	sdelay $0x1  }
0x30: {  	v3 =	vadd.s32 s20, v3  }
0x31: {  	s22 =	sadd.s32 $0x40, s22;
	[tilespmem:s21+$0xFFFFFFE0] =	vst v3;
	v2 =	vadd.s32 s20, v2  }
0x32: {  	[tilespmem:s21+$0x0] =	vst v2;
	v0 =	vadd.s32 s20, v0  }
0x33: {  	v1 =	vadd.s32 s20, v1;
	[tilespmem:s21+$0x10] =	vst v0  }
0x34: {  	s19 =	simm.s32 $0x0;
	[tilespmem:s21+$0xFFFFFFF0] =	vst v1  }
0x35: {  	[tilespmem:s6], [sflag:$0x1] =	stream.indirect.gather [hbm4b:s3+s5], $0x20, s19, s5, $0xb8;
	[tilespmem:$0x11C00] =	vst v63  }
0x36: {  	_ =	swait.ge [sflag:s7], $0x8000  }
0x37: {  	[sflag:s7] =	ssyncset.done $0x0  }
0x38: {  	[sflag:s7] =	ssyncadd.s32 $0xFFFF8000  }
0x39: {  	[tilespmem:s8], [sflag:$0x2] =	stream.indirect.gather [hbm4b:s3+s5], $0x20, s5, s5, $0xb8;
	[tilespmem:$0x11C00] =	vst v63  }
0x3a: {  	s22 =	rddreg [dreg:$0x3]  }
0x3b: {  	[hbm4b:s22+s9] =	stream.strided.scatter [tilespmem:s6], [sflag:$0x3], $0x2000, s10, s9, $0x38;
	[tilespmem:$0x11C00] =	vst v63  }
0x3c: {  	_ =	swait.ge [sflag:s4], $0x2000  }
0x3d: {  	[sflag:s4] =	ssyncset.done $0x0  }
0x3e: {  	s21 =	rddreg [dreg:$0x4];
	[sflag:s4] =	ssyncadd.s32 $0xFFFFE000  }
0x3f: {  	[hbm4b:s21+s9] =	stream.strided.scatter [tilespmem:s11], [sflag:$0x3], $0x2000, s10, s9, $0x38;
	[tilespmem:$0x11C00] =	vst v63  }
0x40: {  	_ =	swait.ge [sflag:s4], $0x2000  }
0x41: {  	[sflag:s4] =	ssyncset.done $0x0  }
0x42: {  	s22 =	rddreg [dreg:$0x5];
	[sflag:s4] =	ssyncadd.s32 $0xFFFFE000  }
0x43: {  	[hbm4b:s22+s9] =	stream.strided.scatter [tilespmem:s12], [sflag:$0x3], $0x2000, s10, s9, $0x38;
	[tilespmem:$0x11C00] =	vst v63  }
0x44: {  	_ =	swait.ge [sflag:s4], $0x2000  }
0x45: {  	[sflag:s4] =	ssyncset.done $0x0  }
0x46: {  	s21 =	rddreg [dreg:$0x6];
	[sflag:s4] =	ssyncadd.s32 $0xFFFFE000  }
0x47: {  	[hbm4b:s21+s9] =	stream.strided.scatter [tilespmem:s13], [sflag:$0x3], $0x2000, s10, s9, $0x38;
	[tilespmem:$0x11C00] =	vst v63  }
0x48: {  	_ =	swait.ge [sflag:s4], $0x2000  }
0x49: {  	[sflag:s4] =	ssyncset.done $0x0  }
0x4a: {  	[sflag:s4] =	ssyncadd.s32 $0xFFFFE000  }
0x4b: {  	_ =	swait.ge [sflag:s14], $0x8000  }
0x4c: {  	[sflag:s14] =	ssyncset.done $0x0  }
0x4d: {  	s22 =	simm.s32 $0x800;
	[sflag:s14] =	ssyncadd.s32 $0xFFFF8000  }
0x4e: {  	[tilespmem:s6], [sflag:$0x1] =	stream.indirect.gather [hbm4b:s3+s5], $0x20, s22, s5, $0xb8;
	[tilespmem:$0x11C00] =	vst v63  }
0x4f: {  	s21 =	rddreg [dreg:$0x7]  }
0x50: {  	[hbm4b:s21+s9] =	stream.strided.scatter [tilespmem:s8], [sflag:$0x3], $0x2000, s10, s9, $0x38;
	[tilespmem:$0x11C00] =	vst v63  }
0x51: {  	_ =	swait.ge [sflag:s4], $0x2000  }
0x52: {  	[sflag:s4] =	ssyncset.done $0x0  }
0x53: {  	s22 =	rddreg [dreg:$0x8];
	[sflag:s4] =	ssyncadd.s32 $0xFFFFE000  }
0x54: {  	[hbm4b:s22+s9] =	stream.strided.scatter [tilespmem:s15], [sflag:$0x3], $0x2000, s10, s9, $0x38;
	[tilespmem:$0x11C00] =	vst v63  }
0x55: {  	_ =	swait.ge [sflag:s4], $0x2000  }
0x56: {  	[sflag:s4] =	ssyncset.done $0x0  }
0x57: {  	s21 =	rddreg [dreg:$0x9];
	[sflag:s4] =	ssyncadd.s32 $0xFFFFE000  }
0x58: {  	[hbm4b:s21+s9] =	stream.strided.scatter [tilespmem:s16], [sflag:$0x3], $0x2000, s10, s9, $0x38;
	[tilespmem:$0x11C00] =	vst v63  }
0x59: {  	_ =	swait.ge [sflag:s4], $0x2000  }
0x5a: {  	[sflag:s4] =	ssyncset.done $0x0  }
0x5b: {  	s22 =	rddreg [dreg:$0xa];
	[sflag:s4] =	ssyncadd.s32 $0xFFFFE000  }
0x5c: {  	[hbm4b:s22+s9] =	stream.strided.scatter [tilespmem:s17], [sflag:$0x3], $0x2000, s10, s9, $0x38;
	[tilespmem:$0x11C00] =	vst v63  }
0x5d: {  	_ =	swait.ge [sflag:s4], $0x2000  }
0x5e: {  	[sflag:s4] =	ssyncset.done $0x0  }
0x5f: {  	[sflag:s4] =	ssyncadd.s32 $0xFFFFE000  }
0x60: {  	_ =	swait.ge [sflag:s7], $0x8000  }
0x61: {  	[sflag:s7] =	ssyncset.done $0x0  }
0x62: {  	s21 =	simm.s32 $0xC00;
	[sflag:s7] =	ssyncadd.s32 $0xFFFF8000  }
0x63: {  	[tilespmem:s8], [sflag:$0x2] =	stream.indirect.gather [hbm4b:s3+s5], $0x20, s21, s5, $0xb8;
	[tilespmem:$0x11C00] =	vst v63  }
0x64: {  	s22 =	rddreg [dreg:$0xb]  }
0x65: {  	[hbm4b:s22+s9] =	stream.strided.scatter [tilespmem:s6], [sflag:$0x3], $0x2000, s10, s9, $0x38;
	[tilespmem:$0x11C00] =	vst v63  }
0x66: {  	_ =	swait.ge [sflag:s4], $0x2000  }
0x67: {  	[sflag:s4] =	ssyncset.done $0x0  }
0x68: {  	s21 =	rddreg [dreg:$0xc];
	[sflag:s4] =	ssyncadd.s32 $0xFFFFE000  }
0x69: {  	[hbm4b:s21+s9] =	stream.strided.scatter [tilespmem:s11], [sflag:$0x3], $0x2000, s10, s9, $0x38;
	[tilespmem:$0x11C00] =	vst v63  }
0x6a: {  	_ =	swait.ge [sflag:s4], $0x2000  }
0x6b: {  	[sflag:s4] =	ssyncset.done $0x0  }
0x6c: {  	s22 =	rddreg [dreg:$0xd];
	[sflag:s4] =	ssyncadd.s32 $0xFFFFE000  }
0x6d: {  	[hbm4b:s22+s9] =	stream.strided.scatter [tilespmem:s12], [sflag:$0x3], $0x2000, s10, s9, $0x38;
	[tilespmem:$0x11C00] =	vst v63  }
0x6e: {  	_ =	swait.ge [sflag:s4], $0x2000  }
0x6f: {  	[sflag:s4] =	ssyncset.done $0x0  }
0x70: {  	s21 =	rddreg [dreg:$0xe];
	[sflag:s4] =	ssyncadd.s32 $0xFFFFE000  }
0x71: {  	[hbm4b:s21+s9] =	stream.strided.scatter [tilespmem:s13], [sflag:$0x3], $0x2000, s10, s9, $0x38;
	[tilespmem:$0x11C00] =	vst v63  }
0x72: {  	_ =	swait.ge [sflag:s4], $0x2000  }
0x73: {  	[sflag:s4] =	ssyncset.done $0x0  }
0x74: {  	[sflag:s4] =	ssyncadd.s32 $0xFFFFE000  }
0x75: {  	_ =	swait.ge [sflag:s14], $0x8000  }
0x76: {  	[sflag:s14] =	ssyncset.done $0x0  }
0x77: {  	s22 =	simm.s32 $0x1000;
	[sflag:s14] =	ssyncadd.s32 $0xFFFF8000  }
0x78: {  	[tilespmem:s6], [sflag:$0x1] =	stream.indirect.gather [hbm4b:s3+s5], $0x20, s22, s5, $0xb8;
	[tilespmem:$0x11C00] =	vst v63  }
0x79: {  	s21 =	rddreg [dreg:$0xf]  }
0x7a: {  	[hbm4b:s21+s9] =	stream.strided.scatter [tilespmem:s8], [sflag:$0x3], $0x2000, s10, s9, $0x38;
	[tilespmem:$0x11C00] =	vst v63  }
0x7b: {  	_ =	swait.ge [sflag:s4], $0x2000  }
0x7c: {  	[sflag:s4] =	ssyncset.done $0x0  }
0x7d: {  	s22 =	rddreg [dreg:$0x10];
	[sflag:s4] =	ssyncadd.s32 $0xFFFFE000  }
0x7e: {  	[hbm4b:s22+s9] =	stream.strided.scatter [tilespmem:s15], [sflag:$0x3], $0x2000, s10, s9, $0x38;
	[tilespmem:$0x11C00] =	vst v63  }
0x7f: {  	_ =	swait.ge [sflag:s4], $0x2000  }
0x80: {  	[sflag:s4] =	ssyncset.done $0x0  }
0x81: {  	s21 =	rddreg [dreg:$0x11];
	[sflag:s4] =	ssyncadd.s32 $0xFFFFE000  }
0x82: {  	[hbm4b:s21+s9] =	stream.strided.scatter [tilespmem:s16], [sflag:$0x3], $0x2000, s10, s9, $0x38;
	[tilespmem:$0x11C00] =	vst v63  }
0x83: {  	_ =	swait.ge [sflag:s4], $0x2000  }
0x84: {  	[sflag:s4] =	ssyncset.done $0x0  }
0x85: {  	s22 =	rddreg [dreg:$0x12];
	[sflag:s4] =	ssyncadd.s32 $0xFFFFE000  }
0x86: {  	[hbm4b:s22+s9] =	stream.strided.scatter [tilespmem:s17], [sflag:$0x3], $0x2000, s10, s9, $0x38;
	[tilespmem:$0x11C00] =	vst v63  }
0x87: {  	_ =	swait.ge [sflag:s4], $0x2000  }
0x88: {  	[sflag:s4] =	ssyncset.done $0x0  }
0x89: {  	[sflag:s4] =	ssyncadd.s32 $0xFFFFE000  }
0x8a: {  	_ =	swait.ge [sflag:s7], $0x8000  }
0x8b: {  	[sflag:s7] =	ssyncset.done $0x0  }
0x8c: {  	s21 =	simm.s32 $0x1400;
	[sflag:s7] =	ssyncadd.s32 $0xFFFF8000  }
0x8d: {  	[tilespmem:s8], [sflag:$0x2] =	stream.indirect.gather [hbm4b:s3+s5], $0x20, s21, s5, $0xb8;
	[tilespmem:$0x11C00] =	vst v63  }
0x8e: {  	s22 =	rddreg [dreg:$0x13]  }
0x8f: {  	[hbm4b:s22+s9] =	stream.strided.scatter [tilespmem:s6], [sflag:$0x3], $0x2000, s10, s9, $0x38;
	[tilespmem:$0x11C00] =	vst v63  }
0x90: {  	_ =	swait.ge [sflag:s4], $0x2000  }
0x91: {  	[sflag:s4] =	ssyncset.done $0x0  }
0x92: {  	s21 =	rddreg [dreg:$0x14];
	[sflag:s4] =	ssyncadd.s32 $0xFFFFE000  }
0x93: {  	[hbm4b:s21+s9] =	stream.strided.scatter [tilespmem:s11], [sflag:$0x3], $0x2000, s10, s9, $0x38;
	[tilespmem:$0x11C00] =	vst v63  }
0x94: {  	_ =	swait.ge [sflag:s4], $0x2000  }
0x95: {  	[sflag:s4] =	ssyncset.done $0x0  }
0x96: {  	[sflag:s4] =	ssyncadd.s32 $0xFFFFE000  }
0x97: {  	[hbm4b:s23+s9] =	stream.strided.scatter [tilespmem:s12], [sflag:$0x3], $0x2000, s10, s9, $0x38;
	[tilespmem:$0x11C00] =	vst v63  }
0x98: {  	_ =	swait.ge [sflag:s4], $0x2000  }
0x99: {  	[sflag:s4] =	ssyncset.done $0x0  }
0x9a: {  	[sflag:s4] =	ssyncadd.s32 $0xFFFFE000  }
0x9b: {  	[hbm4b:s24+s9] =	stream.strided.scatter [tilespmem:s13], [sflag:$0x3], $0x2000, s10, s9, $0x38;
	[tilespmem:$0x11C00] =	vst v63  }
0x9c: {  	_ =	swait.ge [sflag:s4], $0x2000  }
0x9d: {  	[sflag:s4] =	ssyncset.done $0x0  }
0x9e: {  	[sflag:s4] =	ssyncadd.s32 $0xFFFFE000  }
0x9f: {  	_ =	swait.ge [sflag:s14], $0x8000  }
0xa0: {  	[sflag:s14] =	ssyncset.done $0x0  }
0xa1: {  	s22 =	simm.s32 $0x1800;
	[sflag:s14] =	ssyncadd.s32 $0xFFFF8000  }
0xa2: {  	[tilespmem:s6], [sflag:$0x1] =	stream.indirect.gather [hbm4b:s3+s5], $0x20, s22, s5, $0xb8;
	[tilespmem:$0x11C00] =	vst v63  }
0xa3: {  	_ = 	snop  }
0xa4: {  	[hbm4b:s25+s9] =	stream.strided.scatter [tilespmem:s8], [sflag:$0x3], $0x2000, s10, s9, $0x38;
	[tilespmem:$0x11C00] =	vst v63  }
0xa5: {  	_ =	swait.ge [sflag:s4], $0x2000  }
0xa6: {  	[sflag:s4] =	ssyncset.done $0x0  }
0xa7: {  	[sflag:s4] =	ssyncadd.s32 $0xFFFFE000  }
0xa8: {  	[hbm4b:s26+s9] =	stream.strided.scatter [tilespmem:s15], [sflag:$0x3], $0x2000, s10, s9, $0x38;
	[tilespmem:$0x11C00] =	vst v63  }
0xa9: {  	_ =	swait.ge [sflag:s4], $0x2000  }
0xaa: {  	[sflag:s4] =	ssyncset.done $0x0  }
0xab: {  	[sflag:s4] =	ssyncadd.s32 $0xFFFFE000  }
0xac: {  	[hbm4b:s28+s9] =	stream.strided.scatter [tilespmem:s16], [sflag:$0x3], $0x2000, s10, s9, $0x38;
	[tilespmem:$0x11C00] =	vst v63  }
0xad: {  	_ =	swait.ge [sflag:s4], $0x2000  }
0xae: {  	[sflag:s4] =	ssyncset.done $0x0  }
0xaf: {  	[sflag:s4] =	ssyncadd.s32 $0xFFFFE000  }
0xb0: {  	[hbm4b:s29+s9] =	stream.strided.scatter [tilespmem:s17], [sflag:$0x3], $0x2000, s10, s9, $0x38;
	[tilespmem:$0x11C00] =	vst v63  }
0xb1: {  	_ =	swait.ge [sflag:s4], $0x2000  }
0xb2: {  	[sflag:s4] =	ssyncset.done $0x0  }
0xb3: {  	[sflag:s4] =	ssyncadd.s32 $0xFFFFE000  }
0xb4: {  	_ =	swait.ge [sflag:s7], $0x8000  }
0xb5: {  	[sflag:s7] =	ssyncset.done $0x0  }
0xb6: {  	[sflag:s7] =	ssyncadd.s32 $0xFFFF8000  }
0xb7: {  	[hbm4b:s30+s9] =	stream.strided.scatter [tilespmem:s6], [sflag:$0x3], $0x2000, s10, s9, $0x38;
	[tilespmem:$0x11C00] =	vst v63  }
0xb8: {  	_ =	swait.ge [sflag:s4], $0x2000  }
0xb9: {  	[sflag:s4] =	ssyncset.done $0x0  }
0xba: {  	[sflag:s4] =	ssyncadd.s32 $0xFFFFE000  }
0xbb: {  	[hbm4b:s31+s9] =	stream.strided.scatter [tilespmem:s11], [sflag:$0x3], $0x2000, s10, s9, $0x38;
	[tilespmem:$0x11C00] =	vst v63  }
0xbc: {  	_ =	swait.ge [sflag:s4], $0x2000  }
0xbd: {  	[sflag:s4] =	ssyncset.done $0x0  }
0xbe: {  	[sflag:s4] =	ssyncadd.s32 $0xFFFFE000  }
0xbf: {  	[hbm4b:s1+s9] =	stream.strided.scatter [tilespmem:s12], [sflag:$0x3], $0x2000, s10, s9, $0x38;
	[tilespmem:$0x11C00] =	vst v63  }
0xc0: {  	s18 =	sadd.s32 $0x1, s18;
	_ =	swait.ge [sflag:s4], $0x2000  }
0xc1: {  	p0 =	sne.s32 s18, s2;
	[sflag:s4] =	ssyncset.done $0x0  }
.Ltmp1:
0xc2: {  	[sflag:s4] =	ssyncadd.s32 $0xFFFFE000;
	(pc) =	sbr.rel @p0 .LBB2_1-.Ltmp1, $4  }
0xc3: {  	[hbm4b:s0+s9] =	stream.strided.scatter [tilespmem:s13], [sflag:$0x3], $0x2000, s10, s9, $0x38;
	[tilespmem:$0x11C00] =	vst v63  }
0xc4: {  	_ =	swait.ge [sflag:s4], $0x2000  }
0xc5: {  	[sflag:s4] =	ssyncset.done $0x0  }
0xc6: {  	[sflag:s4] =	ssyncadd.s32 $0xFFFFE000  }
0xc7: {  	_ =	sfence.sel $0x180000  }
0xc8: {  	[bflag:$0x0] =	sbarrier.arrive $0xFFFF  }
0xc9: {  	_ =	strace $0x9000004A  }
0xca: {  	s0 =	stileid.u32;
	[bflag:$0x2] =	sbarrier.arrive $0xFFFF  }
0xcb: {  	p0 =	sne.s32 s0, $0x0;
	s0 =	rddreg [dreg:$0x1]  }
0xcc: {  	s0 =	sadd.s32 @!p0 $0x100000, s0  }
0xcd: {  	[sflag:s0] =	ssyncadd.tile.s32 @!p0 $0x1;
	_ =	shalt  }
.Lfunc_end2:
_tile_overlayer_lowered:
.L_overlay_start_2:
0xce: {  	(tag) =	ssettag $0x2  }
0xcf: {  	s0 =	rddreg [dreg:$0x0];
	s2 =	stileid.u32  }
0xd0: {  	s1 =	rddreg [dreg:$0x1];
	p0 =	sne.s32 s2, $0x0  }
0xd1: {  	s3 =	rddreg [dreg:$0x2];
	[bflag:$0x3] =	sbarrier.arrive $0xFFFF;
	s2 =	simm.s32 @!p0 $0x1C03  }
0xd2: {  	[timem:s3], [sflag:s2] =	dma.local @!p0 [hbm:s0], s1  }
0xd3: {  	s0 =	simm.s32 @!p0 $0x3  }
0xd4: {  	_ =	swait.ge @!p0 [sflag:s0], s1  }
0xd5: {  	s1 =	ssub.s32 @!p0 $0x0, s1;
	[sflag:s0] =	ssyncset.done @!p0 $0x0  }
0xd6: {  	[sflag:s0] =	ssyncadd.s32 @!p0 s1  }
0xd7: {  	[bflag:$0x3] =	sbarrier.arrive $0xFFFF  }
0xd8: {  	_ =	shalt  }

// kernel: sparse-core-data-format-call.1.cloned.1.call-start
scs
called_computation.1_lowered:
.L_overlay_start_0:
0x0: {  	s2 =	sld [smem:$0x3FD9]  }
0x1: {  	s3 =	sld [smem:$0x3FFE];
	_ =	sdelay $0x1  }
0x2: {  	s1 =	srdreg.scid  }
0x3: {  	s0 =	sand.u32 $0x1, s1  }
0x4: {  	s18 =	sshll.u32 s0, $0xA;
	s2 =	sadd.s32 s3, s2  }
0x5: {  	s2 =	sadd.s32 s2, s18  }
0x6: {  	[smem:$0x3FBD] =	sst s2  }
0x7: {  	_ = 	snop  }
0x8: {  	(tm) =	ssettm $0x1  }
0x9: {  	s19 =	sld [smem:$0x3FFB];
	_ =	sdelay $0x3  }
0xa: {  	_ =	strace s19  }
0xb: {  	s2 =	sld [smem:$0x3FFC];
	_ =	sdelay $0x3  }
0xc: {  	_ =	strace s2  }
0xd: {  	s2 =	sld [smem:$0x3FFD];
	_ =	sdelay $0x3  }
0xe: {  	_ =	strace s2  }
0xf: {  	_ =	strace $0x8FFFFFFF  }
0x10: {  	s20 =	sld [smem:$0x3FDB];
	_ =	sdelay $0x1  }
0x11: {  	s21 =	simm.s32 $_scs_section_size  }
0x12: {  	s4 =	simm.s32 $_size__tile_overlayer_lowered;
	s5 =	simm.s32 $_tile_overlayer_lowered  }
0x13: {  	s6 =	simm.s32 $0x1BFF;
	s22 =	sshll.u32 s5, $0x1;
	s3 =	sadd.s32 s21, s20  }
0x14: {  	s23 =	simm.s32 $0x0;
	s4 =	sshll.u32 s4, $0x1;
	s5 =	sadd.s32 s22, s3  }
0x15: {  	[timem:s23], [sflag:s6] =	dma.local [hbm:s5], s4  }
0x16: {  	_ =	swait.ge [sflag:s6], s4  }
0x17: {  	s4 =	ssub.s32 $0x0, s4;
	[sflag:s6] =	ssyncset.done $0x0  }
0x18: {  	[sflag:s6] =	ssyncadd.s32 s4;
	_ =	sdelay $0x1  }
0x19: {  	s24 =	simm.s32 $0x1B8B  }
0x1a: {  	_ =	swait.ge [sflag:s24], $0x1  }
0x1b: {  	[sflag:s24] =	ssyncset.done $0x0  }
0x1c: {  	[sflag:s24] =	ssyncadd.s32 $0xFFFFFFFF  }
0x1d: {  	s4 =	sld [smem:$0x0]  }
0x1e: {  	s5 =	sand.u32 $0xFFFFFFFE, s1  }
0x1f: {  	p0 =	sne.s32 s1, s5  }
0x20: {  	s5 =	sshll.u32 @p0 s5, $0xE  }
0x21: {  	s5 =	sadd.s32 @p0 $0x11B8D, s5;
	s6 =	sshll.u32 @p0 s4, $0x11  }
0x22: {  	s5 =	sor.u32 @p0 s6, s5  }
0x23: {  	[sflag:s5] =	ssyncadd.remote.s32 @p0 $0x1;
	_ =	sdelay $0x1  }
0x24: {  	s5 =	simm.s32 @p0 $0x1B8D  }
0x25: {  	_ =	swait.eq @p0 [sflag:s5], $0x1  }
0x26: {  	[sflag:s5] =	ssyncadd.s32 @p0 $0xFFFFFFFF  }
0x27: {  	s6 =	sshll.u32 @!p0 s1, $0xE  }
0x28: {  	s6 =	sor.u32 @!p0 $0x4000, s6;
	s5 =	simm.s32 @!p0 $0x1B8D  }
0x29: {  	s4 =	sshll.u32 @!p0 s4, $0x11;
	s6 =	sadd.s32 @!p0 $0x11B8D, s6;
	_ =	swait.eq @!p0 [sflag:s5], $0x1  }
0x2a: {  	s4 =	sor.u32 @!p0 s4, s6;
	[sflag:s5] =	ssyncadd.s32 @!p0 $0xFFFFFFFF  }
0x2b: {  	s26 =	simm.s32 $0x1B8E;
	s25 =	sld [smem:$0x3FFE];
	[sflag:s4] =	ssyncadd.remote.s32 @!p0 $0x1  }
0x2c: {  	s27 =	simm.s32 $execute0_lowered;
	[smem:$0x3FD2] =	sst s26  }
0x2d: {  	s5 =	sshll.u32 s27, $0x1;
	_ =	strace $0x8000004C;
	[dreg:$0x1] =	wrdreg $0xFFFFFFFF  }
0x2e: {  	s28 =	simm.s32 $_size_execute0_lowered;
	s3 =	sadd.s32 s3, s5;
	[dreg:$0x0] =	wrdreg $0x0  }
0x2f: {  	s5 =	sshll.u32 s28, $0x1;
	[dreg:$0x2] =	wrdreg s3  }
0x30: {  	[dreg:$0x3] =	wrdreg s5  }
0x31: {  	[dreg:$0x4] =	wrdreg $0xC0  }
0x32: {  	_ =	task [dreg:s23], $0x5FFFF  }
0x33: {  	[dreg:$0x1] =	wrdreg $0xFFFFFFFF  }
0x34: {  	[dreg:$0x0] =	wrdreg $0x60  }
0x35: {  	[dreg:$0x2] =	wrdreg s25  }
0x36: {  	[dreg:$0x3] =	wrdreg $0x9  }
0x37: {  	_ =	task.clear_ibuf [dreg:s23], $0x4FFFF;
	_ =	strace $0x9000004C  }
0x38: {  	s29 =	simm.s32 $0x9;
	_ =	strace $0x8000004E  }
0x39: {  	_ =	swait.ge [sflag:s29], $0x1  }
0x3a: {  	[sflag:s29] =	ssyncadd.s32 $0xFFFFFFFF  }
0x3b: {  	_ =	strace $0x9000004E  }
0x3c: {  	_ =	sfence  }
0x3d: {  	s30 =	sld [smem:$0x0];
	_ =	sdelay $0x2  }
0x3e: {  	s31 =	sshll.u32 s1, $0xD;
	s1 =	sshrl.u32 s1, $0x2  }
0x3f: {  	s4 =	sand.u32 $0x4000, s31;
	s1 =	sadd.s32 s1, s30  }
0x40: {  	s0 =	sor.u32 s4, s0;
	s1 =	sshll.u32 s1, $0x11  }
0x41: {  	s0 =	sor.u32 s1, s0  }
0x42: {  	s0 =	sadd.s32 $0x8F2B, s0  }
0x43: {  	[sflag:s0] =	ssyncadd.remote.s32 $0x1  }
0x44: {  	_ =	sfence.sel $0xFFFF  }
0x45: {  	[dreg:$0x0] =	wrdreg $0xFFFFFFFF;
	(pc) =	sbr.abs _section_cstart, $3  }
0x46: {  	[dreg:$0x1] =	wrdreg $0xFFFFFFFF  }
0x47: {  	_ =	task.clear_ibuf [dreg:s23], $0x2FFFF;
	_ =	strace $0x9FFFFFFF  }
0x48: {  	(tm) =	ssettm $0x7FFFFFFF  }
0x49: {  	_ =	shalt  }
tec
execute0_lowered:
.L_overlay_start_1:
0x0: {  	(tag) =	ssettag $0x1  }
0x1: {  	s0 =	srdreg.scid  }
0x2: {  	s1 =	sshll.u32 s0, $0x4  }
0x3: {  	s0 =	stileid.u32;
	s1 =	sand.u32 $0x10, s1  }
0x4: {  	s6 =	rddreg [dreg:$0x0];
	s4 =	simm.s32 $0x1;
	s1 =	sor.u32 s0, s1  }
0x5: {  	s7 =	simm.s32 $0x2;
	s15 =	simm.s32 $0x0;
	s2 =	sshll.u32 s1, $0x7  }
0x6: {  	s8 =	simm.s32 $0x10000;
	s13 =	simm.s32 $0x0;
	s3 =	ssub.s32 $0x2000, s2  }
0x7: {  	s14 =	simm.s32 $0x0;
	s9 =	simm.s32 $0x0;
	s31 =	sand.u32 $0xF80, s3  }
0x8: {  	s11 =	simm.s32 $0x0;
	s1 =	rddreg [dreg:$0x1];
	p0 =	sne.s32 s31, $0x0  }
.Ltmp0:
0x9: {  	s5 =	sshrl.u32 s3, $0xC;
	s4 =	simm.s32 @!p0 $0x0;
	(pc) =	sbr.rel .LBB1_1-.Ltmp0, $4  }
0xa: {  	_ =	strace $0x8000004D;
	s3 =	simm.s32 $0x1;
	s4 =	sadd.s32 s4, s5  }
0xb: {  	s12 =	simm.s32 $0x0;
	[sflag:s3] =	ssyncpa.u1 $0x0;
	s4 =	smul.u32 $0xE, s4  }
0xc: {  	s10 =	smov.u32 s2;
	[sflag:s7] =	ssyncpa.u1 $0x0;
	p0 =	por $0x0, $0x0  }
0xd: {  	s5 =	sadd.s32 $0x252000, s6;
	s6 =	sadd.s32 $0x412000, s6;
	s7 =	sor.u32 $0x1, s4  }
.LBB1_4:
0xe: {  	v5 =	vld [tilespmem:s18+$0xFFFFFFD0]  }
0xf: {  	[tilespmem:s19+$0x2040 ss:$0x81] =	vst.msk $0xffff, v1;
	v58 =	vld [tilespmem:s18+$0xFFFFFFE0]  }
0x10: {  	[tilespmem:s19+$0x2850 ss:$0x81] =	vst.msk $0xffff, v2;
	v59 =	vld [tilespmem:s18+$0xFFFFFFF0]  }
0x11: {  	s20 =	sshra.s32 s20, $0x2;
	[tilespmem:s19+$0x3060 ss:$0x81] =	vst.msk $0xffff, v3;
	v60 =	vld [tilespmem:s18+$0x0]  }
0x12: {  	[tilespmem:s19+$0x0 ss:$0x81] =	vst.msk $0xffff, v0;
	v61 =	vld [tilespmem:s18+$0x10];
	s17 =	sadd.s32 s20, s17  }
0x13: {  	s26 =	sshll.u32 s15, $0xD;
	v62 =	vld [tilespmem:s18+$0x20];
	[tilespmem:s17+$0x3870 ss:$0x81] =	vst.msk $0xffff, v4  }
0x14: {  	s27 =	sand.u32 $0x78, s13;
	s21 =	sshll.u32 s13, $0x3;
	v63 =	vld [tilespmem:s18+$0xFFFFFFC0];
	s29 =	sshll.u32 s15, $0x7;
	[tilespmem:s17+$0x810 ss:$0x81] =	vst.msk $0xffff, v5  }
0x15: {  	s14 =	sshll.u32 s14, $0x12;
	s19 =	sand.u32 $0x1F0000, s26;
	s28 =	sand.u32 $0x1FFC00, s21;
	[tilespmem:s17+$0x1020 ss:$0x81] =	vst.msk $0xffff, v58  }
0x16: {  	s31 =	sand.u32 $0x7, s13;
	s21 =	sand.u32 $0x1C00, s21;
	s18 =	sadd.s32 s28, s19;
	[tilespmem:s17+$0x1830 ss:$0x81] =	vst.msk $0xffff, v59  }
0x17: {  	s15 =	sand.u32 $0x380, s29;
	s30 =	sor.u32 s27, s21;
	s18 =	sshrl.u32 s18, $0x3;
	[tilespmem:s17+$0x2040 ss:$0x81] =	vst.msk $0xffff, v60  }
0x18: {  	s14 =	sadd.s32 s6, s14;
	s15 =	sor.u32 s15, s30;
	s18 =	sand.u32 $0x3FC00, s18;
	[tilespmem:s17+$0x2850 ss:$0x81] =	vst.msk $0xffff, v61  }
0x19: {  	s13 =	sshll.u32 s31, $0x12;
	s15 =	sshrl.u32 s15, $0x3;
	[tilespmem:s17+$0x3060 ss:$0x81] =	vst.msk $0xffff, v62;
	s14 =	sadd.s32 s18, s14  }
0x1a: {  	s13 =	sor.u32 $0x400, s13;
	[tilespmem:s17+$0x0 ss:$0x81] =	vst.msk $0xffff, v63;
	s14 =	sadd.s32 s15, s14  }
0x1b: {  	[hbm4b:s14+s13] =	stream.strided.scatter [tilespmem:s16], [sflag:$0x2], $0x4000, s8, s13, $0x20;
	[tilespmem:$0x10100] =	vst v63  }
.LBB1_5:
0x1c: {  	s16 =	sadd.s32 $0x80, s9  }
0x1d: {  	s13 =	sadd.s32 $0x1000, s10;
	s17 =	smov.u32 s10;
	p2 =	sgt.s32 s16, $0xFF  }
0x1e: {  	s17 =	smov.u32 @p2 s13  }
0x1f: {  	s13 =	simm.s32 $0x1;
	p3 =	sgt.s32 s17, $0x1FFF  }
0x20: {  	s13 =	simm.s32 @!p3 $0x0  }
0x21: {  	s19 =	sadd.s32 s13, s11  }
0x22: {  	s16 =	simm.s32 @p2 $0x0;
	p2 =	sgt.s32 s19, $0x6  }
0x23: {  	p1 =	slt.u32 s12, $0x2;
	s19 =	simm.s32 @p2 $0x0;
	p2 =	sne.s32 s12, s7  }
.Ltmp1:
0x24: {  	s18 =	simm.s32 @!p1 $0x2;
	(pc) =	sbr.rel @!p2 .LBB1_6-.Ltmp1, $4  }
0x25: {  	s15 =	smov.u32 s9;
	s14 =	smov.u32 s11;
	_ =	swait.ge @!p1 [sflag:s18], $0x4000  }
0x26: {  	p0 =	por !p0, !p0;
	[sflag:s18] =	ssyncset.done @!p1 $0x0;
	s9 =	smov.u32 s16  }
0x27: {  	s17 =	smov.u32 @p3 s2;
	[sflag:s18] =	ssyncadd.s32 @!p1 $0xFFFFC000;
	s13 =	smov.u32 s10  }
0x28: {  	s10 =	smov.u32 s17;
	s12 =	sadd.s32 $0x1, s12;
	s11 =	smov.u32 s19  }
.LBB1_1:
0x29: {  	p1 =	sge.u32 s12, s4  }
0x2a: {  	s31 =	sadd.s32 $0xFFFFFFFF, s12;
	s16 =	sxor.u32 @!p1 $0xFFFFFFFF, s12  }
0x2b: {  	s17 =	sshll.u32 @!p1 s10, $0x8;
	s18 =	sshll.u32 @!p1 s9, $0x3;
	s20 =	sand.u32 @!p1 $0x78, s9  }
0x2c: {  	s19 =	sshll.u32 @!p1 s10, $0x7;
	s17 =	sand.u32 @!p1 $0x1FF800, s17;
	s18 =	sand.u32 @!p1 $0x1FFC00, s18  }
0x2d: {  	s16 =	sshll.u32 @!p1 s16, $0xE;
	s17 =	sadd.s32 @!p1 s17, s18;
	s18 =	sand.u32 @!p1 $0x300, s19  }
0x2e: {  	s16 =	sand.u32 @!p1 $0x4000, s16;
	s17 =	sor.u32 @!p1 s18, s17;
	s18 =	sand.u32 @!p1 $0x80, s19  }
0x2f: {  	s19 =	sshll.u32 @!p1 s11, $0x12;
	s18 =	sor.u32 @!p1 s20, s18;
	s17 =	sshrl.u32 @!p1 s17, $0x3  }
0x30: {  	s19 =	sadd.s32 @!p1 s5, s19;
	s20 =	sand.u32 @!p1 $0x7, s9;
	s18 =	sshrl.u32 @!p1 s18, $0x3  }
0x31: {  	s17 =	sand.u32 @!p1 $0x3FFE0, s17;
	s18 =	sadd.s32 @!p1 s18, s19;
	s19 =	sshll.u32 @!p1 s20, $0x12  }
0x32: {  	s17 =	sadd.s32 @!p1 s17, s18;
	s18 =	sor.u32 @!p1 $0x400, s19;
	s19 =	simm.s32 @!p1 $0x800  }
0x33: {  	[tilespmem:s16], [sflag:$0x1] =	stream.strided.gather @!p1 [hbm4b:s17+s18], $0x4000, s19, s18, $0x38;
	[tilespmem:$0x10100] =	vst v63  }
0x34: {  	p1 =	sge.u32 s31, s4  }
.Ltmp2:
0x35: {  	_ = 	snop;
	(pc) =	sbr.rel @p1 .LBB1_5-.Ltmp2, $1  }
0x36: {  	_ =	sdelay $0x3  }
0x37: {  	s16 =	simm.s32 $0x1  }
0x38: {  	_ =	swait.ge [sflag:s3], $0x4000;
	s16 =	simm.s32 @!p0 $0x0  }
0x39: {  	[sflag:s3] =	ssyncset.done $0x0;
	s17 =	sshll.u32 s16, $0xE  }
0x3a: {  	[sflag:s3] =	ssyncadd.s32 $0xFFFFC000;
	s18 =	sor.u32 $0x40, s17  }
0x3b: {  	s16 =	smul.u32 $0x10200, s16;
	v0 =	vld [tilespmem:s18+$0x30]  }
0x3c: {  	v3 =	vld [tilespmem:s18+$0xFFFFFFD0]  }
0x3d: {  	s16 =	sshrl.u32 s16, $0x2;
	v4 =	vld [tilespmem:s18+$0xFFFFFFE0]  }
0x3e: {  	v5 =	vld [tilespmem:s18+$0xFFFFFFF0];
	s17 =	sor.u32 $0x8000, s16  }
0x3f: {  	s31 =	sand.u32 $0x1, s12;
	v1 =	vld [tilespmem:s18+$0x0];
	s19 =	sadd.s32 $0x0, s17  }
0x40: {  	v2 =	vld [tilespmem:s18+$0x10];
	s16 =	smul.u32 $0x10200, s31;
	[tilespmem:s19+$0x3870 ss:$0x81] =	vst.msk $0xffff, v0  }
0x41: {  	[tilespmem:s19+$0x810 ss:$0x81] =	vst.msk $0xffff, v3;
	v3 =	vld [tilespmem:s18+$0x20]  }
0x42: {  	s16 =	sshrl.u32 s16, $0x2;
	v0 =	vld [tilespmem:s18+$0xFFFFFFC0];
	[tilespmem:s19+$0x1020 ss:$0x81] =	vst.msk $0xffff, v4;
	s18 =	sadd.s32 $0x80, s18  }
0x43: {  	s20 =	simm.s32 $0x4;
	s21 =	simm.s32 $0x8;
	s16 =	sor.u32 $0x8000, s16;
	[tilespmem:s19+$0x1830 ss:$0x81] =	vst.msk $0xffff, v5;
	v4 =	vld [tilespmem:s18+$0x30]  }
.LBB1_3:
0x44: {  	p1 =	sne.s32 s21, $0x1FC;
	v5 =	vld [tilespmem:s18+$0xFFFFFFD0];
	[tilespmem:s19+$0x2040 ss:$0x81] =	vst.msk $0xffff, v1  }
0x45: {  	v6 =	vld [tilespmem:s18+$0xFFFFFFE0];
	[tilespmem:s19+$0x2850 ss:$0x81] =	vst.msk $0xffff, v2  }
0x46: {  	s22 =	sshra.s32 s20, $0x2;
	s20 =	smov.u32 s21;
	v7 =	vld [tilespmem:s18+$0xFFFFFFF0];
	[tilespmem:s19+$0x3060 ss:$0x81] =	vst.msk $0xffff, v3  }
.Ltmp3:
0x47: {  	v1 =	vld [tilespmem:s18+$0x0];
	[tilespmem:s19+$0x0 ss:$0x81] =	vst.msk $0xffff, v0;
	s19 =	sadd.s32 s22, s17;
	(pc) =	sbr.rel @p1 .LBB1_3-.Ltmp3, $4  }
0x48: {  	v2 =	vld [tilespmem:s18+$0x10];
	[tilespmem:s19+$0x3870 ss:$0x81] =	vst.msk $0xffff, v4  }
0x49: {  	[tilespmem:s19+$0x810 ss:$0x81] =	vst.msk $0xffff, v5;
	v3 =	vld [tilespmem:s18+$0x20]  }
0x4a: {  	v0 =	vld [tilespmem:s18+$0xFFFFFFC0];
	[tilespmem:s19+$0x1020 ss:$0x81] =	vst.msk $0xffff, v6;
	s18 =	sadd.s32 $0x80, s18  }
0x4b: {  	s21 =	sadd.s32 $0x4, s21;
	v4 =	vld [tilespmem:s18+$0x30];
	[tilespmem:s19+$0x1830 ss:$0x81] =	vst.msk $0xffff, v7  }
.Ltmp4:
0x4c: {  	_ = 	snop;
	(pc) =	sbr.rel .LBB1_4-.Ltmp4, $1  }
0x4d: {  	_ =	sdelay $0x3  }
.LBB1_6:
0x4e: {  	_ =	sfence.sel $0x180000  }
0x4f: {  	s2 =	simm.s32 $0x1;
	[bflag:$0x0] =	sbarrier.arrive $0xFFFF  }
0x50: {  	s31 =	simm.s32 $0x2;
	[sflag:s2] =	ssyncpa.u1 $0x1  }
0x51: {  	[sflag:s31] =	ssyncpa.u1 $0x1  }
0x52: {  	p0 =	sne.s32 s0, $0x0;
	_ =	strace $0x9000004D  }
0x53: {  	s0 =	sadd.s32 @!p0 $0x100000, s1;
	[bflag:$0x2] =	sbarrier.arrive $0xFFFF  }
0x54: {  	[sflag:s0] =	ssyncadd.tile.s32 @!p0 $0x1;
	_ =	shalt  }
.Lfunc_end1:
_tile_overlayer_lowered:
.L_overlay_start_2:
0x55: {  	(tag) =	ssettag $0x2  }
0x56: {  	s0 =	rddreg [dreg:$0x0];
	s2 =	stileid.u32  }
0x57: {  	s1 =	rddreg [dreg:$0x1];
	p0 =	sne.s32 s2, $0x0  }
0x58: {  	s3 =	rddreg [dreg:$0x2];
	[bflag:$0x3] =	sbarrier.arrive $0xFFFF;
	s2 =	simm.s32 @!p0 $0x1C01  }
0x59: {  	[timem:s3], [sflag:s2] =	dma.local @!p0 [hbm:s0], s1  }
0x5a: {  	s0 =	simm.s32 @!p0 $0x1  }
0x5b: {  	_ =	swait.ge @!p0 [sflag:s0], s1  }
0x5c: {  	s1 =	ssub.s32 @!p0 $0x0, s1;
	[sflag:s0] =	ssyncset.done @!p0 $0x0  }
0x5d: {  	[sflag:s0] =	ssyncadd.s32 @!p0 s1  }
0x5e: {  	[bflag:$0x3] =	sbarrier.arrive $0xFFFF  }
0x5f: {  	_ =	shalt  }

// kernel: sparse-core-data-format-call.cloned.1.call-start
scs
called_computation_lowered:
.L_overlay_start_0:
0x0: {  	s2 =	sld [smem:$0x3FD9]  }
0x1: {  	s3 =	sld [smem:$0x3FFE];
	_ =	sdelay $0x1  }
0x2: {  	s1 =	srdreg.scid  }
0x3: {  	s0 =	sand.u32 $0x1, s1  }
0x4: {  	s18 =	sshll.u32 s0, $0xA;
	s2 =	sadd.s32 s3, s2  }
0x5: {  	s2 =	sadd.s32 s2, s18  }
0x6: {  	[smem:$0x3FBD] =	sst s2  }
0x7: {  	_ = 	snop  }
0x8: {  	(tm) =	ssettm $0x1  }
0x9: {  	s19 =	sld [smem:$0x3FFB];
	_ =	sdelay $0x3  }
0xa: {  	_ =	strace s19  }
0xb: {  	s2 =	sld [smem:$0x3FFC];
	_ =	sdelay $0x3  }
0xc: {  	_ =	strace s2  }
0xd: {  	s2 =	sld [smem:$0x3FFD];
	_ =	sdelay $0x3  }
0xe: {  	_ =	strace s2  }
0xf: {  	_ =	strace $0x8FFFFFFF  }
0x10: {  	s20 =	sld [smem:$0x3FDB];
	_ =	sdelay $0x1  }
0x11: {  	s21 =	simm.s32 $_scs_section_size  }
0x12: {  	s4 =	simm.s32 $_size__tile_overlayer_lowered;
	s5 =	simm.s32 $_tile_overlayer_lowered  }
0x13: {  	s6 =	simm.s32 $0x1BFF;
	s22 =	sshll.u32 s5, $0x1;
	s3 =	sadd.s32 s21, s20  }
0x14: {  	s23 =	simm.s32 $0x0;
	s4 =	sshll.u32 s4, $0x1;
	s5 =	sadd.s32 s22, s3  }
0x15: {  	[timem:s23], [sflag:s6] =	dma.local [hbm:s5], s4  }
0x16: {  	_ =	swait.ge [sflag:s6], s4  }
0x17: {  	s4 =	ssub.s32 $0x0, s4;
	[sflag:s6] =	ssyncset.done $0x0  }
0x18: {  	[sflag:s6] =	ssyncadd.s32 s4;
	_ =	sdelay $0x1  }
0x19: {  	s24 =	simm.s32 $0x1B8B  }
0x1a: {  	_ =	swait.ge [sflag:s24], $0x1  }
0x1b: {  	[sflag:s24] =	ssyncset.done $0x0  }
0x1c: {  	[sflag:s24] =	ssyncadd.s32 $0xFFFFFFFF  }
0x1d: {  	s4 =	sld [smem:$0x0]  }
0x1e: {  	s5 =	sand.u32 $0xFFFFFFFE, s1  }
0x1f: {  	p0 =	sne.s32 s1, s5  }
0x20: {  	s5 =	sshll.u32 @p0 s5, $0xE  }
0x21: {  	s5 =	sadd.s32 @p0 $0x11B8D, s5;
	s6 =	sshll.u32 @p0 s4, $0x11  }
0x22: {  	s5 =	sor.u32 @p0 s6, s5  }
0x23: {  	[sflag:s5] =	ssyncadd.remote.s32 @p0 $0x1;
	_ =	sdelay $0x1  }
0x24: {  	s5 =	simm.s32 @p0 $0x1B8D  }
0x25: {  	_ =	swait.eq @p0 [sflag:s5], $0x1  }
0x26: {  	[sflag:s5] =	ssyncadd.s32 @p0 $0xFFFFFFFF  }
0x27: {  	s6 =	sshll.u32 @!p0 s1, $0xE  }
0x28: {  	s6 =	sor.u32 @!p0 $0x4000, s6;
	s5 =	simm.s32 @!p0 $0x1B8D  }
0x29: {  	s4 =	sshll.u32 @!p0 s4, $0x11;
	s6 =	sadd.s32 @!p0 $0x11B8D, s6;
	_ =	swait.eq @!p0 [sflag:s5], $0x1  }
0x2a: {  	s4 =	sor.u32 @!p0 s4, s6;
	[sflag:s5] =	ssyncadd.s32 @!p0 $0xFFFFFFFF  }
0x2b: {  	s26 =	simm.s32 $0x1B8E;
	s25 =	sld [smem:$0x3FFE];
	[sflag:s4] =	ssyncadd.remote.s32 @!p0 $0x1  }
0x2c: {  	s27 =	simm.s32 $execute0_lowered;
	[smem:$0x3FD2] =	sst s26  }
0x2d: {  	s5 =	sshll.u32 s27, $0x1;
	_ =	strace $0x8000004F;
	[dreg:$0x1] =	wrdreg $0xFFFFFFFF  }
0x2e: {  	s28 =	simm.s32 $_size_execute0_lowered;
	s3 =	sadd.s32 s3, s5;
	[dreg:$0x0] =	wrdreg $0x0  }
0x2f: {  	s5 =	sshll.u32 s28, $0x1;
	[dreg:$0x2] =	wrdreg s3  }
0x30: {  	[dreg:$0x3] =	wrdreg s5  }
0x31: {  	[dreg:$0x4] =	wrdreg $0xC0  }
0x32: {  	_ =	task [dreg:s23], $0x5FFFF  }
0x33: {  	[dreg:$0x1] =	wrdreg $0xFFFFFFFF  }
0x34: {  	[dreg:$0x0] =	wrdreg $0x60  }
0x35: {  	[dreg:$0x2] =	wrdreg s25  }
0x36: {  	[dreg:$0x3] =	wrdreg $0xA  }
0x37: {  	_ =	task.clear_ibuf [dreg:s23], $0x4FFFF;
	_ =	strace $0x9000004F  }
0x38: {  	s29 =	simm.s32 $0xA;
	_ =	strace $0x80000051  }
0x39: {  	_ =	swait.ge [sflag:s29], $0x1  }
0x3a: {  	[sflag:s29] =	ssyncadd.s32 $0xFFFFFFFF  }
0x3b: {  	_ =	strace $0x90000051  }
0x3c: {  	_ =	sfence  }
0x3d: {  	s30 =	sld [smem:$0x0];
	_ =	sdelay $0x2  }
0x3e: {  	s31 =	sshll.u32 s1, $0xD;
	s1 =	sshrl.u32 s1, $0x2  }
0x3f: {  	s4 =	sand.u32 $0x4000, s31;
	s1 =	sadd.s32 s1, s30  }
0x40: {  	s0 =	sor.u32 s4, s0;
	s1 =	sshll.u32 s1, $0x11  }
0x41: {  	s0 =	sor.u32 s1, s0  }
0x42: {  	s0 =	sadd.s32 $0x8F2B, s0  }
0x43: {  	[sflag:s0] =	ssyncadd.remote.s32 $0x1  }
0x44: {  	_ =	sfence.sel $0xFFFF  }
0x45: {  	[dreg:$0x0] =	wrdreg $0xFFFFFFFF;
	(pc) =	sbr.abs _section_cstart, $3  }
0x46: {  	[dreg:$0x1] =	wrdreg $0xFFFFFFFF  }
0x47: {  	_ =	task.clear_ibuf [dreg:s23], $0x2FFFF;
	_ =	strace $0x9FFFFFFF  }
0x48: {  	(tm) =	ssettm $0x7FFFFFFF  }
0x49: {  	_ =	shalt  }
tec
execute0_lowered:
.L_overlay_start_1:
0x0: {  	(tag) =	ssettag $0x1  }
0x1: {  	s0 =	srdreg.scid  }
0x2: {  	s1 =	sshll.u32 s0, $0x4  }
0x3: {  	s0 =	stileid.u32;
	s1 =	sand.u32 $0x10, s1  }
0x4: {  	s6 =	rddreg [dreg:$0x0];
	s4 =	simm.s32 $0x1;
	s1 =	sor.u32 s0, s1  }
0x5: {  	s7 =	simm.s32 $0x2;
	s15 =	simm.s32 $0x0;
	s2 =	sshll.u32 s1, $0x7  }
0x6: {  	s8 =	simm.s32 $0x10000;
	s13 =	simm.s32 $0x0;
	s3 =	ssub.s32 $0x2000, s2  }
0x7: {  	s14 =	simm.s32 $0x0;
	s9 =	simm.s32 $0x0;
	s31 =	sand.u32 $0xF80, s3  }
0x8: {  	s11 =	simm.s32 $0x0;
	s1 =	rddreg [dreg:$0x1];
	p0 =	sne.s32 s31, $0x0  }
.Ltmp0:
0x9: {  	s5 =	sshrl.u32 s3, $0xC;
	s4 =	simm.s32 @!p0 $0x0;
	(pc) =	sbr.rel .LBB1_1-.Ltmp0, $4  }
0xa: {  	_ =	strace $0x80000050;
	s3 =	simm.s32 $0x1;
	s4 =	sadd.s32 s4, s5  }
0xb: {  	s12 =	simm.s32 $0x0;
	[sflag:s3] =	ssyncpa.u1 $0x0;
	s4 =	smul.u32 $0xE, s4  }
0xc: {  	s10 =	smov.u32 s2;
	[sflag:s7] =	ssyncpa.u1 $0x0;
	p0 =	por $0x0, $0x0  }
0xd: {  	s5 =	sadd.s32 $0x3600, s6;
	s6 =	sadd.s32 $0x5D2000, s6;
	s7 =	sor.u32 $0x1, s4  }
.LBB1_4:
0xe: {  	v5 =	vld [tilespmem:s18+$0xFFFFFFD0]  }
0xf: {  	[tilespmem:s19+$0x2040 ss:$0x81] =	vst.msk $0xffff, v1;
	v58 =	vld [tilespmem:s18+$0xFFFFFFE0]  }
0x10: {  	[tilespmem:s19+$0x2850 ss:$0x81] =	vst.msk $0xffff, v2;
	v59 =	vld [tilespmem:s18+$0xFFFFFFF0]  }
0x11: {  	s20 =	sshra.s32 s20, $0x2;
	[tilespmem:s19+$0x3060 ss:$0x81] =	vst.msk $0xffff, v3;
	v60 =	vld [tilespmem:s18+$0x0]  }
0x12: {  	[tilespmem:s19+$0x0 ss:$0x81] =	vst.msk $0xffff, v0;
	v61 =	vld [tilespmem:s18+$0x10];
	s17 =	sadd.s32 s20, s17  }
0x13: {  	s26 =	sshll.u32 s15, $0xD;
	v62 =	vld [tilespmem:s18+$0x20];
	[tilespmem:s17+$0x3870 ss:$0x81] =	vst.msk $0xffff, v4  }
0x14: {  	s27 =	sand.u32 $0x78, s13;
	s21 =	sshll.u32 s13, $0x3;
	v63 =	vld [tilespmem:s18+$0xFFFFFFC0];
	s29 =	sshll.u32 s15, $0x7;
	[tilespmem:s17+$0x810 ss:$0x81] =	vst.msk $0xffff, v5  }
0x15: {  	s14 =	sshll.u32 s14, $0x12;
	s19 =	sand.u32 $0x1F0000, s26;
	s28 =	sand.u32 $0x1FFC00, s21;
	[tilespmem:s17+$0x1020 ss:$0x81] =	vst.msk $0xffff, v58  }
0x16: {  	s31 =	sand.u32 $0x7, s13;
	s21 =	sand.u32 $0x1C00, s21;
	s18 =	sadd.s32 s28, s19;
	[tilespmem:s17+$0x1830 ss:$0x81] =	vst.msk $0xffff, v59  }
0x17: {  	s15 =	sand.u32 $0x380, s29;
	s30 =	sor.u32 s27, s21;
	s18 =	sshrl.u32 s18, $0x3;
	[tilespmem:s17+$0x2040 ss:$0x81] =	vst.msk $0xffff, v60  }
0x18: {  	s14 =	sadd.s32 s6, s14;
	s15 =	sor.u32 s15, s30;
	s18 =	sand.u32 $0x3FC00, s18;
	[tilespmem:s17+$0x2850 ss:$0x81] =	vst.msk $0xffff, v61  }
0x19: {  	s13 =	sshll.u32 s31, $0x12;
	s15 =	sshrl.u32 s15, $0x3;
	[tilespmem:s17+$0x3060 ss:$0x81] =	vst.msk $0xffff, v62;
	s14 =	sadd.s32 s18, s14  }
0x1a: {  	s13 =	sor.u32 $0x400, s13;
	[tilespmem:s17+$0x0 ss:$0x81] =	vst.msk $0xffff, v63;
	s14 =	sadd.s32 s15, s14  }
0x1b: {  	[hbm4b:s14+s13] =	stream.strided.scatter [tilespmem:s16], [sflag:$0x2], $0x4000, s8, s13, $0x20;
	[tilespmem:$0x10100] =	vst v63  }
.LBB1_5:
0x1c: {  	s16 =	sadd.s32 $0x80, s9  }
0x1d: {  	s13 =	sadd.s32 $0x1000, s10;
	s17 =	smov.u32 s10;
	p2 =	sgt.s32 s16, $0xFF  }
0x1e: {  	s17 =	smov.u32 @p2 s13  }
0x1f: {  	s13 =	simm.s32 $0x1;
	p3 =	sgt.s32 s17, $0x1FFF  }
0x20: {  	s13 =	simm.s32 @!p3 $0x0  }
0x21: {  	s19 =	sadd.s32 s13, s11  }
0x22: {  	s16 =	simm.s32 @p2 $0x0;
	p2 =	sgt.s32 s19, $0x6  }
0x23: {  	p1 =	slt.u32 s12, $0x2;
	s19 =	simm.s32 @p2 $0x0;
	p2 =	sne.s32 s12, s7  }
.Ltmp1:
0x24: {  	s18 =	simm.s32 @!p1 $0x2;
	(pc) =	sbr.rel @!p2 .LBB1_6-.Ltmp1, $4  }
0x25: {  	s15 =	smov.u32 s9;
	s14 =	smov.u32 s11;
	_ =	swait.ge @!p1 [sflag:s18], $0x4000  }
0x26: {  	p0 =	por !p0, !p0;
	[sflag:s18] =	ssyncset.done @!p1 $0x0;
	s9 =	smov.u32 s16  }
0x27: {  	s17 =	smov.u32 @p3 s2;
	[sflag:s18] =	ssyncadd.s32 @!p1 $0xFFFFC000;
	s13 =	smov.u32 s10  }
0x28: {  	s10 =	smov.u32 s17;
	s12 =	sadd.s32 $0x1, s12;
	s11 =	smov.u32 s19  }
.LBB1_1:
0x29: {  	p1 =	sge.u32 s12, s4  }
0x2a: {  	s31 =	sadd.s32 $0xFFFFFFFF, s12;
	s16 =	sxor.u32 @!p1 $0xFFFFFFFF, s12  }
0x2b: {  	s17 =	sshll.u32 @!p1 s10, $0x8;
	s18 =	sshll.u32 @!p1 s9, $0x3;
	s20 =	sand.u32 @!p1 $0x78, s9  }
0x2c: {  	s19 =	sshll.u32 @!p1 s10, $0x7;
	s17 =	sand.u32 @!p1 $0x1FF800, s17;
	s18 =	sand.u32 @!p1 $0x1FFC00, s18  }
0x2d: {  	s16 =	sshll.u32 @!p1 s16, $0xE;
	s17 =	sadd.s32 @!p1 s17, s18;
	s18 =	sand.u32 @!p1 $0x300, s19  }
0x2e: {  	s16 =	sand.u32 @!p1 $0x4000, s16;
	s17 =	sor.u32 @!p1 s18, s17;
	s18 =	sand.u32 @!p1 $0x80, s19  }
0x2f: {  	s19 =	sshll.u32 @!p1 s11, $0x12;
	s18 =	sor.u32 @!p1 s20, s18;
	s17 =	sshrl.u32 @!p1 s17, $0x3  }
0x30: {  	s19 =	sadd.s32 @!p1 s5, s19;
	s20 =	sand.u32 @!p1 $0x7, s9;
	s18 =	sshrl.u32 @!p1 s18, $0x3  }
0x31: {  	s17 =	sand.u32 @!p1 $0x3FFE0, s17;
	s18 =	sadd.s32 @!p1 s18, s19;
	s19 =	sshll.u32 @!p1 s20, $0x12  }
0x32: {  	s17 =	sadd.s32 @!p1 s17, s18;
	s18 =	sor.u32 @!p1 $0x400, s19;
	s19 =	simm.s32 @!p1 $0x800  }
0x33: {  	[tilespmem:s16], [sflag:$0x1] =	stream.strided.gather @!p1 [hbm4b:s17+s18], $0x4000, s19, s18, $0x38;
	[tilespmem:$0x10100] =	vst v63  }
0x34: {  	p1 =	sge.u32 s31, s4  }
.Ltmp2:
0x35: {  	_ = 	snop;
	(pc) =	sbr.rel @p1 .LBB1_5-.Ltmp2, $1  }
0x36: {  	_ =	sdelay $0x3  }
0x37: {  	s16 =	simm.s32 $0x1  }
0x38: {  	_ =	swait.ge [sflag:s3], $0x4000;
	s16 =	simm.s32 @!p0 $0x0  }
0x39: {  	[sflag:s3] =	ssyncset.done $0x0;
	s17 =	sshll.u32 s16, $0xE  }
0x3a: {  	[sflag:s3] =	ssyncadd.s32 $0xFFFFC000;
	s18 =	sor.u32 $0x40, s17  }
0x3b: {  	s16 =	smul.u32 $0x10200, s16;
	v0 =	vld [tilespmem:s18+$0x30]  }
0x3c: {  	v3 =	vld [tilespmem:s18+$0xFFFFFFD0]  }
0x3d: {  	s16 =	sshrl.u32 s16, $0x2;
	v4 =	vld [tilespmem:s18+$0xFFFFFFE0]  }
0x3e: {  	v5 =	vld [tilespmem:s18+$0xFFFFFFF0];
	s17 =	sor.u32 $0x8000, s16  }
0x3f: {  	s31 =	sand.u32 $0x1, s12;
	v1 =	vld [tilespmem:s18+$0x0];
	s19 =	sadd.s32 $0x0, s17  }
0x40: {  	v2 =	vld [tilespmem:s18+$0x10];
	s16 =	smul.u32 $0x10200, s31;
	[tilespmem:s19+$0x3870 ss:$0x81] =	vst.msk $0xffff, v0  }
0x41: {  	[tilespmem:s19+$0x810 ss:$0x81] =	vst.msk $0xffff, v3;
	v3 =	vld [tilespmem:s18+$0x20]  }
0x42: {  	s16 =	sshrl.u32 s16, $0x2;
	v0 =	vld [tilespmem:s18+$0xFFFFFFC0];
	[tilespmem:s19+$0x1020 ss:$0x81] =	vst.msk $0xffff, v4;
	s18 =	sadd.s32 $0x80, s18  }
0x43: {  	s20 =	simm.s32 $0x4;
	s21 =	simm.s32 $0x8;
	s16 =	sor.u32 $0x8000, s16;
	[tilespmem:s19+$0x1830 ss:$0x81] =	vst.msk $0xffff, v5;
	v4 =	vld [tilespmem:s18+$0x30]  }
.LBB1_3:
0x44: {  	p1 =	sne.s32 s21, $0x1FC;
	v5 =	vld [tilespmem:s18+$0xFFFFFFD0];
	[tilespmem:s19+$0x2040 ss:$0x81] =	vst.msk $0xffff, v1  }
0x45: {  	v6 =	vld [tilespmem:s18+$0xFFFFFFE0];
	[tilespmem:s19+$0x2850 ss:$0x81] =	vst.msk $0xffff, v2  }
0x46: {  	s22 =	sshra.s32 s20, $0x2;
	s20 =	smov.u32 s21;
	v7 =	vld [tilespmem:s18+$0xFFFFFFF0];
	[tilespmem:s19+$0x3060 ss:$0x81] =	vst.msk $0xffff, v3  }
.Ltmp3:
0x47: {  	v1 =	vld [tilespmem:s18+$0x0];
	[tilespmem:s19+$0x0 ss:$0x81] =	vst.msk $0xffff, v0;
	s19 =	sadd.s32 s22, s17;
	(pc) =	sbr.rel @p1 .LBB1_3-.Ltmp3, $4  }
0x48: {  	v2 =	vld [tilespmem:s18+$0x10];
	[tilespmem:s19+$0x3870 ss:$0x81] =	vst.msk $0xffff, v4  }
0x49: {  	[tilespmem:s19+$0x810 ss:$0x81] =	vst.msk $0xffff, v5;
	v3 =	vld [tilespmem:s18+$0x20]  }
0x4a: {  	v0 =	vld [tilespmem:s18+$0xFFFFFFC0];
	[tilespmem:s19+$0x1020 ss:$0x81] =	vst.msk $0xffff, v6;
	s18 =	sadd.s32 $0x80, s18  }
0x4b: {  	s21 =	sadd.s32 $0x4, s21;
	v4 =	vld [tilespmem:s18+$0x30];
	[tilespmem:s19+$0x1830 ss:$0x81] =	vst.msk $0xffff, v7  }
.Ltmp4:
0x4c: {  	_ = 	snop;
	(pc) =	sbr.rel .LBB1_4-.Ltmp4, $1  }
0x4d: {  	_ =	sdelay $0x3  }
.LBB1_6:
0x4e: {  	_ =	sfence.sel $0x180000  }
0x4f: {  	s2 =	simm.s32 $0x1;
	[bflag:$0x0] =	sbarrier.arrive $0xFFFF  }
0x50: {  	s31 =	simm.s32 $0x2;
	[sflag:s2] =	ssyncpa.u1 $0x1  }
0x51: {  	[sflag:s31] =	ssyncpa.u1 $0x1  }
0x52: {  	p0 =	sne.s32 s0, $0x0;
	_ =	strace $0x90000050  }
0x53: {  	s0 =	sadd.s32 @!p0 $0x100000, s1;
	[bflag:$0x2] =	sbarrier.arrive $0xFFFF  }
0x54: {  	[sflag:s0] =	ssyncadd.tile.s32 @!p0 $0x1;
	_ =	shalt  }
.Lfunc_end1:
_tile_overlayer_lowered:
.L_overlay_start_2:
0x55: {  	(tag) =	ssettag $0x2  }
0x56: {  	s0 =	rddreg [dreg:$0x0];
	s2 =	stileid.u32  }
0x57: {  	s1 =	rddreg [dreg:$0x1];
	p0 =	sne.s32 s2, $0x0  }
0x58: {  	s3 =	rddreg [dreg:$0x2];
	[bflag:$0x3] =	sbarrier.arrive $0xFFFF;
	s2 =	simm.s32 @!p0 $0x1C01  }
0x59: {  	[timem:s3], [sflag:s2] =	dma.local @!p0 [hbm:s0], s1  }
0x5a: {  	s0 =	simm.s32 @!p0 $0x1  }
0x5b: {  	_ =	swait.ge @!p0 [sflag:s0], s1  }
0x5c: {  	s1 =	ssub.s32 @!p0 $0x0, s1;
	[sflag:s0] =	ssyncset.done @!p0 $0x0  }
0x5d: {  	[sflag:s0] =	ssyncadd.s32 @!p0 s1  }
0x5e: {  	[bflag:$0x3] =	sbarrier.arrive $0xFFFF  }
0x5f: {  	_ =	shalt  }

</sc_bundles>
